<compile_context>
chip_gen: v7x
topology: tpu7x:2x2x1
jax: 0.10.2.dev20260603
libtpu: 0.0.44.dev20260713+nightly
codegen_flags: <defaults>
</compile_context>

<pallas_src>
import functools
import math

import jax
import jax.numpy as jnp
from jax import lax
from jax.experimental import pallas as pl
from jax.experimental.pallas import tpu as pltpu
from jax.experimental.pallas import tpu_sc as plsc

F = 2048
C = 256
NHEADS = 8
DH = C // NHEADS
BLK = 128
HW = 2 * DH
FP = F + BLK
OFFN = 2064
OUTW = 384
SC_CORES = 2
SC_SUBCORES = 16
SC_WORKERS = SC_CORES * SC_SUBCORES
L = 16

_i32 = jnp.int32


def _bfs_body(fm_hbm, anch_hbm, perm_hbm, inv_hbm, offs_hbm, nw_hbm,
              fm_v, anch_v, queue_v, done_v, tmp_v, offs_v, inv_v, nwv_v):
    cid = lax.axis_index("c")
    sid = lax.axis_index("s")

    @pl.when(jnp.logical_and(cid == 0, sid == 0))
    def _run():
        pltpu.sync_copy(fm_hbm, fm_v)
        pltpu.sync_copy(anch_hbm, anch_v)

        lane = lax.iota(_i32, L)
        zeros16 = jnp.zeros((L,), _i32)
        ones16 = jnp.ones((L,), _i32)

        def _z(i, _):
            done_v[pl.ds(i * L, L)] = zeros16
            tmp_v[pl.ds(i * L, L)] = zeros16
            return 0
        lax.fori_loop(0, F // L, _z, 0)

        def _z2(i, _):
            queue_v[pl.ds(i * L, L)] = zeros16
            offs_v[pl.ds(i * L, L)] = zeros16
            return 0
        lax.fori_loop(0, (F + L) // L, _z2, 0)

        def set_at(ref, idx, val):
            plsc.store_scatter(ref, [jnp.full((L,), idx, _i32)],
                               jnp.full((L,), val, _i32), mask=lane == 0)

        def dedup_append(t, cand, qcur):
            plsc.store_scatter(tmp_v, [t], lane, mask=cand)
            g = plsc.load_gather(tmp_v, [t], mask=cand)
            win = jnp.logical_and(cand, g == lane)
            plsc.store_scatter(done_v, [t], ones16, mask=win)
            plsc.store_compressed(queue_v.at[pl.ds(qcur, L)], t, mask=win)
            return qcur + jnp.sum(win.astype(_i32))

        anch = anch_v[...]
        n0 = dedup_append(anch, lane < 4, jnp.asarray(0, _i32))
        set_at(offs_v, 1, n0)

        def wave_cond(st):
            qs, qe, w = st
            return qs < qe

        def wave_body(st):
            qs, qe, w = st
            p0 = (qs // L) * L
            nch = (qe - p0 + L - 1) // L

            def chunk(i, qcur):
                p = p0 + i * L
                fvec = queue_v[pl.ds(p, L)]
                gpos = p + lane
                mfront = jnp.logical_and(gpos >= qs, gpos < qe)
                ts, cands = [], []
                for j in range(3):
                    idx = fvec * 3 + j
                    t = plsc.load_gather(fm_v, [idx], mask=mfront)
                    t = jnp.where(mfront, t, 0)
                    d = plsc.load_gather(done_v, [t], mask=mfront)
                    d = jnp.where(mfront, d, 1)
                    ts.append(t)
                    cands.append(jnp.logical_and(mfront, d == 0))
                for j in range(3):
                    plsc.store_scatter(tmp_v, [ts[j]], lane + 16 * j,
                                       mask=cands[j])
                for j in range(3):
                    g = plsc.load_gather(tmp_v, [ts[j]], mask=cands[j])
                    win = jnp.logical_and(cands[j], g == lane + 16 * j)
                    plsc.store_scatter(done_v, [ts[j]], ones16, mask=win)
                    plsc.store_compressed(queue_v.at[pl.ds(qcur, L)],
                                          ts[j], mask=win)
                    qcur = qcur + jnp.sum(win.astype(_i32))
                return qcur

            qnew = lax.fori_loop(0, nch, chunk, qe)
            grew = qnew > qe
            wn = jnp.where(grew, w + 1, w)

            @pl.when(grew)
            def _():
                set_at(offs_v, wn + 1, qnew)

            return (qe, qnew, wn)

        qs, qe, w = lax.while_loop(
            wave_cond, wave_body,
            (jnp.asarray(0, _i32), n0, jnp.asarray(0, _i32)))
        nw = w + 1

        def tail_body(i, qcur):
            base = i * L
            d = done_v[pl.ds(base, L)]
            win = d == 0
            plsc.store_compressed(queue_v.at[pl.ds(qcur, L)],
                                  base + lane, mask=win)
            return qcur + jnp.sum(win.astype(_i32))
        lax.fori_loop(0, F // L, tail_body, qe)

        def invb(i, _):
            qv = queue_v[pl.ds(i * L, L)]
            plsc.store_scatter(inv_v, [qv], i * L + lane)
            return 0
        lax.fori_loop(0, F // L, invb, 0)

        set_at(nwv_v, 0, nw)

        pltpu.sync_copy(queue_v.at[pl.ds(0, F)], perm_hbm)
        pltpu.sync_copy(inv_v, inv_hbm)
        pltpu.sync_copy(offs_v, offs_hbm)
        pltpu.sync_copy(nwv_v, nw_hbm)


def _sc_bfs(fm_flat, anch_pad):
    mesh = plsc.VectorSubcoreMesh(core_axis_name="c", subcore_axis_name="s",
                                  num_cores=SC_CORES,
                                  num_subcores=SC_SUBCORES)
    return pl.kernel(
        _bfs_body,
        out_type=(jax.ShapeDtypeStruct((F,), _i32),
                  jax.ShapeDtypeStruct((F,), _i32),
                  jax.ShapeDtypeStruct((OFFN,), _i32),
                  jax.ShapeDtypeStruct((L,), _i32)),
        mesh=mesh,
        scratch_types=(pltpu.VMEM((3 * F,), _i32),
                       pltpu.VMEM((L,), _i32),
                       pltpu.VMEM((F + L,), _i32),
                       pltpu.VMEM((F,), _i32),
                       pltpu.VMEM((F,), _i32),
                       pltpu.VMEM((OFFN,), _i32),
                       pltpu.VMEM((F,), _i32),
                       pltpu.VMEM((L,), _i32)),
        compiler_params=pltpu.CompilerParams(needs_layout_passes=False),
    )(fm_flat, anch_pad)


def _gather_body(bpw, table_hbm, idx_hbm, out_hbm, idx_v, rows_v, sem):
    wid = lax.axis_index("s") * SC_CORES + lax.axis_index("c")
    base = wid * bpw
    pltpu.sync_copy(idx_hbm.at[pl.ds(base, bpw)], idx_v)
    pltpu.async_copy(table_hbm.at[idx_v], rows_v, sem).wait()
    pltpu.sync_copy(rows_v, out_hbm.at[pl.ds(base, bpw)])


def _sc_gather(table, idx, out_rows=None):
    n = idx.shape[0]
    d = table.shape[1]
    bpw = n // SC_WORKERS
    mesh = plsc.VectorSubcoreMesh(core_axis_name="c", subcore_axis_name="s",
                                  num_cores=SC_CORES,
                                  num_subcores=SC_SUBCORES)
    return pl.kernel(
        functools.partial(_gather_body, bpw),
        out_type=jax.ShapeDtypeStruct((out_rows or n, d), jnp.float32),
        mesh=mesh,
        scratch_types=(pltpu.VMEM((bpw,), _i32),
                       pltpu.VMEM((bpw, d), jnp.float32),
                       pltpu.SemaphoreType.DMA),
        compiler_params=pltpu.CompilerParams(needs_layout_passes=False),
    )(table, idx)


def _dotT(a, w):
    return lax.dot_general(a, w, (((1,), (1,)), ((), ())),
                           preferred_element_type=jnp.float32)


_bf16 = jnp.bfloat16


def _tc_body(offs_ref, nw_ref, xp_ref, wq_ref, wk_ref, wv_ref,
             m1, b1, m2, b2, m3, b3, m4, b4, m5, b5,
             comb_ref, cur_ref, k_ref, v_ref):
    def _vaug(vb):
        onescol = (lax.broadcasted_iota(
            _i32, (vb.shape[0], HW - DH), 1) == 0).astype(_bf16)
        pieces = []
        for h in range(NHEADS):
            pieces.append(vb[:, h * DH:(h + 1) * DH].astype(_bf16))
            pieces.append(onescol)
        return jnp.concatenate(pieces, axis=1)

    for s, n in [(i * 256, 256) for i in range(F // 256)] + [(F, BLK)]:
        rows = pl.ds(s, n)
        xb = xp_ref[rows, :]
        cur_ref[rows, :] = xb
        k_ref[rows, :] = _dotT(xb, wk_ref[...]).astype(_bf16)
        v_ref[rows, :] = _vaug(_dotT(xb, wv_ref[...]))

    scale = 1.0 / math.sqrt(DH)

    def wave_body(w, carry):
        a = offs_ref[w]
        b = offs_ref[w + 1]
        s0 = (a // 16) * 16
        nblk = (b - s0 + BLK - 1) // BLK

        def phase_a(i, _):
            s = s0 + i * BLK
            rows = pl.ds(s, BLK)
            rid = s + lax.broadcasted_iota(_i32, (BLK, 1), 0)
            msk = jnp.logical_and(rid >= a, rid < b)
            q = _dotT(cur_ref[rows, :], wq_ref[...]) * scale
            outs = []
            for h in range(NHEADS):
                hs = slice(h * DH, (h + 1) * DH)
                sh = lax.dot_general(q[:, hs].astype(_bf16),
                                     k_ref[0:F, hs],
                                     (((1,), (1,)), ((), ())),
                                     preferred_element_type=jnp.float32)
                m = jnp.max(sh, axis=1, keepdims=True)
                e16 = jnp.exp(sh - m).astype(_bf16)
                oa = lax.dot_general(e16, v_ref[0:F, h * HW:(h + 1) * HW],
                                     (((1,), (0,)), ((), ())),
                                     preferred_element_type=jnp.float32)
                outs.append(oa[:, 0:DH] / oa[:, DH:DH + 1])
            out = jnp.concatenate(outs, axis=1)
            comb_ref[rows, 0:C] = jnp.where(msk, out, 0.0)
            return 0

        def phase_b(i, _):
            s = s0 + i * BLK
            rows = pl.ds(s, BLK)
            rid = s + lax.broadcasted_iota(_i32, (BLK, 1), 0)
            msk = jnp.logical_and(rid >= a, rid < b)
            oldc = cur_ref[rows, :]
            newc = jnp.where(msk, oldc + comb_ref[rows, 0:C], oldc)
            cur_ref[rows, :] = newc
            k_ref[rows, :] = jnp.where(
                msk, _dotT(newc, wk_ref[...]).astype(_bf16), k_ref[rows, :])
            v_ref[rows, :] = jnp.where(
                msk, _vaug(_dotT(newc, wv_ref[...])), v_ref[rows, :])
            return 0

        lax.fori_loop(0, nblk, phase_a, 0)
        lax.fori_loop(0, nblk, phase_b, 0)
        return carry

    lax.fori_loop(0, nw_ref[0], wave_body, 0)

    MBLK = 256
    for c in range(F // MBLK):
        rows = pl.ds(c * MBLK, MBLK)
        f = cur_ref[rows, :]
        h = jnp.maximum(_dotT(f.astype(_bf16), m1[...].astype(_bf16))
                        + b1[...], 0.0)
        h = jnp.maximum(_dotT(h.astype(_bf16), m2[...].astype(_bf16))
                        + b2[...], 0.0)
        h = jnp.maximum(_dotT(h.astype(_bf16), m3[...].astype(_bf16))
                        + b3[...], 0.0)
        h = jnp.maximum(_dotT(h.astype(_bf16), m4[...].astype(_bf16))
                        + b4[...], 0.0)
        sc = jnp.sum(h * m5[...], axis=1, keepdims=True) + b5[...]
        sc = jax.nn.sigmoid(sc)
        comb_ref[rows, 0:C] = f
        comb_ref[rows, C:OUTW] = jnp.broadcast_to(sc, (MBLK, OUTW - C))


def _tc_waves(offs, nw, xp_pad, Wq, Wk, Wv, m1, b1, m2, b2, m3, b3, m4, b4,
              m5, b5):
    smem = pl.BlockSpec(memory_space=pltpu.SMEM)
    return pl.pallas_call(
        _tc_body,
        out_shape=jax.ShapeDtypeStruct((FP, OUTW), jnp.float32),
        in_specs=[smem, smem] + [pl.BlockSpec(memory_space=pltpu.VMEM)] * 14,
        out_specs=pl.BlockSpec(memory_space=pltpu.VMEM),
        scratch_shapes=[pltpu.VMEM((FP, C), jnp.float32),
                        pltpu.VMEM((FP, C), jnp.bfloat16),
                        pltpu.VMEM((FP, NHEADS * HW), jnp.bfloat16)],
    )(offs, nw, xp_pad, Wq, Wk, Wv, m1, b1, m2, b2, m3, b3, m4, b4, m5, b5)


def kernel(x, facemat, anchors, Wq, Wk, Wv, mw1, mb1, mw2, mb2, mw3, mb3,
           mw4, mb4, mw5, mb5):
    fm_flat = facemat.reshape(-1).astype(_i32)
    anch_pad = jnp.zeros((L,), _i32).at[0:4].set(anchors.astype(_i32))

    perm, inv, offs, nwv = _sc_bfs(fm_flat, anch_pad)

    xT = jnp.transpose(x[0])
    xp_pad = _sc_gather(xT, perm, out_rows=FP)

    comb = _tc_waves(offs, nwv[0:1], xp_pad, Wq, Wk, Wv,
                     mw1, mb1.reshape(1, C), mw2, mb2.reshape(1, C),
                     mw3, mb3.reshape(1, C), mw4, mb4.reshape(1, C),
                     mw5, mb5.reshape(1, 1))

    outg = _sc_gather(comb, inv)
    final_features = jnp.transpose(outg[:, 0:C])[None]
    final_scores = outg[:, C:C + 1][None]
    return (final_features, final_scores)

# --- scband reference (transcript-rebuilt; emitter-appended) ---
"""Pipeline reference for scband-flood-fill-network-609885356696 (READ-ONLY COPY).

The authoritative reference and input builder live on the scoring server;
editing this copy changes nothing except your own understanding.
"""

import jax, jax.numpy as jnp
import numpy as np

CH = 256
NH = 8
NF = 2048

def _attention_wave(cur, mask, Wq, Wk, Wv):
    # cur: [C, F] current face features; mask: [F] bool boundary membership
    C = cur.shape[0]
    dh = C // NH
    q = Wq @ cur                        # queries for ALL faces [C, F]
    k = Wk @ cur                        # global fftype: keys over ALL faces [C, F]
    v = Wv @ cur                        # [C, F]
    qh = q.reshape(NH, dh, -1)
    kh = k.reshape(NH, dh, -1)
    vh = v.reshape(NH, dh, -1)
    s = jnp.einsum('hdn,hdf->hnf', qh, kh) / jnp.sqrt(jnp.float32(dh))
    a = jax.nn.softmax(s, axis=-1)
    out = jnp.einsum('hnf,hdf->hdn', a, vh).reshape(C, -1)
    # mode='resid': residual update, applied only at boundary faces
    return jnp.where(mask[None, :], cur + out, cur)

def _selection_mlp(feat, mw1, mb1, mw2, mb2, mw3, mb3, mw4, mb4, mw5, mb5):
    # SelectionPrediction(n_input=256, width=256, depth=3, clamp='sigmoid')
    h = jax.nn.relu(feat @ mw1.T + mb1)
    h = jax.nn.relu(h @ mw2.T + mb2)
    h = jax.nn.relu(h @ mw3.T + mb3)
    h = jax.nn.relu(h @ mw4.T + mb4)
    return jax.nn.sigmoid(h @ mw5.T + mb5)

def setup_inputs(seed: int = 0):
    key = jax.random.key(seed)
    ks = jax.random.split(key, 20)
    s = 1.0 / np.sqrt(CH)
    inp = {}
    inp['x'] = jax.random.normal(ks[0], (1, CH, NF), dtype=jnp.float32)
    inp['facemat'] = jax.random.randint(ks[1], (NF, 3), 0, NF, dtype=jnp.int32)
    inp['anchors'] = jax.random.randint(ks[2], (4,), 0, NF, dtype=jnp.int32)
    inp['Wq'] = jax.random.normal(ks[3], (CH, CH), dtype=jnp.float32) * s
    inp['Wk'] = jax.random.normal(ks[4], (CH, CH), dtype=jnp.float32) * s
    inp['Wv'] = jax.random.normal(ks[5], (CH, CH), dtype=jnp.float32) * s
    inp['mw1'] = jax.random.normal(ks[6], (256, CH), dtype=jnp.float32) * s
    inp['mb1'] = jnp.zeros((256,), jnp.float32)
    inp['mw2'] = jax.random.normal(ks[7], (256, 256), dtype=jnp.float32) * s
    inp['mb2'] = jnp.zeros((256,), jnp.float32)
    inp['mw3'] = jax.random.normal(ks[8], (256, 256), dtype=jnp.float32) * s
    inp['mb3'] = jnp.zeros((256,), jnp.float32)
    inp['mw4'] = jax.random.normal(ks[9], (256, 256), dtype=jnp.float32) * s
    inp['mb4'] = jnp.zeros((256,), jnp.float32)
    inp['mw5'] = jax.random.normal(ks[10], (1, 256), dtype=jnp.float32) * s
    inp['mb5'] = jnp.zeros((1,), jnp.float32)
    return inp

def reference(x, facemat, anchors, Wq, Wk, Wv, mw1, mb1, mw2, mb2, mw3, mb3, mw4, mb4, mw5, mb5):
    # Flood-fill: BFS waves over face adjacency; each wave attends globally and
    # residually updates boundary features, which feed the next wave's keys/values.
    F = facemat.shape[0]
    boundary0 = jnp.zeros((F,), dtype=bool).at[anchors].set(True)
    done0 = boundary0
    cur0 = x[0]

    def cond_fn(state):
        _, _, boundary = state
        return boundary.any()

    def body_fn(state):
        cur, done, boundary = state
        cur = _attention_wave(cur, boundary, Wq, Wk, Wv)
        nb = jnp.zeros((F,), dtype=bool).at[facemat.reshape(-1)].max(
            jnp.repeat(boundary, 3))
        nb = nb & ~done
        return (cur, done | nb, nb)

    cur, _, _ = jax.lax.while_loop(cond_fn, body_fn, (cur0, done0, boundary0))
    final_features = cur[None]
    final_scores = _selection_mlp(jnp.transpose(final_features, (0, 2, 1)),
                                  mw1, mb1, mw2, mb2, mw3, mb3, mw4, mb4, mw5, mb5)
    return (final_features, final_scores)

if __name__ == "__main__":
    import jax
    _d = setup_inputs()
    print(jax.jit(kernel)(*tuple(_d.values())))

</pallas_src>

<mosaic_0001>
#map = affine_map<(d0, d1) -> (0, 0)>
#map1 = affine_map<(d0, d1) -> (0)>
module attributes {stable_mosaic.version = 14 : i64} {
  func.func @_gather_body(%arg0: i32, %arg1: i32, %arg2: memref<2176x384xf32, #tpu.memory_space<hbm>>, %arg3: memref<2048xi32, #tpu.memory_space<hbm>>, %arg4: memref<2048x384xf32, #tpu.memory_space<hbm>>, %arg5: memref<64xi32, #tpu.memory_space<vmem>>, %arg6: memref<64x384xf32, #tpu.memory_space<vmem>>, %arg7: memref<!tpu.dma_semaphore, #tpu.memory_space<semaphore_mem>>) attributes {dimension_semantics = [#tpu.dimension_semantics<core_parallel>, #tpu.dimension_semantics<subcore_parallel>], iteration_bounds = array<i64: 2, 16>, scalar_prefetch = 0 : i64, scratch_operands = 3 : i64, tpu.core_type = #tpu.core_type<sc_vector_subcore>, window_params = [{transform_indices = #map}, {transform_indices = #map1}, {transform_indices = #map}]} {
    %mul3A = arith.constant 2 : i32
    %mul3A_0 = arith.muli %arg1, %mul3A : i32
    %add3A = arith.addi %mul3A_0, %arg0 : i32
    %mul3A_1 = arith.constant 64 : i32
    %mul3A_2 = arith.muli %add3A, %mul3A_1 : i32
    "tpu.region"() ({
      %run_scoped3A = tpu.sem_alloc : memref<!tpu.dma_semaphore, #tpu.memory_space<semaphore_mem>>
      %dma_start3A_7 = tpu.memref_slice %arg3[%mul3A_2] : memref<2048xi32, #tpu.memory_space<hbm>> -> memref<64xi32, #tpu.memory_space<hbm>>
      %dma_start3A_8 = tpu.memref_slice %arg3[%mul3A_2] : memref<2048xi32, #tpu.memory_space<hbm>> -> memref<64xi32, #tpu.memory_space<hbm>>
      tpu.enqueue_dma source(%dma_start3A_8 : memref<64xi32, #tpu.memory_space<hbm>>) target(%arg5 : memref<64xi32, #tpu.memory_space<vmem>>) target_semaphore(%run_scoped3A : memref<!tpu.dma_semaphore, #tpu.memory_space<semaphore_mem>>)
      %dma_wait3A_9 = tpu.memref_slice %arg3[%mul3A_2] : memref<2048xi32, #tpu.memory_space<hbm>> -> memref<64xi32, #tpu.memory_space<hbm>>
      %dma_wait3A_10 = tpu.memref_slice %arg3[%mul3A_2] : memref<2048xi32, #tpu.memory_space<hbm>> -> memref<64xi32, #tpu.memory_space<hbm>>
      tpu.wait_dma2 semaphore(%run_scoped3A : memref<!tpu.dma_semaphore, #tpu.memory_space<semaphore_mem>>) src(%dma_wait3A_10 : memref<64xi32, #tpu.memory_space<hbm>>) dst(%arg5 : memref<64xi32, #tpu.memory_space<vmem>>)
      tpu.yield
    }) : () -> ()
    %dma_start3A = arith.constant 0 : i32
    %dma_start3A_3 = arith.constant 0 : i32
    %dma_start3A_4 = tpu.memref_slice %arg2[%dma_start3A, %dma_start3A_3] : memref<2176x384xf32, #tpu.memory_space<hbm>> -> memref<2176x384xf32, #tpu.memory_space<hbm>>
    tpu.enqueue_indirect_dma source(%dma_start3A_4 : memref<2176x384xf32, #tpu.memory_space<hbm>>) target(%arg6 : memref<64x384xf32, #tpu.memory_space<vmem>>) offsets(%arg5 : memref<64xi32, #tpu.memory_space<vmem>>) semaphore(%arg7 : memref<!tpu.dma_semaphore, #tpu.memory_space<semaphore_mem>>)
    %dma_wait3A = arith.constant 0 : i32
    %dma_wait3A_5 = arith.constant 0 : i32
    %dma_wait3A_6 = tpu.memref_slice %arg2[%dma_wait3A, %dma_wait3A_5] : memref<2176x384xf32, #tpu.memory_space<hbm>> -> memref<2176x384xf32, #tpu.memory_space<hbm>>
    tpu.wait_indirect_dma semaphore(%arg7 : memref<!tpu.dma_semaphore, #tpu.memory_space<semaphore_mem>>) src(%dma_wait3A_6 : memref<2176x384xf32, #tpu.memory_space<hbm>>) dst(%arg6 : memref<64x384xf32, #tpu.memory_space<vmem>>)
    "tpu.region"() ({
      %run_scoped3A = tpu.sem_alloc : memref<!tpu.dma_semaphore, #tpu.memory_space<semaphore_mem>>
      %dma_start3A_7 = arith.constant 0 : i32
      %dma_start3A_8 = tpu.memref_slice %arg4[%mul3A_2, %dma_start3A_7] : memref<2048x384xf32, #tpu.memory_space<hbm>> -> memref<64x384xf32, #tpu.memory_space<hbm>>
      %dma_start3A_9 = arith.constant 0 : i32
      %dma_start3A_10 = tpu.memref_slice %arg4[%mul3A_2, %dma_start3A_9] : memref<2048x384xf32, #tpu.memory_space<hbm>> -> memref<64x384xf32, #tpu.memory_space<hbm>>
      tpu.enqueue_dma source(%arg6 : memref<64x384xf32, #tpu.memory_space<vmem>>) target(%dma_start3A_10 : memref<64x384xf32, #tpu.memory_space<hbm>>) target_semaphore(%run_scoped3A : memref<!tpu.dma_semaphore, #tpu.memory_space<semaphore_mem>>)
      %dma_wait3A_11 = arith.constant 0 : i32
      %dma_wait3A_12 = tpu.memref_slice %arg4[%mul3A_2, %dma_wait3A_11] : memref<2048x384xf32, #tpu.memory_space<hbm>> -> memref<64x384xf32, #tpu.memory_space<hbm>>
      %dma_wait3A_13 = arith.constant 0 : i32
      %dma_wait3A_14 = tpu.memref_slice %arg4[%mul3A_2, %dma_wait3A_13] : memref<2048x384xf32, #tpu.memory_space<hbm>> -> memref<64x384xf32, #tpu.memory_space<hbm>>
      tpu.wait_dma2 semaphore(%run_scoped3A : memref<!tpu.dma_semaphore, #tpu.memory_space<semaphore_mem>>) src(%arg6 : memref<64x384xf32, #tpu.memory_space<vmem>>) dst(%dma_wait3A_14 : memref<64x384xf32, #tpu.memory_space<hbm>>)
      tpu.yield
    }) : () -> ()
    return
  }
}

#map = affine_map<(d0, d1) -> (0)>
module attributes {stable_mosaic.version = 14 : i64} {
  func.func @_bfs_body(%arg0: i32, %arg1: i32, %arg2: memref<6144xi32, #tpu.memory_space<hbm>>, %arg3: memref<16xi32, #tpu.memory_space<hbm>>, %arg4: memref<2048xi32, #tpu.memory_space<hbm>>, %arg5: memref<2048xi32, #tpu.memory_space<hbm>>, %arg6: memref<2064xi32, #tpu.memory_space<hbm>>, %arg7: memref<16xi32, #tpu.memory_space<hbm>>, %arg8: memref<6144xi32, #tpu.memory_space<vmem>>, %arg9: memref<16xi32, #tpu.memory_space<vmem>>, %arg10: memref<2064xi32, #tpu.memory_space<vmem>>, %arg11: memref<2048xi32, #tpu.memory_space<vmem>>, %arg12: memref<2048xi32, #tpu.memory_space<vmem>>, %arg13: memref<2064xi32, #tpu.memory_space<vmem>>, %arg14: memref<2048xi32, #tpu.memory_space<vmem>>, %arg15: memref<16xi32, #tpu.memory_space<vmem>>) attributes {dimension_semantics = [#tpu.dimension_semantics<core_parallel>, #tpu.dimension_semantics<subcore_parallel>], iteration_bounds = array<i64: 2, 16>, scalar_prefetch = 0 : i64, scratch_operands = 8 : i64, tpu.core_type = #tpu.core_type<sc_vector_subcore>, window_params = [{transform_indices = #map}, {transform_indices = #map}, {transform_indices = #map}, {transform_indices = #map}, {transform_indices = #map}, {transform_indices = #map}]} {
    %eq3A = arith.constant 0 : i32
    %eq3A_0 = arith.cmpi eq, %arg0, %eq3A : i32
    %eq3A_1 = arith.constant 0 : i32
    %eq3A_2 = arith.cmpi eq, %arg1, %eq3A_1 : i32
    %and3A = arith.andi %eq3A_0, %eq3A_2 : i1
    %convert_element_type3A = arith.extui %and3A : i1 to i32
    %cond3A = arith.constant 0 : i32
    %cond3A_3 = arith.cmpi ne, %convert_element_type3A, %cond3A : i32
    scf.if %cond3A_3 {
      "tpu.region"() ({
        %run_scoped3A = tpu.sem_alloc : memref<!tpu.dma_semaphore, #tpu.memory_space<semaphore_mem>>
        tpu.enqueue_dma source(%arg2 : memref<6144xi32, #tpu.memory_space<hbm>>) target(%arg8 : memref<6144xi32, #tpu.memory_space<vmem>>) target_semaphore(%run_scoped3A : memref<!tpu.dma_semaphore, #tpu.memory_space<semaphore_mem>>)
        tpu.wait_dma2 semaphore(%run_scoped3A : memref<!tpu.dma_semaphore, #tpu.memory_space<semaphore_mem>>) src(%arg2 : memref<6144xi32, #tpu.memory_space<hbm>>) dst(%arg8 : memref<6144xi32, #tpu.memory_space<vmem>>)
        tpu.yield
      }) : () -> ()
      "tpu.region"() ({
        %run_scoped3A = tpu.sem_alloc : memref<!tpu.dma_semaphore, #tpu.memory_space<semaphore_mem>>
        tpu.enqueue_dma source(%arg3 : memref<16xi32, #tpu.memory_space<hbm>>) target(%arg9 : memref<16xi32, #tpu.memory_space<vmem>>) target_semaphore(%run_scoped3A : memref<!tpu.dma_semaphore, #tpu.memory_space<semaphore_mem>>)
        tpu.wait_dma2 semaphore(%run_scoped3A : memref<!tpu.dma_semaphore, #tpu.memory_space<semaphore_mem>>) src(%arg3 : memref<16xi32, #tpu.memory_space<hbm>>) dst(%arg9 : memref<16xi32, #tpu.memory_space<vmem>>)
        tpu.yield
      }) : () -> ()
      %iota3A = tpu.iota {dimensions = array<i32: 0>} : vector<16xi32>
      %broadcast_in_dim3A = arith.constant 0 : i32
      %broadcast_in_dim3A_4 = vector.broadcast %broadcast_in_dim3A : i32 to vector<16xi32>
      %broadcast_in_dim3A_5 = arith.constant 1 : i32
      %broadcast_in_dim3A_6 = vector.broadcast %broadcast_in_dim3A_5 : i32 to vector<16xi32>
      %scan3A = arith.constant 0 : i32
      %scan3A_7 = arith.constant 0 : i32
      %scan3A_8 = arith.constant 128 : i32
      %scan3A_9 = arith.addi %scan3A_7, %scan3A_8 : i32
      %scan3A_10 = arith.constant 1 : i32
      %scan3A_11 = scf.for %scan3A_61 = %scan3A_7 to %scan3A_9 step %scan3A_10 iter_args(%scan3A_62 = %scan3A) -> (i32)  : i32 {
        %mul3A = arith.constant 16 : i32
        %mul3A_63 = arith.muli %scan3A_61, %mul3A : i32
        %swap3A_64 = arith.index_cast %mul3A_63 : i32 to index
        %swap3A_65 = tpu.vector_load %arg11[%swap3A_64] {strides = array<i32>} : memref<2048xi32, #tpu.memory_space<vmem>>, vector<16xi32>,
        tpu.vector_store %arg11[%swap3A_64], %broadcast_in_dim3A_4 {strides = array<i32>} : memref<2048xi32, #tpu.memory_space<vmem>>, vector<16xi32>,
        %mul3A_66 = arith.constant 16 : i32
        %mul3A_67 = arith.muli %scan3A_61, %mul3A_66 : i32
        %swap3A_68 = arith.index_cast %mul3A_67 : i32 to index
        %swap3A_69 = tpu.vector_load %arg12[%swap3A_68] {strides = array<i32>} : memref<2048xi32, #tpu.memory_space<vmem>>, vector<16xi32>,
        tpu.vector_store %arg12[%swap3A_68], %broadcast_in_dim3A_4 {strides = array<i32>} : memref<2048xi32, #tpu.memory_space<vmem>>, vector<16xi32>,
        %scan3A_70 = arith.constant 0 : i32
        scf.yield %scan3A_70 : i32
      }
      %scan3A_12 = arith.constant 128 : i32
      %scan3A_13 = arith.constant 0 : i32
      %scan3A_14 = arith.constant 0 : i32
      %scan3A_15 = arith.constant 129 : i32
      %scan3A_16 = arith.addi %scan3A_14, %scan3A_15 : i32
      %scan3A_17 = arith.constant 1 : i32
      %scan3A_18 = scf.for %scan3A_61 = %scan3A_14 to %scan3A_16 step %scan3A_17 iter_args(%scan3A_62 = %scan3A_13) -> (i32)  : i32 {
        %mul3A = arith.constant 16 : i32
        %mul3A_63 = arith.muli %scan3A_61, %mul3A : i32
        %swap3A_64 = arith.index_cast %mul3A_63 : i32 to index
        %swap3A_65 = tpu.vector_load %arg10[%swap3A_64] {strides = array<i32>} : memref<2064xi32, #tpu.memory_space<vmem>>, vector<16xi32>,
        tpu.vector_store %arg10[%swap3A_64], %broadcast_in_dim3A_4 {strides = array<i32>} : memref<2064xi32, #tpu.memory_space<vmem>>, vector<16xi32>,
        %mul3A_66 = arith.constant 16 : i32
        %mul3A_67 = arith.muli %scan3A_61, %mul3A_66 : i32
        %swap3A_68 = arith.index_cast %mul3A_67 : i32 to index
        %swap3A_69 = tpu.vector_load %arg13[%swap3A_68] {strides = array<i32>} : memref<2064xi32, #tpu.memory_space<vmem>>, vector<16xi32>,
        tpu.vector_store %arg13[%swap3A_68], %broadcast_in_dim3A_4 {strides = array<i32>} : memref<2064xi32, #tpu.memory_space<vmem>>, vector<16xi32>,
        %scan3A_70 = arith.constant 0 : i32
        scf.yield %scan3A_70 : i32
      }
      %scan3A_19 = arith.constant 129 : i32
      %get3A = arith.constant 0 : index
      %get3A_20 = tpu.vector_load %arg9[%get3A] {strides = array<i32>} : memref<16xi32, #tpu.memory_space<vmem>>, vector<16xi32>,
      %lt3A = arith.constant 4 : i32
      %lt3A_21 = vector.broadcast %lt3A : i32 to vector<16xi32>
      %lt3A_22 = arith.cmpi slt, %iota3A, %lt3A_21 : vector<16xi32>
      tpu.vector_store_idx %arg12[%get3A_20], %iota3A masked %lt3A_22 : memref<2048xi32, #tpu.memory_space<vmem>>[vector<16xi32>], vector<16xi32>, vector<16xi1>
      %gather3A = tpu.vector_load_idx %arg12[%get3A_20] masked %lt3A_22 : memref<2048xi32, #tpu.memory_space<vmem>>[vector<16xi32>], vector<16xi32>, vector<16xi1>
      %eq3A_23 = arith.cmpi eq, %gather3A, %iota3A : vector<16xi32>
      %and3A_24 = arith.andi %lt3A_22, %eq3A_23 : vector<16xi1>
      tpu.vector_store_idx %arg11[%get3A_20], %broadcast_in_dim3A_6 masked %and3A_24 : memref<2048xi32, #tpu.memory_space<vmem>>[vector<16xi32>], vector<16xi32>, vector<16xi1>
      %swap3A = arith.constant 0 : i32
      %swap3A_25 = arith.index_cast %swap3A : i32 to index
      %swap3A_26 = tpu.vector_load %arg10[%swap3A_25] masked %and3A_24 {strides = array<i32>} : memref<2064xi32, #tpu.memory_space<vmem>>, vector<16xi32>, vector<16xi1>
      tpu.vector_store %arg10[%swap3A_25], %get3A_20 masked %and3A_24 {strides = array<i32>} : memref<2064xi32, #tpu.memory_space<vmem>>, vector<16xi32>, vector<16xi1>
      %convert_element_type3A_27 = arith.extui %and3A_24 : vector<16xi1> to vector<16xi32>
      %reduce_sum3A = arith.constant true
      %reduce_sum3A_28 = vector.broadcast %reduce_sum3A : i1 to vector<16xi1>
      %reduce_sum3A_29 = tpu.scan <sum>, %convert_element_type3A_27 masked %reduce_sum3A_28 : vector<16xi32>, vector<16xi1> -> vector<16xi32>
      %reduce_sum3A_30 = vector.extract %reduce_sum3A_29[15] : i32 from vector<16xi32>
      %add3A = arith.constant 0 : i32
      %add3A_31 = arith.addi %add3A, %reduce_sum3A_30 : i32
      %broadcast_in_dim3A_32 = arith.constant 1 : i32
      %broadcast_in_dim3A_33 = vector.broadcast %broadcast_in_dim3A_32 : i32 to vector<16xi32>
      %broadcast_in_dim3A_34 = vector.broadcast %add3A_31 : i32 to vector<16xi32>
      %eq3A_35 = arith.constant 0 : i32
      %eq3A_36 = vector.broadcast %eq3A_35 : i32 to vector<16xi32>
      %eq3A_37 = arith.cmpi eq, %iota3A, %eq3A_36 : vector<16xi32>
      tpu.vector_store_idx %arg13[%broadcast_in_dim3A_33], %broadcast_in_dim3A_34 masked %eq3A_37 : memref<2064xi32, #tpu.memory_space<vmem>>[vector<16xi32>], vector<16xi32>, vector<16xi1>
      %while3A = arith.constant 0 : i32
      %while3A_38 = arith.constant 0 : i32
      %while3A_39:3 = scf.while (%while3A_61 = %while3A, %while3A_62 = %add3A_31, %while3A_63 = %while3A_38) : (i32, i32, i32) -> (i32, i32, i32) {
        %lt3A_64 = arith.cmpi slt, %while3A_61, %while3A_62 : i32
        scf.condition(%lt3A_64) %while3A_61, %while3A_62, %while3A_63 : i32, i32, i32
      } do {
      ^bb0(%while3A_61: i32, %while3A_62: i32, %while3A_63: i32):
        %jit3A = arith.constant 16 : i32
        %div3A = arith.divsi %while3A_61, %jit3A : i32
        %sign3A = arith.constant 0 : i32
        %sign3A_64 = arith.cmpi sgt, %while3A_61, %sign3A : i32
        %sign3A_65 = arith.extui %sign3A_64 : i1 to i32
        %sign3A_66 = arith.constant 0 : i32
        %sign3A_67 = arith.cmpi slt, %while3A_61, %sign3A_66 : i32
        %sign3A_68 = arith.extui %sign3A_67 : i1 to i32
        %sign3A_69 = arith.subi %sign3A_65, %sign3A_68 : i32
        %sign3A_70 = arith.constant 0 : i32
        %sign3A_71 = arith.cmpi sgt, %jit3A, %sign3A_70 : i32
        %sign3A_72 = arith.extui %sign3A_71 : i1 to i32
        %sign3A_73 = arith.constant 0 : i32
        %sign3A_74 = arith.cmpi slt, %jit3A, %sign3A_73 : i32
        %sign3A_75 = arith.extui %sign3A_74 : i1 to i32
        %sign3A_76 = arith.subi %sign3A_72, %sign3A_75 : i32
        %ne3A = arith.cmpi ne, %sign3A_69, %sign3A_76 : i32
        %rem3A = arith.remsi %while3A_61, %jit3A : i32
        %ne3A_77 = arith.constant 0 : i32
        %ne3A_78 = arith.cmpi ne, %rem3A, %ne3A_77 : i32
        %and3A_79 = arith.andi %ne3A, %ne3A_78 : i1
        %sub3A = arith.constant 1 : i32
        %sub3A_80 = arith.subi %div3A, %sub3A : i32
        %select_n3A = arith.select %and3A_79, %sub3A_80, %div3A : i32
        %mul3A = arith.constant 16 : i32
        %mul3A_81 = arith.muli %select_n3A, %mul3A : i32
        %sub3A_82 = arith.subi %while3A_62, %mul3A_81 : i32
        %add3A_83 = arith.constant 16 : i32
        %add3A_84 = arith.addi %sub3A_82, %add3A_83 : i32
        %sub3A_85 = arith.constant 1 : i32
        %sub3A_86 = arith.subi %add3A_84, %sub3A_85 : i32
        %jit3A_87 = arith.constant 16 : i32
        %div3A_88 = arith.divsi %sub3A_86, %jit3A_87 : i32
        %sign3A_89 = arith.constant 0 : i32
        %sign3A_90 = arith.cmpi sgt, %sub3A_86, %sign3A_89 : i32
        %sign3A_91 = arith.extui %sign3A_90 : i1 to i32
        %sign3A_92 = arith.constant 0 : i32
        %sign3A_93 = arith.cmpi slt, %sub3A_86, %sign3A_92 : i32
        %sign3A_94 = arith.extui %sign3A_93 : i1 to i32
        %sign3A_95 = arith.subi %sign3A_91, %sign3A_94 : i32
        %sign3A_96 = arith.constant 0 : i32
        %sign3A_97 = arith.cmpi sgt, %jit3A_87, %sign3A_96 : i32
        %sign3A_98 = arith.extui %sign3A_97 : i1 to i32
        %sign3A_99 = arith.constant 0 : i32
        %sign3A_100 = arith.cmpi slt, %jit3A_87, %sign3A_99 : i32
        %sign3A_101 = arith.extui %sign3A_100 : i1 to i32
        %sign3A_102 = arith.subi %sign3A_98, %sign3A_101 : i32
        %ne3A_103 = arith.cmpi ne, %sign3A_95, %sign3A_102 : i32
        %rem3A_104 = arith.remsi %sub3A_86, %jit3A_87 : i32
        %ne3A_105 = arith.constant 0 : i32
        %ne3A_106 = arith.cmpi ne, %rem3A_104, %ne3A_105 : i32
        %and3A_107 = arith.andi %ne3A_103, %ne3A_106 : i1
        %sub3A_108 = arith.constant 1 : i32
        %sub3A_109 = arith.subi %div3A_88, %sub3A_108 : i32
        %select_n3A_110 = arith.select %and3A_107, %sub3A_109, %div3A_88 : i32
        %while3A_111 = arith.constant 0 : i32
        %while3A_112 = arith.subi %select_n3A_110, %while3A_111 : i32
        %while3A_113 = arith.addi %while3A_111, %while3A_112 : i32
        %while3A_114 = arith.constant 1 : i32
        %while3A_115 = arith.divsi %while3A_112, %while3A_114 : i32
        %while3A_116 = arith.muli %while3A_115, %while3A_114 : i32
        %while3A_117 = arith.addi %while3A_111, %while3A_116 : i32
        %while3A_118 = arith.constant 1 : i32
        %while3A_119 = scf.for %while3A_128 = %while3A_111 to %while3A_117 step %while3A_118 iter_args(%while3A_129 = %while3A_62) -> (i32)  : i32 {
          %mul3A_130 = arith.constant 16 : i32
          %mul3A_131 = arith.muli %while3A_128, %mul3A_130 : i32
          %add3A_132 = arith.addi %mul3A_81, %mul3A_131 : i32
          %get3A_133 = arith.index_cast %add3A_132 : i32 to index
          %get3A_134 = tpu.vector_load %arg10[%get3A_133] {strides = array<i32>} : memref<2064xi32, #tpu.memory_space<vmem>>, vector<16xi32>,
          %add3A_135 = vector.broadcast %add3A_132 : i32 to vector<16xi32>
          %add3A_136 = arith.addi %add3A_135, %iota3A : vector<16xi32>
          %ge3A = vector.broadcast %while3A_61 : i32 to vector<16xi32>
          %ge3A_137 = arith.cmpi sge, %add3A_136, %ge3A : vector<16xi32>
          %lt3A_138 = vector.broadcast %while3A_62 : i32 to vector<16xi32>
          %lt3A_139 = arith.cmpi slt, %add3A_136, %lt3A_138 : vector<16xi32>
          %and3A_140 = arith.andi %ge3A_137, %lt3A_139 : vector<16xi1>
          %mul3A_141 = arith.constant 3 : i32
          %mul3A_142 = vector.broadcast %mul3A_141 : i32 to vector<16xi32>
          %mul3A_143 = arith.muli %get3A_134, %mul3A_142 : vector<16xi32>
          %add3A_144 = arith.constant 0 : i32
          %add3A_145 = vector.broadcast %add3A_144 : i32 to vector<16xi32>
          %add3A_146 = arith.addi %mul3A_143, %add3A_145 : vector<16xi32>
          %gather3A_147 = tpu.vector_load_idx %arg8[%add3A_146] masked %and3A_140 : memref<6144xi32, #tpu.memory_space<vmem>>[vector<16xi32>], vector<16xi32>, vector<16xi1>
          %jit3A_148 = arith.constant 0 : i32
          %broadcast_in_dim3A_149 = vector.broadcast %jit3A_148 : i32 to vector<16xi32>
          %select_n3A_150 = arith.select %and3A_140, %gather3A_147, %broadcast_in_dim3A_149 : vector<16xi1>, vector<16xi32>
          %gather3A_151 = tpu.vector_load_idx %arg11[%select_n3A_150] masked %and3A_140 : memref<2048xi32, #tpu.memory_space<vmem>>[vector<16xi32>], vector<16xi32>, vector<16xi1>
          %jit3A_152 = arith.constant 1 : i32
          %broadcast_in_dim3A_153 = vector.broadcast %jit3A_152 : i32 to vector<16xi32>
          %select_n3A_154 = arith.select %and3A_140, %gather3A_151, %broadcast_in_dim3A_153 : vector<16xi1>, vector<16xi32>
          %eq3A_155 = arith.constant 0 : i32
          %eq3A_156 = vector.broadcast %eq3A_155 : i32 to vector<16xi32>
          %eq3A_157 = arith.cmpi eq, %select_n3A_154, %eq3A_156 : vector<16xi32>
          %and3A_158 = arith.andi %and3A_140, %eq3A_157 : vector<16xi1>
          %mul3A_159 = arith.constant 3 : i32
          %mul3A_160 = vector.broadcast %mul3A_159 : i32 to vector<16xi32>
          %mul3A_161 = arith.muli %get3A_134, %mul3A_160 : vector<16xi32>
          %add3A_162 = arith.constant 1 : i32
          %add3A_163 = vector.broadcast %add3A_162 : i32 to vector<16xi32>
          %add3A_164 = arith.addi %mul3A_161, %add3A_163 : vector<16xi32>
          %gather3A_165 = tpu.vector_load_idx %arg8[%add3A_164] masked %and3A_140 : memref<6144xi32, #tpu.memory_space<vmem>>[vector<16xi32>], vector<16xi32>, vector<16xi1>
          %jit3A_166 = arith.constant 0 : i32
          %broadcast_in_dim3A_167 = vector.broadcast %jit3A_166 : i32 to vector<16xi32>
          %select_n3A_168 = arith.select %and3A_140, %gather3A_165, %broadcast_in_dim3A_167 : vector<16xi1>, vector<16xi32>
          %gather3A_169 = tpu.vector_load_idx %arg11[%select_n3A_168] masked %and3A_140 : memref<2048xi32, #tpu.memory_space<vmem>>[vector<16xi32>], vector<16xi32>, vector<16xi1>
          %jit3A_170 = arith.constant 1 : i32
          %broadcast_in_dim3A_171 = vector.broadcast %jit3A_170 : i32 to vector<16xi32>
          %select_n3A_172 = arith.select %and3A_140, %gather3A_169, %broadcast_in_dim3A_171 : vector<16xi1>, vector<16xi32>
          %eq3A_173 = arith.constant 0 : i32
          %eq3A_174 = vector.broadcast %eq3A_173 : i32 to vector<16xi32>
          %eq3A_175 = arith.cmpi eq, %select_n3A_172, %eq3A_174 : vector<16xi32>
          %and3A_176 = arith.andi %and3A_140, %eq3A_175 : vector<16xi1>
          %mul3A_177 = arith.constant 3 : i32
          %mul3A_178 = vector.broadcast %mul3A_177 : i32 to vector<16xi32>
          %mul3A_179 = arith.muli %get3A_134, %mul3A_178 : vector<16xi32>
          %add3A_180 = arith.constant 2 : i32
          %add3A_181 = vector.broadcast %add3A_180 : i32 to vector<16xi32>
          %add3A_182 = arith.addi %mul3A_179, %add3A_181 : vector<16xi32>
          %gather3A_183 = tpu.vector_load_idx %arg8[%add3A_182] masked %and3A_140 : memref<6144xi32, #tpu.memory_space<vmem>>[vector<16xi32>], vector<16xi32>, vector<16xi1>
          %jit3A_184 = arith.constant 0 : i32
          %broadcast_in_dim3A_185 = vector.broadcast %jit3A_184 : i32 to vector<16xi32>
          %select_n3A_186 = arith.select %and3A_140, %gather3A_183, %broadcast_in_dim3A_185 : vector<16xi1>, vector<16xi32>
          %gather3A_187 = tpu.vector_load_idx %arg11[%select_n3A_186] masked %and3A_140 : memref<2048xi32, #tpu.memory_space<vmem>>[vector<16xi32>], vector<16xi32>, vector<16xi1>
          %jit3A_188 = arith.constant 1 : i32
          %broadcast_in_dim3A_189 = vector.broadcast %jit3A_188 : i32 to vector<16xi32>
          %select_n3A_190 = arith.select %and3A_140, %gather3A_187, %broadcast_in_dim3A_189 : vector<16xi1>, vector<16xi32>
          %eq3A_191 = arith.constant 0 : i32
          %eq3A_192 = vector.broadcast %eq3A_191 : i32 to vector<16xi32>
          %eq3A_193 = arith.cmpi eq, %select_n3A_190, %eq3A_192 : vector<16xi32>
          %and3A_194 = arith.andi %and3A_140, %eq3A_193 : vector<16xi1>
          %add3A_195 = arith.constant 0 : i32
          %add3A_196 = vector.broadcast %add3A_195 : i32 to vector<16xi32>
          %add3A_197 = arith.addi %iota3A, %add3A_196 : vector<16xi32>
          tpu.vector_store_idx %arg12[%select_n3A_150], %add3A_197 masked %and3A_158 : memref<2048xi32, #tpu.memory_space<vmem>>[vector<16xi32>], vector<16xi32>, vector<16xi1>
          %add3A_198 = arith.constant 16 : i32
          %add3A_199 = vector.broadcast %add3A_198 : i32 to vector<16xi32>
          %add3A_200 = arith.addi %iota3A, %add3A_199 : vector<16xi32>
          tpu.vector_store_idx %arg12[%select_n3A_168], %add3A_200 masked %and3A_176 : memref<2048xi32, #tpu.memory_space<vmem>>[vector<16xi32>], vector<16xi32>, vector<16xi1>
          %add3A_201 = arith.constant 32 : i32
          %add3A_202 = vector.broadcast %add3A_201 : i32 to vector<16xi32>
          %add3A_203 = arith.addi %iota3A, %add3A_202 : vector<16xi32>
          tpu.vector_store_idx %arg12[%select_n3A_186], %add3A_203 masked %and3A_194 : memref<2048xi32, #tpu.memory_space<vmem>>[vector<16xi32>], vector<16xi32>, vector<16xi1>
          %gather3A_204 = tpu.vector_load_idx %arg12[%select_n3A_150] masked %and3A_158 : memref<2048xi32, #tpu.memory_space<vmem>>[vector<16xi32>], vector<16xi32>, vector<16xi1>
          %add3A_205 = arith.constant 0 : i32
          %add3A_206 = vector.broadcast %add3A_205 : i32 to vector<16xi32>
          %add3A_207 = arith.addi %iota3A, %add3A_206 : vector<16xi32>
          %eq3A_208 = arith.cmpi eq, %gather3A_204, %add3A_207 : vector<16xi32>
          %and3A_209 = arith.andi %and3A_158, %eq3A_208 : vector<16xi1>
          tpu.vector_store_idx %arg11[%select_n3A_150], %broadcast_in_dim3A_6 masked %and3A_209 : memref<2048xi32, #tpu.memory_space<vmem>>[vector<16xi32>], vector<16xi32>, vector<16xi1>
          %swap3A_210 = arith.index_cast %while3A_129 : i32 to index
          %swap3A_211 = tpu.vector_load %arg10[%swap3A_210] masked %and3A_209 {strides = array<i32>} : memref<2064xi32, #tpu.memory_space<vmem>>, vector<16xi32>, vector<16xi1>
          tpu.vector_store %arg10[%swap3A_210], %select_n3A_150 masked %and3A_209 {strides = array<i32>} : memref<2064xi32, #tpu.memory_space<vmem>>, vector<16xi32>, vector<16xi1>
          %convert_element_type3A_212 = arith.extui %and3A_209 : vector<16xi1> to vector<16xi32>
          %reduce_sum3A_213 = arith.constant true
          %reduce_sum3A_214 = vector.broadcast %reduce_sum3A_213 : i1 to vector<16xi1>
          %reduce_sum3A_215 = tpu.scan <sum>, %convert_element_type3A_212 masked %reduce_sum3A_214 : vector<16xi32>, vector<16xi1> -> vector<16xi32>
          %reduce_sum3A_216 = vector.extract %reduce_sum3A_215[15] : i32 from vector<16xi32>
          %add3A_217 = arith.addi %while3A_129, %reduce_sum3A_216 : i32
          %gather3A_218 = tpu.vector_load_idx %arg12[%select_n3A_168] masked %and3A_176 : memref<2048xi32, #tpu.memory_space<vmem>>[vector<16xi32>], vector<16xi32>, vector<16xi1>
          %add3A_219 = arith.constant 16 : i32
          %add3A_220 = vector.broadcast %add3A_219 : i32 to vector<16xi32>
          %add3A_221 = arith.addi %iota3A, %add3A_220 : vector<16xi32>
          %eq3A_222 = arith.cmpi eq, %gather3A_218, %add3A_221 : vector<16xi32>
          %and3A_223 = arith.andi %and3A_176, %eq3A_222 : vector<16xi1>
          tpu.vector_store_idx %arg11[%select_n3A_168], %broadcast_in_dim3A_6 masked %and3A_223 : memref<2048xi32, #tpu.memory_space<vmem>>[vector<16xi32>], vector<16xi32>, vector<16xi1>
          %swap3A_224 = arith.index_cast %add3A_217 : i32 to index
          %swap3A_225 = tpu.vector_load %arg10[%swap3A_224] masked %and3A_223 {strides = array<i32>} : memref<2064xi32, #tpu.memory_space<vmem>>, vector<16xi32>, vector<16xi1>
          tpu.vector_store %arg10[%swap3A_224], %select_n3A_168 masked %and3A_223 {strides = array<i32>} : memref<2064xi32, #tpu.memory_space<vmem>>, vector<16xi32>, vector<16xi1>
          %convert_element_type3A_226 = arith.extui %and3A_223 : vector<16xi1> to vector<16xi32>
          %reduce_sum3A_227 = arith.constant true
          %reduce_sum3A_228 = vector.broadcast %reduce_sum3A_227 : i1 to vector<16xi1>
          %reduce_sum3A_229 = tpu.scan <sum>, %convert_element_type3A_226 masked %reduce_sum3A_228 : vector<16xi32>, vector<16xi1> -> vector<16xi32>
          %reduce_sum3A_230 = vector.extract %reduce_sum3A_229[15] : i32 from vector<16xi32>
          %add3A_231 = arith.addi %add3A_217, %reduce_sum3A_230 : i32
          %gather3A_232 = tpu.vector_load_idx %arg12[%select_n3A_186] masked %and3A_194 : memref<2048xi32, #tpu.memory_space<vmem>>[vector<16xi32>], vector<16xi32>, vector<16xi1>
          %add3A_233 = arith.constant 32 : i32
          %add3A_234 = vector.broadcast %add3A_233 : i32 to vector<16xi32>
          %add3A_235 = arith.addi %iota3A, %add3A_234 : vector<16xi32>
          %eq3A_236 = arith.cmpi eq, %gather3A_232, %add3A_235 : vector<16xi32>
          %and3A_237 = arith.andi %and3A_194, %eq3A_236 : vector<16xi1>
          tpu.vector_store_idx %arg11[%select_n3A_186], %broadcast_in_dim3A_6 masked %and3A_237 : memref<2048xi32, #tpu.memory_space<vmem>>[vector<16xi32>], vector<16xi32>, vector<16xi1>
          %swap3A_238 = arith.index_cast %add3A_231 : i32 to index
          %swap3A_239 = tpu.vector_load %arg10[%swap3A_238] masked %and3A_237 {strides = array<i32>} : memref<2064xi32, #tpu.memory_space<vmem>>, vector<16xi32>, vector<16xi1>
          tpu.vector_store %arg10[%swap3A_238], %select_n3A_186 masked %and3A_237 {strides = array<i32>} : memref<2064xi32, #tpu.memory_space<vmem>>, vector<16xi32>, vector<16xi1>
          %convert_element_type3A_240 = arith.extui %and3A_237 : vector<16xi1> to vector<16xi32>
          %reduce_sum3A_241 = arith.constant true
          %reduce_sum3A_242 = vector.broadcast %reduce_sum3A_241 : i1 to vector<16xi1>
          %reduce_sum3A_243 = tpu.scan <sum>, %convert_element_type3A_240 masked %reduce_sum3A_242 : vector<16xi32>, vector<16xi1> -> vector<16xi32>
          %reduce_sum3A_244 = vector.extract %reduce_sum3A_243[15] : i32 from vector<16xi32>
          %add3A_245 = arith.addi %add3A_231, %reduce_sum3A_244 : i32
          scf.yield %add3A_245 : i32
        }
        %while3A_120 = arith.constant 1 : i32
        %while3A_121 = scf.for %while3A_128 = %while3A_117 to %while3A_113 step %while3A_120 iter_args(%while3A_129 = %while3A_119) -> (i32)  : i32 {
          %mul3A_130 = arith.constant 16 : i32
          %mul3A_131 = arith.muli %while3A_128, %mul3A_130 : i32
          %add3A_132 = arith.addi %mul3A_81, %mul3A_131 : i32
          %get3A_133 = arith.index_cast %add3A_132 : i32 to index
          %get3A_134 = tpu.vector_load %arg10[%get3A_133] {strides = array<i32>} : memref<2064xi32, #tpu.memory_space<vmem>>, vector<16xi32>,
          %add3A_135 = vector.broadcast %add3A_132 : i32 to vector<16xi32>
          %add3A_136 = arith.addi %add3A_135, %iota3A : vector<16xi32>
          %ge3A = vector.broadcast %while3A_61 : i32 to vector<16xi32>
          %ge3A_137 = arith.cmpi sge, %add3A_136, %ge3A : vector<16xi32>
          %lt3A_138 = vector.broadcast %while3A_62 : i32 to vector<16xi32>
          %lt3A_139 = arith.cmpi slt, %add3A_136, %lt3A_138 : vector<16xi32>
          %and3A_140 = arith.andi %ge3A_137, %lt3A_139 : vector<16xi1>
          %mul3A_141 = arith.constant 3 : i32
          %mul3A_142 = vector.broadcast %mul3A_141 : i32 to vector<16xi32>
          %mul3A_143 = arith.muli %get3A_134, %mul3A_142 : vector<16xi32>
          %add3A_144 = arith.constant 0 : i32
          %add3A_145 = vector.broadcast %add3A_144 : i32 to vector<16xi32>
          %add3A_146 = arith.addi %mul3A_143, %add3A_145 : vector<16xi32>
          %gather3A_147 = tpu.vector_load_idx %arg8[%add3A_146] masked %and3A_140 : memref<6144xi32, #tpu.memory_space<vmem>>[vector<16xi32>], vector<16xi32>, vector<16xi1>
          %jit3A_148 = arith.constant 0 : i32
          %broadcast_in_dim3A_149 = vector.broadcast %jit3A_148 : i32 to vector<16xi32>
          %select_n3A_150 = arith.select %and3A_140, %gather3A_147, %broadcast_in_dim3A_149 : vector<16xi1>, vector<16xi32>
          %gather3A_151 = tpu.vector_load_idx %arg11[%select_n3A_150] masked %and3A_140 : memref<2048xi32, #tpu.memory_space<vmem>>[vector<16xi32>], vector<16xi32>, vector<16xi1>
          %jit3A_152 = arith.constant 1 : i32
          %broadcast_in_dim3A_153 = vector.broadcast %jit3A_152 : i32 to vector<16xi32>
          %select_n3A_154 = arith.select %and3A_140, %gather3A_151, %broadcast_in_dim3A_153 : vector<16xi1>, vector<16xi32>
          %eq3A_155 = arith.constant 0 : i32
          %eq3A_156 = vector.broadcast %eq3A_155 : i32 to vector<16xi32>
          %eq3A_157 = arith.cmpi eq, %select_n3A_154, %eq3A_156 : vector<16xi32>
          %and3A_158 = arith.andi %and3A_140, %eq3A_157 : vector<16xi1>
          %mul3A_159 = arith.constant 3 : i32
          %mul3A_160 = vector.broadcast %mul3A_159 : i32 to vector<16xi32>
          %mul3A_161 = arith.muli %get3A_134, %mul3A_160 : vector<16xi32>
          %add3A_162 = arith.constant 1 : i32
          %add3A_163 = vector.broadcast %add3A_162 : i32 to vector<16xi32>
          %add3A_164 = arith.addi %mul3A_161, %add3A_163 : vector<16xi32>
          %gather3A_165 = tpu.vector_load_idx %arg8[%add3A_164] masked %and3A_140 : memref<6144xi32, #tpu.memory_space<vmem>>[vector<16xi32>], vector<16xi32>, vector<16xi1>
          %jit3A_166 = arith.constant 0 : i32
          %broadcast_in_dim3A_167 = vector.broadcast %jit3A_166 : i32 to vector<16xi32>
          %select_n3A_168 = arith.select %and3A_140, %gather3A_165, %broadcast_in_dim3A_167 : vector<16xi1>, vector<16xi32>
          %gather3A_169 = tpu.vector_load_idx %arg11[%select_n3A_168] masked %and3A_140 : memref<2048xi32, #tpu.memory_space<vmem>>[vector<16xi32>], vector<16xi32>, vector<16xi1>
          %jit3A_170 = arith.constant 1 : i32
          %broadcast_in_dim3A_171 = vector.broadcast %jit3A_170 : i32 to vector<16xi32>
          %select_n3A_172 = arith.select %and3A_140, %gather3A_169, %broadcast_in_dim3A_171 : vector<16xi1>, vector<16xi32>
          %eq3A_173 = arith.constant 0 : i32
          %eq3A_174 = vector.broadcast %eq3A_173 : i32 to vector<16xi32>
          %eq3A_175 = arith.cmpi eq, %select_n3A_172, %eq3A_174 : vector<16xi32>
          %and3A_176 = arith.andi %and3A_140, %eq3A_175 : vector<16xi1>
          %mul3A_177 = arith.constant 3 : i32
          %mul3A_178 = vector.broadcast %mul3A_177 : i32 to vector<16xi32>
          %mul3A_179 = arith.muli %get3A_134, %mul3A_178 : vector<16xi32>
          %add3A_180 = arith.constant 2 : i32
          %add3A_181 = vector.broadcast %add3A_180 : i32 to vector<16xi32>
          %add3A_182 = arith.addi %mul3A_179, %add3A_181 : vector<16xi32>
          %gather3A_183 = tpu.vector_load_idx %arg8[%add3A_182] masked %and3A_140 : memref<6144xi32, #tpu.memory_space<vmem>>[vector<16xi32>], vector<16xi32>, vector<16xi1>
          %jit3A_184 = arith.constant 0 : i32
          %broadcast_in_dim3A_185 = vector.broadcast %jit3A_184 : i32 to vector<16xi32>
          %select_n3A_186 = arith.select %and3A_140, %gather3A_183, %broadcast_in_dim3A_185 : vector<16xi1>, vector<16xi32>
          %gather3A_187 = tpu.vector_load_idx %arg11[%select_n3A_186] masked %and3A_140 : memref<2048xi32, #tpu.memory_space<vmem>>[vector<16xi32>], vector<16xi32>, vector<16xi1>
          %jit3A_188 = arith.constant 1 : i32
          %broadcast_in_dim3A_189 = vector.broadcast %jit3A_188 : i32 to vector<16xi32>
          %select_n3A_190 = arith.select %and3A_140, %gather3A_187, %broadcast_in_dim3A_189 : vector<16xi1>, vector<16xi32>
          %eq3A_191 = arith.constant 0 : i32
          %eq3A_192 = vector.broadcast %eq3A_191 : i32 to vector<16xi32>
          %eq3A_193 = arith.cmpi eq, %select_n3A_190, %eq3A_192 : vector<16xi32>
          %and3A_194 = arith.andi %and3A_140, %eq3A_193 : vector<16xi1>
          %add3A_195 = arith.constant 0 : i32
          %add3A_196 = vector.broadcast %add3A_195 : i32 to vector<16xi32>
          %add3A_197 = arith.addi %iota3A, %add3A_196 : vector<16xi32>
          tpu.vector_store_idx %arg12[%select_n3A_150], %add3A_197 masked %and3A_158 : memref<2048xi32, #tpu.memory_space<vmem>>[vector<16xi32>], vector<16xi32>, vector<16xi1>
          %add3A_198 = arith.constant 16 : i32
          %add3A_199 = vector.broadcast %add3A_198 : i32 to vector<16xi32>
          %add3A_200 = arith.addi %iota3A, %add3A_199 : vector<16xi32>
          tpu.vector_store_idx %arg12[%select_n3A_168], %add3A_200 masked %and3A_176 : memref<2048xi32, #tpu.memory_space<vmem>>[vector<16xi32>], vector<16xi32>, vector<16xi1>
          %add3A_201 = arith.constant 32 : i32
          %add3A_202 = vector.broadcast %add3A_201 : i32 to vector<16xi32>
          %add3A_203 = arith.addi %iota3A, %add3A_202 : vector<16xi32>
          tpu.vector_store_idx %arg12[%select_n3A_186], %add3A_203 masked %and3A_194 : memref<2048xi32, #tpu.memory_space<vmem>>[vector<16xi32>], vector<16xi32>, vector<16xi1>
          %gather3A_204 = tpu.vector_load_idx %arg12[%select_n3A_150] masked %and3A_158 : memref<2048xi32, #tpu.memory_space<vmem>>[vector<16xi32>], vector<16xi32>, vector<16xi1>
          %add3A_205 = arith.constant 0 : i32
          %add3A_206 = vector.broadcast %add3A_205 : i32 to vector<16xi32>
          %add3A_207 = arith.addi %iota3A, %add3A_206 : vector<16xi32>
          %eq3A_208 = arith.cmpi eq, %gather3A_204, %add3A_207 : vector<16xi32>
          %and3A_209 = arith.andi %and3A_158, %eq3A_208 : vector<16xi1>
          tpu.vector_store_idx %arg11[%select_n3A_150], %broadcast_in_dim3A_6 masked %and3A_209 : memref<2048xi32, #tpu.memory_space<vmem>>[vector<16xi32>], vector<16xi32>, vector<16xi1>
          %swap3A_210 = arith.index_cast %while3A_129 : i32 to index
          %swap3A_211 = tpu.vector_load %arg10[%swap3A_210] masked %and3A_209 {strides = array<i32>} : memref<2064xi32, #tpu.memory_space<vmem>>, vector<16xi32>, vector<16xi1>
          tpu.vector_store %arg10[%swap3A_210], %select_n3A_150 masked %and3A_209 {strides = array<i32>} : memref<2064xi32, #tpu.memory_space<vmem>>, vector<16xi32>, vector<16xi1>
          %convert_element_type3A_212 = arith.extui %and3A_209 : vector<16xi1> to vector<16xi32>
          %reduce_sum3A_213 = arith.constant true
          %reduce_sum3A_214 = vector.broadcast %reduce_sum3A_213 : i1 to vector<16xi1>
          %reduce_sum3A_215 = tpu.scan <sum>, %convert_element_type3A_212 masked %reduce_sum3A_214 : vector<16xi32>, vector<16xi1> -> vector<16xi32>
          %reduce_sum3A_216 = vector.extract %reduce_sum3A_215[15] : i32 from vector<16xi32>
          %add3A_217 = arith.addi %while3A_129, %reduce_sum3A_216 : i32
          %gather3A_218 = tpu.vector_load_idx %arg12[%select_n3A_168] masked %and3A_176 : memref<2048xi32, #tpu.memory_space<vmem>>[vector<16xi32>], vector<16xi32>, vector<16xi1>
          %add3A_219 = arith.constant 16 : i32
          %add3A_220 = vector.broadcast %add3A_219 : i32 to vector<16xi32>
          %add3A_221 = arith.addi %iota3A, %add3A_220 : vector<16xi32>
          %eq3A_222 = arith.cmpi eq, %gather3A_218, %add3A_221 : vector<16xi32>
          %and3A_223 = arith.andi %and3A_176, %eq3A_222 : vector<16xi1>
          tpu.vector_store_idx %arg11[%select_n3A_168], %broadcast_in_dim3A_6 masked %and3A_223 : memref<2048xi32, #tpu.memory_space<vmem>>[vector<16xi32>], vector<16xi32>, vector<16xi1>
          %swap3A_224 = arith.index_cast %add3A_217 : i32 to index
          %swap3A_225 = tpu.vector_load %arg10[%swap3A_224] masked %and3A_223 {strides = array<i32>} : memref<2064xi32, #tpu.memory_space<vmem>>, vector<16xi32>, vector<16xi1>
          tpu.vector_store %arg10[%swap3A_224], %select_n3A_168 masked %and3A_223 {strides = array<i32>} : memref<2064xi32, #tpu.memory_space<vmem>>, vector<16xi32>, vector<16xi1>
          %convert_element_type3A_226 = arith.extui %and3A_223 : vector<16xi1> to vector<16xi32>
          %reduce_sum3A_227 = arith.constant true
          %reduce_sum3A_228 = vector.broadcast %reduce_sum3A_227 : i1 to vector<16xi1>
          %reduce_sum3A_229 = tpu.scan <sum>, %convert_element_type3A_226 masked %reduce_sum3A_228 : vector<16xi32>, vector<16xi1> -> vector<16xi32>
          %reduce_sum3A_230 = vector.extract %reduce_sum3A_229[15] : i32 from vector<16xi32>
          %add3A_231 = arith.addi %add3A_217, %reduce_sum3A_230 : i32
          %gather3A_232 = tpu.vector_load_idx %arg12[%select_n3A_186] masked %and3A_194 : memref<2048xi32, #tpu.memory_space<vmem>>[vector<16xi32>], vector<16xi32>, vector<16xi1>
          %add3A_233 = arith.constant 32 : i32
          %add3A_234 = vector.broadcast %add3A_233 : i32 to vector<16xi32>
          %add3A_235 = arith.addi %iota3A, %add3A_234 : vector<16xi32>
          %eq3A_236 = arith.cmpi eq, %gather3A_232, %add3A_235 : vector<16xi32>
          %and3A_237 = arith.andi %and3A_194, %eq3A_236 : vector<16xi1>
          tpu.vector_store_idx %arg11[%select_n3A_186], %broadcast_in_dim3A_6 masked %and3A_237 : memref<2048xi32, #tpu.memory_space<vmem>>[vector<16xi32>], vector<16xi32>, vector<16xi1>
          %swap3A_238 = arith.index_cast %add3A_231 : i32 to index
          %swap3A_239 = tpu.vector_load %arg10[%swap3A_238] masked %and3A_237 {strides = array<i32>} : memref<2064xi32, #tpu.memory_space<vmem>>, vector<16xi32>, vector<16xi1>
          tpu.vector_store %arg10[%swap3A_238], %select_n3A_186 masked %and3A_237 {strides = array<i32>} : memref<2064xi32, #tpu.memory_space<vmem>>, vector<16xi32>, vector<16xi1>
          %convert_element_type3A_240 = arith.extui %and3A_237 : vector<16xi1> to vector<16xi32>
          %reduce_sum3A_241 = arith.constant true
          %reduce_sum3A_242 = vector.broadcast %reduce_sum3A_241 : i1 to vector<16xi1>
          %reduce_sum3A_243 = tpu.scan <sum>, %convert_element_type3A_240 masked %reduce_sum3A_242 : vector<16xi32>, vector<16xi1> -> vector<16xi32>
          %reduce_sum3A_244 = vector.extract %reduce_sum3A_243[15] : i32 from vector<16xi32>
          %add3A_245 = arith.addi %add3A_231, %reduce_sum3A_244 : i32
          scf.yield %add3A_245 : i32
        }
        %gt3A = arith.cmpi sgt, %while3A_121, %while3A_62 : i32
        %add3A_122 = arith.constant 1 : i32
        %add3A_123 = arith.addi %while3A_63, %add3A_122 : i32
        %select_n3A_124 = arith.select %gt3A, %add3A_123, %while3A_63 : i32
        %convert_element_type3A_125 = arith.extui %gt3A : i1 to i32
        %cond3A_126 = arith.constant 0 : i32
        %cond3A_127 = arith.cmpi ne, %convert_element_type3A_125, %cond3A_126 : i32
        scf.if %cond3A_127 {
          %add3A_128 = arith.constant 1 : i32
          %add3A_129 = arith.addi %select_n3A_124, %add3A_128 : i32
          %broadcast_in_dim3A_130 = vector.broadcast %add3A_129 : i32 to vector<16xi32>
          %broadcast_in_dim3A_131 = vector.broadcast %while3A_121 : i32 to vector<16xi32>
          %eq3A_132 = arith.constant 0 : i32
          %eq3A_133 = vector.broadcast %eq3A_132 : i32 to vector<16xi32>
          %eq3A_134 = arith.cmpi eq, %iota3A, %eq3A_133 : vector<16xi32>
          tpu.vector_store_idx %arg13[%broadcast_in_dim3A_130], %broadcast_in_dim3A_131 masked %eq3A_134 : memref<2064xi32, #tpu.memory_space<vmem>>[vector<16xi32>], vector<16xi32>, vector<16xi1>
        } else {
        }
        scf.yield %while3A_62, %while3A_121, %select_n3A_124 : i32, i32, i32
      }
      %add3A_40 = arith.constant 1 : i32
      %add3A_41 = arith.addi %while3A_39#2, %add3A_40 : i32
      %scan3A_42 = arith.constant 0 : i32
      %scan3A_43 = arith.constant 128 : i32
      %scan3A_44 = arith.addi %scan3A_42, %scan3A_43 : i32
      %scan3A_45 = arith.constant 1 : i32
      %scan3A_46 = scf.for %scan3A_61 = %scan3A_42 to %scan3A_44 step %scan3A_45 iter_args(%scan3A_62 = %while3A_39#1) -> (i32)  : i32 {
        %mul3A = arith.constant 16 : i32
        %mul3A_63 = arith.muli %scan3A_61, %mul3A : i32
        %get3A_64 = arith.index_cast %mul3A_63 : i32 to index
        %get3A_65 = tpu.vector_load %arg11[%get3A_64] {strides = array<i32>} : memref<2048xi32, #tpu.memory_space<vmem>>, vector<16xi32>,
        %eq3A_66 = arith.constant 0 : i32
        %eq3A_67 = vector.broadcast %eq3A_66 : i32 to vector<16xi32>
        %eq3A_68 = arith.cmpi eq, %get3A_65, %eq3A_67 : vector<16xi32>
        %add3A_69 = vector.broadcast %mul3A_63 : i32 to vector<16xi32>
        %add3A_70 = arith.addi %add3A_69, %iota3A : vector<16xi32>
        %swap3A_71 = arith.index_cast %scan3A_62 : i32 to index
        %swap3A_72 = tpu.vector_load %arg10[%swap3A_71] masked %eq3A_68 {strides = array<i32>} : memref<2064xi32, #tpu.memory_space<vmem>>, vector<16xi32>, vector<16xi1>
        tpu.vector_store %arg10[%swap3A_71], %add3A_70 masked %eq3A_68 {strides = array<i32>} : memref<2064xi32, #tpu.memory_space<vmem>>, vector<16xi32>, vector<16xi1>
        %convert_element_type3A_73 = arith.extui %eq3A_68 : vector<16xi1> to vector<16xi32>
        %reduce_sum3A_74 = arith.constant true
        %reduce_sum3A_75 = vector.broadcast %reduce_sum3A_74 : i1 to vector<16xi1>
        %reduce_sum3A_76 = tpu.scan <sum>, %convert_element_type3A_73 masked %reduce_sum3A_75 : vector<16xi32>, vector<16xi1> -> vector<16xi32>
        %reduce_sum3A_77 = vector.extract %reduce_sum3A_76[15] : i32 from vector<16xi32>
        %add3A_78 = arith.addi %scan3A_62, %reduce_sum3A_77 : i32
        scf.yield %add3A_78 : i32
      }
      %scan3A_47 = arith.constant 128 : i32
      %scan3A_48 = arith.constant 0 : i32
      %scan3A_49 = arith.constant 0 : i32
      %scan3A_50 = arith.constant 128 : i32
      %scan3A_51 = arith.addi %scan3A_49, %scan3A_50 : i32
      %scan3A_52 = arith.constant 1 : i32
      %scan3A_53 = scf.for %scan3A_61 = %scan3A_49 to %scan3A_51 step %scan3A_52 iter_args(%scan3A_62 = %scan3A_48) -> (i32)  : i32 {
        %mul3A = arith.constant 16 : i32
        %mul3A_63 = arith.muli %scan3A_61, %mul3A : i32
        %get3A_64 = arith.index_cast %mul3A_63 : i32 to index
        %get3A_65 = tpu.vector_load %arg10[%get3A_64] {strides = array<i32>} : memref<2064xi32, #tpu.memory_space<vmem>>, vector<16xi32>,
        %mul3A_66 = arith.constant 16 : i32
        %mul3A_67 = arith.muli %scan3A_61, %mul3A_66 : i32
        %add3A_68 = vector.broadcast %mul3A_67 : i32 to vector<16xi32>
        %add3A_69 = arith.addi %add3A_68, %iota3A : vector<16xi32>
        tpu.vector_store_idx %arg14[%get3A_65], %add3A_69 : memref<2048xi32, #tpu.memory_space<vmem>>[vector<16xi32>], vector<16xi32>,
        %scan3A_70 = arith.constant 0 : i32
        scf.yield %scan3A_70 : i32
      }
      %scan3A_54 = arith.constant 128 : i32
      %broadcast_in_dim3A_55 = arith.constant 0 : i32
      %broadcast_in_dim3A_56 = vector.broadcast %broadcast_in_dim3A_55 : i32 to vector<16xi32>
      %broadcast_in_dim3A_57 = vector.broadcast %add3A_41 : i32 to vector<16xi32>
      %eq3A_58 = arith.constant 0 : i32
      %eq3A_59 = vector.broadcast %eq3A_58 : i32 to vector<16xi32>
      %eq3A_60 = arith.cmpi eq, %iota3A, %eq3A_59 : vector<16xi32>
      tpu.vector_store_idx %arg15[%broadcast_in_dim3A_56], %broadcast_in_dim3A_57 masked %eq3A_60 : memref<16xi32, #tpu.memory_space<vmem>>[vector<16xi32>], vector<16xi32>, vector<16xi1>
      "tpu.region"() ({
        %run_scoped3A = tpu.sem_alloc : memref<!tpu.dma_semaphore, #tpu.memory_space<semaphore_mem>>
        %dma_start3A = arith.constant 0 : i32
        %dma_start3A_61 = tpu.memref_slice %arg10[%dma_start3A] : memref<2064xi32, #tpu.memory_space<vmem>> -> memref<2048xi32, #tpu.memory_space<vmem>>
        %dma_start3A_62 = arith.constant 0 : i32
        %dma_start3A_63 = tpu.memref_slice %arg10[%dma_start3A_62] : memref<2064xi32, #tpu.memory_space<vmem>> -> memref<2048xi32, #tpu.memory_space<vmem>>
        tpu.enqueue_dma source(%dma_start3A_63 : memref<2048xi32, #tpu.memory_space<vmem>>) target(%arg4 : memref<2048xi32, #tpu.memory_space<hbm>>) target_semaphore(%run_scoped3A : memref<!tpu.dma_semaphore, #tpu.memory_space<semaphore_mem>>)
        %dma_wait3A = arith.constant 0 : i32
        %dma_wait3A_64 = tpu.memref_slice %arg10[%dma_wait3A] : memref<2064xi32, #tpu.memory_space<vmem>> -> memref<2048xi32, #tpu.memory_space<vmem>>
        %dma_wait3A_65 = arith.constant 0 : i32
        %dma_wait3A_66 = tpu.memref_slice %arg10[%dma_wait3A_65] : memref<2064xi32, #tpu.memory_space<vmem>> -> memref<2048xi32, #tpu.memory_space<vmem>>
        tpu.wait_dma2 semaphore(%run_scoped3A : memref<!tpu.dma_semaphore, #tpu.memory_space<semaphore_mem>>) src(%dma_wait3A_66 : memref<2048xi32, #tpu.memory_space<vmem>>) dst(%arg4 : memref<2048xi32, #tpu.memory_space<hbm>>)
        tpu.yield
      }) : () -> ()
      "tpu.region"() ({
        %run_scoped3A = tpu.sem_alloc : memref<!tpu.dma_semaphore, #tpu.memory_space<semaphore_mem>>
        tpu.enqueue_dma source(%arg14 : memref<2048xi32, #tpu.memory_space<vmem>>) target(%arg5 : memref<2048xi32, #tpu.memory_space<hbm>>) target_semaphore(%run_scoped3A : memref<!tpu.dma_semaphore, #tpu.memory_space<semaphore_mem>>)
        tpu.wait_dma2 semaphore(%run_scoped3A : memref<!tpu.dma_semaphore, #tpu.memory_space<semaphore_mem>>) src(%arg14 : memref<2048xi32, #tpu.memory_space<vmem>>) dst(%arg5 : memref<2048xi32, #tpu.memory_space<hbm>>)
        tpu.yield
      }) : () -> ()
      "tpu.region"() ({
        %run_scoped3A = tpu.sem_alloc : memref<!tpu.dma_semaphore, #tpu.memory_space<semaphore_mem>>
        tpu.enqueue_dma source(%arg13 : memref<2064xi32, #tpu.memory_space<vmem>>) target(%arg6 : memref<2064xi32, #tpu.memory_space<hbm>>) target_semaphore(%run_scoped3A : memref<!tpu.dma_semaphore, #tpu.memory_space<semaphore_mem>>)
        tpu.wait_dma2 semaphore(%run_scoped3A : memref<!tpu.dma_semaphore, #tpu.memory_space<semaphore_mem>>) src(%arg13 : memref<2064xi32, #tpu.memory_space<vmem>>) dst(%arg6 : memref<2064xi32, #tpu.memory_space<hbm>>)
        tpu.yield
      }) : () -> ()
      "tpu.region"() ({
        %run_scoped3A = tpu.sem_alloc : memref<!tpu.dma_semaphore, #tpu.memory_space<semaphore_mem>>
        tpu.enqueue_dma source(%arg15 : memref<16xi32, #tpu.memory_space<vmem>>) target(%arg7 : memref<16xi32, #tpu.memory_space<hbm>>) target_semaphore(%run_scoped3A : memref<!tpu.dma_semaphore, #tpu.memory_space<semaphore_mem>>)
        tpu.wait_dma2 semaphore(%run_scoped3A : memref<!tpu.dma_semaphore, #tpu.memory_space<semaphore_mem>>) src(%arg15 : memref<16xi32, #tpu.memory_space<vmem>>) dst(%arg7 : memref<16xi32, #tpu.memory_space<hbm>>)
        tpu.yield
      }) : () -> ()
    } else {
    }
    return
  }
}

#map = affine_map<(d0, d1) -> (0, 0)>
#map1 = affine_map<(d0, d1) -> (0)>
module attributes {stable_mosaic.version = 14 : i64} {
  func.func @_gather_body(%arg0: i32, %arg1: i32, %arg2: memref<2048x256xf32, #tpu.memory_space<hbm>>, %arg3: memref<2048xi32, #tpu.memory_space<hbm>>, %arg4: memref<2176x256xf32, #tpu.memory_space<hbm>>, %arg5: memref<64xi32, #tpu.memory_space<vmem>>, %arg6: memref<64x256xf32, #tpu.memory_space<vmem>>, %arg7: memref<!tpu.dma_semaphore, #tpu.memory_space<semaphore_mem>>) attributes {dimension_semantics = [#tpu.dimension_semantics<core_parallel>, #tpu.dimension_semantics<subcore_parallel>], iteration_bounds = array<i64: 2, 16>, scalar_prefetch = 0 : i64, scratch_operands = 3 : i64, tpu.core_type = #tpu.core_type<sc_vector_subcore>, window_params = [{transform_indices = #map}, {transform_indices = #map1}, {transform_indices = #map}]} {
    %mul3A = arith.constant 2 : i32
    %mul3A_0 = arith.muli %arg1, %mul3A : i32
    %add3A = arith.addi %mul3A_0, %arg0 : i32
    %mul3A_1 = arith.constant 64 : i32
    %mul3A_2 = arith.muli %add3A, %mul3A_1 : i32
    "tpu.region"() ({
      %run_scoped3A = tpu.sem_alloc : memref<!tpu.dma_semaphore, #tpu.memory_space<semaphore_mem>>
      %dma_start3A_7 = tpu.memref_slice %arg3[%mul3A_2] : memref<2048xi32, #tpu.memory_space<hbm>> -> memref<64xi32, #tpu.memory_space<hbm>>
      %dma_start3A_8 = tpu.memref_slice %arg3[%mul3A_2] : memref<2048xi32, #tpu.memory_space<hbm>> -> memref<64xi32, #tpu.memory_space<hbm>>
      tpu.enqueue_dma source(%dma_start3A_8 : memref<64xi32, #tpu.memory_space<hbm>>) target(%arg5 : memref<64xi32, #tpu.memory_space<vmem>>) target_semaphore(%run_scoped3A : memref<!tpu.dma_semaphore, #tpu.memory_space<semaphore_mem>>)
      %dma_wait3A_9 = tpu.memref_slice %arg3[%mul3A_2] : memref<2048xi32, #tpu.memory_space<hbm>> -> memref<64xi32, #tpu.memory_space<hbm>>
      %dma_wait3A_10 = tpu.memref_slice %arg3[%mul3A_2] : memref<2048xi32, #tpu.memory_space<hbm>> -> memref<64xi32, #tpu.memory_space<hbm>>
      tpu.wait_dma2 semaphore(%run_scoped3A : memref<!tpu.dma_semaphore, #tpu.memory_space<semaphore_mem>>) src(%dma_wait3A_10 : memref<64xi32, #tpu.memory_space<hbm>>) dst(%arg5 : memref<64xi32, #tpu.memory_space<vmem>>)
      tpu.yield
    }) : () -> ()
    %dma_start3A = arith.constant 0 : i32
    %dma_start3A_3 = arith.constant 0 : i32
    %dma_start3A_4 = tpu.memref_slice %arg2[%dma_start3A, %dma_start3A_3] : memref<2048x256xf32, #tpu.memory_space<hbm>> -> memref<2048x256xf32, #tpu.memory_space<hbm>>
    tpu.enqueue_indirect_dma source(%dma_start3A_4 : memref<2048x256xf32, #tpu.memory_space<hbm>>) target(%arg6 : memref<64x256xf32, #tpu.memory_space<vmem>>) offsets(%arg5 : memref<64xi32, #tpu.memory_space<vmem>>) semaphore(%arg7 : memref<!tpu.dma_semaphore, #tpu.memory_space<semaphore_mem>>)
    %dma_wait3A = arith.constant 0 : i32
    %dma_wait3A_5 = arith.constant 0 : i32
    %dma_wait3A_6 = tpu.memref_slice %arg2[%dma_wait3A, %dma_wait3A_5] : memref<2048x256xf32, #tpu.memory_space<hbm>> -> memref<2048x256xf32, #tpu.memory_space<hbm>>
    tpu.wait_indirect_dma semaphore(%arg7 : memref<!tpu.dma_semaphore, #tpu.memory_space<semaphore_mem>>) src(%dma_wait3A_6 : memref<2048x256xf32, #tpu.memory_space<hbm>>) dst(%arg6 : memref<64x256xf32, #tpu.memory_space<vmem>>)
    "tpu.region"() ({
      %run_scoped3A = tpu.sem_alloc : memref<!tpu.dma_semaphore, #tpu.memory_space<semaphore_mem>>
      %dma_start3A_7 = arith.constant 0 : i32
      %dma_start3A_8 = tpu.memref_slice %arg4[%mul3A_2, %dma_start3A_7] : memref<2176x256xf32, #tpu.memory_space<hbm>> -> memref<64x256xf32, #tpu.memory_space<hbm>>
      %dma_start3A_9 = arith.constant 0 : i32
      %dma_start3A_10 = tpu.memref_slice %arg4[%mul3A_2, %dma_start3A_9] : memref<2176x256xf32, #tpu.memory_space<hbm>> -> memref<64x256xf32, #tpu.memory_space<hbm>>
      tpu.enqueue_dma source(%arg6 : memref<64x256xf32, #tpu.memory_space<vmem>>) target(%dma_start3A_10 : memref<64x256xf32, #tpu.memory_space<hbm>>) target_semaphore(%run_scoped3A : memref<!tpu.dma_semaphore, #tpu.memory_space<semaphore_mem>>)
      %dma_wait3A_11 = arith.constant 0 : i32
      %dma_wait3A_12 = tpu.memref_slice %arg4[%mul3A_2, %dma_wait3A_11] : memref<2176x256xf32, #tpu.memory_space<hbm>> -> memref<64x256xf32, #tpu.memory_space<hbm>>
      %dma_wait3A_13 = arith.constant 0 : i32
      %dma_wait3A_14 = tpu.memref_slice %arg4[%mul3A_2, %dma_wait3A_13] : memref<2176x256xf32, #tpu.memory_space<hbm>> -> memref<64x256xf32, #tpu.memory_space<hbm>>
      tpu.wait_dma2 semaphore(%run_scoped3A : memref<!tpu.dma_semaphore, #tpu.memory_space<semaphore_mem>>) src(%arg6 : memref<64x256xf32, #tpu.memory_space<vmem>>) dst(%dma_wait3A_14 : memref<64x256xf32, #tpu.memory_space<hbm>>)
      tpu.yield
    }) : () -> ()
    return
  }
}

module attributes {stable_mosaic.version = 14 : i64} {
  func.func @_tc_body(%arg0: memref<2064xi32, #tpu.memory_space<smem>>, %arg1: memref<1xi32, #tpu.memory_space<smem>>, %arg2: memref<2176x256xf32, #tpu.memory_space<vmem>>, %arg3: memref<256x256xf32, #tpu.memory_space<vmem>>, %arg4: memref<256x256xf32, #tpu.memory_space<vmem>>, %arg5: memref<256x256xf32, #tpu.memory_space<vmem>>, %arg6: memref<256x256xf32, #tpu.memory_space<vmem>>, %arg7: memref<1x256xf32, #tpu.memory_space<vmem>>, %arg8: memref<256x256xf32, #tpu.memory_space<vmem>>, %arg9: memref<1x256xf32, #tpu.memory_space<vmem>>, %arg10: memref<256x256xf32, #tpu.memory_space<vmem>>, %arg11: memref<1x256xf32, #tpu.memory_space<vmem>>, %arg12: memref<256x256xf32, #tpu.memory_space<vmem>>, %arg13: memref<1x256xf32, #tpu.memory_space<vmem>>, %arg14: memref<1x256xf32, #tpu.memory_space<vmem>>, %arg15: memref<1x1xf32, #tpu.memory_space<vmem>>, %arg16: memref<2176x384xf32, #tpu.memory_space<vmem>>, %arg17: memref<2176x256xf32, #tpu.memory_space<vmem>>, %arg18: memref<2176x256xbf16, #tpu.memory_space<vmem>>, %arg19: memref<2176x512xbf16, #tpu.memory_space<vmem>>) attributes {dimension_semantics = [], scalar_prefetch = 0 : i64, scratch_operands = 3 : i64, tpu.core_type = #tpu.core_type<tc>} {
    %get3A = arith.constant 0 : index
    %get3A_0 = arith.constant 0 : index
    %get3A_1 = vector.load %arg2[%get3A, %get3A_0] : memref<2176x256xf32, #tpu.memory_space<vmem>>, vector<256x256xf32>
    %swap3A = arith.constant 0 : index
    %swap3A_2 = arith.constant 0 : index
    %swap3A_3 = vector.load %arg17[%swap3A, %swap3A_2] : memref<2176x256xf32, #tpu.memory_space<vmem>>, vector<256x256xf32>
    tpu.vector_store %arg17[%swap3A, %swap3A_2], %get3A_1 {strides = array<i32>} : memref<2176x256xf32, #tpu.memory_space<vmem>>, vector<256x256xf32>,
    %get3A_4 = arith.constant 0 : index
    %get3A_5 = arith.constant 0 : index
    %get3A_6 = vector.load %arg4[%get3A_4, %get3A_5] : memref<256x256xf32, #tpu.memory_space<vmem>>, vector<256x256xf32>
    %dot_general3A = arith.constant dense<0.000000e+00> : vector<256x256xf32>
    %dot_general3A_7 = tpu.matmul %get3A_1, %get3A_6, %dot_general3A {dimension_numbers = #tpu.dot_dimension_numbers<[1], [1], [0], [0], [0, 0, 1, 0], [], []>, transpose_lhs_hint = false} : vector<256x256xf32>, vector<256x256xf32>, vector<256x256xf32> -> vector<256x256xf32>
    %convert_element_type3A = arith.truncf %dot_general3A_7 : vector<256x256xf32> to vector<256x256xbf16>
    %swap3A_8 = arith.constant 0 : index
    %swap3A_9 = arith.constant 0 : index
    %swap3A_10 = vector.load %arg18[%swap3A_8, %swap3A_9] : memref<2176x256xbf16, #tpu.memory_space<vmem>>, vector<256x256xbf16>
    tpu.vector_store %arg18[%swap3A_8, %swap3A_9], %convert_element_type3A {strides = array<i32>} : memref<2176x256xbf16, #tpu.memory_space<vmem>>, vector<256x256xbf16>,
    %get3A_11 = arith.constant 0 : index
    %get3A_12 = arith.constant 0 : index
    %get3A_13 = vector.load %arg5[%get3A_11, %get3A_12] : memref<256x256xf32, #tpu.memory_space<vmem>>, vector<256x256xf32>
    %dot_general3A_14 = arith.constant dense<0.000000e+00> : vector<256x256xf32>
    %dot_general3A_15 = tpu.matmul %get3A_1, %get3A_13, %dot_general3A_14 {dimension_numbers = #tpu.dot_dimension_numbers<[1], [1], [0], [0], [0, 0, 1, 0], [], []>, transpose_lhs_hint = false} : vector<256x256xf32>, vector<256x256xf32>, vector<256x256xf32> -> vector<256x256xf32>
    %iota3A = tpu.iota {dimensions = array<i32: 1>} : vector<256x32xi32>
    %eq3A = arith.constant 0 : i32
    %eq3A_16 = vector.broadcast %eq3A : i32 to vector<256x32xi32>
    %eq3A_17 = arith.cmpi eq, %iota3A, %eq3A_16 : vector<256x32xi32>
    %convert_element_type3A_18 = arith.extui %eq3A_17 : vector<256x32xi1> to vector<256x32xi32>
    %convert_element_type3A_19 = arith.sitofp %convert_element_type3A_18 : vector<256x32xi32> to vector<256x32xf32>
    %convert_element_type3A_20 = arith.truncf %convert_element_type3A_19 : vector<256x32xf32> to vector<256x32xbf16>
    %slice3A = vector.extract_strided_slice %dot_general3A_15 {offsets = [0, 0], sizes = [256, 32], strides = [1, 1]} : vector<256x256xf32> to vector<256x32xf32>
    %convert_element_type3A_21 = arith.truncf %slice3A : vector<256x32xf32> to vector<256x32xbf16>
    %slice3A_22 = vector.extract_strided_slice %dot_general3A_15 {offsets = [0, 32], sizes = [256, 32], strides = [1, 1]} : vector<256x256xf32> to vector<256x32xf32>
    %convert_element_type3A_23 = arith.truncf %slice3A_22 : vector<256x32xf32> to vector<256x32xbf16>
    %slice3A_24 = vector.extract_strided_slice %dot_general3A_15 {offsets = [0, 64], sizes = [256, 32], strides = [1, 1]} : vector<256x256xf32> to vector<256x32xf32>
    %convert_element_type3A_25 = arith.truncf %slice3A_24 : vector<256x32xf32> to vector<256x32xbf16>
    %slice3A_26 = vector.extract_strided_slice %dot_general3A_15 {offsets = [0, 96], sizes = [256, 32], strides = [1, 1]} : vector<256x256xf32> to vector<256x32xf32>
    %convert_element_type3A_27 = arith.truncf %slice3A_26 : vector<256x32xf32> to vector<256x32xbf16>
    %slice3A_28 = vector.extract_strided_slice %dot_general3A_15 {offsets = [0, 128], sizes = [256, 32], strides = [1, 1]} : vector<256x256xf32> to vector<256x32xf32>
    %convert_element_type3A_29 = arith.truncf %slice3A_28 : vector<256x32xf32> to vector<256x32xbf16>
    %slice3A_30 = vector.extract_strided_slice %dot_general3A_15 {offsets = [0, 160], sizes = [256, 32], strides = [1, 1]} : vector<256x256xf32> to vector<256x32xf32>
    %convert_element_type3A_31 = arith.truncf %slice3A_30 : vector<256x32xf32> to vector<256x32xbf16>
    %slice3A_32 = vector.extract_strided_slice %dot_general3A_15 {offsets = [0, 192], sizes = [256, 32], strides = [1, 1]} : vector<256x256xf32> to vector<256x32xf32>
    %convert_element_type3A_33 = arith.truncf %slice3A_32 : vector<256x32xf32> to vector<256x32xbf16>
    %slice3A_34 = vector.extract_strided_slice %dot_general3A_15 {offsets = [0, 224], sizes = [256, 32], strides = [1, 1]} : vector<256x256xf32> to vector<256x32xf32>
    %convert_element_type3A_35 = arith.truncf %slice3A_34 : vector<256x32xf32> to vector<256x32xbf16>
    %concatenate3A = tpu.concatenate %convert_element_type3A_21, %convert_element_type3A_20, %convert_element_type3A_23, %convert_element_type3A_20, %convert_element_type3A_25, %convert_element_type3A_20, %convert_element_type3A_27, %convert_element_type3A_20, %convert_element_type3A_29, %convert_element_type3A_20, %convert_element_type3A_31, %convert_element_type3A_20, %convert_element_type3A_33, %convert_element_type3A_20, %convert_element_type3A_35, %convert_element_type3A_20 in 1 : vector<256x32xbf16>, vector<256x32xbf16>, vector<256x32xbf16>, vector<256x32xbf16>, vector<256x32xbf16>, vector<256x32xbf16>, vector<256x32xbf16>, vector<256x32xbf16>, vector<256x32xbf16>, vector<256x32xbf16>, vector<256x32xbf16>, vector<256x32xbf16>, vector<256x32xbf16>, vector<256x32xbf16>, vector<256x32xbf16>, vector<256x32xbf16> -> vector<256x512xbf16>
    %swap3A_36 = arith.constant 0 : index
    %swap3A_37 = arith.constant 0 : index
    %swap3A_38 = vector.load %arg19[%swap3A_36, %swap3A_37] : memref<2176x512xbf16, #tpu.memory_space<vmem>>, vector<256x512xbf16>
    tpu.vector_store %arg19[%swap3A_36, %swap3A_37], %concatenate3A {strides = array<i32>} : memref<2176x512xbf16, #tpu.memory_space<vmem>>, vector<256x512xbf16>,
    %get3A_39 = arith.constant 256 : index
    %get3A_40 = arith.constant 0 : index
    %get3A_41 = vector.load %arg2[%get3A_39, %get3A_40] : memref<2176x256xf32, #tpu.memory_space<vmem>>, vector<256x256xf32>
    %swap3A_42 = arith.constant 256 : index
    %swap3A_43 = arith.constant 0 : index
    %swap3A_44 = vector.load %arg17[%swap3A_42, %swap3A_43] : memref<2176x256xf32, #tpu.memory_space<vmem>>, vector<256x256xf32>
    tpu.vector_store %arg17[%swap3A_42, %swap3A_43], %get3A_41 {strides = array<i32>} : memref<2176x256xf32, #tpu.memory_space<vmem>>, vector<256x256xf32>,
    %get3A_45 = arith.constant 0 : index
    %get3A_46 = arith.constant 0 : index
    %get3A_47 = vector.load %arg4[%get3A_45, %get3A_46] : memref<256x256xf32, #tpu.memory_space<vmem>>, vector<256x256xf32>
    %dot_general3A_48 = arith.constant dense<0.000000e+00> : vector<256x256xf32>
    %dot_general3A_49 = tpu.matmul %get3A_41, %get3A_47, %dot_general3A_48 {dimension_numbers = #tpu.dot_dimension_numbers<[1], [1], [0], [0], [0, 0, 1, 0], [], []>, transpose_lhs_hint = false} : vector<256x256xf32>, vector<256x256xf32>, vector<256x256xf32> -> vector<256x256xf32>
    %convert_element_type3A_50 = arith.truncf %dot_general3A_49 : vector<256x256xf32> to vector<256x256xbf16>
    %swap3A_51 = arith.constant 256 : index
    %swap3A_52 = arith.constant 0 : index
    %swap3A_53 = vector.load %arg18[%swap3A_51, %swap3A_52] : memref<2176x256xbf16, #tpu.memory_space<vmem>>, vector<256x256xbf16>
    tpu.vector_store %arg18[%swap3A_51, %swap3A_52], %convert_element_type3A_50 {strides = array<i32>} : memref<2176x256xbf16, #tpu.memory_space<vmem>>, vector<256x256xbf16>,
    %get3A_54 = arith.constant 0 : index
    %get3A_55 = arith.constant 0 : index
    %get3A_56 = vector.load %arg5[%get3A_54, %get3A_55] : memref<256x256xf32, #tpu.memory_space<vmem>>, vector<256x256xf32>
    %dot_general3A_57 = arith.constant dense<0.000000e+00> : vector<256x256xf32>
    %dot_general3A_58 = tpu.matmul %get3A_41, %get3A_56, %dot_general3A_57 {dimension_numbers = #tpu.dot_dimension_numbers<[1], [1], [0], [0], [0, 0, 1, 0], [], []>, transpose_lhs_hint = false} : vector<256x256xf32>, vector<256x256xf32>, vector<256x256xf32> -> vector<256x256xf32>
    %iota3A_59 = tpu.iota {dimensions = array<i32: 1>} : vector<256x32xi32>
    %eq3A_60 = arith.constant 0 : i32
    %eq3A_61 = vector.broadcast %eq3A_60 : i32 to vector<256x32xi32>
    %eq3A_62 = arith.cmpi eq, %iota3A_59, %eq3A_61 : vector<256x32xi32>
    %convert_element_type3A_63 = arith.extui %eq3A_62 : vector<256x32xi1> to vector<256x32xi32>
    %convert_element_type3A_64 = arith.sitofp %convert_element_type3A_63 : vector<256x32xi32> to vector<256x32xf32>
    %convert_element_type3A_65 = arith.truncf %convert_element_type3A_64 : vector<256x32xf32> to vector<256x32xbf16>
    %slice3A_66 = vector.extract_strided_slice %dot_general3A_58 {offsets = [0, 0], sizes = [256, 32], strides = [1, 1]} : vector<256x256xf32> to vector<256x32xf32>
    %convert_element_type3A_67 = arith.truncf %slice3A_66 : vector<256x32xf32> to vector<256x32xbf16>
    %slice3A_68 = vector.extract_strided_slice %dot_general3A_58 {offsets = [0, 32], sizes = [256, 32], strides = [1, 1]} : vector<256x256xf32> to vector<256x32xf32>
    %convert_element_type3A_69 = arith.truncf %slice3A_68 : vector<256x32xf32> to vector<256x32xbf16>
    %slice3A_70 = vector.extract_strided_slice %dot_general3A_58 {offsets = [0, 64], sizes = [256, 32], strides = [1, 1]} : vector<256x256xf32> to vector<256x32xf32>
    %convert_element_type3A_71 = arith.truncf %slice3A_70 : vector<256x32xf32> to vector<256x32xbf16>
    %slice3A_72 = vector.extract_strided_slice %dot_general3A_58 {offsets = [0, 96], sizes = [256, 32], strides = [1, 1]} : vector<256x256xf32> to vector<256x32xf32>
    %convert_element_type3A_73 = arith.truncf %slice3A_72 : vector<256x32xf32> to vector<256x32xbf16>
    %slice3A_74 = vector.extract_strided_slice %dot_general3A_58 {offsets = [0, 128], sizes = [256, 32], strides = [1, 1]} : vector<256x256xf32> to vector<256x32xf32>
    %convert_element_type3A_75 = arith.truncf %slice3A_74 : vector<256x32xf32> to vector<256x32xbf16>
    %slice3A_76 = vector.extract_strided_slice %dot_general3A_58 {offsets = [0, 160], sizes = [256, 32], strides = [1, 1]} : vector<256x256xf32> to vector<256x32xf32>
    %convert_element_type3A_77 = arith.truncf %slice3A_76 : vector<256x32xf32> to vector<256x32xbf16>
    %slice3A_78 = vector.extract_strided_slice %dot_general3A_58 {offsets = [0, 192], sizes = [256, 32], strides = [1, 1]} : vector<256x256xf32> to vector<256x32xf32>
    %convert_element_type3A_79 = arith.truncf %slice3A_78 : vector<256x32xf32> to vector<256x32xbf16>
    %slice3A_80 = vector.extract_strided_slice %dot_general3A_58 {offsets = [0, 224], sizes = [256, 32], strides = [1, 1]} : vector<256x256xf32> to vector<256x32xf32>
    %convert_element_type3A_81 = arith.truncf %slice3A_80 : vector<256x32xf32> to vector<256x32xbf16>
    %concatenate3A_82 = tpu.concatenate %convert_element_type3A_67, %convert_element_type3A_65, %convert_element_type3A_69, %convert_element_type3A_65, %convert_element_type3A_71, %convert_element_type3A_65, %convert_element_type3A_73, %convert_element_type3A_65, %convert_element_type3A_75, %convert_element_type3A_65, %convert_element_type3A_77, %convert_element_type3A_65, %convert_element_type3A_79, %convert_element_type3A_65, %convert_element_type3A_81, %convert_element_type3A_65 in 1 : vector<256x32xbf16>, vector<256x32xbf16>, vector<256x32xbf16>, vector<256x32xbf16>, vector<256x32xbf16>, vector<256x32xbf16>, vector<256x32xbf16>, vector<256x32xbf16>, vector<256x32xbf16>, vector<256x32xbf16>, vector<256x32xbf16>, vector<256x32xbf16>, vector<256x32xbf16>, vector<256x32xbf16>, vector<256x32xbf16>, vector<256x32xbf16> -> vector<256x512xbf16>
    %swap3A_83 = arith.constant 256 : index
    %swap3A_84 = arith.constant 0 : index
    %swap3A_85 = vector.load %arg19[%swap3A_83, %swap3A_84] : memref<2176x512xbf16, #tpu.memory_space<vmem>>, vector<256x512xbf16>
    tpu.vector_store %arg19[%swap3A_83, %swap3A_84], %concatenate3A_82 {strides = array<i32>} : memref<2176x512xbf16, #tpu.memory_space<vmem>>, vector<256x512xbf16>,
    %get3A_86 = arith.constant 512 : index
    %get3A_87 = arith.constant 0 : index
    %get3A_88 = vector.load %arg2[%get3A_86, %get3A_87] : memref<2176x256xf32, #tpu.memory_space<vmem>>, vector<256x256xf32>
    %swap3A_89 = arith.constant 512 : index
    %swap3A_90 = arith.constant 0 : index
    %swap3A_91 = vector.load %arg17[%swap3A_89, %swap3A_90] : memref<2176x256xf32, #tpu.memory_space<vmem>>, vector<256x256xf32>
    tpu.vector_store %arg17[%swap3A_89, %swap3A_90], %get3A_88 {strides = array<i32>} : memref<2176x256xf32, #tpu.memory_space<vmem>>, vector<256x256xf32>,
    %get3A_92 = arith.constant 0 : index
    %get3A_93 = arith.constant 0 : index
    %get3A_94 = vector.load %arg4[%get3A_92, %get3A_93] : memref<256x256xf32, #tpu.memory_space<vmem>>, vector<256x256xf32>
    %dot_general3A_95 = arith.constant dense<0.000000e+00> : vector<256x256xf32>
    %dot_general3A_96 = tpu.matmul %get3A_88, %get3A_94, %dot_general3A_95 {dimension_numbers = #tpu.dot_dimension_numbers<[1], [1], [0], [0], [0, 0, 1, 0], [], []>, transpose_lhs_hint = false} : vector<256x256xf32>, vector<256x256xf32>, vector<256x256xf32> -> vector<256x256xf32>
    %convert_element_type3A_97 = arith.truncf %dot_general3A_96 : vector<256x256xf32> to vector<256x256xbf16>
    %swap3A_98 = arith.constant 512 : index
    %swap3A_99 = arith.constant 0 : index
    %swap3A_100 = vector.load %arg18[%swap3A_98, %swap3A_99] : memref<2176x256xbf16, #tpu.memory_space<vmem>>, vector<256x256xbf16>
    tpu.vector_store %arg18[%swap3A_98, %swap3A_99], %convert_element_type3A_97 {strides = array<i32>} : memref<2176x256xbf16, #tpu.memory_space<vmem>>, vector<256x256xbf16>,
    %get3A_101 = arith.constant 0 : index
    %get3A_102 = arith.constant 0 : index
    %get3A_103 = vector.load %arg5[%get3A_101, %get3A_102] : memref<256x256xf32, #tpu.memory_space<vmem>>, vector<256x256xf32>
    %dot_general3A_104 = arith.constant dense<0.000000e+00> : vector<256x256xf32>
    %dot_general3A_105 = tpu.matmul %get3A_88, %get3A_103, %dot_general3A_104 {dimension_numbers = #tpu.dot_dimension_numbers<[1], [1], [0], [0], [0, 0, 1, 0], [], []>, transpose_lhs_hint = false} : vector<256x256xf32>, vector<256x256xf32>, vector<256x256xf32> -> vector<256x256xf32>
    %iota3A_106 = tpu.iota {dimensions = array<i32: 1>} : vector<256x32xi32>
    %eq3A_107 = arith.constant 0 : i32
    %eq3A_108 = vector.broadcast %eq3A_107 : i32 to vector<256x32xi32>
    %eq3A_109 = arith.cmpi eq, %iota3A_106, %eq3A_108 : vector<256x32xi32>
    %convert_element_type3A_110 = arith.extui %eq3A_109 : vector<256x32xi1> to vector<256x32xi32>
    %convert_element_type3A_111 = arith.sitofp %convert_element_type3A_110 : vector<256x32xi32> to vector<256x32xf32>
    %convert_element_type3A_112 = arith.truncf %convert_element_type3A_111 : vector<256x32xf32> to vector<256x32xbf16>
    %slice3A_113 = vector.extract_strided_slice %dot_general3A_105 {offsets = [0, 0], sizes = [256, 32], strides = [1, 1]} : vector<256x256xf32> to vector<256x32xf32>
    %convert_element_type3A_114 = arith.truncf %slice3A_113 : vector<256x32xf32> to vector<256x32xbf16>
    %slice3A_115 = vector.extract_strided_slice %dot_general3A_105 {offsets = [0, 32], sizes = [256, 32], strides = [1, 1]} : vector<256x256xf32> to vector<256x32xf32>
    %convert_element_type3A_116 = arith.truncf %slice3A_115 : vector<256x32xf32> to vector<256x32xbf16>
    %slice3A_117 = vector.extract_strided_slice %dot_general3A_105 {offsets = [0, 64], sizes = [256, 32], strides = [1, 1]} : vector<256x256xf32> to vector<256x32xf32>
    %convert_element_type3A_118 = arith.truncf %slice3A_117 : vector<256x32xf32> to vector<256x32xbf16>
    %slice3A_119 = vector.extract_strided_slice %dot_general3A_105 {offsets = [0, 96], sizes = [256, 32], strides = [1, 1]} : vector<256x256xf32> to vector<256x32xf32>
    %convert_element_type3A_120 = arith.truncf %slice3A_119 : vector<256x32xf32> to vector<256x32xbf16>
    %slice3A_121 = vector.extract_strided_slice %dot_general3A_105 {offsets = [0, 128], sizes = [256, 32], strides = [1, 1]} : vector<256x256xf32> to vector<256x32xf32>
    %convert_element_type3A_122 = arith.truncf %slice3A_121 : vector<256x32xf32> to vector<256x32xbf16>
    %slice3A_123 = vector.extract_strided_slice %dot_general3A_105 {offsets = [0, 160], sizes = [256, 32], strides = [1, 1]} : vector<256x256xf32> to vector<256x32xf32>
    %convert_element_type3A_124 = arith.truncf %slice3A_123 : vector<256x32xf32> to vector<256x32xbf16>
    %slice3A_125 = vector.extract_strided_slice %dot_general3A_105 {offsets = [0, 192], sizes = [256, 32], strides = [1, 1]} : vector<256x256xf32> to vector<256x32xf32>
    %convert_element_type3A_126 = arith.truncf %slice3A_125 : vector<256x32xf32> to vector<256x32xbf16>
    %slice3A_127 = vector.extract_strided_slice %dot_general3A_105 {offsets = [0, 224], sizes = [256, 32], strides = [1, 1]} : vector<256x256xf32> to vector<256x32xf32>
    %convert_element_type3A_128 = arith.truncf %slice3A_127 : vector<256x32xf32> to vector<256x32xbf16>
    %concatenate3A_129 = tpu.concatenate %convert_element_type3A_114, %convert_element_type3A_112, %convert_element_type3A_116, %convert_element_type3A_112, %convert_element_type3A_118, %convert_element_type3A_112, %convert_element_type3A_120, %convert_element_type3A_112, %convert_element_type3A_122, %convert_element_type3A_112, %convert_element_type3A_124, %convert_element_type3A_112, %convert_element_type3A_126, %convert_element_type3A_112, %convert_element_type3A_128, %convert_element_type3A_112 in 1 : vector<256x32xbf16>, vector<256x32xbf16>, vector<256x32xbf16>, vector<256x32xbf16>, vector<256x32xbf16>, vector<256x32xbf16>, vector<256x32xbf16>, vector<256x32xbf16>, vector<256x32xbf16>, vector<256x32xbf16>, vector<256x32xbf16>, vector<256x32xbf16>, vector<256x32xbf16>, vector<256x32xbf16>, vector<256x32xbf16>, vector<256x32xbf16> -> vector<256x512xbf16>
    %swap3A_130 = arith.constant 512 : index
    %swap3A_131 = arith.constant 0 : index
    %swap3A_132 = vector.load %arg19[%swap3A_130, %swap3A_131] : memref<2176x512xbf16, #tpu.memory_space<vmem>>, vector<256x512xbf16>
    tpu.vector_store %arg19[%swap3A_130, %swap3A_131], %concatenate3A_129 {strides = array<i32>} : memref<2176x512xbf16, #tpu.memory_space<vmem>>, vector<256x512xbf16>,
    %get3A_133 = arith.constant 768 : index
    %get3A_134 = arith.constant 0 : index
    %get3A_135 = vector.load %arg2[%get3A_133, %get3A_134] : memref<2176x256xf32, #tpu.memory_space<vmem>>, vector<256x256xf32>
    %swap3A_136 = arith.constant 768 : index
    %swap3A_137 = arith.constant 0 : index
    %swap3A_138 = vector.load %arg17[%swap3A_136, %swap3A_137] : memref<2176x256xf32, #tpu.memory_space<vmem>>, vector<256x256xf32>
    tpu.vector_store %arg17[%swap3A_136, %swap3A_137], %get3A_135 {strides = array<i32>} : memref<2176x256xf32, #tpu.memory_space<vmem>>, vector<256x256xf32>,
    %get3A_139 = arith.constant 0 : index
    %get3A_140 = arith.constant 0 : index
    %get3A_141 = vector.load %arg4[%get3A_139, %get3A_140] : memref<256x256xf32, #tpu.memory_space<vmem>>, vector<256x256xf32>
    %dot_general3A_142 = arith.constant dense<0.000000e+00> : vector<256x256xf32>
    %dot_general3A_143 = tpu.matmul %get3A_135, %get3A_141, %dot_general3A_142 {dimension_numbers = #tpu.dot_dimension_numbers<[1], [1], [0], [0], [0, 0, 1, 0], [], []>, transpose_lhs_hint = false} : vector<256x256xf32>, vector<256x256xf32>, vector<256x256xf32> -> vector<256x256xf32>
    %convert_element_type3A_144 = arith.truncf %dot_general3A_143 : vector<256x256xf32> to vector<256x256xbf16>
    %swap3A_145 = arith.constant 768 : index
    %swap3A_146 = arith.constant 0 : index
    %swap3A_147 = vector.load %arg18[%swap3A_145, %swap3A_146] : memref<2176x256xbf16, #tpu.memory_space<vmem>>, vector<256x256xbf16>
    tpu.vector_store %arg18[%swap3A_145, %swap3A_146], %convert_element_type3A_144 {strides = array<i32>} : memref<2176x256xbf16, #tpu.memory_space<vmem>>, vector<256x256xbf16>,
    %get3A_148 = arith.constant 0 : index
    %get3A_149 = arith.constant 0 : index
    %get3A_150 = vector.load %arg5[%get3A_148, %get3A_149] : memref<256x256xf32, #tpu.memory_space<vmem>>, vector<256x256xf32>
    %dot_general3A_151 = arith.constant dense<0.000000e+00> : vector<256x256xf32>
    %dot_general3A_152 = tpu.matmul %get3A_135, %get3A_150, %dot_general3A_151 {dimension_numbers = #tpu.dot_dimension_numbers<[1], [1], [0], [0], [0, 0, 1, 0], [], []>, transpose_lhs_hint = false} : vector<256x256xf32>, vector<256x256xf32>, vector<256x256xf32> -> vector<256x256xf32>
    %iota3A_153 = tpu.iota {dimensions = array<i32: 1>} : vector<256x32xi32>
    %eq3A_154 = arith.constant 0 : i32
    %eq3A_155 = vector.broadcast %eq3A_154 : i32 to vector<256x32xi32>
    %eq3A_156 = arith.cmpi eq, %iota3A_153, %eq3A_155 : vector<256x32xi32>
    %convert_element_type3A_157 = arith.extui %eq3A_156 : vector<256x32xi1> to vector<256x32xi32>
    %convert_element_type3A_158 = arith.sitofp %convert_element_type3A_157 : vector<256x32xi32> to vector<256x32xf32>
    %convert_element_type3A_159 = arith.truncf %convert_element_type3A_158 : vector<256x32xf32> to vector<256x32xbf16>
    %slice3A_160 = vector.extract_strided_slice %dot_general3A_152 {offsets = [0, 0], sizes = [256, 32], strides = [1, 1]} : vector<256x256xf32> to vector<256x32xf32>
    %convert_element_type3A_161 = arith.truncf %slice3A_160 : vector<256x32xf32> to vector<256x32xbf16>
    %slice3A_162 = vector.extract_strided_slice %dot_general3A_152 {offsets = [0, 32], sizes = [256, 32], strides = [1, 1]} : vector<256x256xf32> to vector<256x32xf32>
    %convert_element_type3A_163 = arith.truncf %slice3A_162 : vector<256x32xf32> to vector<256x32xbf16>
    %slice3A_164 = vector.extract_strided_slice %dot_general3A_152 {offsets = [0, 64], sizes = [256, 32], strides = [1, 1]} : vector<256x256xf32> to vector<256x32xf32>
    %convert_element_type3A_165 = arith.truncf %slice3A_164 : vector<256x32xf32> to vector<256x32xbf16>
    %slice3A_166 = vector.extract_strided_slice %dot_general3A_152 {offsets = [0, 96], sizes = [256, 32], strides = [1, 1]} : vector<256x256xf32> to vector<256x32xf32>
    %convert_element_type3A_167 = arith.truncf %slice3A_166 : vector<256x32xf32> to vector<256x32xbf16>
    %slice3A_168 = vector.extract_strided_slice %dot_general3A_152 {offsets = [0, 128], sizes = [256, 32], strides = [1, 1]} : vector<256x256xf32> to vector<256x32xf32>
    %convert_element_type3A_169 = arith.truncf %slice3A_168 : vector<256x32xf32> to vector<256x32xbf16>
    %slice3A_170 = vector.extract_strided_slice %dot_general3A_152 {offsets = [0, 160], sizes = [256, 32], strides = [1, 1]} : vector<256x256xf32> to vector<256x32xf32>
    %convert_element_type3A_171 = arith.truncf %slice3A_170 : vector<256x32xf32> to vector<256x32xbf16>
    %slice3A_172 = vector.extract_strided_slice %dot_general3A_152 {offsets = [0, 192], sizes = [256, 32], strides = [1, 1]} : vector<256x256xf32> to vector<256x32xf32>
    %convert_element_type3A_173 = arith.truncf %slice3A_172 : vector<256x32xf32> to vector<256x32xbf16>
    %slice3A_174 = vector.extract_strided_slice %dot_general3A_152 {offsets = [0, 224], sizes = [256, 32], strides = [1, 1]} : vector<256x256xf32> to vector<256x32xf32>
    %convert_element_type3A_175 = arith.truncf %slice3A_174 : vector<256x32xf32> to vector<256x32xbf16>
    %concatenate3A_176 = tpu.concatenate %convert_element_type3A_161, %convert_element_type3A_159, %convert_element_type3A_163, %convert_element_type3A_159, %convert_element_type3A_165, %convert_element_type3A_159, %convert_element_type3A_167, %convert_element_type3A_159, %convert_element_type3A_169, %convert_element_type3A_159, %convert_element_type3A_171, %convert_element_type3A_159, %convert_element_type3A_173, %convert_element_type3A_159, %convert_element_type3A_175, %convert_element_type3A_159 in 1 : vector<256x32xbf16>, vector<256x32xbf16>, vector<256x32xbf16>, vector<256x32xbf16>, vector<256x32xbf16>, vector<256x32xbf16>, vector<256x32xbf16>, vector<256x32xbf16>, vector<256x32xbf16>, vector<256x32xbf16>, vector<256x32xbf16>, vector<256x32xbf16>, vector<256x32xbf16>, vector<256x32xbf16>, vector<256x32xbf16>, vector<256x32xbf16> -> vector<256x512xbf16>
    %swap3A_177 = arith.constant 768 : index
    %swap3A_178 = arith.constant 0 : index
    %swap3A_179 = vector.load %arg19[%swap3A_177, %swap3A_178] : memref<2176x512xbf16, #tpu.memory_space<vmem>>, vector<256x512xbf16>
    tpu.vector_store %arg19[%swap3A_177, %swap3A_178], %concatenate3A_176 {strides = array<i32>} : memref<2176x512xbf16, #tpu.memory_space<vmem>>, vector<256x512xbf16>,
    %get3A_180 = arith.constant 1024 : index
    %get3A_181 = arith.constant 0 : index
    %get3A_182 = vector.load %arg2[%get3A_180, %get3A_181] : memref<2176x256xf32, #tpu.memory_space<vmem>>, vector<256x256xf32>
    %swap3A_183 = arith.constant 1024 : index
    %swap3A_184 = arith.constant 0 : index
    %swap3A_185 = vector.load %arg17[%swap3A_183, %swap3A_184] : memref<2176x256xf32, #tpu.memory_space<vmem>>, vector<256x256xf32>
    tpu.vector_store %arg17[%swap3A_183, %swap3A_184], %get3A_182 {strides = array<i32>} : memref<2176x256xf32, #tpu.memory_space<vmem>>, vector<256x256xf32>,
    %get3A_186 = arith.constant 0 : index
    %get3A_187 = arith.constant 0 : index
    %get3A_188 = vector.load %arg4[%get3A_186, %get3A_187] : memref<256x256xf32, #tpu.memory_space<vmem>>, vector<256x256xf32>
    %dot_general3A_189 = arith.constant dense<0.000000e+00> : vector<256x256xf32>
    %dot_general3A_190 = tpu.matmul %get3A_182, %get3A_188, %dot_general3A_189 {dimension_numbers = #tpu.dot_dimension_numbers<[1], [1], [0], [0], [0, 0, 1, 0], [], []>, transpose_lhs_hint = false} : vector<256x256xf32>, vector<256x256xf32>, vector<256x256xf32> -> vector<256x256xf32>
    %convert_element_type3A_191 = arith.truncf %dot_general3A_190 : vector<256x256xf32> to vector<256x256xbf16>
    %swap3A_192 = arith.constant 1024 : index
    %swap3A_193 = arith.constant 0 : index
    %swap3A_194 = vector.load %arg18[%swap3A_192, %swap3A_193] : memref<2176x256xbf16, #tpu.memory_space<vmem>>, vector<256x256xbf16>
    tpu.vector_store %arg18[%swap3A_192, %swap3A_193], %convert_element_type3A_191 {strides = array<i32>} : memref<2176x256xbf16, #tpu.memory_space<vmem>>, vector<256x256xbf16>,
    %get3A_195 = arith.constant 0 : index
    %get3A_196 = arith.constant 0 : index
    %get3A_197 = vector.load %arg5[%get3A_195, %get3A_196] : memref<256x256xf32, #tpu.memory_space<vmem>>, vector<256x256xf32>
    %dot_general3A_198 = arith.constant dense<0.000000e+00> : vector<256x256xf32>
    %dot_general3A_199 = tpu.matmul %get3A_182, %get3A_197, %dot_general3A_198 {dimension_numbers = #tpu.dot_dimension_numbers<[1], [1], [0], [0], [0, 0, 1, 0], [], []>, transpose_lhs_hint = false} : vector<256x256xf32>, vector<256x256xf32>, vector<256x256xf32> -> vector<256x256xf32>
    %iota3A_200 = tpu.iota {dimensions = array<i32: 1>} : vector<256x32xi32>
    %eq3A_201 = arith.constant 0 : i32
    %eq3A_202 = vector.broadcast %eq3A_201 : i32 to vector<256x32xi32>
    %eq3A_203 = arith.cmpi eq, %iota3A_200, %eq3A_202 : vector<256x32xi32>
    %convert_element_type3A_204 = arith.extui %eq3A_203 : vector<256x32xi1> to vector<256x32xi32>
    %convert_element_type3A_205 = arith.sitofp %convert_element_type3A_204 : vector<256x32xi32> to vector<256x32xf32>
    %convert_element_type3A_206 = arith.truncf %convert_element_type3A_205 : vector<256x32xf32> to vector<256x32xbf16>
    %slice3A_207 = vector.extract_strided_slice %dot_general3A_199 {offsets = [0, 0], sizes = [256, 32], strides = [1, 1]} : vector<256x256xf32> to vector<256x32xf32>
    %convert_element_type3A_208 = arith.truncf %slice3A_207 : vector<256x32xf32> to vector<256x32xbf16>
    %slice3A_209 = vector.extract_strided_slice %dot_general3A_199 {offsets = [0, 32], sizes = [256, 32], strides = [1, 1]} : vector<256x256xf32> to vector<256x32xf32>
    %convert_element_type3A_210 = arith.truncf %slice3A_209 : vector<256x32xf32> to vector<256x32xbf16>
    %slice3A_211 = vector.extract_strided_slice %dot_general3A_199 {offsets = [0, 64], sizes = [256, 32], strides = [1, 1]} : vector<256x256xf32> to vector<256x32xf32>
    %convert_element_type3A_212 = arith.truncf %slice3A_211 : vector<256x32xf32> to vector<256x32xbf16>
    %slice3A_213 = vector.extract_strided_slice %dot_general3A_199 {offsets = [0, 96], sizes = [256, 32], strides = [1, 1]} : vector<256x256xf32> to vector<256x32xf32>
    %convert_element_type3A_214 = arith.truncf %slice3A_213 : vector<256x32xf32> to vector<256x32xbf16>
    %slice3A_215 = vector.extract_strided_slice %dot_general3A_199 {offsets = [0, 128], sizes = [256, 32], strides = [1, 1]} : vector<256x256xf32> to vector<256x32xf32>
    %convert_element_type3A_216 = arith.truncf %slice3A_215 : vector<256x32xf32> to vector<256x32xbf16>
    %slice3A_217 = vector.extract_strided_slice %dot_general3A_199 {offsets = [0, 160], sizes = [256, 32], strides = [1, 1]} : vector<256x256xf32> to vector<256x32xf32>
    %convert_element_type3A_218 = arith.truncf %slice3A_217 : vector<256x32xf32> to vector<256x32xbf16>
    %slice3A_219 = vector.extract_strided_slice %dot_general3A_199 {offsets = [0, 192], sizes = [256, 32], strides = [1, 1]} : vector<256x256xf32> to vector<256x32xf32>
    %convert_element_type3A_220 = arith.truncf %slice3A_219 : vector<256x32xf32> to vector<256x32xbf16>
    %slice3A_221 = vector.extract_strided_slice %dot_general3A_199 {offsets = [0, 224], sizes = [256, 32], strides = [1, 1]} : vector<256x256xf32> to vector<256x32xf32>
    %convert_element_type3A_222 = arith.truncf %slice3A_221 : vector<256x32xf32> to vector<256x32xbf16>
    %concatenate3A_223 = tpu.concatenate %convert_element_type3A_208, %convert_element_type3A_206, %convert_element_type3A_210, %convert_element_type3A_206, %convert_element_type3A_212, %convert_element_type3A_206, %convert_element_type3A_214, %convert_element_type3A_206, %convert_element_type3A_216, %convert_element_type3A_206, %convert_element_type3A_218, %convert_element_type3A_206, %convert_element_type3A_220, %convert_element_type3A_206, %convert_element_type3A_222, %convert_element_type3A_206 in 1 : vector<256x32xbf16>, vector<256x32xbf16>, vector<256x32xbf16>, vector<256x32xbf16>, vector<256x32xbf16>, vector<256x32xbf16>, vector<256x32xbf16>, vector<256x32xbf16>, vector<256x32xbf16>, vector<256x32xbf16>, vector<256x32xbf16>, vector<256x32xbf16>, vector<256x32xbf16>, vector<256x32xbf16>, vector<256x32xbf16>, vector<256x32xbf16> -> vector<256x512xbf16>
    %swap3A_224 = arith.constant 1024 : index
    %swap3A_225 = arith.constant 0 : index
    %swap3A_226 = vector.load %arg19[%swap3A_224, %swap3A_225] : memref<2176x512xbf16, #tpu.memory_space<vmem>>, vector<256x512xbf16>
    tpu.vector_store %arg19[%swap3A_224, %swap3A_225], %concatenate3A_223 {strides = array<i32>} : memref<2176x512xbf16, #tpu.memory_space<vmem>>, vector<256x512xbf16>,
    %get3A_227 = arith.constant 1280 : index
    %get3A_228 = arith.constant 0 : index
    %get3A_229 = vector.load %arg2[%get3A_227, %get3A_228] : memref<2176x256xf32, #tpu.memory_space<vmem>>, vector<256x256xf32>
    %swap3A_230 = arith.constant 1280 : index
    %swap3A_231 = arith.constant 0 : index
    %swap3A_232 = vector.load %arg17[%swap3A_230, %swap3A_231] : memref<2176x256xf32, #tpu.memory_space<vmem>>, vector<256x256xf32>
    tpu.vector_store %arg17[%swap3A_230, %swap3A_231], %get3A_229 {strides = array<i32>} : memref<2176x256xf32, #tpu.memory_space<vmem>>, vector<256x256xf32>,
    %get3A_233 = arith.constant 0 : index
    %get3A_234 = arith.constant 0 : index
    %get3A_235 = vector.load %arg4[%get3A_233, %get3A_234] : memref<256x256xf32, #tpu.memory_space<vmem>>, vector<256x256xf32>
    %dot_general3A_236 = arith.constant dense<0.000000e+00> : vector<256x256xf32>
    %dot_general3A_237 = tpu.matmul %get3A_229, %get3A_235, %dot_general3A_236 {dimension_numbers = #tpu.dot_dimension_numbers<[1], [1], [0], [0], [0, 0, 1, 0], [], []>, transpose_lhs_hint = false} : vector<256x256xf32>, vector<256x256xf32>, vector<256x256xf32> -> vector<256x256xf32>
    %convert_element_type3A_238 = arith.truncf %dot_general3A_237 : vector<256x256xf32> to vector<256x256xbf16>
    %swap3A_239 = arith.constant 1280 : index
    %swap3A_240 = arith.constant 0 : index
    %swap3A_241 = vector.load %arg18[%swap3A_239, %swap3A_240] : memref<2176x256xbf16, #tpu.memory_space<vmem>>, vector<256x256xbf16>
    tpu.vector_store %arg18[%swap3A_239, %swap3A_240], %convert_element_type3A_238 {strides = array<i32>} : memref<2176x256xbf16, #tpu.memory_space<vmem>>, vector<256x256xbf16>,
    %get3A_242 = arith.constant 0 : index
    %get3A_243 = arith.constant 0 : index
    %get3A_244 = vector.load %arg5[%get3A_242, %get3A_243] : memref<256x256xf32, #tpu.memory_space<vmem>>, vector<256x256xf32>
    %dot_general3A_245 = arith.constant dense<0.000000e+00> : vector<256x256xf32>
    %dot_general3A_246 = tpu.matmul %get3A_229, %get3A_244, %dot_general3A_245 {dimension_numbers = #tpu.dot_dimension_numbers<[1], [1], [0], [0], [0, 0, 1, 0], [], []>, transpose_lhs_hint = false} : vector<256x256xf32>, vector<256x256xf32>, vector<256x256xf32> -> vector<256x256xf32>
    %iota3A_247 = tpu.iota {dimensions = array<i32: 1>} : vector<256x32xi32>
    %eq3A_248 = arith.constant 0 : i32
    %eq3A_249 = vector.broadcast %eq3A_248 : i32 to vector<256x32xi32>
    %eq3A_250 = arith.cmpi eq, %iota3A_247, %eq3A_249 : vector<256x32xi32>
    %convert_element_type3A_251 = arith.extui %eq3A_250 : vector<256x32xi1> to vector<256x32xi32>
    %convert_element_type3A_252 = arith.sitofp %convert_element_type3A_251 : vector<256x32xi32> to vector<256x32xf32>
    %convert_element_type3A_253 = arith.truncf %convert_element_type3A_252 : vector<256x32xf32> to vector<256x32xbf16>
    %slice3A_254 = vector.extract_strided_slice %dot_general3A_246 {offsets = [0, 0], sizes = [256, 32], strides = [1, 1]} : vector<256x256xf32> to vector<256x32xf32>
    %convert_element_type3A_255 = arith.truncf %slice3A_254 : vector<256x32xf32> to vector<256x32xbf16>
    %slice3A_256 = vector.extract_strided_slice %dot_general3A_246 {offsets = [0, 32], sizes = [256, 32], strides = [1, 1]} : vector<256x256xf32> to vector<256x32xf32>
    %convert_element_type3A_257 = arith.truncf %slice3A_256 : vector<256x32xf32> to vector<256x32xbf16>
    %slice3A_258 = vector.extract_strided_slice %dot_general3A_246 {offsets = [0, 64], sizes = [256, 32], strides = [1, 1]} : vector<256x256xf32> to vector<256x32xf32>
    %convert_element_type3A_259 = arith.truncf %slice3A_258 : vector<256x32xf32> to vector<256x32xbf16>
    %slice3A_260 = vector.extract_strided_slice %dot_general3A_246 {offsets = [0, 96], sizes = [256, 32], strides = [1, 1]} : vector<256x256xf32> to vector<256x32xf32>
    %convert_element_type3A_261 = arith.truncf %slice3A_260 : vector<256x32xf32> to vector<256x32xbf16>
    %slice3A_262 = vector.extract_strided_slice %dot_general3A_246 {offsets = [0, 128], sizes = [256, 32], strides = [1, 1]} : vector<256x256xf32> to vector<256x32xf32>
    %convert_element_type3A_263 = arith.truncf %slice3A_262 : vector<256x32xf32> to vector<256x32xbf16>
    %slice3A_264 = vector.extract_strided_slice %dot_general3A_246 {offsets = [0, 160], sizes = [256, 32], strides = [1, 1]} : vector<256x256xf32> to vector<256x32xf32>
    %convert_element_type3A_265 = arith.truncf %slice3A_264 : vector<256x32xf32> to vector<256x32xbf16>
    %slice3A_266 = vector.extract_strided_slice %dot_general3A_246 {offsets = [0, 192], sizes = [256, 32], strides = [1, 1]} : vector<256x256xf32> to vector<256x32xf32>
    %convert_element_type3A_267 = arith.truncf %slice3A_266 : vector<256x32xf32> to vector<256x32xbf16>
    %slice3A_268 = vector.extract_strided_slice %dot_general3A_246 {offsets = [0, 224], sizes = [256, 32], strides = [1, 1]} : vector<256x256xf32> to vector<256x32xf32>
    %convert_element_type3A_269 = arith.truncf %slice3A_268 : vector<256x32xf32> to vector<256x32xbf16>
    %concatenate3A_270 = tpu.concatenate %convert_element_type3A_255, %convert_element_type3A_253, %convert_element_type3A_257, %convert_element_type3A_253, %convert_element_type3A_259, %convert_element_type3A_253, %convert_element_type3A_261, %convert_element_type3A_253, %convert_element_type3A_263, %convert_element_type3A_253, %convert_element_type3A_265, %convert_element_type3A_253, %convert_element_type3A_267, %convert_element_type3A_253, %convert_element_type3A_269, %convert_element_type3A_253 in 1 : vector<256x32xbf16>, vector<256x32xbf16>, vector<256x32xbf16>, vector<256x32xbf16>, vector<256x32xbf16>, vector<256x32xbf16>, vector<256x32xbf16>, vector<256x32xbf16>, vector<256x32xbf16>, vector<256x32xbf16>, vector<256x32xbf16>, vector<256x32xbf16>, vector<256x32xbf16>, vector<256x32xbf16>, vector<256x32xbf16>, vector<256x32xbf16> -> vector<256x512xbf16>
    %swap3A_271 = arith.constant 1280 : index
    %swap3A_272 = arith.constant 0 : index
    %swap3A_273 = vector.load %arg19[%swap3A_271, %swap3A_272] : memref<2176x512xbf16, #tpu.memory_space<vmem>>, vector<256x512xbf16>
    tpu.vector_store %arg19[%swap3A_271, %swap3A_272], %concatenate3A_270 {strides = array<i32>} : memref<2176x512xbf16, #tpu.memory_space<vmem>>, vector<256x512xbf16>,
    %get3A_274 = arith.constant 1536 : index
    %get3A_275 = arith.constant 0 : index
    %get3A_276 = vector.load %arg2[%get3A_274, %get3A_275] : memref<2176x256xf32, #tpu.memory_space<vmem>>, vector<256x256xf32>
    %swap3A_277 = arith.constant 1536 : index
    %swap3A_278 = arith.constant 0 : index
    %swap3A_279 = vector.load %arg17[%swap3A_277, %swap3A_278] : memref<2176x256xf32, #tpu.memory_space<vmem>>, vector<256x256xf32>
    tpu.vector_store %arg17[%swap3A_277, %swap3A_278], %get3A_276 {strides = array<i32>} : memref<2176x256xf32, #tpu.memory_space<vmem>>, vector<256x256xf32>,
    %get3A_280 = arith.constant 0 : index
    %get3A_281 = arith.constant 0 : index
    %get3A_282 = vector.load %arg4[%get3A_280, %get3A_281] : memref<256x256xf32, #tpu.memory_space<vmem>>, vector<256x256xf32>
    %dot_general3A_283 = arith.constant dense<0.000000e+00> : vector<256x256xf32>
    %dot_general3A_284 = tpu.matmul %get3A_276, %get3A_282, %dot_general3A_283 {dimension_numbers = #tpu.dot_dimension_numbers<[1], [1], [0], [0], [0, 0, 1, 0], [], []>, transpose_lhs_hint = false} : vector<256x256xf32>, vector<256x256xf32>, vector<256x256xf32> -> vector<256x256xf32>
    %convert_element_type3A_285 = arith.truncf %dot_general3A_284 : vector<256x256xf32> to vector<256x256xbf16>
    %swap3A_286 = arith.constant 1536 : index
    %swap3A_287 = arith.constant 0 : index
    %swap3A_288 = vector.load %arg18[%swap3A_286, %swap3A_287] : memref<2176x256xbf16, #tpu.memory_space<vmem>>, vector<256x256xbf16>
    tpu.vector_store %arg18[%swap3A_286, %swap3A_287], %convert_element_type3A_285 {strides = array<i32>} : memref<2176x256xbf16, #tpu.memory_space<vmem>>, vector<256x256xbf16>,
    %get3A_289 = arith.constant 0 : index
    %get3A_290 = arith.constant 0 : index
    %get3A_291 = vector.load %arg5[%get3A_289, %get3A_290] : memref<256x256xf32, #tpu.memory_space<vmem>>, vector<256x256xf32>
    %dot_general3A_292 = arith.constant dense<0.000000e+00> : vector<256x256xf32>
    %dot_general3A_293 = tpu.matmul %get3A_276, %get3A_291, %dot_general3A_292 {dimension_numbers = #tpu.dot_dimension_numbers<[1], [1], [0], [0], [0, 0, 1, 0], [], []>, transpose_lhs_hint = false} : vector<256x256xf32>, vector<256x256xf32>, vector<256x256xf32> -> vector<256x256xf32>
    %iota3A_294 = tpu.iota {dimensions = array<i32: 1>} : vector<256x32xi32>
    %eq3A_295 = arith.constant 0 : i32
    %eq3A_296 = vector.broadcast %eq3A_295 : i32 to vector<256x32xi32>
    %eq3A_297 = arith.cmpi eq, %iota3A_294, %eq3A_296 : vector<256x32xi32>
    %convert_element_type3A_298 = arith.extui %eq3A_297 : vector<256x32xi1> to vector<256x32xi32>
    %convert_element_type3A_299 = arith.sitofp %convert_element_type3A_298 : vector<256x32xi32> to vector<256x32xf32>
    %convert_element_type3A_300 = arith.truncf %convert_element_type3A_299 : vector<256x32xf32> to vector<256x32xbf16>
    %slice3A_301 = vector.extract_strided_slice %dot_general3A_293 {offsets = [0, 0], sizes = [256, 32], strides = [1, 1]} : vector<256x256xf32> to vector<256x32xf32>
    %convert_element_type3A_302 = arith.truncf %slice3A_301 : vector<256x32xf32> to vector<256x32xbf16>
    %slice3A_303 = vector.extract_strided_slice %dot_general3A_293 {offsets = [0, 32], sizes = [256, 32], strides = [1, 1]} : vector<256x256xf32> to vector<256x32xf32>
    %convert_element_type3A_304 = arith.truncf %slice3A_303 : vector<256x32xf32> to vector<256x32xbf16>
    %slice3A_305 = vector.extract_strided_slice %dot_general3A_293 {offsets = [0, 64], sizes = [256, 32], strides = [1, 1]} : vector<256x256xf32> to vector<256x32xf32>
    %convert_element_type3A_306 = arith.truncf %slice3A_305 : vector<256x32xf32> to vector<256x32xbf16>
    %slice3A_307 = vector.extract_strided_slice %dot_general3A_293 {offsets = [0, 96], sizes = [256, 32], strides = [1, 1]} : vector<256x256xf32> to vector<256x32xf32>
    %convert_element_type3A_308 = arith.truncf %slice3A_307 : vector<256x32xf32> to vector<256x32xbf16>
    %slice3A_309 = vector.extract_strided_slice %dot_general3A_293 {offsets = [0, 128], sizes = [256, 32], strides = [1, 1]} : vector<256x256xf32> to vector<256x32xf32>
    %convert_element_type3A_310 = arith.truncf %slice3A_309 : vector<256x32xf32> to vector<256x32xbf16>
    %slice3A_311 = vector.extract_strided_slice %dot_general3A_293 {offsets = [0, 160], sizes = [256, 32], strides = [1, 1]} : vector<256x256xf32> to vector<256x32xf32>
    %convert_element_type3A_312 = arith.truncf %slice3A_311 : vector<256x32xf32> to vector<256x32xbf16>
    %slice3A_313 = vector.extract_strided_slice %dot_general3A_293 {offsets = [0, 192], sizes = [256, 32], strides = [1, 1]} : vector<256x256xf32> to vector<256x32xf32>
    %convert_element_type3A_314 = arith.truncf %slice3A_313 : vector<256x32xf32> to vector<256x32xbf16>
    %slice3A_315 = vector.extract_strided_slice %dot_general3A_293 {offsets = [0, 224], sizes = [256, 32], strides = [1, 1]} : vector<256x256xf32> to vector<256x32xf32>
    %convert_element_type3A_316 = arith.truncf %slice3A_315 : vector<256x32xf32> to vector<256x32xbf16>
    %concatenate3A_317 = tpu.concatenate %convert_element_type3A_302, %convert_element_type3A_300, %convert_element_type3A_304, %convert_element_type3A_300, %convert_element_type3A_306, %convert_element_type3A_300, %convert_element_type3A_308, %convert_element_type3A_300, %convert_element_type3A_310, %convert_element_type3A_300, %convert_element_type3A_312, %convert_element_type3A_300, %convert_element_type3A_314, %convert_element_type3A_300, %convert_element_type3A_316, %convert_element_type3A_300 in 1 : vector<256x32xbf16>, vector<256x32xbf16>, vector<256x32xbf16>, vector<256x32xbf16>, vector<256x32xbf16>, vector<256x32xbf16>, vector<256x32xbf16>, vector<256x32xbf16>, vector<256x32xbf16>, vector<256x32xbf16>, vector<256x32xbf16>, vector<256x32xbf16>, vector<256x32xbf16>, vector<256x32xbf16>, vector<256x32xbf16>, vector<256x32xbf16> -> vector<256x512xbf16>
    %swap3A_318 = arith.constant 1536 : index
    %swap3A_319 = arith.constant 0 : index
    %swap3A_320 = vector.load %arg19[%swap3A_318, %swap3A_319] : memref<2176x512xbf16, #tpu.memory_space<vmem>>, vector<256x512xbf16>
    tpu.vector_store %arg19[%swap3A_318, %swap3A_319], %concatenate3A_317 {strides = array<i32>} : memref<2176x512xbf16, #tpu.memory_space<vmem>>, vector<256x512xbf16>,
    %get3A_321 = arith.constant 1792 : index
    %get3A_322 = arith.constant 0 : index
    %get3A_323 = vector.load %arg2[%get3A_321, %get3A_322] : memref<2176x256xf32, #tpu.memory_space<vmem>>, vector<256x256xf32>
    %swap3A_324 = arith.constant 1792 : index
    %swap3A_325 = arith.constant 0 : index
    %swap3A_326 = vector.load %arg17[%swap3A_324, %swap3A_325] : memref<2176x256xf32, #tpu.memory_space<vmem>>, vector<256x256xf32>
    tpu.vector_store %arg17[%swap3A_324, %swap3A_325], %get3A_323 {strides = array<i32>} : memref<2176x256xf32, #tpu.memory_space<vmem>>, vector<256x256xf32>,
    %get3A_327 = arith.constant 0 : index
    %get3A_328 = arith.constant 0 : index
    %get3A_329 = vector.load %arg4[%get3A_327, %get3A_328] : memref<256x256xf32, #tpu.memory_space<vmem>>, vector<256x256xf32>
    %dot_general3A_330 = arith.constant dense<0.000000e+00> : vector<256x256xf32>
    %dot_general3A_331 = tpu.matmul %get3A_323, %get3A_329, %dot_general3A_330 {dimension_numbers = #tpu.dot_dimension_numbers<[1], [1], [0], [0], [0, 0, 1, 0], [], []>, transpose_lhs_hint = false} : vector<256x256xf32>, vector<256x256xf32>, vector<256x256xf32> -> vector<256x256xf32>
    %convert_element_type3A_332 = arith.truncf %dot_general3A_331 : vector<256x256xf32> to vector<256x256xbf16>
    %swap3A_333 = arith.constant 1792 : index
    %swap3A_334 = arith.constant 0 : index
    %swap3A_335 = vector.load %arg18[%swap3A_333, %swap3A_334] : memref<2176x256xbf16, #tpu.memory_space<vmem>>, vector<256x256xbf16>
    tpu.vector_store %arg18[%swap3A_333, %swap3A_334], %convert_element_type3A_332 {strides = array<i32>} : memref<2176x256xbf16, #tpu.memory_space<vmem>>, vector<256x256xbf16>,
    %get3A_336 = arith.constant 0 : index
    %get3A_337 = arith.constant 0 : index
    %get3A_338 = vector.load %arg5[%get3A_336, %get3A_337] : memref<256x256xf32, #tpu.memory_space<vmem>>, vector<256x256xf32>
    %dot_general3A_339 = arith.constant dense<0.000000e+00> : vector<256x256xf32>
    %dot_general3A_340 = tpu.matmul %get3A_323, %get3A_338, %dot_general3A_339 {dimension_numbers = #tpu.dot_dimension_numbers<[1], [1], [0], [0], [0, 0, 1, 0], [], []>, transpose_lhs_hint = false} : vector<256x256xf32>, vector<256x256xf32>, vector<256x256xf32> -> vector<256x256xf32>
    %iota3A_341 = tpu.iota {dimensions = array<i32: 1>} : vector<256x32xi32>
    %eq3A_342 = arith.constant 0 : i32
    %eq3A_343 = vector.broadcast %eq3A_342 : i32 to vector<256x32xi32>
    %eq3A_344 = arith.cmpi eq, %iota3A_341, %eq3A_343 : vector<256x32xi32>
    %convert_element_type3A_345 = arith.extui %eq3A_344 : vector<256x32xi1> to vector<256x32xi32>
    %convert_element_type3A_346 = arith.sitofp %convert_element_type3A_345 : vector<256x32xi32> to vector<256x32xf32>
    %convert_element_type3A_347 = arith.truncf %convert_element_type3A_346 : vector<256x32xf32> to vector<256x32xbf16>
    %slice3A_348 = vector.extract_strided_slice %dot_general3A_340 {offsets = [0, 0], sizes = [256, 32], strides = [1, 1]} : vector<256x256xf32> to vector<256x32xf32>
    %convert_element_type3A_349 = arith.truncf %slice3A_348 : vector<256x32xf32> to vector<256x32xbf16>
    %slice3A_350 = vector.extract_strided_slice %dot_general3A_340 {offsets = [0, 32], sizes = [256, 32], strides = [1, 1]} : vector<256x256xf32> to vector<256x32xf32>
    %convert_element_type3A_351 = arith.truncf %slice3A_350 : vector<256x32xf32> to vector<256x32xbf16>
    %slice3A_352 = vector.extract_strided_slice %dot_general3A_340 {offsets = [0, 64], sizes = [256, 32], strides = [1, 1]} : vector<256x256xf32> to vector<256x32xf32>
    %convert_element_type3A_353 = arith.truncf %slice3A_352 : vector<256x32xf32> to vector<256x32xbf16>
    %slice3A_354 = vector.extract_strided_slice %dot_general3A_340 {offsets = [0, 96], sizes = [256, 32], strides = [1, 1]} : vector<256x256xf32> to vector<256x32xf32>
    %convert_element_type3A_355 = arith.truncf %slice3A_354 : vector<256x32xf32> to vector<256x32xbf16>
    %slice3A_356 = vector.extract_strided_slice %dot_general3A_340 {offsets = [0, 128], sizes = [256, 32], strides = [1, 1]} : vector<256x256xf32> to vector<256x32xf32>
    %convert_element_type3A_357 = arith.truncf %slice3A_356 : vector<256x32xf32> to vector<256x32xbf16>
    %slice3A_358 = vector.extract_strided_slice %dot_general3A_340 {offsets = [0, 160], sizes = [256, 32], strides = [1, 1]} : vector<256x256xf32> to vector<256x32xf32>
    %convert_element_type3A_359 = arith.truncf %slice3A_358 : vector<256x32xf32> to vector<256x32xbf16>
    %slice3A_360 = vector.extract_strided_slice %dot_general3A_340 {offsets = [0, 192], sizes = [256, 32], strides = [1, 1]} : vector<256x256xf32> to vector<256x32xf32>
    %convert_element_type3A_361 = arith.truncf %slice3A_360 : vector<256x32xf32> to vector<256x32xbf16>
    %slice3A_362 = vector.extract_strided_slice %dot_general3A_340 {offsets = [0, 224], sizes = [256, 32], strides = [1, 1]} : vector<256x256xf32> to vector<256x32xf32>
    %convert_element_type3A_363 = arith.truncf %slice3A_362 : vector<256x32xf32> to vector<256x32xbf16>
    %concatenate3A_364 = tpu.concatenate %convert_element_type3A_349, %convert_element_type3A_347, %convert_element_type3A_351, %convert_element_type3A_347, %convert_element_type3A_353, %convert_element_type3A_347, %convert_element_type3A_355, %convert_element_type3A_347, %convert_element_type3A_357, %convert_element_type3A_347, %convert_element_type3A_359, %convert_element_type3A_347, %convert_element_type3A_361, %convert_element_type3A_347, %convert_element_type3A_363, %convert_element_type3A_347 in 1 : vector<256x32xbf16>, vector<256x32xbf16>, vector<256x32xbf16>, vector<256x32xbf16>, vector<256x32xbf16>, vector<256x32xbf16>, vector<256x32xbf16>, vector<256x32xbf16>, vector<256x32xbf16>, vector<256x32xbf16>, vector<256x32xbf16>, vector<256x32xbf16>, vector<256x32xbf16>, vector<256x32xbf16>, vector<256x32xbf16>, vector<256x32xbf16> -> vector<256x512xbf16>
    %swap3A_365 = arith.constant 1792 : index
    %swap3A_366 = arith.constant 0 : index
    %swap3A_367 = vector.load %arg19[%swap3A_365, %swap3A_366] : memref<2176x512xbf16, #tpu.memory_space<vmem>>, vector<256x512xbf16>
    tpu.vector_store %arg19[%swap3A_365, %swap3A_366], %concatenate3A_364 {strides = array<i32>} : memref<2176x512xbf16, #tpu.memory_space<vmem>>, vector<256x512xbf16>,
    %get3A_368 = arith.constant 2048 : index
    %get3A_369 = arith.constant 0 : index
    %get3A_370 = vector.load %arg2[%get3A_368, %get3A_369] : memref<2176x256xf32, #tpu.memory_space<vmem>>, vector<128x256xf32>
    %swap3A_371 = arith.constant 2048 : index
    %swap3A_372 = arith.constant 0 : index
    %swap3A_373 = vector.load %arg17[%swap3A_371, %swap3A_372] : memref<2176x256xf32, #tpu.memory_space<vmem>>, vector<128x256xf32>
    tpu.vector_store %arg17[%swap3A_371, %swap3A_372], %get3A_370 {strides = array<i32>} : memref<2176x256xf32, #tpu.memory_space<vmem>>, vector<128x256xf32>,
    %get3A_374 = arith.constant 0 : index
    %get3A_375 = arith.constant 0 : index
    %get3A_376 = vector.load %arg4[%get3A_374, %get3A_375] : memref<256x256xf32, #tpu.memory_space<vmem>>, vector<256x256xf32>
    %dot_general3A_377 = arith.constant dense<0.000000e+00> : vector<128x256xf32>
    %dot_general3A_378 = tpu.matmul %get3A_370, %get3A_376, %dot_general3A_377 {dimension_numbers = #tpu.dot_dimension_numbers<[1], [1], [0], [0], [0, 0, 1, 0], [], []>, transpose_lhs_hint = false} : vector<128x256xf32>, vector<256x256xf32>, vector<128x256xf32> -> vector<128x256xf32>
    %convert_element_type3A_379 = arith.truncf %dot_general3A_378 : vector<128x256xf32> to vector<128x256xbf16>
    %swap3A_380 = arith.constant 2048 : index
    %swap3A_381 = arith.constant 0 : index
    %swap3A_382 = vector.load %arg18[%swap3A_380, %swap3A_381] : memref<2176x256xbf16, #tpu.memory_space<vmem>>, vector<128x256xbf16>
    tpu.vector_store %arg18[%swap3A_380, %swap3A_381], %convert_element_type3A_379 {strides = array<i32>} : memref<2176x256xbf16, #tpu.memory_space<vmem>>, vector<128x256xbf16>,
    %get3A_383 = arith.constant 0 : index
    %get3A_384 = arith.constant 0 : index
    %get3A_385 = vector.load %arg5[%get3A_383, %get3A_384] : memref<256x256xf32, #tpu.memory_space<vmem>>, vector<256x256xf32>
    %dot_general3A_386 = arith.constant dense<0.000000e+00> : vector<128x256xf32>
    %dot_general3A_387 = tpu.matmul %get3A_370, %get3A_385, %dot_general3A_386 {dimension_numbers = #tpu.dot_dimension_numbers<[1], [1], [0], [0], [0, 0, 1, 0], [], []>, transpose_lhs_hint = false} : vector<128x256xf32>, vector<256x256xf32>, vector<128x256xf32> -> vector<128x256xf32>
    %iota3A_388 = tpu.iota {dimensions = array<i32: 1>} : vector<128x32xi32>
    %eq3A_389 = arith.constant 0 : i32
    %eq3A_390 = vector.broadcast %eq3A_389 : i32 to vector<128x32xi32>
    %eq3A_391 = arith.cmpi eq, %iota3A_388, %eq3A_390 : vector<128x32xi32>
    %convert_element_type3A_392 = arith.extui %eq3A_391 : vector<128x32xi1> to vector<128x32xi32>
    %convert_element_type3A_393 = arith.sitofp %convert_element_type3A_392 : vector<128x32xi32> to vector<128x32xf32>
    %convert_element_type3A_394 = arith.truncf %convert_element_type3A_393 : vector<128x32xf32> to vector<128x32xbf16>
    %slice3A_395 = vector.extract_strided_slice %dot_general3A_387 {offsets = [0, 0], sizes = [128, 32], strides = [1, 1]} : vector<128x256xf32> to vector<128x32xf32>
    %convert_element_type3A_396 = arith.truncf %slice3A_395 : vector<128x32xf32> to vector<128x32xbf16>
    %slice3A_397 = vector.extract_strided_slice %dot_general3A_387 {offsets = [0, 32], sizes = [128, 32], strides = [1, 1]} : vector<128x256xf32> to vector<128x32xf32>
    %convert_element_type3A_398 = arith.truncf %slice3A_397 : vector<128x32xf32> to vector<128x32xbf16>
    %slice3A_399 = vector.extract_strided_slice %dot_general3A_387 {offsets = [0, 64], sizes = [128, 32], strides = [1, 1]} : vector<128x256xf32> to vector<128x32xf32>
    %convert_element_type3A_400 = arith.truncf %slice3A_399 : vector<128x32xf32> to vector<128x32xbf16>
    %slice3A_401 = vector.extract_strided_slice %dot_general3A_387 {offsets = [0, 96], sizes = [128, 32], strides = [1, 1]} : vector<128x256xf32> to vector<128x32xf32>
    %convert_element_type3A_402 = arith.truncf %slice3A_401 : vector<128x32xf32> to vector<128x32xbf16>
    %slice3A_403 = vector.extract_strided_slice %dot_general3A_387 {offsets = [0, 128], sizes = [128, 32], strides = [1, 1]} : vector<128x256xf32> to vector<128x32xf32>
    %convert_element_type3A_404 = arith.truncf %slice3A_403 : vector<128x32xf32> to vector<128x32xbf16>
    %slice3A_405 = vector.extract_strided_slice %dot_general3A_387 {offsets = [0, 160], sizes = [128, 32], strides = [1, 1]} : vector<128x256xf32> to vector<128x32xf32>
    %convert_element_type3A_406 = arith.truncf %slice3A_405 : vector<128x32xf32> to vector<128x32xbf16>
    %slice3A_407 = vector.extract_strided_slice %dot_general3A_387 {offsets = [0, 192], sizes = [128, 32], strides = [1, 1]} : vector<128x256xf32> to vector<128x32xf32>
    %convert_element_type3A_408 = arith.truncf %slice3A_407 : vector<128x32xf32> to vector<128x32xbf16>
    %slice3A_409 = vector.extract_strided_slice %dot_general3A_387 {offsets = [0, 224], sizes = [128, 32], strides = [1, 1]} : vector<128x256xf32> to vector<128x32xf32>
    %convert_element_type3A_410 = arith.truncf %slice3A_409 : vector<128x32xf32> to vector<128x32xbf16>
    %concatenate3A_411 = tpu.concatenate %convert_element_type3A_396, %convert_element_type3A_394, %convert_element_type3A_398, %convert_element_type3A_394, %convert_element_type3A_400, %convert_element_type3A_394, %convert_element_type3A_402, %convert_element_type3A_394, %convert_element_type3A_404, %convert_element_type3A_394, %convert_element_type3A_406, %convert_element_type3A_394, %convert_element_type3A_408, %convert_element_type3A_394, %convert_element_type3A_410, %convert_element_type3A_394 in 1 : vector<128x32xbf16>, vector<128x32xbf16>, vector<128x32xbf16>, vector<128x32xbf16>, vector<128x32xbf16>, vector<128x32xbf16>, vector<128x32xbf16>, vector<128x32xbf16>, vector<128x32xbf16>, vector<128x32xbf16>, vector<128x32xbf16>, vector<128x32xbf16>, vector<128x32xbf16>, vector<128x32xbf16>, vector<128x32xbf16>, vector<128x32xbf16> -> vector<128x512xbf16>
    %swap3A_412 = arith.constant 2048 : index
    %swap3A_413 = arith.constant 0 : index
    %swap3A_414 = vector.load %arg19[%swap3A_412, %swap3A_413] : memref<2176x512xbf16, #tpu.memory_space<vmem>>, vector<128x512xbf16>
    tpu.vector_store %arg19[%swap3A_412, %swap3A_413], %concatenate3A_411 {strides = array<i32>} : memref<2176x512xbf16, #tpu.memory_space<vmem>>, vector<128x512xbf16>,
    %get3A_415 = arith.constant 0 : index
    %get3A_416 = memref.load %arg1[%get3A_415] : memref<1xi32, #tpu.memory_space<smem>>
    %while3A = arith.constant 0 : i32
    %while3A_417 = arith.constant 0 : i32
    %while3A_418 = arith.subi %get3A_416, %while3A_417 : i32
    %while3A_419 = arith.addi %while3A_417, %while3A_418 : i32
    %while3A_420 = arith.constant 1 : i32
    %while3A_421 = arith.divsi %while3A_418, %while3A_420 : i32
    %while3A_422 = arith.muli %while3A_421, %while3A_420 : i32
    %while3A_423 = arith.addi %while3A_417, %while3A_422 : i32
    %while3A_424 = arith.constant 1 : i32
    scf.for %while3A_1140 = %while3A_417 to %while3A_423 step %while3A_424  : i32 {
      %get3A_1141 = arith.index_cast %while3A_1140 : i32 to index
      %get3A_1142 = memref.load %arg0[%get3A_1141] : memref<2064xi32, #tpu.memory_space<smem>>
      %add3A_1143 = arith.constant 1 : i32
      %add3A_1144 = arith.addi %while3A_1140, %add3A_1143 : i32
      %get3A_1145 = arith.index_cast %add3A_1144 : i32 to index
      %get3A_1146 = memref.load %arg0[%get3A_1145] : memref<2064xi32, #tpu.memory_space<smem>>
      %jit3A = arith.constant 16 : i32
      %div3A = arith.divsi %get3A_1142, %jit3A : i32
      %sign3A = arith.constant 0 : i32
      %sign3A_1147 = arith.cmpi sgt, %get3A_1142, %sign3A : i32
      %sign3A_1148 = arith.extui %sign3A_1147 : i1 to i32
      %sign3A_1149 = arith.constant 0 : i32
      %sign3A_1150 = arith.cmpi slt, %get3A_1142, %sign3A_1149 : i32
      %sign3A_1151 = arith.extui %sign3A_1150 : i1 to i32
      %sign3A_1152 = arith.subi %sign3A_1148, %sign3A_1151 : i32
      %sign3A_1153 = arith.constant 0 : i32
      %sign3A_1154 = arith.cmpi sgt, %jit3A, %sign3A_1153 : i32
      %sign3A_1155 = arith.extui %sign3A_1154 : i1 to i32
      %sign3A_1156 = arith.constant 0 : i32
      %sign3A_1157 = arith.cmpi slt, %jit3A, %sign3A_1156 : i32
      %sign3A_1158 = arith.extui %sign3A_1157 : i1 to i32
      %sign3A_1159 = arith.subi %sign3A_1155, %sign3A_1158 : i32
      %ne3A = arith.cmpi ne, %sign3A_1152, %sign3A_1159 : i32
      %rem3A = arith.remsi %get3A_1142, %jit3A : i32
      %ne3A_1160 = arith.constant 0 : i32
      %ne3A_1161 = arith.cmpi ne, %rem3A, %ne3A_1160 : i32
      %and3A = arith.andi %ne3A, %ne3A_1161 : i1
      %sub3A = arith.constant 1 : i32
      %sub3A_1162 = arith.subi %div3A, %sub3A : i32
      %select_n3A = arith.select %and3A, %sub3A_1162, %div3A : i32
      %mul3A_1163 = arith.constant 16 : i32
      %mul3A_1164 = arith.muli %select_n3A, %mul3A_1163 : i32
      %sub3A_1165 = arith.subi %get3A_1146, %mul3A_1164 : i32
      %add3A_1166 = arith.constant 128 : i32
      %add3A_1167 = arith.addi %sub3A_1165, %add3A_1166 : i32
      %sub3A_1168 = arith.constant 1 : i32
      %sub3A_1169 = arith.subi %add3A_1167, %sub3A_1168 : i32
      %jit3A_1170 = arith.constant 128 : i32
      %div3A_1171 = arith.divsi %sub3A_1169, %jit3A_1170 : i32
      %sign3A_1172 = arith.constant 0 : i32
      %sign3A_1173 = arith.cmpi sgt, %sub3A_1169, %sign3A_1172 : i32
      %sign3A_1174 = arith.extui %sign3A_1173 : i1 to i32
      %sign3A_1175 = arith.constant 0 : i32
      %sign3A_1176 = arith.cmpi slt, %sub3A_1169, %sign3A_1175 : i32
      %sign3A_1177 = arith.extui %sign3A_1176 : i1 to i32
      %sign3A_1178 = arith.subi %sign3A_1174, %sign3A_1177 : i32
      %sign3A_1179 = arith.constant 0 : i32
      %sign3A_1180 = arith.cmpi sgt, %jit3A_1170, %sign3A_1179 : i32
      %sign3A_1181 = arith.extui %sign3A_1180 : i1 to i32
      %sign3A_1182 = arith.constant 0 : i32
      %sign3A_1183 = arith.cmpi slt, %jit3A_1170, %sign3A_1182 : i32
      %sign3A_1184 = arith.extui %sign3A_1183 : i1 to i32
      %sign3A_1185 = arith.subi %sign3A_1181, %sign3A_1184 : i32
      %ne3A_1186 = arith.cmpi ne, %sign3A_1178, %sign3A_1185 : i32
      %rem3A_1187 = arith.remsi %sub3A_1169, %jit3A_1170 : i32
      %ne3A_1188 = arith.constant 0 : i32
      %ne3A_1189 = arith.cmpi ne, %rem3A_1187, %ne3A_1188 : i32
      %and3A_1190 = arith.andi %ne3A_1186, %ne3A_1189 : i1
      %sub3A_1191 = arith.constant 1 : i32
      %sub3A_1192 = arith.subi %div3A_1171, %sub3A_1191 : i32
      %select_n3A_1193 = arith.select %and3A_1190, %sub3A_1192, %div3A_1171 : i32
      %while3A_1194 = arith.constant 0 : i32
      %while3A_1195 = arith.constant 0 : i32
      %while3A_1196 = arith.subi %select_n3A_1193, %while3A_1194 : i32
      %while3A_1197 = arith.addi %while3A_1194, %while3A_1196 : i32
      %while3A_1198 = arith.constant 1 : i32
      %while3A_1199 = arith.divsi %while3A_1196, %while3A_1198 : i32
      %while3A_1200 = arith.muli %while3A_1199, %while3A_1198 : i32
      %while3A_1201 = arith.addi %while3A_1194, %while3A_1200 : i32
      %while3A_1202 = arith.constant 1 : i32
      %while3A_1203 = scf.for %while3A_1218 = %while3A_1194 to %while3A_1201 step %while3A_1202 iter_args(%while3A_1219 = %while3A_1195) -> (i32)  : i32 {
        %mul3A_1220 = arith.constant 128 : i32
        %mul3A_1221 = arith.muli %while3A_1218, %mul3A_1220 : i32
        %add3A_1222 = arith.addi %mul3A_1164, %mul3A_1221 : i32
        %iota3A_1223 = tpu.iota {dimensions = array<i32: 0>} : vector<128x1xi32>
        %add3A_1224 = vector.broadcast %add3A_1222 : i32 to vector<128x1xi32>
        %add3A_1225 = arith.addi %add3A_1224, %iota3A_1223 : vector<128x1xi32>
        %ge3A = vector.broadcast %get3A_1142 : i32 to vector<128x1xi32>
        %ge3A_1226 = arith.cmpi sge, %add3A_1225, %ge3A : vector<128x1xi32>
        %lt3A = vector.broadcast %get3A_1146 : i32 to vector<128x1xi32>
        %lt3A_1227 = arith.cmpi slt, %add3A_1225, %lt3A : vector<128x1xi32>
        %and3A_1228 = arith.andi %ge3A_1226, %lt3A_1227 : vector<128x1xi1>
        %get3A_1229 = arith.index_cast %add3A_1222 : i32 to index
        %get3A_1230 = arith.constant 0 : index
        %get3A_1231 = vector.load %arg17[%get3A_1229, %get3A_1230] : memref<2176x256xf32, #tpu.memory_space<vmem>>, vector<128x256xf32>
        %get3A_1232 = arith.constant 0 : index
        %get3A_1233 = arith.constant 0 : index
        %get3A_1234 = vector.load %arg3[%get3A_1232, %get3A_1233] : memref<256x256xf32, #tpu.memory_space<vmem>>, vector<256x256xf32>
        %dot_general3A_1235 = arith.constant dense<0.000000e+00> : vector<128x256xf32>
        %dot_general3A_1236 = tpu.matmul %get3A_1231, %get3A_1234, %dot_general3A_1235 {dimension_numbers = #tpu.dot_dimension_numbers<[1], [1], [0], [0], [0, 0, 1, 0], [], []>, transpose_lhs_hint = false} : vector<128x256xf32>, vector<256x256xf32>, vector<128x256xf32> -> vector<128x256xf32>
        %mul3A_1237 = arith.constant 0.176776692 : f32
        %mul3A_1238 = vector.broadcast %mul3A_1237 : f32 to vector<128x256xf32>
        %mul3A_1239 = arith.mulf %dot_general3A_1236, %mul3A_1238 : vector<128x256xf32>
        %slice3A_1240 = vector.extract_strided_slice %mul3A_1239 {offsets = [0, 0], sizes = [128, 32], strides = [1, 1]} : vector<128x256xf32> to vector<128x32xf32>
        %convert_element_type3A_1241 = arith.truncf %slice3A_1240 : vector<128x32xf32> to vector<128x32xbf16>
        %get3A_1242 = arith.constant 0 : index
        %get3A_1243 = arith.constant 0 : index
        %get3A_1244 = vector.load %arg18[%get3A_1242, %get3A_1243] : memref<2176x256xbf16, #tpu.memory_space<vmem>>, vector<2048x32xbf16>
        %dot_general3A_1245 = arith.constant dense<0.000000e+00> : vector<128x2048xf32>
        %dot_general3A_1246 = tpu.matmul %convert_element_type3A_1241, %get3A_1244, %dot_general3A_1245 {dimension_numbers = #tpu.dot_dimension_numbers<[1], [1], [0], [0], [0, 0, 1, 0], [], []>, transpose_lhs_hint = false} : vector<128x32xbf16>, vector<2048x32xbf16>, vector<128x2048xf32> -> vector<128x2048xf32>
        %reduce_max3A = arith.constant dense<0xFF800000> : vector<128xf32>
        %reduce_max3A_1247 = vector.multi_reduction <maximumf>, %dot_general3A_1246, %reduce_max3A [1] : vector<128x2048xf32> to vector<128xf32>
        %broadcast_in_dim3A_1248 = vector.shape_cast %reduce_max3A_1247 : vector<128xf32> to vector<128x1xf32>
        %sub3A_1249 = vector.broadcast %broadcast_in_dim3A_1248 : vector<128x1xf32> to vector<128x2048xf32>
        %sub3A_1250 = arith.subf %dot_general3A_1246, %sub3A_1249 : vector<128x2048xf32>
        %exp3A = math.exp %sub3A_1250 : vector<128x2048xf32>
        %convert_element_type3A_1251 = arith.truncf %exp3A : vector<128x2048xf32> to vector<128x2048xbf16>
        %get3A_1252 = arith.constant 0 : index
        %get3A_1253 = arith.constant 0 : index
        %get3A_1254 = vector.load %arg19[%get3A_1252, %get3A_1253] : memref<2176x512xbf16, #tpu.memory_space<vmem>>, vector<2048x64xbf16>
        %dot_general3A_1255 = arith.constant dense<0.000000e+00> : vector<128x64xf32>
        %dot_general3A_1256 = tpu.matmul %convert_element_type3A_1251, %get3A_1254, %dot_general3A_1255 {dimension_numbers = #tpu.dot_dimension_numbers<[1], [0], [0], [1], [0, 0, 1, 1], [], []>, transpose_lhs_hint = false} : vector<128x2048xbf16>, vector<2048x64xbf16>, vector<128x64xf32> -> vector<128x64xf32>
        %slice3A_1257 = vector.extract_strided_slice %dot_general3A_1256 {offsets = [0, 0], sizes = [128, 32], strides = [1, 1]} : vector<128x64xf32> to vector<128x32xf32>
        %slice3A_1258 = vector.extract_strided_slice %dot_general3A_1256 {offsets = [0, 32], sizes = [128, 1], strides = [1, 1]} : vector<128x64xf32> to vector<128x1xf32>
        %div3A_1259 = vector.broadcast %slice3A_1258 : vector<128x1xf32> to vector<128x32xf32>
        %div3A_1260 = arith.divf %slice3A_1257, %div3A_1259 : vector<128x32xf32>
        %slice3A_1261 = vector.extract_strided_slice %mul3A_1239 {offsets = [0, 32], sizes = [128, 32], strides = [1, 1]} : vector<128x256xf32> to vector<128x32xf32>
        %convert_element_type3A_1262 = arith.truncf %slice3A_1261 : vector<128x32xf32> to vector<128x32xbf16>
        %get3A_1263 = arith.constant 0 : index
        %get3A_1264 = arith.constant 32 : index
        %get3A_1265 = vector.load %arg18[%get3A_1263, %get3A_1264] : memref<2176x256xbf16, #tpu.memory_space<vmem>>, vector<2048x32xbf16>
        %dot_general3A_1266 = arith.constant dense<0.000000e+00> : vector<128x2048xf32>
        %dot_general3A_1267 = tpu.matmul %convert_element_type3A_1262, %get3A_1265, %dot_general3A_1266 {dimension_numbers = #tpu.dot_dimension_numbers<[1], [1], [0], [0], [0, 0, 1, 0], [], []>, transpose_lhs_hint = false} : vector<128x32xbf16>, vector<2048x32xbf16>, vector<128x2048xf32> -> vector<128x2048xf32>
        %reduce_max3A_1268 = arith.constant dense<0xFF800000> : vector<128xf32>
        %reduce_max3A_1269 = vector.multi_reduction <maximumf>, %dot_general3A_1267, %reduce_max3A_1268 [1] : vector<128x2048xf32> to vector<128xf32>
        %broadcast_in_dim3A_1270 = vector.shape_cast %reduce_max3A_1269 : vector<128xf32> to vector<128x1xf32>
        %sub3A_1271 = vector.broadcast %broadcast_in_dim3A_1270 : vector<128x1xf32> to vector<128x2048xf32>
        %sub3A_1272 = arith.subf %dot_general3A_1267, %sub3A_1271 : vector<128x2048xf32>
        %exp3A_1273 = math.exp %sub3A_1272 : vector<128x2048xf32>
        %convert_element_type3A_1274 = arith.truncf %exp3A_1273 : vector<128x2048xf32> to vector<128x2048xbf16>
        %get3A_1275 = arith.constant 0 : index
        %get3A_1276 = arith.constant 64 : index
        %get3A_1277 = vector.load %arg19[%get3A_1275, %get3A_1276] : memref<2176x512xbf16, #tpu.memory_space<vmem>>, vector<2048x64xbf16>
        %dot_general3A_1278 = arith.constant dense<0.000000e+00> : vector<128x64xf32>
        %dot_general3A_1279 = tpu.matmul %convert_element_type3A_1274, %get3A_1277, %dot_general3A_1278 {dimension_numbers = #tpu.dot_dimension_numbers<[1], [0], [0], [1], [0, 0, 1, 1], [], []>, transpose_lhs_hint = false} : vector<128x2048xbf16>, vector<2048x64xbf16>, vector<128x64xf32> -> vector<128x64xf32>
        %slice3A_1280 = vector.extract_strided_slice %dot_general3A_1279 {offsets = [0, 0], sizes = [128, 32], strides = [1, 1]} : vector<128x64xf32> to vector<128x32xf32>
        %slice3A_1281 = vector.extract_strided_slice %dot_general3A_1279 {offsets = [0, 32], sizes = [128, 1], strides = [1, 1]} : vector<128x64xf32> to vector<128x1xf32>
        %div3A_1282 = vector.broadcast %slice3A_1281 : vector<128x1xf32> to vector<128x32xf32>
        %div3A_1283 = arith.divf %slice3A_1280, %div3A_1282 : vector<128x32xf32>
        %slice3A_1284 = vector.extract_strided_slice %mul3A_1239 {offsets = [0, 64], sizes = [128, 32], strides = [1, 1]} : vector<128x256xf32> to vector<128x32xf32>
        %convert_element_type3A_1285 = arith.truncf %slice3A_1284 : vector<128x32xf32> to vector<128x32xbf16>
        %get3A_1286 = arith.constant 0 : index
        %get3A_1287 = arith.constant 64 : index
        %get3A_1288 = vector.load %arg18[%get3A_1286, %get3A_1287] : memref<2176x256xbf16, #tpu.memory_space<vmem>>, vector<2048x32xbf16>
        %dot_general3A_1289 = arith.constant dense<0.000000e+00> : vector<128x2048xf32>
        %dot_general3A_1290 = tpu.matmul %convert_element_type3A_1285, %get3A_1288, %dot_general3A_1289 {dimension_numbers = #tpu.dot_dimension_numbers<[1], [1], [0], [0], [0, 0, 1, 0], [], []>, transpose_lhs_hint = false} : vector<128x32xbf16>, vector<2048x32xbf16>, vector<128x2048xf32> -> vector<128x2048xf32>
        %reduce_max3A_1291 = arith.constant dense<0xFF800000> : vector<128xf32>
        %reduce_max3A_1292 = vector.multi_reduction <maximumf>, %dot_general3A_1290, %reduce_max3A_1291 [1] : vector<128x2048xf32> to vector<128xf32>
        %broadcast_in_dim3A_1293 = vector.shape_cast %reduce_max3A_1292 : vector<128xf32> to vector<128x1xf32>
        %sub3A_1294 = vector.broadcast %broadcast_in_dim3A_1293 : vector<128x1xf32> to vector<128x2048xf32>
        %sub3A_1295 = arith.subf %dot_general3A_1290, %sub3A_1294 : vector<128x2048xf32>
        %exp3A_1296 = math.exp %sub3A_1295 : vector<128x2048xf32>
        %convert_element_type3A_1297 = arith.truncf %exp3A_1296 : vector<128x2048xf32> to vector<128x2048xbf16>
        %get3A_1298 = arith.constant 0 : index
        %get3A_1299 = arith.constant 128 : index
        %get3A_1300 = vector.load %arg19[%get3A_1298, %get3A_1299] : memref<2176x512xbf16, #tpu.memory_space<vmem>>, vector<2048x64xbf16>
        %dot_general3A_1301 = arith.constant dense<0.000000e+00> : vector<128x64xf32>
        %dot_general3A_1302 = tpu.matmul %convert_element_type3A_1297, %get3A_1300, %dot_general3A_1301 {dimension_numbers = #tpu.dot_dimension_numbers<[1], [0], [0], [1], [0, 0, 1, 1], [], []>, transpose_lhs_hint = false} : vector<128x2048xbf16>, vector<2048x64xbf16>, vector<128x64xf32> -> vector<128x64xf32>
        %slice3A_1303 = vector.extract_strided_slice %dot_general3A_1302 {offsets = [0, 0], sizes = [128, 32], strides = [1, 1]} : vector<128x64xf32> to vector<128x32xf32>
        %slice3A_1304 = vector.extract_strided_slice %dot_general3A_1302 {offsets = [0, 32], sizes = [128, 1], strides = [1, 1]} : vector<128x64xf32> to vector<128x1xf32>
        %div3A_1305 = vector.broadcast %slice3A_1304 : vector<128x1xf32> to vector<128x32xf32>
        %div3A_1306 = arith.divf %slice3A_1303, %div3A_1305 : vector<128x32xf32>
        %slice3A_1307 = vector.extract_strided_slice %mul3A_1239 {offsets = [0, 96], sizes = [128, 32], strides = [1, 1]} : vector<128x256xf32> to vector<128x32xf32>
        %convert_element_type3A_1308 = arith.truncf %slice3A_1307 : vector<128x32xf32> to vector<128x32xbf16>
        %get3A_1309 = arith.constant 0 : index
        %get3A_1310 = arith.constant 96 : index
        %get3A_1311 = vector.load %arg18[%get3A_1309, %get3A_1310] : memref<2176x256xbf16, #tpu.memory_space<vmem>>, vector<2048x32xbf16>
        %dot_general3A_1312 = arith.constant dense<0.000000e+00> : vector<128x2048xf32>
        %dot_general3A_1313 = tpu.matmul %convert_element_type3A_1308, %get3A_1311, %dot_general3A_1312 {dimension_numbers = #tpu.dot_dimension_numbers<[1], [1], [0], [0], [0, 0, 1, 0], [], []>, transpose_lhs_hint = false} : vector<128x32xbf16>, vector<2048x32xbf16>, vector<128x2048xf32> -> vector<128x2048xf32>
        %reduce_max3A_1314 = arith.constant dense<0xFF800000> : vector<128xf32>
        %reduce_max3A_1315 = vector.multi_reduction <maximumf>, %dot_general3A_1313, %reduce_max3A_1314 [1] : vector<128x2048xf32> to vector<128xf32>
        %broadcast_in_dim3A_1316 = vector.shape_cast %reduce_max3A_1315 : vector<128xf32> to vector<128x1xf32>
        %sub3A_1317 = vector.broadcast %broadcast_in_dim3A_1316 : vector<128x1xf32> to vector<128x2048xf32>
        %sub3A_1318 = arith.subf %dot_general3A_1313, %sub3A_1317 : vector<128x2048xf32>
        %exp3A_1319 = math.exp %sub3A_1318 : vector<128x2048xf32>
        %convert_element_type3A_1320 = arith.truncf %exp3A_1319 : vector<128x2048xf32> to vector<128x2048xbf16>
        %get3A_1321 = arith.constant 0 : index
        %get3A_1322 = arith.constant 192 : index
        %get3A_1323 = vector.load %arg19[%get3A_1321, %get3A_1322] : memref<2176x512xbf16, #tpu.memory_space<vmem>>, vector<2048x64xbf16>
        %dot_general3A_1324 = arith.constant dense<0.000000e+00> : vector<128x64xf32>
        %dot_general3A_1325 = tpu.matmul %convert_element_type3A_1320, %get3A_1323, %dot_general3A_1324 {dimension_numbers = #tpu.dot_dimension_numbers<[1], [0], [0], [1], [0, 0, 1, 1], [], []>, transpose_lhs_hint = false} : vector<128x2048xbf16>, vector<2048x64xbf16>, vector<128x64xf32> -> vector<128x64xf32>
        %slice3A_1326 = vector.extract_strided_slice %dot_general3A_1325 {offsets = [0, 0], sizes = [128, 32], strides = [1, 1]} : vector<128x64xf32> to vector<128x32xf32>
        %slice3A_1327 = vector.extract_strided_slice %dot_general3A_1325 {offsets = [0, 32], sizes = [128, 1], strides = [1, 1]} : vector<128x64xf32> to vector<128x1xf32>
        %div3A_1328 = vector.broadcast %slice3A_1327 : vector<128x1xf32> to vector<128x32xf32>
        %div3A_1329 = arith.divf %slice3A_1326, %div3A_1328 : vector<128x32xf32>
        %slice3A_1330 = vector.extract_strided_slice %mul3A_1239 {offsets = [0, 128], sizes = [128, 32], strides = [1, 1]} : vector<128x256xf32> to vector<128x32xf32>
        %convert_element_type3A_1331 = arith.truncf %slice3A_1330 : vector<128x32xf32> to vector<128x32xbf16>
        %get3A_1332 = arith.constant 0 : index
        %get3A_1333 = arith.constant 128 : index
        %get3A_1334 = vector.load %arg18[%get3A_1332, %get3A_1333] : memref<2176x256xbf16, #tpu.memory_space<vmem>>, vector<2048x32xbf16>
        %dot_general3A_1335 = arith.constant dense<0.000000e+00> : vector<128x2048xf32>
        %dot_general3A_1336 = tpu.matmul %convert_element_type3A_1331, %get3A_1334, %dot_general3A_1335 {dimension_numbers = #tpu.dot_dimension_numbers<[1], [1], [0], [0], [0, 0, 1, 0], [], []>, transpose_lhs_hint = false} : vector<128x32xbf16>, vector<2048x32xbf16>, vector<128x2048xf32> -> vector<128x2048xf32>
        %reduce_max3A_1337 = arith.constant dense<0xFF800000> : vector<128xf32>
        %reduce_max3A_1338 = vector.multi_reduction <maximumf>, %dot_general3A_1336, %reduce_max3A_1337 [1] : vector<128x2048xf32> to vector<128xf32>
        %broadcast_in_dim3A_1339 = vector.shape_cast %reduce_max3A_1338 : vector<128xf32> to vector<128x1xf32>
        %sub3A_1340 = vector.broadcast %broadcast_in_dim3A_1339 : vector<128x1xf32> to vector<128x2048xf32>
        %sub3A_1341 = arith.subf %dot_general3A_1336, %sub3A_1340 : vector<128x2048xf32>
        %exp3A_1342 = math.exp %sub3A_1341 : vector<128x2048xf32>
        %convert_element_type3A_1343 = arith.truncf %exp3A_1342 : vector<128x2048xf32> to vector<128x2048xbf16>
        %get3A_1344 = arith.constant 0 : index
        %get3A_1345 = arith.constant 256 : index
        %get3A_1346 = vector.load %arg19[%get3A_1344, %get3A_1345] : memref<2176x512xbf16, #tpu.memory_space<vmem>>, vector<2048x64xbf16>
        %dot_general3A_1347 = arith.constant dense<0.000000e+00> : vector<128x64xf32>
        %dot_general3A_1348 = tpu.matmul %convert_element_type3A_1343, %get3A_1346, %dot_general3A_1347 {dimension_numbers = #tpu.dot_dimension_numbers<[1], [0], [0], [1], [0, 0, 1, 1], [], []>, transpose_lhs_hint = false} : vector<128x2048xbf16>, vector<2048x64xbf16>, vector<128x64xf32> -> vector<128x64xf32>
        %slice3A_1349 = vector.extract_strided_slice %dot_general3A_1348 {offsets = [0, 0], sizes = [128, 32], strides = [1, 1]} : vector<128x64xf32> to vector<128x32xf32>
        %slice3A_1350 = vector.extract_strided_slice %dot_general3A_1348 {offsets = [0, 32], sizes = [128, 1], strides = [1, 1]} : vector<128x64xf32> to vector<128x1xf32>
        %div3A_1351 = vector.broadcast %slice3A_1350 : vector<128x1xf32> to vector<128x32xf32>
        %div3A_1352 = arith.divf %slice3A_1349, %div3A_1351 : vector<128x32xf32>
        %slice3A_1353 = vector.extract_strided_slice %mul3A_1239 {offsets = [0, 160], sizes = [128, 32], strides = [1, 1]} : vector<128x256xf32> to vector<128x32xf32>
        %convert_element_type3A_1354 = arith.truncf %slice3A_1353 : vector<128x32xf32> to vector<128x32xbf16>
        %get3A_1355 = arith.constant 0 : index
        %get3A_1356 = arith.constant 160 : index
        %get3A_1357 = vector.load %arg18[%get3A_1355, %get3A_1356] : memref<2176x256xbf16, #tpu.memory_space<vmem>>, vector<2048x32xbf16>
        %dot_general3A_1358 = arith.constant dense<0.000000e+00> : vector<128x2048xf32>
        %dot_general3A_1359 = tpu.matmul %convert_element_type3A_1354, %get3A_1357, %dot_general3A_1358 {dimension_numbers = #tpu.dot_dimension_numbers<[1], [1], [0], [0], [0, 0, 1, 0], [], []>, transpose_lhs_hint = false} : vector<128x32xbf16>, vector<2048x32xbf16>, vector<128x2048xf32> -> vector<128x2048xf32>
        %reduce_max3A_1360 = arith.constant dense<0xFF800000> : vector<128xf32>
        %reduce_max3A_1361 = vector.multi_reduction <maximumf>, %dot_general3A_1359, %reduce_max3A_1360 [1] : vector<128x2048xf32> to vector<128xf32>
        %broadcast_in_dim3A_1362 = vector.shape_cast %reduce_max3A_1361 : vector<128xf32> to vector<128x1xf32>
        %sub3A_1363 = vector.broadcast %broadcast_in_dim3A_1362 : vector<128x1xf32> to vector<128x2048xf32>
        %sub3A_1364 = arith.subf %dot_general3A_1359, %sub3A_1363 : vector<128x2048xf32>
        %exp3A_1365 = math.exp %sub3A_1364 : vector<128x2048xf32>
        %convert_element_type3A_1366 = arith.truncf %exp3A_1365 : vector<128x2048xf32> to vector<128x2048xbf16>
        %get3A_1367 = arith.constant 0 : index
        %get3A_1368 = arith.constant 320 : index
        %get3A_1369 = vector.load %arg19[%get3A_1367, %get3A_1368] : memref<2176x512xbf16, #tpu.memory_space<vmem>>, vector<2048x64xbf16>
        %dot_general3A_1370 = arith.constant dense<0.000000e+00> : vector<128x64xf32>
        %dot_general3A_1371 = tpu.matmul %convert_element_type3A_1366, %get3A_1369, %dot_general3A_1370 {dimension_numbers = #tpu.dot_dimension_numbers<[1], [0], [0], [1], [0, 0, 1, 1], [], []>, transpose_lhs_hint = false} : vector<128x2048xbf16>, vector<2048x64xbf16>, vector<128x64xf32> -> vector<128x64xf32>
        %slice3A_1372 = vector.extract_strided_slice %dot_general3A_1371 {offsets = [0, 0], sizes = [128, 32], strides = [1, 1]} : vector<128x64xf32> to vector<128x32xf32>
        %slice3A_1373 = vector.extract_strided_slice %dot_general3A_1371 {offsets = [0, 32], sizes = [128, 1], strides = [1, 1]} : vector<128x64xf32> to vector<128x1xf32>
        %div3A_1374 = vector.broadcast %slice3A_1373 : vector<128x1xf32> to vector<128x32xf32>
        %div3A_1375 = arith.divf %slice3A_1372, %div3A_1374 : vector<128x32xf32>
        %slice3A_1376 = vector.extract_strided_slice %mul3A_1239 {offsets = [0, 192], sizes = [128, 32], strides = [1, 1]} : vector<128x256xf32> to vector<128x32xf32>
        %convert_element_type3A_1377 = arith.truncf %slice3A_1376 : vector<128x32xf32> to vector<128x32xbf16>
        %get3A_1378 = arith.constant 0 : index
        %get3A_1379 = arith.constant 192 : index
        %get3A_1380 = vector.load %arg18[%get3A_1378, %get3A_1379] : memref<2176x256xbf16, #tpu.memory_space<vmem>>, vector<2048x32xbf16>
        %dot_general3A_1381 = arith.constant dense<0.000000e+00> : vector<128x2048xf32>
        %dot_general3A_1382 = tpu.matmul %convert_element_type3A_1377, %get3A_1380, %dot_general3A_1381 {dimension_numbers = #tpu.dot_dimension_numbers<[1], [1], [0], [0], [0, 0, 1, 0], [], []>, transpose_lhs_hint = false} : vector<128x32xbf16>, vector<2048x32xbf16>, vector<128x2048xf32> -> vector<128x2048xf32>
        %reduce_max3A_1383 = arith.constant dense<0xFF800000> : vector<128xf32>
        %reduce_max3A_1384 = vector.multi_reduction <maximumf>, %dot_general3A_1382, %reduce_max3A_1383 [1] : vector<128x2048xf32> to vector<128xf32>
        %broadcast_in_dim3A_1385 = vector.shape_cast %reduce_max3A_1384 : vector<128xf32> to vector<128x1xf32>
        %sub3A_1386 = vector.broadcast %broadcast_in_dim3A_1385 : vector<128x1xf32> to vector<128x2048xf32>
        %sub3A_1387 = arith.subf %dot_general3A_1382, %sub3A_1386 : vector<128x2048xf32>
        %exp3A_1388 = math.exp %sub3A_1387 : vector<128x2048xf32>
        %convert_element_type3A_1389 = arith.truncf %exp3A_1388 : vector<128x2048xf32> to vector<128x2048xbf16>
        %get3A_1390 = arith.constant 0 : index
        %get3A_1391 = arith.constant 384 : index
        %get3A_1392 = vector.load %arg19[%get3A_1390, %get3A_1391] : memref<2176x512xbf16, #tpu.memory_space<vmem>>, vector<2048x64xbf16>
        %dot_general3A_1393 = arith.constant dense<0.000000e+00> : vector<128x64xf32>
        %dot_general3A_1394 = tpu.matmul %convert_element_type3A_1389, %get3A_1392, %dot_general3A_1393 {dimension_numbers = #tpu.dot_dimension_numbers<[1], [0], [0], [1], [0, 0, 1, 1], [], []>, transpose_lhs_hint = false} : vector<128x2048xbf16>, vector<2048x64xbf16>, vector<128x64xf32> -> vector<128x64xf32>
        %slice3A_1395 = vector.extract_strided_slice %dot_general3A_1394 {offsets = [0, 0], sizes = [128, 32], strides = [1, 1]} : vector<128x64xf32> to vector<128x32xf32>
        %slice3A_1396 = vector.extract_strided_slice %dot_general3A_1394 {offsets = [0, 32], sizes = [128, 1], strides = [1, 1]} : vector<128x64xf32> to vector<128x1xf32>
        %div3A_1397 = vector.broadcast %slice3A_1396 : vector<128x1xf32> to vector<128x32xf32>
        %div3A_1398 = arith.divf %slice3A_1395, %div3A_1397 : vector<128x32xf32>
        %slice3A_1399 = vector.extract_strided_slice %mul3A_1239 {offsets = [0, 224], sizes = [128, 32], strides = [1, 1]} : vector<128x256xf32> to vector<128x32xf32>
        %convert_element_type3A_1400 = arith.truncf %slice3A_1399 : vector<128x32xf32> to vector<128x32xbf16>
        %get3A_1401 = arith.constant 0 : index
        %get3A_1402 = arith.constant 224 : index
        %get3A_1403 = vector.load %arg18[%get3A_1401, %get3A_1402] : memref<2176x256xbf16, #tpu.memory_space<vmem>>, vector<2048x32xbf16>
        %dot_general3A_1404 = arith.constant dense<0.000000e+00> : vector<128x2048xf32>
        %dot_general3A_1405 = tpu.matmul %convert_element_type3A_1400, %get3A_1403, %dot_general3A_1404 {dimension_numbers = #tpu.dot_dimension_numbers<[1], [1], [0], [0], [0, 0, 1, 0], [], []>, transpose_lhs_hint = false} : vector<128x32xbf16>, vector<2048x32xbf16>, vector<128x2048xf32> -> vector<128x2048xf32>
        %reduce_max3A_1406 = arith.constant dense<0xFF800000> : vector<128xf32>
        %reduce_max3A_1407 = vector.multi_reduction <maximumf>, %dot_general3A_1405, %reduce_max3A_1406 [1] : vector<128x2048xf32> to vector<128xf32>
        %broadcast_in_dim3A_1408 = vector.shape_cast %reduce_max3A_1407 : vector<128xf32> to vector<128x1xf32>
        %sub3A_1409 = vector.broadcast %broadcast_in_dim3A_1408 : vector<128x1xf32> to vector<128x2048xf32>
        %sub3A_1410 = arith.subf %dot_general3A_1405, %sub3A_1409 : vector<128x2048xf32>
        %exp3A_1411 = math.exp %sub3A_1410 : vector<128x2048xf32>
        %convert_element_type3A_1412 = arith.truncf %exp3A_1411 : vector<128x2048xf32> to vector<128x2048xbf16>
        %get3A_1413 = arith.constant 0 : index
        %get3A_1414 = arith.constant 448 : index
        %get3A_1415 = vector.load %arg19[%get3A_1413, %get3A_1414] : memref<2176x512xbf16, #tpu.memory_space<vmem>>, vector<2048x64xbf16>
        %dot_general3A_1416 = arith.constant dense<0.000000e+00> : vector<128x64xf32>
        %dot_general3A_1417 = tpu.matmul %convert_element_type3A_1412, %get3A_1415, %dot_general3A_1416 {dimension_numbers = #tpu.dot_dimension_numbers<[1], [0], [0], [1], [0, 0, 1, 1], [], []>, transpose_lhs_hint = false} : vector<128x2048xbf16>, vector<2048x64xbf16>, vector<128x64xf32> -> vector<128x64xf32>
        %slice3A_1418 = vector.extract_strided_slice %dot_general3A_1417 {offsets = [0, 0], sizes = [128, 32], strides = [1, 1]} : vector<128x64xf32> to vector<128x32xf32>
        %slice3A_1419 = vector.extract_strided_slice %dot_general3A_1417 {offsets = [0, 32], sizes = [128, 1], strides = [1, 1]} : vector<128x64xf32> to vector<128x1xf32>
        %div3A_1420 = vector.broadcast %slice3A_1419 : vector<128x1xf32> to vector<128x32xf32>
        %div3A_1421 = arith.divf %slice3A_1418, %div3A_1420 : vector<128x32xf32>
        %concatenate3A_1422 = tpu.concatenate %div3A_1260, %div3A_1283, %div3A_1306, %div3A_1329, %div3A_1352, %div3A_1375, %div3A_1398, %div3A_1421 in 1 : vector<128x32xf32>, vector<128x32xf32>, vector<128x32xf32>, vector<128x32xf32>, vector<128x32xf32>, vector<128x32xf32>, vector<128x32xf32>, vector<128x32xf32> -> vector<128x256xf32>
        %jit3A_1423 = arith.constant 0.000000e+00 : f32
        %broadcast_in_dim3A_1424 = vector.shape_cast %and3A_1228 : vector<128x1xi1> to vector<128x1xi1>
        %broadcast_in_dim3A_1425 = vector.broadcast %broadcast_in_dim3A_1424 : vector<128x1xi1> to vector<128x256xi1>
        %broadcast_in_dim3A_1426 = vector.broadcast %jit3A_1423 : f32 to vector<128x256xf32>
        %select_n3A_1427 = arith.select %broadcast_in_dim3A_1425, %concatenate3A_1422, %broadcast_in_dim3A_1426 : vector<128x256xi1>, vector<128x256xf32>
        %swap3A_1428 = arith.index_cast %add3A_1222 : i32 to index
        %swap3A_1429 = arith.constant 0 : index
        %swap3A_1430 = vector.load %arg16[%swap3A_1428, %swap3A_1429] : memref<2176x384xf32, #tpu.memory_space<vmem>>, vector<128x256xf32>
        tpu.vector_store %arg16[%swap3A_1428, %swap3A_1429], %select_n3A_1427 {strides = array<i32>} : memref<2176x384xf32, #tpu.memory_space<vmem>>, vector<128x256xf32>,
        %while3A_1431 = arith.constant 0 : i32
        scf.yield %while3A_1431 : i32
      }
      %while3A_1204 = arith.constant 1 : i32
      %while3A_1205 = scf.for %while3A_1218 = %while3A_1201 to %while3A_1197 step %while3A_1204 iter_args(%while3A_1219 = %while3A_1203) -> (i32)  : i32 {
        %mul3A_1220 = arith.constant 128 : i32
        %mul3A_1221 = arith.muli %while3A_1218, %mul3A_1220 : i32
        %add3A_1222 = arith.addi %mul3A_1164, %mul3A_1221 : i32
        %iota3A_1223 = tpu.iota {dimensions = array<i32: 0>} : vector<128x1xi32>
        %add3A_1224 = vector.broadcast %add3A_1222 : i32 to vector<128x1xi32>
        %add3A_1225 = arith.addi %add3A_1224, %iota3A_1223 : vector<128x1xi32>
        %ge3A = vector.broadcast %get3A_1142 : i32 to vector<128x1xi32>
        %ge3A_1226 = arith.cmpi sge, %add3A_1225, %ge3A : vector<128x1xi32>
        %lt3A = vector.broadcast %get3A_1146 : i32 to vector<128x1xi32>
        %lt3A_1227 = arith.cmpi slt, %add3A_1225, %lt3A : vector<128x1xi32>
        %and3A_1228 = arith.andi %ge3A_1226, %lt3A_1227 : vector<128x1xi1>
        %get3A_1229 = arith.index_cast %add3A_1222 : i32 to index
        %get3A_1230 = arith.constant 0 : index
        %get3A_1231 = vector.load %arg17[%get3A_1229, %get3A_1230] : memref<2176x256xf32, #tpu.memory_space<vmem>>, vector<128x256xf32>
        %get3A_1232 = arith.constant 0 : index
        %get3A_1233 = arith.constant 0 : index
        %get3A_1234 = vector.load %arg3[%get3A_1232, %get3A_1233] : memref<256x256xf32, #tpu.memory_space<vmem>>, vector<256x256xf32>
        %dot_general3A_1235 = arith.constant dense<0.000000e+00> : vector<128x256xf32>
        %dot_general3A_1236 = tpu.matmul %get3A_1231, %get3A_1234, %dot_general3A_1235 {dimension_numbers = #tpu.dot_dimension_numbers<[1], [1], [0], [0], [0, 0, 1, 0], [], []>, transpose_lhs_hint = false} : vector<128x256xf32>, vector<256x256xf32>, vector<128x256xf32> -> vector<128x256xf32>
        %mul3A_1237 = arith.constant 0.176776692 : f32
        %mul3A_1238 = vector.broadcast %mul3A_1237 : f32 to vector<128x256xf32>
        %mul3A_1239 = arith.mulf %dot_general3A_1236, %mul3A_1238 : vector<128x256xf32>
        %slice3A_1240 = vector.extract_strided_slice %mul3A_1239 {offsets = [0, 0], sizes = [128, 32], strides = [1, 1]} : vector<128x256xf32> to vector<128x32xf32>
        %convert_element_type3A_1241 = arith.truncf %slice3A_1240 : vector<128x32xf32> to vector<128x32xbf16>
        %get3A_1242 = arith.constant 0 : index
        %get3A_1243 = arith.constant 0 : index
        %get3A_1244 = vector.load %arg18[%get3A_1242, %get3A_1243] : memref<2176x256xbf16, #tpu.memory_space<vmem>>, vector<2048x32xbf16>
        %dot_general3A_1245 = arith.constant dense<0.000000e+00> : vector<128x2048xf32>
        %dot_general3A_1246 = tpu.matmul %convert_element_type3A_1241, %get3A_1244, %dot_general3A_1245 {dimension_numbers = #tpu.dot_dimension_numbers<[1], [1], [0], [0], [0, 0, 1, 0], [], []>, transpose_lhs_hint = false} : vector<128x32xbf16>, vector<2048x32xbf16>, vector<128x2048xf32> -> vector<128x2048xf32>
        %reduce_max3A = arith.constant dense<0xFF800000> : vector<128xf32>
        %reduce_max3A_1247 = vector.multi_reduction <maximumf>, %dot_general3A_1246, %reduce_max3A [1] : vector<128x2048xf32> to vector<128xf32>
        %broadcast_in_dim3A_1248 = vector.shape_cast %reduce_max3A_1247 : vector<128xf32> to vector<128x1xf32>
        %sub3A_1249 = vector.broadcast %broadcast_in_dim3A_1248 : vector<128x1xf32> to vector<128x2048xf32>
        %sub3A_1250 = arith.subf %dot_general3A_1246, %sub3A_1249 : vector<128x2048xf32>
        %exp3A = math.exp %sub3A_1250 : vector<128x2048xf32>
        %convert_element_type3A_1251 = arith.truncf %exp3A : vector<128x2048xf32> to vector<128x2048xbf16>
        %get3A_1252 = arith.constant 0 : index
        %get3A_1253 = arith.constant 0 : index
        %get3A_1254 = vector.load %arg19[%get3A_1252, %get3A_1253] : memref<2176x512xbf16, #tpu.memory_space<vmem>>, vector<2048x64xbf16>
        %dot_general3A_1255 = arith.constant dense<0.000000e+00> : vector<128x64xf32>
        %dot_general3A_1256 = tpu.matmul %convert_element_type3A_1251, %get3A_1254, %dot_general3A_1255 {dimension_numbers = #tpu.dot_dimension_numbers<[1], [0], [0], [1], [0, 0, 1, 1], [], []>, transpose_lhs_hint = false} : vector<128x2048xbf16>, vector<2048x64xbf16>, vector<128x64xf32> -> vector<128x64xf32>
        %slice3A_1257 = vector.extract_strided_slice %dot_general3A_1256 {offsets = [0, 0], sizes = [128, 32], strides = [1, 1]} : vector<128x64xf32> to vector<128x32xf32>
        %slice3A_1258 = vector.extract_strided_slice %dot_general3A_1256 {offsets = [0, 32], sizes = [128, 1], strides = [1, 1]} : vector<128x64xf32> to vector<128x1xf32>
        %div3A_1259 = vector.broadcast %slice3A_1258 : vector<128x1xf32> to vector<128x32xf32>
        %div3A_1260 = arith.divf %slice3A_1257, %div3A_1259 : vector<128x32xf32>
        %slice3A_1261 = vector.extract_strided_slice %mul3A_1239 {offsets = [0, 32], sizes = [128, 32], strides = [1, 1]} : vector<128x256xf32> to vector<128x32xf32>
        %convert_element_type3A_1262 = arith.truncf %slice3A_1261 : vector<128x32xf32> to vector<128x32xbf16>
        %get3A_1263 = arith.constant 0 : index
        %get3A_1264 = arith.constant 32 : index
        %get3A_1265 = vector.load %arg18[%get3A_1263, %get3A_1264] : memref<2176x256xbf16, #tpu.memory_space<vmem>>, vector<2048x32xbf16>
        %dot_general3A_1266 = arith.constant dense<0.000000e+00> : vector<128x2048xf32>
        %dot_general3A_1267 = tpu.matmul %convert_element_type3A_1262, %get3A_1265, %dot_general3A_1266 {dimension_numbers = #tpu.dot_dimension_numbers<[1], [1], [0], [0], [0, 0, 1, 0], [], []>, transpose_lhs_hint = false} : vector<128x32xbf16>, vector<2048x32xbf16>, vector<128x2048xf32> -> vector<128x2048xf32>
        %reduce_max3A_1268 = arith.constant dense<0xFF800000> : vector<128xf32>
        %reduce_max3A_1269 = vector.multi_reduction <maximumf>, %dot_general3A_1267, %reduce_max3A_1268 [1] : vector<128x2048xf32> to vector<128xf32>
        %broadcast_in_dim3A_1270 = vector.shape_cast %reduce_max3A_1269 : vector<128xf32> to vector<128x1xf32>
        %sub3A_1271 = vector.broadcast %broadcast_in_dim3A_1270 : vector<128x1xf32> to vector<128x2048xf32>
        %sub3A_1272 = arith.subf %dot_general3A_1267, %sub3A_1271 : vector<128x2048xf32>
        %exp3A_1273 = math.exp %sub3A_1272 : vector<128x2048xf32>
        %convert_element_type3A_1274 = arith.truncf %exp3A_1273 : vector<128x2048xf32> to vector<128x2048xbf16>
        %get3A_1275 = arith.constant 0 : index
        %get3A_1276 = arith.constant 64 : index
        %get3A_1277 = vector.load %arg19[%get3A_1275, %get3A_1276] : memref<2176x512xbf16, #tpu.memory_space<vmem>>, vector<2048x64xbf16>
        %dot_general3A_1278 = arith.constant dense<0.000000e+00> : vector<128x64xf32>
        %dot_general3A_1279 = tpu.matmul %convert_element_type3A_1274, %get3A_1277, %dot_general3A_1278 {dimension_numbers = #tpu.dot_dimension_numbers<[1], [0], [0], [1], [0, 0, 1, 1], [], []>, transpose_lhs_hint = false} : vector<128x2048xbf16>, vector<2048x64xbf16>, vector<128x64xf32> -> vector<128x64xf32>
        %slice3A_1280 = vector.extract_strided_slice %dot_general3A_1279 {offsets = [0, 0], sizes = [128, 32], strides = [1, 1]} : vector<128x64xf32> to vector<128x32xf32>
        %slice3A_1281 = vector.extract_strided_slice %dot_general3A_1279 {offsets = [0, 32], sizes = [128, 1], strides = [1, 1]} : vector<128x64xf32> to vector<128x1xf32>
        %div3A_1282 = vector.broadcast %slice3A_1281 : vector<128x1xf32> to vector<128x32xf32>
        %div3A_1283 = arith.divf %slice3A_1280, %div3A_1282 : vector<128x32xf32>
        %slice3A_1284 = vector.extract_strided_slice %mul3A_1239 {offsets = [0, 64], sizes = [128, 32], strides = [1, 1]} : vector<128x256xf32> to vector<128x32xf32>
        %convert_element_type3A_1285 = arith.truncf %slice3A_1284 : vector<128x32xf32> to vector<128x32xbf16>
        %get3A_1286 = arith.constant 0 : index
        %get3A_1287 = arith.constant 64 : index
        %get3A_1288 = vector.load %arg18[%get3A_1286, %get3A_1287] : memref<2176x256xbf16, #tpu.memory_space<vmem>>, vector<2048x32xbf16>
        %dot_general3A_1289 = arith.constant dense<0.000000e+00> : vector<128x2048xf32>
        %dot_general3A_1290 = tpu.matmul %convert_element_type3A_1285, %get3A_1288, %dot_general3A_1289 {dimension_numbers = #tpu.dot_dimension_numbers<[1], [1], [0], [0], [0, 0, 1, 0], [], []>, transpose_lhs_hint = false} : vector<128x32xbf16>, vector<2048x32xbf16>, vector<128x2048xf32> -> vector<128x2048xf32>
        %reduce_max3A_1291 = arith.constant dense<0xFF800000> : vector<128xf32>
        %reduce_max3A_1292 = vector.multi_reduction <maximumf>, %dot_general3A_1290, %reduce_max3A_1291 [1] : vector<128x2048xf32> to vector<128xf32>
        %broadcast_in_dim3A_1293 = vector.shape_cast %reduce_max3A_1292 : vector<128xf32> to vector<128x1xf32>
        %sub3A_1294 = vector.broadcast %broadcast_in_dim3A_1293 : vector<128x1xf32> to vector<128x2048xf32>
        %sub3A_1295 = arith.subf %dot_general3A_1290, %sub3A_1294 : vector<128x2048xf32>
        %exp3A_1296 = math.exp %sub3A_1295 : vector<128x2048xf32>
        %convert_element_type3A_1297 = arith.truncf %exp3A_1296 : vector<128x2048xf32> to vector<128x2048xbf16>
        %get3A_1298 = arith.constant 0 : index
        %get3A_1299 = arith.constant 128 : index
        %get3A_1300 = vector.load %arg19[%get3A_1298, %get3A_1299] : memref<2176x512xbf16, #tpu.memory_space<vmem>>, vector<2048x64xbf16>
        %dot_general3A_1301 = arith.constant dense<0.000000e+00> : vector<128x64xf32>
        %dot_general3A_1302 = tpu.matmul %convert_element_type3A_1297, %get3A_1300, %dot_general3A_1301 {dimension_numbers = #tpu.dot_dimension_numbers<[1], [0], [0], [1], [0, 0, 1, 1], [], []>, transpose_lhs_hint = false} : vector<128x2048xbf16>, vector<2048x64xbf16>, vector<128x64xf32> -> vector<128x64xf32>
        %slice3A_1303 = vector.extract_strided_slice %dot_general3A_1302 {offsets = [0, 0], sizes = [128, 32], strides = [1, 1]} : vector<128x64xf32> to vector<128x32xf32>
        %slice3A_1304 = vector.extract_strided_slice %dot_general3A_1302 {offsets = [0, 32], sizes = [128, 1], strides = [1, 1]} : vector<128x64xf32> to vector<128x1xf32>
        %div3A_1305 = vector.broadcast %slice3A_1304 : vector<128x1xf32> to vector<128x32xf32>
        %div3A_1306 = arith.divf %slice3A_1303, %div3A_1305 : vector<128x32xf32>
        %slice3A_1307 = vector.extract_strided_slice %mul3A_1239 {offsets = [0, 96], sizes = [128, 32], strides = [1, 1]} : vector<128x256xf32> to vector<128x32xf32>
        %convert_element_type3A_1308 = arith.truncf %slice3A_1307 : vector<128x32xf32> to vector<128x32xbf16>
        %get3A_1309 = arith.constant 0 : index
        %get3A_1310 = arith.constant 96 : index
        %get3A_1311 = vector.load %arg18[%get3A_1309, %get3A_1310] : memref<2176x256xbf16, #tpu.memory_space<vmem>>, vector<2048x32xbf16>
        %dot_general3A_1312 = arith.constant dense<0.000000e+00> : vector<128x2048xf32>
        %dot_general3A_1313 = tpu.matmul %convert_element_type3A_1308, %get3A_1311, %dot_general3A_1312 {dimension_numbers = #tpu.dot_dimension_numbers<[1], [1], [0], [0], [0, 0, 1, 0], [], []>, transpose_lhs_hint = false} : vector<128x32xbf16>, vector<2048x32xbf16>, vector<128x2048xf32> -> vector<128x2048xf32>
        %reduce_max3A_1314 = arith.constant dense<0xFF800000> : vector<128xf32>
        %reduce_max3A_1315 = vector.multi_reduction <maximumf>, %dot_general3A_1313, %reduce_max3A_1314 [1] : vector<128x2048xf32> to vector<128xf32>
        %broadcast_in_dim3A_1316 = vector.shape_cast %reduce_max3A_1315 : vector<128xf32> to vector<128x1xf32>
        %sub3A_1317 = vector.broadcast %broadcast_in_dim3A_1316 : vector<128x1xf32> to vector<128x2048xf32>
        %sub3A_1318 = arith.subf %dot_general3A_1313, %sub3A_1317 : vector<128x2048xf32>
        %exp3A_1319 = math.exp %sub3A_1318 : vector<128x2048xf32>
        %convert_element_type3A_1320 = arith.truncf %exp3A_1319 : vector<128x2048xf32> to vector<128x2048xbf16>
        %get3A_1321 = arith.constant 0 : index
        %get3A_1322 = arith.constant 192 : index
        %get3A_1323 = vector.load %arg19[%get3A_1321, %get3A_1322] : memref<2176x512xbf16, #tpu.memory_space<vmem>>, vector<2048x64xbf16>
        %dot_general3A_1324 = arith.constant dense<0.000000e+00> : vector<128x64xf32>
        %dot_general3A_1325 = tpu.matmul %convert_element_type3A_1320, %get3A_1323, %dot_general3A_1324 {dimension_numbers = #tpu.dot_dimension_numbers<[1], [0], [0], [1], [0, 0, 1, 1], [], []>, transpose_lhs_hint = false} : vector<128x2048xbf16>, vector<2048x64xbf16>, vector<128x64xf32> -> vector<128x64xf32>
        %slice3A_1326 = vector.extract_strided_slice %dot_general3A_1325 {offsets = [0, 0], sizes = [128, 32], strides = [1, 1]} : vector<128x64xf32> to vector<128x32xf32>
        %slice3A_1327 = vector.extract_strided_slice %dot_general3A_1325 {offsets = [0, 32], sizes = [128, 1], strides = [1, 1]} : vector<128x64xf32> to vector<128x1xf32>
        %div3A_1328 = vector.broadcast %slice3A_1327 : vector<128x1xf32> to vector<128x32xf32>
        %div3A_1329 = arith.divf %slice3A_1326, %div3A_1328 : vector<128x32xf32>
        %slice3A_1330 = vector.extract_strided_slice %mul3A_1239 {offsets = [0, 128], sizes = [128, 32], strides = [1, 1]} : vector<128x256xf32> to vector<128x32xf32>
        %convert_element_type3A_1331 = arith.truncf %slice3A_1330 : vector<128x32xf32> to vector<128x32xbf16>
        %get3A_1332 = arith.constant 0 : index
        %get3A_1333 = arith.constant 128 : index
        %get3A_1334 = vector.load %arg18[%get3A_1332, %get3A_1333] : memref<2176x256xbf16, #tpu.memory_space<vmem>>, vector<2048x32xbf16>
        %dot_general3A_1335 = arith.constant dense<0.000000e+00> : vector<128x2048xf32>
        %dot_general3A_1336 = tpu.matmul %convert_element_type3A_1331, %get3A_1334, %dot_general3A_1335 {dimension_numbers = #tpu.dot_dimension_numbers<[1], [1], [0], [0], [0, 0, 1, 0], [], []>, transpose_lhs_hint = false} : vector<128x32xbf16>, vector<2048x32xbf16>, vector<128x2048xf32> -> vector<128x2048xf32>
        %reduce_max3A_1337 = arith.constant dense<0xFF800000> : vector<128xf32>
        %reduce_max3A_1338 = vector.multi_reduction <maximumf>, %dot_general3A_1336, %reduce_max3A_1337 [1] : vector<128x2048xf32> to vector<128xf32>
        %broadcast_in_dim3A_1339 = vector.shape_cast %reduce_max3A_1338 : vector<128xf32> to vector<128x1xf32>
        %sub3A_1340 = vector.broadcast %broadcast_in_dim3A_1339 : vector<128x1xf32> to vector<128x2048xf32>
        %sub3A_1341 = arith.subf %dot_general3A_1336, %sub3A_1340 : vector<128x2048xf32>
        %exp3A_1342 = math.exp %sub3A_1341 : vector<128x2048xf32>
        %convert_element_type3A_1343 = arith.truncf %exp3A_1342 : vector<128x2048xf32> to vector<128x2048xbf16>
        %get3A_1344 = arith.constant 0 : index
        %get3A_1345 = arith.constant 256 : index
        %get3A_1346 = vector.load %arg19[%get3A_1344, %get3A_1345] : memref<2176x512xbf16, #tpu.memory_space<vmem>>, vector<2048x64xbf16>
        %dot_general3A_1347 = arith.constant dense<0.000000e+00> : vector<128x64xf32>
        %dot_general3A_1348 = tpu.matmul %convert_element_type3A_1343, %get3A_1346, %dot_general3A_1347 {dimension_numbers = #tpu.dot_dimension_numbers<[1], [0], [0], [1], [0, 0, 1, 1], [], []>, transpose_lhs_hint = false} : vector<128x2048xbf16>, vector<2048x64xbf16>, vector<128x64xf32> -> vector<128x64xf32>
        %slice3A_1349 = vector.extract_strided_slice %dot_general3A_1348 {offsets = [0, 0], sizes = [128, 32], strides = [1, 1]} : vector<128x64xf32> to vector<128x32xf32>
        %slice3A_1350 = vector.extract_strided_slice %dot_general3A_1348 {offsets = [0, 32], sizes = [128, 1], strides = [1, 1]} : vector<128x64xf32> to vector<128x1xf32>
        %div3A_1351 = vector.broadcast %slice3A_1350 : vector<128x1xf32> to vector<128x32xf32>
        %div3A_1352 = arith.divf %slice3A_1349, %div3A_1351 : vector<128x32xf32>
        %slice3A_1353 = vector.extract_strided_slice %mul3A_1239 {offsets = [0, 160], sizes = [128, 32], strides = [1, 1]} : vector<128x256xf32> to vector<128x32xf32>
        %convert_element_type3A_1354 = arith.truncf %slice3A_1353 : vector<128x32xf32> to vector<128x32xbf16>
        %get3A_1355 = arith.constant 0 : index
        %get3A_1356 = arith.constant 160 : index
        %get3A_1357 = vector.load %arg18[%get3A_1355, %get3A_1356] : memref<2176x256xbf16, #tpu.memory_space<vmem>>, vector<2048x32xbf16>
        %dot_general3A_1358 = arith.constant dense<0.000000e+00> : vector<128x2048xf32>
        %dot_general3A_1359 = tpu.matmul %convert_element_type3A_1354, %get3A_1357, %dot_general3A_1358 {dimension_numbers = #tpu.dot_dimension_numbers<[1], [1], [0], [0], [0, 0, 1, 0], [], []>, transpose_lhs_hint = false} : vector<128x32xbf16>, vector<2048x32xbf16>, vector<128x2048xf32> -> vector<128x2048xf32>
        %reduce_max3A_1360 = arith.constant dense<0xFF800000> : vector<128xf32>
        %reduce_max3A_1361 = vector.multi_reduction <maximumf>, %dot_general3A_1359, %reduce_max3A_1360 [1] : vector<128x2048xf32> to vector<128xf32>
        %broadcast_in_dim3A_1362 = vector.shape_cast %reduce_max3A_1361 : vector<128xf32> to vector<128x1xf32>
        %sub3A_1363 = vector.broadcast %broadcast_in_dim3A_1362 : vector<128x1xf32> to vector<128x2048xf32>
        %sub3A_1364 = arith.subf %dot_general3A_1359, %sub3A_1363 : vector<128x2048xf32>
        %exp3A_1365 = math.exp %sub3A_1364 : vector<128x2048xf32>
        %convert_element_type3A_1366 = arith.truncf %exp3A_1365 : vector<128x2048xf32> to vector<128x2048xbf16>
        %get3A_1367 = arith.constant 0 : index
        %get3A_1368 = arith.constant 320 : index
        %get3A_1369 = vector.load %arg19[%get3A_1367, %get3A_1368] : memref<2176x512xbf16, #tpu.memory_space<vmem>>, vector<2048x64xbf16>
        %dot_general3A_1370 = arith.constant dense<0.000000e+00> : vector<128x64xf32>
        %dot_general3A_1371 = tpu.matmul %convert_element_type3A_1366, %get3A_1369, %dot_general3A_1370 {dimension_numbers = #tpu.dot_dimension_numbers<[1], [0], [0], [1], [0, 0, 1, 1], [], []>, transpose_lhs_hint = false} : vector<128x2048xbf16>, vector<2048x64xbf16>, vector<128x64xf32> -> vector<128x64xf32>
        %slice3A_1372 = vector.extract_strided_slice %dot_general3A_1371 {offsets = [0, 0], sizes = [128, 32], strides = [1, 1]} : vector<128x64xf32> to vector<128x32xf32>
        %slice3A_1373 = vector.extract_strided_slice %dot_general3A_1371 {offsets = [0, 32], sizes = [128, 1], strides = [1, 1]} : vector<128x64xf32> to vector<128x1xf32>
        %div3A_1374 = vector.broadcast %slice3A_1373 : vector<128x1xf32> to vector<128x32xf32>
        %div3A_1375 = arith.divf %slice3A_1372, %div3A_1374 : vector<128x32xf32>
        %slice3A_1376 = vector.extract_strided_slice %mul3A_1239 {offsets = [0, 192], sizes = [128, 32], strides = [1, 1]} : vector<128x256xf32> to vector<128x32xf32>
        %convert_element_type3A_1377 = arith.truncf %slice3A_1376 : vector<128x32xf32> to vector<128x32xbf16>
        %get3A_1378 = arith.constant 0 : index
        %get3A_1379 = arith.constant 192 : index
        %get3A_1380 = vector.load %arg18[%get3A_1378, %get3A_1379] : memref<2176x256xbf16, #tpu.memory_space<vmem>>, vector<2048x32xbf16>
        %dot_general3A_1381 = arith.constant dense<0.000000e+00> : vector<128x2048xf32>
        %dot_general3A_1382 = tpu.matmul %convert_element_type3A_1377, %get3A_1380, %dot_general3A_1381 {dimension_numbers = #tpu.dot_dimension_numbers<[1], [1], [0], [0], [0, 0, 1, 0], [], []>, transpose_lhs_hint = false} : vector<128x32xbf16>, vector<2048x32xbf16>, vector<128x2048xf32> -> vector<128x2048xf32>
        %reduce_max3A_1383 = arith.constant dense<0xFF800000> : vector<128xf32>
        %reduce_max3A_1384 = vector.multi_reduction <maximumf>, %dot_general3A_1382, %reduce_max3A_1383 [1] : vector<128x2048xf32> to vector<128xf32>
        %broadcast_in_dim3A_1385 = vector.shape_cast %reduce_max3A_1384 : vector<128xf32> to vector<128x1xf32>
        %sub3A_1386 = vector.broadcast %broadcast_in_dim3A_1385 : vector<128x1xf32> to vector<128x2048xf32>
        %sub3A_1387 = arith.subf %dot_general3A_1382, %sub3A_1386 : vector<128x2048xf32>
        %exp3A_1388 = math.exp %sub3A_1387 : vector<128x2048xf32>
        %convert_element_type3A_1389 = arith.truncf %exp3A_1388 : vector<128x2048xf32> to vector<128x2048xbf16>
        %get3A_1390 = arith.constant 0 : index
        %get3A_1391 = arith.constant 384 : index
        %get3A_1392 = vector.load %arg19[%get3A_1390, %get3A_1391] : memref<2176x512xbf16, #tpu.memory_space<vmem>>, vector<2048x64xbf16>
        %dot_general3A_1393 = arith.constant dense<0.000000e+00> : vector<128x64xf32>
        %dot_general3A_1394 = tpu.matmul %convert_element_type3A_1389, %get3A_1392, %dot_general3A_1393 {dimension_numbers = #tpu.dot_dimension_numbers<[1], [0], [0], [1], [0, 0, 1, 1], [], []>, transpose_lhs_hint = false} : vector<128x2048xbf16>, vector<2048x64xbf16>, vector<128x64xf32> -> vector<128x64xf32>
        %slice3A_1395 = vector.extract_strided_slice %dot_general3A_1394 {offsets = [0, 0], sizes = [128, 32], strides = [1, 1]} : vector<128x64xf32> to vector<128x32xf32>
        %slice3A_1396 = vector.extract_strided_slice %dot_general3A_1394 {offsets = [0, 32], sizes = [128, 1], strides = [1, 1]} : vector<128x64xf32> to vector<128x1xf32>
        %div3A_1397 = vector.broadcast %slice3A_1396 : vector<128x1xf32> to vector<128x32xf32>
        %div3A_1398 = arith.divf %slice3A_1395, %div3A_1397 : vector<128x32xf32>
        %slice3A_1399 = vector.extract_strided_slice %mul3A_1239 {offsets = [0, 224], sizes = [128, 32], strides = [1, 1]} : vector<128x256xf32> to vector<128x32xf32>
        %convert_element_type3A_1400 = arith.truncf %slice3A_1399 : vector<128x32xf32> to vector<128x32xbf16>
        %get3A_1401 = arith.constant 0 : index
        %get3A_1402 = arith.constant 224 : index
        %get3A_1403 = vector.load %arg18[%get3A_1401, %get3A_1402] : memref<2176x256xbf16, #tpu.memory_space<vmem>>, vector<2048x32xbf16>
        %dot_general3A_1404 = arith.constant dense<0.000000e+00> : vector<128x2048xf32>
        %dot_general3A_1405 = tpu.matmul %convert_element_type3A_1400, %get3A_1403, %dot_general3A_1404 {dimension_numbers = #tpu.dot_dimension_numbers<[1], [1], [0], [0], [0, 0, 1, 0], [], []>, transpose_lhs_hint = false} : vector<128x32xbf16>, vector<2048x32xbf16>, vector<128x2048xf32> -> vector<128x2048xf32>
        %reduce_max3A_1406 = arith.constant dense<0xFF800000> : vector<128xf32>
        %reduce_max3A_1407 = vector.multi_reduction <maximumf>, %dot_general3A_1405, %reduce_max3A_1406 [1] : vector<128x2048xf32> to vector<128xf32>
        %broadcast_in_dim3A_1408 = vector.shape_cast %reduce_max3A_1407 : vector<128xf32> to vector<128x1xf32>
        %sub3A_1409 = vector.broadcast %broadcast_in_dim3A_1408 : vector<128x1xf32> to vector<128x2048xf32>
        %sub3A_1410 = arith.subf %dot_general3A_1405, %sub3A_1409 : vector<128x2048xf32>
        %exp3A_1411 = math.exp %sub3A_1410 : vector<128x2048xf32>
        %convert_element_type3A_1412 = arith.truncf %exp3A_1411 : vector<128x2048xf32> to vector<128x2048xbf16>
        %get3A_1413 = arith.constant 0 : index
        %get3A_1414 = arith.constant 448 : index
        %get3A_1415 = vector.load %arg19[%get3A_1413, %get3A_1414] : memref<2176x512xbf16, #tpu.memory_space<vmem>>, vector<2048x64xbf16>
        %dot_general3A_1416 = arith.constant dense<0.000000e+00> : vector<128x64xf32>
        %dot_general3A_1417 = tpu.matmul %convert_element_type3A_1412, %get3A_1415, %dot_general3A_1416 {dimension_numbers = #tpu.dot_dimension_numbers<[1], [0], [0], [1], [0, 0, 1, 1], [], []>, transpose_lhs_hint = false} : vector<128x2048xbf16>, vector<2048x64xbf16>, vector<128x64xf32> -> vector<128x64xf32>
        %slice3A_1418 = vector.extract_strided_slice %dot_general3A_1417 {offsets = [0, 0], sizes = [128, 32], strides = [1, 1]} : vector<128x64xf32> to vector<128x32xf32>
        %slice3A_1419 = vector.extract_strided_slice %dot_general3A_1417 {offsets = [0, 32], sizes = [128, 1], strides = [1, 1]} : vector<128x64xf32> to vector<128x1xf32>
        %div3A_1420 = vector.broadcast %slice3A_1419 : vector<128x1xf32> to vector<128x32xf32>
        %div3A_1421 = arith.divf %slice3A_1418, %div3A_1420 : vector<128x32xf32>
        %concatenate3A_1422 = tpu.concatenate %div3A_1260, %div3A_1283, %div3A_1306, %div3A_1329, %div3A_1352, %div3A_1375, %div3A_1398, %div3A_1421 in 1 : vector<128x32xf32>, vector<128x32xf32>, vector<128x32xf32>, vector<128x32xf32>, vector<128x32xf32>, vector<128x32xf32>, vector<128x32xf32>, vector<128x32xf32> -> vector<128x256xf32>
        %jit3A_1423 = arith.constant 0.000000e+00 : f32
        %broadcast_in_dim3A_1424 = vector.shape_cast %and3A_1228 : vector<128x1xi1> to vector<128x1xi1>
        %broadcast_in_dim3A_1425 = vector.broadcast %broadcast_in_dim3A_1424 : vector<128x1xi1> to vector<128x256xi1>
        %broadcast_in_dim3A_1426 = vector.broadcast %jit3A_1423 : f32 to vector<128x256xf32>
        %select_n3A_1427 = arith.select %broadcast_in_dim3A_1425, %concatenate3A_1422, %broadcast_in_dim3A_1426 : vector<128x256xi1>, vector<128x256xf32>
        %swap3A_1428 = arith.index_cast %add3A_1222 : i32 to index
        %swap3A_1429 = arith.constant 0 : index
        %swap3A_1430 = vector.load %arg16[%swap3A_1428, %swap3A_1429] : memref<2176x384xf32, #tpu.memory_space<vmem>>, vector<128x256xf32>
        tpu.vector_store %arg16[%swap3A_1428, %swap3A_1429], %select_n3A_1427 {strides = array<i32>} : memref<2176x384xf32, #tpu.memory_space<vmem>>, vector<128x256xf32>,
        %while3A_1431 = arith.constant 0 : i32
        scf.yield %while3A_1431 : i32
      }
      %while3A_1206 = arith.constant 0 : i32
      %while3A_1207 = arith.constant 0 : i32
      %while3A_1208 = arith.subi %select_n3A_1193, %while3A_1206 : i32
      %while3A_1209 = arith.addi %while3A_1206, %while3A_1208 : i32
      %while3A_1210 = arith.constant 1 : i32
      %while3A_1211 = arith.divsi %while3A_1208, %while3A_1210 : i32
      %while3A_1212 = arith.muli %while3A_1211, %while3A_1210 : i32
      %while3A_1213 = arith.addi %while3A_1206, %while3A_1212 : i32
      %while3A_1214 = arith.constant 1 : i32
      %while3A_1215 = scf.for %while3A_1218 = %while3A_1206 to %while3A_1213 step %while3A_1214 iter_args(%while3A_1219 = %while3A_1207) -> (i32)  : i32 {
        %mul3A_1220 = arith.constant 128 : i32
        %mul3A_1221 = arith.muli %while3A_1218, %mul3A_1220 : i32
        %add3A_1222 = arith.addi %mul3A_1164, %mul3A_1221 : i32
        %iota3A_1223 = tpu.iota {dimensions = array<i32: 0>} : vector<128x1xi32>
        %add3A_1224 = vector.broadcast %add3A_1222 : i32 to vector<128x1xi32>
        %add3A_1225 = arith.addi %add3A_1224, %iota3A_1223 : vector<128x1xi32>
        %ge3A = vector.broadcast %get3A_1142 : i32 to vector<128x1xi32>
        %ge3A_1226 = arith.cmpi sge, %add3A_1225, %ge3A : vector<128x1xi32>
        %lt3A = vector.broadcast %get3A_1146 : i32 to vector<128x1xi32>
        %lt3A_1227 = arith.cmpi slt, %add3A_1225, %lt3A : vector<128x1xi32>
        %and3A_1228 = arith.andi %ge3A_1226, %lt3A_1227 : vector<128x1xi1>
        %get3A_1229 = arith.index_cast %add3A_1222 : i32 to index
        %get3A_1230 = arith.constant 0 : index
        %get3A_1231 = vector.load %arg17[%get3A_1229, %get3A_1230] : memref<2176x256xf32, #tpu.memory_space<vmem>>, vector<128x256xf32>
        %get3A_1232 = arith.index_cast %add3A_1222 : i32 to index
        %get3A_1233 = arith.constant 0 : index
        %get3A_1234 = vector.load %arg16[%get3A_1232, %get3A_1233] : memref<2176x384xf32, #tpu.memory_space<vmem>>, vector<128x256xf32>
        %add3A_1235 = arith.addf %get3A_1231, %get3A_1234 : vector<128x256xf32>
        %broadcast_in_dim3A_1236 = vector.shape_cast %and3A_1228 : vector<128x1xi1> to vector<128x1xi1>
        %broadcast_in_dim3A_1237 = vector.broadcast %broadcast_in_dim3A_1236 : vector<128x1xi1> to vector<128x256xi1>
        %select_n3A_1238 = arith.select %broadcast_in_dim3A_1237, %add3A_1235, %get3A_1231 : vector<128x256xi1>, vector<128x256xf32>
        %swap3A_1239 = arith.index_cast %add3A_1222 : i32 to index
        %swap3A_1240 = arith.constant 0 : index
        %swap3A_1241 = vector.load %arg17[%swap3A_1239, %swap3A_1240] : memref<2176x256xf32, #tpu.memory_space<vmem>>, vector<128x256xf32>
        tpu.vector_store %arg17[%swap3A_1239, %swap3A_1240], %select_n3A_1238 {strides = array<i32>} : memref<2176x256xf32, #tpu.memory_space<vmem>>, vector<128x256xf32>,
        %get3A_1242 = arith.constant 0 : index
        %get3A_1243 = arith.constant 0 : index
        %get3A_1244 = vector.load %arg4[%get3A_1242, %get3A_1243] : memref<256x256xf32, #tpu.memory_space<vmem>>, vector<256x256xf32>
        %dot_general3A_1245 = arith.constant dense<0.000000e+00> : vector<128x256xf32>
        %dot_general3A_1246 = tpu.matmul %select_n3A_1238, %get3A_1244, %dot_general3A_1245 {dimension_numbers = #tpu.dot_dimension_numbers<[1], [1], [0], [0], [0, 0, 1, 0], [], []>, transpose_lhs_hint = false} : vector<128x256xf32>, vector<256x256xf32>, vector<128x256xf32> -> vector<128x256xf32>
        %convert_element_type3A_1247 = arith.truncf %dot_general3A_1246 : vector<128x256xf32> to vector<128x256xbf16>
        %get3A_1248 = arith.index_cast %add3A_1222 : i32 to index
        %get3A_1249 = arith.constant 0 : index
        %get3A_1250 = vector.load %arg18[%get3A_1248, %get3A_1249] : memref<2176x256xbf16, #tpu.memory_space<vmem>>, vector<128x256xbf16>
        %broadcast_in_dim3A_1251 = vector.shape_cast %and3A_1228 : vector<128x1xi1> to vector<128x1xi1>
        %broadcast_in_dim3A_1252 = vector.broadcast %broadcast_in_dim3A_1251 : vector<128x1xi1> to vector<128x256xi1>
        %select_n3A_1253 = arith.select %broadcast_in_dim3A_1252, %convert_element_type3A_1247, %get3A_1250 : vector<128x256xi1>, vector<128x256xbf16>
        %swap3A_1254 = arith.index_cast %add3A_1222 : i32 to index
        %swap3A_1255 = arith.constant 0 : index
        %swap3A_1256 = vector.load %arg18[%swap3A_1254, %swap3A_1255] : memref<2176x256xbf16, #tpu.memory_space<vmem>>, vector<128x256xbf16>
        tpu.vector_store %arg18[%swap3A_1254, %swap3A_1255], %select_n3A_1253 {strides = array<i32>} : memref<2176x256xbf16, #tpu.memory_space<vmem>>, vector<128x256xbf16>,
        %get3A_1257 = arith.constant 0 : index
        %get3A_1258 = arith.constant 0 : index
        %get3A_1259 = vector.load %arg5[%get3A_1257, %get3A_1258] : memref<256x256xf32, #tpu.memory_space<vmem>>, vector<256x256xf32>
        %dot_general3A_1260 = arith.constant dense<0.000000e+00> : vector<128x256xf32>
        %dot_general3A_1261 = tpu.matmul %select_n3A_1238, %get3A_1259, %dot_general3A_1260 {dimension_numbers = #tpu.dot_dimension_numbers<[1], [1], [0], [0], [0, 0, 1, 0], [], []>, transpose_lhs_hint = false} : vector<128x256xf32>, vector<256x256xf32>, vector<128x256xf32> -> vector<128x256xf32>
        %iota3A_1262 = tpu.iota {dimensions = array<i32: 1>} : vector<128x32xi32>
        %eq3A_1263 = arith.constant 0 : i32
        %eq3A_1264 = vector.broadcast %eq3A_1263 : i32 to vector<128x32xi32>
        %eq3A_1265 = arith.cmpi eq, %iota3A_1262, %eq3A_1264 : vector<128x32xi32>
        %convert_element_type3A_1266 = arith.extui %eq3A_1265 : vector<128x32xi1> to vector<128x32xi32>
        %convert_element_type3A_1267 = arith.sitofp %convert_element_type3A_1266 : vector<128x32xi32> to vector<128x32xf32>
        %convert_element_type3A_1268 = arith.truncf %convert_element_type3A_1267 : vector<128x32xf32> to vector<128x32xbf16>
        %slice3A_1269 = vector.extract_strided_slice %dot_general3A_1261 {offsets = [0, 0], sizes = [128, 32], strides = [1, 1]} : vector<128x256xf32> to vector<128x32xf32>
        %convert_element_type3A_1270 = arith.truncf %slice3A_1269 : vector<128x32xf32> to vector<128x32xbf16>
        %slice3A_1271 = vector.extract_strided_slice %dot_general3A_1261 {offsets = [0, 32], sizes = [128, 32], strides = [1, 1]} : vector<128x256xf32> to vector<128x32xf32>
        %convert_element_type3A_1272 = arith.truncf %slice3A_1271 : vector<128x32xf32> to vector<128x32xbf16>
        %slice3A_1273 = vector.extract_strided_slice %dot_general3A_1261 {offsets = [0, 64], sizes = [128, 32], strides = [1, 1]} : vector<128x256xf32> to vector<128x32xf32>
        %convert_element_type3A_1274 = arith.truncf %slice3A_1273 : vector<128x32xf32> to vector<128x32xbf16>
        %slice3A_1275 = vector.extract_strided_slice %dot_general3A_1261 {offsets = [0, 96], sizes = [128, 32], strides = [1, 1]} : vector<128x256xf32> to vector<128x32xf32>
        %convert_element_type3A_1276 = arith.truncf %slice3A_1275 : vector<128x32xf32> to vector<128x32xbf16>
        %slice3A_1277 = vector.extract_strided_slice %dot_general3A_1261 {offsets = [0, 128], sizes = [128, 32], strides = [1, 1]} : vector<128x256xf32> to vector<128x32xf32>
        %convert_element_type3A_1278 = arith.truncf %slice3A_1277 : vector<128x32xf32> to vector<128x32xbf16>
        %slice3A_1279 = vector.extract_strided_slice %dot_general3A_1261 {offsets = [0, 160], sizes = [128, 32], strides = [1, 1]} : vector<128x256xf32> to vector<128x32xf32>
        %convert_element_type3A_1280 = arith.truncf %slice3A_1279 : vector<128x32xf32> to vector<128x32xbf16>
        %slice3A_1281 = vector.extract_strided_slice %dot_general3A_1261 {offsets = [0, 192], sizes = [128, 32], strides = [1, 1]} : vector<128x256xf32> to vector<128x32xf32>
        %convert_element_type3A_1282 = arith.truncf %slice3A_1281 : vector<128x32xf32> to vector<128x32xbf16>
        %slice3A_1283 = vector.extract_strided_slice %dot_general3A_1261 {offsets = [0, 224], sizes = [128, 32], strides = [1, 1]} : vector<128x256xf32> to vector<128x32xf32>
        %convert_element_type3A_1284 = arith.truncf %slice3A_1283 : vector<128x32xf32> to vector<128x32xbf16>
        %concatenate3A_1285 = tpu.concatenate %convert_element_type3A_1270, %convert_element_type3A_1268, %convert_element_type3A_1272, %convert_element_type3A_1268, %convert_element_type3A_1274, %convert_element_type3A_1268, %convert_element_type3A_1276, %convert_element_type3A_1268, %convert_element_type3A_1278, %convert_element_type3A_1268, %convert_element_type3A_1280, %convert_element_type3A_1268, %convert_element_type3A_1282, %convert_element_type3A_1268, %convert_element_type3A_1284, %convert_element_type3A_1268 in 1 : vector<128x32xbf16>, vector<128x32xbf16>, vector<128x32xbf16>, vector<128x32xbf16>, vector<128x32xbf16>, vector<128x32xbf16>, vector<128x32xbf16>, vector<128x32xbf16>, vector<128x32xbf16>, vector<128x32xbf16>, vector<128x32xbf16>, vector<128x32xbf16>, vector<128x32xbf16>, vector<128x32xbf16>, vector<128x32xbf16>, vector<128x32xbf16> -> vector<128x512xbf16>
        %get3A_1286 = arith.index_cast %add3A_1222 : i32 to index
        %get3A_1287 = arith.constant 0 : index
        %get3A_1288 = vector.load %arg19[%get3A_1286, %get3A_1287] : memref<2176x512xbf16, #tpu.memory_space<vmem>>, vector<128x512xbf16>
        %broadcast_in_dim3A_1289 = vector.shape_cast %and3A_1228 : vector<128x1xi1> to vector<128x1xi1>
        %broadcast_in_dim3A_1290 = vector.broadcast %broadcast_in_dim3A_1289 : vector<128x1xi1> to vector<128x512xi1>
        %select_n3A_1291 = arith.select %broadcast_in_dim3A_1290, %concatenate3A_1285, %get3A_1288 : vector<128x512xi1>, vector<128x512xbf16>
        %swap3A_1292 = arith.index_cast %add3A_1222 : i32 to index
        %swap3A_1293 = arith.constant 0 : index
        %swap3A_1294 = vector.load %arg19[%swap3A_1292, %swap3A_1293] : memref<2176x512xbf16, #tpu.memory_space<vmem>>, vector<128x512xbf16>
        tpu.vector_store %arg19[%swap3A_1292, %swap3A_1293], %select_n3A_1291 {strides = array<i32>} : memref<2176x512xbf16, #tpu.memory_space<vmem>>, vector<128x512xbf16>,
        %while3A_1295 = arith.constant 0 : i32
        scf.yield %while3A_1295 : i32
      }
      %while3A_1216 = arith.constant 1 : i32
      %while3A_1217 = scf.for %while3A_1218 = %while3A_1213 to %while3A_1209 step %while3A_1216 iter_args(%while3A_1219 = %while3A_1215) -> (i32)  : i32 {
        %mul3A_1220 = arith.constant 128 : i32
        %mul3A_1221 = arith.muli %while3A_1218, %mul3A_1220 : i32
        %add3A_1222 = arith.addi %mul3A_1164, %mul3A_1221 : i32
        %iota3A_1223 = tpu.iota {dimensions = array<i32: 0>} : vector<128x1xi32>
        %add3A_1224 = vector.broadcast %add3A_1222 : i32 to vector<128x1xi32>
        %add3A_1225 = arith.addi %add3A_1224, %iota3A_1223 : vector<128x1xi32>
        %ge3A = vector.broadcast %get3A_1142 : i32 to vector<128x1xi32>
        %ge3A_1226 = arith.cmpi sge, %add3A_1225, %ge3A : vector<128x1xi32>
        %lt3A = vector.broadcast %get3A_1146 : i32 to vector<128x1xi32>
        %lt3A_1227 = arith.cmpi slt, %add3A_1225, %lt3A : vector<128x1xi32>
        %and3A_1228 = arith.andi %ge3A_1226, %lt3A_1227 : vector<128x1xi1>
        %get3A_1229 = arith.index_cast %add3A_1222 : i32 to index
        %get3A_1230 = arith.constant 0 : index
        %get3A_1231 = vector.load %arg17[%get3A_1229, %get3A_1230] : memref<2176x256xf32, #tpu.memory_space<vmem>>, vector<128x256xf32>
        %get3A_1232 = arith.index_cast %add3A_1222 : i32 to index
        %get3A_1233 = arith.constant 0 : index
        %get3A_1234 = vector.load %arg16[%get3A_1232, %get3A_1233] : memref<2176x384xf32, #tpu.memory_space<vmem>>, vector<128x256xf32>
        %add3A_1235 = arith.addf %get3A_1231, %get3A_1234 : vector<128x256xf32>
        %broadcast_in_dim3A_1236 = vector.shape_cast %and3A_1228 : vector<128x1xi1> to vector<128x1xi1>
        %broadcast_in_dim3A_1237 = vector.broadcast %broadcast_in_dim3A_1236 : vector<128x1xi1> to vector<128x256xi1>
        %select_n3A_1238 = arith.select %broadcast_in_dim3A_1237, %add3A_1235, %get3A_1231 : vector<128x256xi1>, vector<128x256xf32>
        %swap3A_1239 = arith.index_cast %add3A_1222 : i32 to index
        %swap3A_1240 = arith.constant 0 : index
        %swap3A_1241 = vector.load %arg17[%swap3A_1239, %swap3A_1240] : memref<2176x256xf32, #tpu.memory_space<vmem>>, vector<128x256xf32>
        tpu.vector_store %arg17[%swap3A_1239, %swap3A_1240], %select_n3A_1238 {strides = array<i32>} : memref<2176x256xf32, #tpu.memory_space<vmem>>, vector<128x256xf32>,
        %get3A_1242 = arith.constant 0 : index
        %get3A_1243 = arith.constant 0 : index
        %get3A_1244 = vector.load %arg4[%get3A_1242, %get3A_1243] : memref<256x256xf32, #tpu.memory_space<vmem>>, vector<256x256xf32>
        %dot_general3A_1245 = arith.constant dense<0.000000e+00> : vector<128x256xf32>
        %dot_general3A_1246 = tpu.matmul %select_n3A_1238, %get3A_1244, %dot_general3A_1245 {dimension_numbers = #tpu.dot_dimension_numbers<[1], [1], [0], [0], [0, 0, 1, 0], [], []>, transpose_lhs_hint = false} : vector<128x256xf32>, vector<256x256xf32>, vector<128x256xf32> -> vector<128x256xf32>
        %convert_element_type3A_1247 = arith.truncf %dot_general3A_1246 : vector<128x256xf32> to vector<128x256xbf16>
        %get3A_1248 = arith.index_cast %add3A_1222 : i32 to index
        %get3A_1249 = arith.constant 0 : index
        %get3A_1250 = vector.load %arg18[%get3A_1248, %get3A_1249] : memref<2176x256xbf16, #tpu.memory_space<vmem>>, vector<128x256xbf16>
        %broadcast_in_dim3A_1251 = vector.shape_cast %and3A_1228 : vector<128x1xi1> to vector<128x1xi1>
        %broadcast_in_dim3A_1252 = vector.broadcast %broadcast_in_dim3A_1251 : vector<128x1xi1> to vector<128x256xi1>
        %select_n3A_1253 = arith.select %broadcast_in_dim3A_1252, %convert_element_type3A_1247, %get3A_1250 : vector<128x256xi1>, vector<128x256xbf16>
        %swap3A_1254 = arith.index_cast %add3A_1222 : i32 to index
        %swap3A_1255 = arith.constant 0 : index
        %swap3A_1256 = vector.load %arg18[%swap3A_1254, %swap3A_1255] : memref<2176x256xbf16, #tpu.memory_space<vmem>>, vector<128x256xbf16>
        tpu.vector_store %arg18[%swap3A_1254, %swap3A_1255], %select_n3A_1253 {strides = array<i32>} : memref<2176x256xbf16, #tpu.memory_space<vmem>>, vector<128x256xbf16>,
        %get3A_1257 = arith.constant 0 : index
        %get3A_1258 = arith.constant 0 : index
        %get3A_1259 = vector.load %arg5[%get3A_1257, %get3A_1258] : memref<256x256xf32, #tpu.memory_space<vmem>>, vector<256x256xf32>
        %dot_general3A_1260 = arith.constant dense<0.000000e+00> : vector<128x256xf32>
        %dot_general3A_1261 = tpu.matmul %select_n3A_1238, %get3A_1259, %dot_general3A_1260 {dimension_numbers = #tpu.dot_dimension_numbers<[1], [1], [0], [0], [0, 0, 1, 0], [], []>, transpose_lhs_hint = false} : vector<128x256xf32>, vector<256x256xf32>, vector<128x256xf32> -> vector<128x256xf32>
        %iota3A_1262 = tpu.iota {dimensions = array<i32: 1>} : vector<128x32xi32>
        %eq3A_1263 = arith.constant 0 : i32
        %eq3A_1264 = vector.broadcast %eq3A_1263 : i32 to vector<128x32xi32>
        %eq3A_1265 = arith.cmpi eq, %iota3A_1262, %eq3A_1264 : vector<128x32xi32>
        %convert_element_type3A_1266 = arith.extui %eq3A_1265 : vector<128x32xi1> to vector<128x32xi32>
        %convert_element_type3A_1267 = arith.sitofp %convert_element_type3A_1266 : vector<128x32xi32> to vector<128x32xf32>
        %convert_element_type3A_1268 = arith.truncf %convert_element_type3A_1267 : vector<128x32xf32> to vector<128x32xbf16>
        %slice3A_1269 = vector.extract_strided_slice %dot_general3A_1261 {offsets = [0, 0], sizes = [128, 32], strides = [1, 1]} : vector<128x256xf32> to vector<128x32xf32>
        %convert_element_type3A_1270 = arith.truncf %slice3A_1269 : vector<128x32xf32> to vector<128x32xbf16>
        %slice3A_1271 = vector.extract_strided_slice %dot_general3A_1261 {offsets = [0, 32], sizes = [128, 32], strides = [1, 1]} : vector<128x256xf32> to vector<128x32xf32>
        %convert_element_type3A_1272 = arith.truncf %slice3A_1271 : vector<128x32xf32> to vector<128x32xbf16>
        %slice3A_1273 = vector.extract_strided_slice %dot_general3A_1261 {offsets = [0, 64], sizes = [128, 32], strides = [1, 1]} : vector<128x256xf32> to vector<128x32xf32>
        %convert_element_type3A_1274 = arith.truncf %slice3A_1273 : vector<128x32xf32> to vector<128x32xbf16>
        %slice3A_1275 = vector.extract_strided_slice %dot_general3A_1261 {offsets = [0, 96], sizes = [128, 32], strides = [1, 1]} : vector<128x256xf32> to vector<128x32xf32>
        %convert_element_type3A_1276 = arith.truncf %slice3A_1275 : vector<128x32xf32> to vector<128x32xbf16>
        %slice3A_1277 = vector.extract_strided_slice %dot_general3A_1261 {offsets = [0, 128], sizes = [128, 32], strides = [1, 1]} : vector<128x256xf32> to vector<128x32xf32>
        %convert_element_type3A_1278 = arith.truncf %slice3A_1277 : vector<128x32xf32> to vector<128x32xbf16>
        %slice3A_1279 = vector.extract_strided_slice %dot_general3A_1261 {offsets = [0, 160], sizes = [128, 32], strides = [1, 1]} : vector<128x256xf32> to vector<128x32xf32>
        %convert_element_type3A_1280 = arith.truncf %slice3A_1279 : vector<128x32xf32> to vector<128x32xbf16>
        %slice3A_1281 = vector.extract_strided_slice %dot_general3A_1261 {offsets = [0, 192], sizes = [128, 32], strides = [1, 1]} : vector<128x256xf32> to vector<128x32xf32>
        %convert_element_type3A_1282 = arith.truncf %slice3A_1281 : vector<128x32xf32> to vector<128x32xbf16>
        %slice3A_1283 = vector.extract_strided_slice %dot_general3A_1261 {offsets = [0, 224], sizes = [128, 32], strides = [1, 1]} : vector<128x256xf32> to vector<128x32xf32>
        %convert_element_type3A_1284 = arith.truncf %slice3A_1283 : vector<128x32xf32> to vector<128x32xbf16>
        %concatenate3A_1285 = tpu.concatenate %convert_element_type3A_1270, %convert_element_type3A_1268, %convert_element_type3A_1272, %convert_element_type3A_1268, %convert_element_type3A_1274, %convert_element_type3A_1268, %convert_element_type3A_1276, %convert_element_type3A_1268, %convert_element_type3A_1278, %convert_element_type3A_1268, %convert_element_type3A_1280, %convert_element_type3A_1268, %convert_element_type3A_1282, %convert_element_type3A_1268, %convert_element_type3A_1284, %convert_element_type3A_1268 in 1 : vector<128x32xbf16>, vector<128x32xbf16>, vector<128x32xbf16>, vector<128x32xbf16>, vector<128x32xbf16>, vector<128x32xbf16>, vector<128x32xbf16>, vector<128x32xbf16>, vector<128x32xbf16>, vector<128x32xbf16>, vector<128x32xbf16>, vector<128x32xbf16>, vector<128x32xbf16>, vector<128x32xbf16>, vector<128x32xbf16>, vector<128x32xbf16> -> vector<128x512xbf16>
        %get3A_1286 = arith.index_cast %add3A_1222 : i32 to index
        %get3A_1287 = arith.constant 0 : index
        %get3A_1288 = vector.load %arg19[%get3A_1286, %get3A_1287] : memref<2176x512xbf16, #tpu.memory_space<vmem>>, vector<128x512xbf16>
        %broadcast_in_dim3A_1289 = vector.shape_cast %and3A_1228 : vector<128x1xi1> to vector<128x1xi1>
        %broadcast_in_dim3A_1290 = vector.broadcast %broadcast_in_dim3A_1289 : vector<128x1xi1> to vector<128x512xi1>
        %select_n3A_1291 = arith.select %broadcast_in_dim3A_1290, %concatenate3A_1285, %get3A_1288 : vector<128x512xi1>, vector<128x512xbf16>
        %swap3A_1292 = arith.index_cast %add3A_1222 : i32 to index
        %swap3A_1293 = arith.constant 0 : index
        %swap3A_1294 = vector.load %arg19[%swap3A_1292, %swap3A_1293] : memref<2176x512xbf16, #tpu.memory_space<vmem>>, vector<128x512xbf16>
        tpu.vector_store %arg19[%swap3A_1292, %swap3A_1293], %select_n3A_1291 {strides = array<i32>} : memref<2176x512xbf16, #tpu.memory_space<vmem>>, vector<128x512xbf16>,
        %while3A_1295 = arith.constant 0 : i32
        scf.yield %while3A_1295 : i32
      }
    }
    %while3A_425 = arith.constant 1 : i32
    scf.for %while3A_1140 = %while3A_423 to %while3A_419 step %while3A_425  : i32 {
      %get3A_1141 = arith.index_cast %while3A_1140 : i32 to index
      %get3A_1142 = memref.load %arg0[%get3A_1141] : memref<2064xi32, #tpu.memory_space<smem>>
      %add3A_1143 = arith.constant 1 : i32
      %add3A_1144 = arith.addi %while3A_1140, %add3A_1143 : i32
      %get3A_1145 = arith.index_cast %add3A_1144 : i32 to index
      %get3A_1146 = memref.load %arg0[%get3A_1145] : memref<2064xi32, #tpu.memory_space<smem>>
      %jit3A = arith.constant 16 : i32
      %div3A = arith.divsi %get3A_1142, %jit3A : i32
      %sign3A = arith.constant 0 : i32
      %sign3A_1147 = arith.cmpi sgt, %get3A_1142, %sign3A : i32
      %sign3A_1148 = arith.extui %sign3A_1147 : i1 to i32
      %sign3A_1149 = arith.constant 0 : i32
      %sign3A_1150 = arith.cmpi slt, %get3A_1142, %sign3A_1149 : i32
      %sign3A_1151 = arith.extui %sign3A_1150 : i1 to i32
      %sign3A_1152 = arith.subi %sign3A_1148, %sign3A_1151 : i32
      %sign3A_1153 = arith.constant 0 : i32
      %sign3A_1154 = arith.cmpi sgt, %jit3A, %sign3A_1153 : i32
      %sign3A_1155 = arith.extui %sign3A_1154 : i1 to i32
      %sign3A_1156 = arith.constant 0 : i32
      %sign3A_1157 = arith.cmpi slt, %jit3A, %sign3A_1156 : i32
      %sign3A_1158 = arith.extui %sign3A_1157 : i1 to i32
      %sign3A_1159 = arith.subi %sign3A_1155, %sign3A_1158 : i32
      %ne3A = arith.cmpi ne, %sign3A_1152, %sign3A_1159 : i32
      %rem3A = arith.remsi %get3A_1142, %jit3A : i32
      %ne3A_1160 = arith.constant 0 : i32
      %ne3A_1161 = arith.cmpi ne, %rem3A, %ne3A_1160 : i32
      %and3A = arith.andi %ne3A, %ne3A_1161 : i1
      %sub3A = arith.constant 1 : i32
      %sub3A_1162 = arith.subi %div3A, %sub3A : i32
      %select_n3A = arith.select %and3A, %sub3A_1162, %div3A : i32
      %mul3A_1163 = arith.constant 16 : i32
      %mul3A_1164 = arith.muli %select_n3A, %mul3A_1163 : i32
      %sub3A_1165 = arith.subi %get3A_1146, %mul3A_1164 : i32
      %add3A_1166 = arith.constant 128 : i32
      %add3A_1167 = arith.addi %sub3A_1165, %add3A_1166 : i32
      %sub3A_1168 = arith.constant 1 : i32
      %sub3A_1169 = arith.subi %add3A_1167, %sub3A_1168 : i32
      %jit3A_1170 = arith.constant 128 : i32
      %div3A_1171 = arith.divsi %sub3A_1169, %jit3A_1170 : i32
      %sign3A_1172 = arith.constant 0 : i32
      %sign3A_1173 = arith.cmpi sgt, %sub3A_1169, %sign3A_1172 : i32
      %sign3A_1174 = arith.extui %sign3A_1173 : i1 to i32
      %sign3A_1175 = arith.constant 0 : i32
      %sign3A_1176 = arith.cmpi slt, %sub3A_1169, %sign3A_1175 : i32
      %sign3A_1177 = arith.extui %sign3A_1176 : i1 to i32
      %sign3A_1178 = arith.subi %sign3A_1174, %sign3A_1177 : i32
      %sign3A_1179 = arith.constant 0 : i32
      %sign3A_1180 = arith.cmpi sgt, %jit3A_1170, %sign3A_1179 : i32
      %sign3A_1181 = arith.extui %sign3A_1180 : i1 to i32
      %sign3A_1182 = arith.constant 0 : i32
      %sign3A_1183 = arith.cmpi slt, %jit3A_1170, %sign3A_1182 : i32
      %sign3A_1184 = arith.extui %sign3A_1183 : i1 to i32
      %sign3A_1185 = arith.subi %sign3A_1181, %sign3A_1184 : i32
      %ne3A_1186 = arith.cmpi ne, %sign3A_1178, %sign3A_1185 : i32
      %rem3A_1187 = arith.remsi %sub3A_1169, %jit3A_1170 : i32
      %ne3A_1188 = arith.constant 0 : i32
      %ne3A_1189 = arith.cmpi ne, %rem3A_1187, %ne3A_1188 : i32
      %and3A_1190 = arith.andi %ne3A_1186, %ne3A_1189 : i1
      %sub3A_1191 = arith.constant 1 : i32
      %sub3A_1192 = arith.subi %div3A_1171, %sub3A_1191 : i32
      %select_n3A_1193 = arith.select %and3A_1190, %sub3A_1192, %div3A_1171 : i32
      %while3A_1194 = arith.constant 0 : i32
      %while3A_1195 = arith.constant 0 : i32
      %while3A_1196 = arith.subi %select_n3A_1193, %while3A_1194 : i32
      %while3A_1197 = arith.addi %while3A_1194, %while3A_1196 : i32
      %while3A_1198 = arith.constant 1 : i32
      %while3A_1199 = arith.divsi %while3A_1196, %while3A_1198 : i32
      %while3A_1200 = arith.muli %while3A_1199, %while3A_1198 : i32
      %while3A_1201 = arith.addi %while3A_1194, %while3A_1200 : i32
      %while3A_1202 = arith.constant 1 : i32
      %while3A_1203 = scf.for %while3A_1218 = %while3A_1194 to %while3A_1201 step %while3A_1202 iter_args(%while3A_1219 = %while3A_1195) -> (i32)  : i32 {
        %mul3A_1220 = arith.constant 128 : i32
        %mul3A_1221 = arith.muli %while3A_1218, %mul3A_1220 : i32
        %add3A_1222 = arith.addi %mul3A_1164, %mul3A_1221 : i32
        %iota3A_1223 = tpu.iota {dimensions = array<i32: 0>} : vector<128x1xi32>
        %add3A_1224 = vector.broadcast %add3A_1222 : i32 to vector<128x1xi32>
        %add3A_1225 = arith.addi %add3A_1224, %iota3A_1223 : vector<128x1xi32>
        %ge3A = vector.broadcast %get3A_1142 : i32 to vector<128x1xi32>
        %ge3A_1226 = arith.cmpi sge, %add3A_1225, %ge3A : vector<128x1xi32>
        %lt3A = vector.broadcast %get3A_1146 : i32 to vector<128x1xi32>
        %lt3A_1227 = arith.cmpi slt, %add3A_1225, %lt3A : vector<128x1xi32>
        %and3A_1228 = arith.andi %ge3A_1226, %lt3A_1227 : vector<128x1xi1>
        %get3A_1229 = arith.index_cast %add3A_1222 : i32 to index
        %get3A_1230 = arith.constant 0 : index
        %get3A_1231 = vector.load %arg17[%get3A_1229, %get3A_1230] : memref<2176x256xf32, #tpu.memory_space<vmem>>, vector<128x256xf32>
        %get3A_1232 = arith.constant 0 : index
        %get3A_1233 = arith.constant 0 : index
        %get3A_1234 = vector.load %arg3[%get3A_1232, %get3A_1233] : memref<256x256xf32, #tpu.memory_space<vmem>>, vector<256x256xf32>
        %dot_general3A_1235 = arith.constant dense<0.000000e+00> : vector<128x256xf32>
        %dot_general3A_1236 = tpu.matmul %get3A_1231, %get3A_1234, %dot_general3A_1235 {dimension_numbers = #tpu.dot_dimension_numbers<[1], [1], [0], [0], [0, 0, 1, 0], [], []>, transpose_lhs_hint = false} : vector<128x256xf32>, vector<256x256xf32>, vector<128x256xf32> -> vector<128x256xf32>
        %mul3A_1237 = arith.constant 0.176776692 : f32
        %mul3A_1238 = vector.broadcast %mul3A_1237 : f32 to vector<128x256xf32>
        %mul3A_1239 = arith.mulf %dot_general3A_1236, %mul3A_1238 : vector<128x256xf32>
        %slice3A_1240 = vector.extract_strided_slice %mul3A_1239 {offsets = [0, 0], sizes = [128, 32], strides = [1, 1]} : vector<128x256xf32> to vector<128x32xf32>
        %convert_element_type3A_1241 = arith.truncf %slice3A_1240 : vector<128x32xf32> to vector<128x32xbf16>
        %get3A_1242 = arith.constant 0 : index
        %get3A_1243 = arith.constant 0 : index
        %get3A_1244 = vector.load %arg18[%get3A_1242, %get3A_1243] : memref<2176x256xbf16, #tpu.memory_space<vmem>>, vector<2048x32xbf16>
        %dot_general3A_1245 = arith.constant dense<0.000000e+00> : vector<128x2048xf32>
        %dot_general3A_1246 = tpu.matmul %convert_element_type3A_1241, %get3A_1244, %dot_general3A_1245 {dimension_numbers = #tpu.dot_dimension_numbers<[1], [1], [0], [0], [0, 0, 1, 0], [], []>, transpose_lhs_hint = false} : vector<128x32xbf16>, vector<2048x32xbf16>, vector<128x2048xf32> -> vector<128x2048xf32>
        %reduce_max3A = arith.constant dense<0xFF800000> : vector<128xf32>
        %reduce_max3A_1247 = vector.multi_reduction <maximumf>, %dot_general3A_1246, %reduce_max3A [1] : vector<128x2048xf32> to vector<128xf32>
        %broadcast_in_dim3A_1248 = vector.shape_cast %reduce_max3A_1247 : vector<128xf32> to vector<128x1xf32>
        %sub3A_1249 = vector.broadcast %broadcast_in_dim3A_1248 : vector<128x1xf32> to vector<128x2048xf32>
        %sub3A_1250 = arith.subf %dot_general3A_1246, %sub3A_1249 : vector<128x2048xf32>
        %exp3A = math.exp %sub3A_1250 : vector<128x2048xf32>
        %convert_element_type3A_1251 = arith.truncf %exp3A : vector<128x2048xf32> to vector<128x2048xbf16>
        %get3A_1252 = arith.constant 0 : index
        %get3A_1253 = arith.constant 0 : index
        %get3A_1254 = vector.load %arg19[%get3A_1252, %get3A_1253] : memref<2176x512xbf16, #tpu.memory_space<vmem>>, vector<2048x64xbf16>
        %dot_general3A_1255 = arith.constant dense<0.000000e+00> : vector<128x64xf32>
        %dot_general3A_1256 = tpu.matmul %convert_element_type3A_1251, %get3A_1254, %dot_general3A_1255 {dimension_numbers = #tpu.dot_dimension_numbers<[1], [0], [0], [1], [0, 0, 1, 1], [], []>, transpose_lhs_hint = false} : vector<128x2048xbf16>, vector<2048x64xbf16>, vector<128x64xf32> -> vector<128x64xf32>
        %slice3A_1257 = vector.extract_strided_slice %dot_general3A_1256 {offsets = [0, 0], sizes = [128, 32], strides = [1, 1]} : vector<128x64xf32> to vector<128x32xf32>
        %slice3A_1258 = vector.extract_strided_slice %dot_general3A_1256 {offsets = [0, 32], sizes = [128, 1], strides = [1, 1]} : vector<128x64xf32> to vector<128x1xf32>
        %div3A_1259 = vector.broadcast %slice3A_1258 : vector<128x1xf32> to vector<128x32xf32>
        %div3A_1260 = arith.divf %slice3A_1257, %div3A_1259 : vector<128x32xf32>
        %slice3A_1261 = vector.extract_strided_slice %mul3A_1239 {offsets = [0, 32], sizes = [128, 32], strides = [1, 1]} : vector<128x256xf32> to vector<128x32xf32>
        %convert_element_type3A_1262 = arith.truncf %slice3A_1261 : vector<128x32xf32> to vector<128x32xbf16>
        %get3A_1263 = arith.constant 0 : index
        %get3A_1264 = arith.constant 32 : index
        %get3A_1265 = vector.load %arg18[%get3A_1263, %get3A_1264] : memref<2176x256xbf16, #tpu.memory_space<vmem>>, vector<2048x32xbf16>
        %dot_general3A_1266 = arith.constant dense<0.000000e+00> : vector<128x2048xf32>
        %dot_general3A_1267 = tpu.matmul %convert_element_type3A_1262, %get3A_1265, %dot_general3A_1266 {dimension_numbers = #tpu.dot_dimension_numbers<[1], [1], [0], [0], [0, 0, 1, 0], [], []>, transpose_lhs_hint = false} : vector<128x32xbf16>, vector<2048x32xbf16>, vector<128x2048xf32> -> vector<128x2048xf32>
        %reduce_max3A_1268 = arith.constant dense<0xFF800000> : vector<128xf32>
        %reduce_max3A_1269 = vector.multi_reduction <maximumf>, %dot_general3A_1267, %reduce_max3A_1268 [1] : vector<128x2048xf32> to vector<128xf32>
        %broadcast_in_dim3A_1270 = vector.shape_cast %reduce_max3A_1269 : vector<128xf32> to vector<128x1xf32>
        %sub3A_1271 = vector.broadcast %broadcast_in_dim3A_1270 : vector<128x1xf32> to vector<128x2048xf32>
        %sub3A_1272 = arith.subf %dot_general3A_1267, %sub3A_1271 : vector<128x2048xf32>
        %exp3A_1273 = math.exp %sub3A_1272 : vector<128x2048xf32>
        %convert_element_type3A_1274 = arith.truncf %exp3A_1273 : vector<128x2048xf32> to vector<128x2048xbf16>
        %get3A_1275 = arith.constant 0 : index
        %get3A_1276 = arith.constant 64 : index
        %get3A_1277 = vector.load %arg19[%get3A_1275, %get3A_1276] : memref<2176x512xbf16, #tpu.memory_space<vmem>>, vector<2048x64xbf16>
        %dot_general3A_1278 = arith.constant dense<0.000000e+00> : vector<128x64xf32>
        %dot_general3A_1279 = tpu.matmul %convert_element_type3A_1274, %get3A_1277, %dot_general3A_1278 {dimension_numbers = #tpu.dot_dimension_numbers<[1], [0], [0], [1], [0, 0, 1, 1], [], []>, transpose_lhs_hint = false} : vector<128x2048xbf16>, vector<2048x64xbf16>, vector<128x64xf32> -> vector<128x64xf32>
        %slice3A_1280 = vector.extract_strided_slice %dot_general3A_1279 {offsets = [0, 0], sizes = [128, 32], strides = [1, 1]} : vector<128x64xf32> to vector<128x32xf32>
        %slice3A_1281 = vector.extract_strided_slice %dot_general3A_1279 {offsets = [0, 32], sizes = [128, 1], strides = [1, 1]} : vector<128x64xf32> to vector<128x1xf32>
        %div3A_1282 = vector.broadcast %slice3A_1281 : vector<128x1xf32> to vector<128x32xf32>
        %div3A_1283 = arith.divf %slice3A_1280, %div3A_1282 : vector<128x32xf32>
        %slice3A_1284 = vector.extract_strided_slice %mul3A_1239 {offsets = [0, 64], sizes = [128, 32], strides = [1, 1]} : vector<128x256xf32> to vector<128x32xf32>
        %convert_element_type3A_1285 = arith.truncf %slice3A_1284 : vector<128x32xf32> to vector<128x32xbf16>
        %get3A_1286 = arith.constant 0 : index
        %get3A_1287 = arith.constant 64 : index
        %get3A_1288 = vector.load %arg18[%get3A_1286, %get3A_1287] : memref<2176x256xbf16, #tpu.memory_space<vmem>>, vector<2048x32xbf16>
        %dot_general3A_1289 = arith.constant dense<0.000000e+00> : vector<128x2048xf32>
        %dot_general3A_1290 = tpu.matmul %convert_element_type3A_1285, %get3A_1288, %dot_general3A_1289 {dimension_numbers = #tpu.dot_dimension_numbers<[1], [1], [0], [0], [0, 0, 1, 0], [], []>, transpose_lhs_hint = false} : vector<128x32xbf16>, vector<2048x32xbf16>, vector<128x2048xf32> -> vector<128x2048xf32>
        %reduce_max3A_1291 = arith.constant dense<0xFF800000> : vector<128xf32>
        %reduce_max3A_1292 = vector.multi_reduction <maximumf>, %dot_general3A_1290, %reduce_max3A_1291 [1] : vector<128x2048xf32> to vector<128xf32>
        %broadcast_in_dim3A_1293 = vector.shape_cast %reduce_max3A_1292 : vector<128xf32> to vector<128x1xf32>
        %sub3A_1294 = vector.broadcast %broadcast_in_dim3A_1293 : vector<128x1xf32> to vector<128x2048xf32>
        %sub3A_1295 = arith.subf %dot_general3A_1290, %sub3A_1294 : vector<128x2048xf32>
        %exp3A_1296 = math.exp %sub3A_1295 : vector<128x2048xf32>
        %convert_element_type3A_1297 = arith.truncf %exp3A_1296 : vector<128x2048xf32> to vector<128x2048xbf16>
        %get3A_1298 = arith.constant 0 : index
        %get3A_1299 = arith.constant 128 : index
        %get3A_1300 = vector.load %arg19[%get3A_1298, %get3A_1299] : memref<2176x512xbf16, #tpu.memory_space<vmem>>, vector<2048x64xbf16>
        %dot_general3A_1301 = arith.constant dense<0.000000e+00> : vector<128x64xf32>
        %dot_general3A_1302 = tpu.matmul %convert_element_type3A_1297, %get3A_1300, %dot_general3A_1301 {dimension_numbers = #tpu.dot_dimension_numbers<[1], [0], [0], [1], [0, 0, 1, 1], [], []>, transpose_lhs_hint = false} : vector<128x2048xbf16>, vector<2048x64xbf16>, vector<128x64xf32> -> vector<128x64xf32>
        %slice3A_1303 = vector.extract_strided_slice %dot_general3A_1302 {offsets = [0, 0], sizes = [128, 32], strides = [1, 1]} : vector<128x64xf32> to vector<128x32xf32>
        %slice3A_1304 = vector.extract_strided_slice %dot_general3A_1302 {offsets = [0, 32], sizes = [128, 1], strides = [1, 1]} : vector<128x64xf32> to vector<128x1xf32>
        %div3A_1305 = vector.broadcast %slice3A_1304 : vector<128x1xf32> to vector<128x32xf32>
        %div3A_1306 = arith.divf %slice3A_1303, %div3A_1305 : vector<128x32xf32>
        %slice3A_1307 = vector.extract_strided_slice %mul3A_1239 {offsets = [0, 96], sizes = [128, 32], strides = [1, 1]} : vector<128x256xf32> to vector<128x32xf32>
        %convert_element_type3A_1308 = arith.truncf %slice3A_1307 : vector<128x32xf32> to vector<128x32xbf16>
        %get3A_1309 = arith.constant 0 : index
        %get3A_1310 = arith.constant 96 : index
        %get3A_1311 = vector.load %arg18[%get3A_1309, %get3A_1310] : memref<2176x256xbf16, #tpu.memory_space<vmem>>, vector<2048x32xbf16>
        %dot_general3A_1312 = arith.constant dense<0.000000e+00> : vector<128x2048xf32>
        %dot_general3A_1313 = tpu.matmul %convert_element_type3A_1308, %get3A_1311, %dot_general3A_1312 {dimension_numbers = #tpu.dot_dimension_numbers<[1], [1], [0], [0], [0, 0, 1, 0], [], []>, transpose_lhs_hint = false} : vector<128x32xbf16>, vector<2048x32xbf16>, vector<128x2048xf32> -> vector<128x2048xf32>
        %reduce_max3A_1314 = arith.constant dense<0xFF800000> : vector<128xf32>
        %reduce_max3A_1315 = vector.multi_reduction <maximumf>, %dot_general3A_1313, %reduce_max3A_1314 [1] : vector<128x2048xf32> to vector<128xf32>
        %broadcast_in_dim3A_1316 = vector.shape_cast %reduce_max3A_1315 : vector<128xf32> to vector<128x1xf32>
        %sub3A_1317 = vector.broadcast %broadcast_in_dim3A_1316 : vector<128x1xf32> to vector<128x2048xf32>
        %sub3A_1318 = arith.subf %dot_general3A_1313, %sub3A_1317 : vector<128x2048xf32>
        %exp3A_1319 = math.exp %sub3A_1318 : vector<128x2048xf32>
        %convert_element_type3A_1320 = arith.truncf %exp3A_1319 : vector<128x2048xf32> to vector<128x2048xbf16>
        %get3A_1321 = arith.constant 0 : index
        %get3A_1322 = arith.constant 192 : index
        %get3A_1323 = vector.load %arg19[%get3A_1321, %get3A_1322] : memref<2176x512xbf16, #tpu.memory_space<vmem>>, vector<2048x64xbf16>
        %dot_general3A_1324 = arith.constant dense<0.000000e+00> : vector<128x64xf32>
        %dot_general3A_1325 = tpu.matmul %convert_element_type3A_1320, %get3A_1323, %dot_general3A_1324 {dimension_numbers = #tpu.dot_dimension_numbers<[1], [0], [0], [1], [0, 0, 1, 1], [], []>, transpose_lhs_hint = false} : vector<128x2048xbf16>, vector<2048x64xbf16>, vector<128x64xf32> -> vector<128x64xf32>
        %slice3A_1326 = vector.extract_strided_slice %dot_general3A_1325 {offsets = [0, 0], sizes = [128, 32], strides = [1, 1]} : vector<128x64xf32> to vector<128x32xf32>
        %slice3A_1327 = vector.extract_strided_slice %dot_general3A_1325 {offsets = [0, 32], sizes = [128, 1], strides = [1, 1]} : vector<128x64xf32> to vector<128x1xf32>
        %div3A_1328 = vector.broadcast %slice3A_1327 : vector<128x1xf32> to vector<128x32xf32>
        %div3A_1329 = arith.divf %slice3A_1326, %div3A_1328 : vector<128x32xf32>
        %slice3A_1330 = vector.extract_strided_slice %mul3A_1239 {offsets = [0, 128], sizes = [128, 32], strides = [1, 1]} : vector<128x256xf32> to vector<128x32xf32>
        %convert_element_type3A_1331 = arith.truncf %slice3A_1330 : vector<128x32xf32> to vector<128x32xbf16>
        %get3A_1332 = arith.constant 0 : index
        %get3A_1333 = arith.constant 128 : index
        %get3A_1334 = vector.load %arg18[%get3A_1332, %get3A_1333] : memref<2176x256xbf16, #tpu.memory_space<vmem>>, vector<2048x32xbf16>
        %dot_general3A_1335 = arith.constant dense<0.000000e+00> : vector<128x2048xf32>
        %dot_general3A_1336 = tpu.matmul %convert_element_type3A_1331, %get3A_1334, %dot_general3A_1335 {dimension_numbers = #tpu.dot_dimension_numbers<[1], [1], [0], [0], [0, 0, 1, 0], [], []>, transpose_lhs_hint = false} : vector<128x32xbf16>, vector<2048x32xbf16>, vector<128x2048xf32> -> vector<128x2048xf32>
        %reduce_max3A_1337 = arith.constant dense<0xFF800000> : vector<128xf32>
        %reduce_max3A_1338 = vector.multi_reduction <maximumf>, %dot_general3A_1336, %reduce_max3A_1337 [1] : vector<128x2048xf32> to vector<128xf32>
        %broadcast_in_dim3A_1339 = vector.shape_cast %reduce_max3A_1338 : vector<128xf32> to vector<128x1xf32>
        %sub3A_1340 = vector.broadcast %broadcast_in_dim3A_1339 : vector<128x1xf32> to vector<128x2048xf32>
        %sub3A_1341 = arith.subf %dot_general3A_1336, %sub3A_1340 : vector<128x2048xf32>
        %exp3A_1342 = math.exp %sub3A_1341 : vector<128x2048xf32>
        %convert_element_type3A_1343 = arith.truncf %exp3A_1342 : vector<128x2048xf32> to vector<128x2048xbf16>
        %get3A_1344 = arith.constant 0 : index
        %get3A_1345 = arith.constant 256 : index
        %get3A_1346 = vector.load %arg19[%get3A_1344, %get3A_1345] : memref<2176x512xbf16, #tpu.memory_space<vmem>>, vector<2048x64xbf16>
        %dot_general3A_1347 = arith.constant dense<0.000000e+00> : vector<128x64xf32>
        %dot_general3A_1348 = tpu.matmul %convert_element_type3A_1343, %get3A_1346, %dot_general3A_1347 {dimension_numbers = #tpu.dot_dimension_numbers<[1], [0], [0], [1], [0, 0, 1, 1], [], []>, transpose_lhs_hint = false} : vector<128x2048xbf16>, vector<2048x64xbf16>, vector<128x64xf32> -> vector<128x64xf32>
        %slice3A_1349 = vector.extract_strided_slice %dot_general3A_1348 {offsets = [0, 0], sizes = [128, 32], strides = [1, 1]} : vector<128x64xf32> to vector<128x32xf32>
        %slice3A_1350 = vector.extract_strided_slice %dot_general3A_1348 {offsets = [0, 32], sizes = [128, 1], strides = [1, 1]} : vector<128x64xf32> to vector<128x1xf32>
        %div3A_1351 = vector.broadcast %slice3A_1350 : vector<128x1xf32> to vector<128x32xf32>
        %div3A_1352 = arith.divf %slice3A_1349, %div3A_1351 : vector<128x32xf32>
        %slice3A_1353 = vector.extract_strided_slice %mul3A_1239 {offsets = [0, 160], sizes = [128, 32], strides = [1, 1]} : vector<128x256xf32> to vector<128x32xf32>
        %convert_element_type3A_1354 = arith.truncf %slice3A_1353 : vector<128x32xf32> to vector<128x32xbf16>
        %get3A_1355 = arith.constant 0 : index
        %get3A_1356 = arith.constant 160 : index
        %get3A_1357 = vector.load %arg18[%get3A_1355, %get3A_1356] : memref<2176x256xbf16, #tpu.memory_space<vmem>>, vector<2048x32xbf16>
        %dot_general3A_1358 = arith.constant dense<0.000000e+00> : vector<128x2048xf32>
        %dot_general3A_1359 = tpu.matmul %convert_element_type3A_1354, %get3A_1357, %dot_general3A_1358 {dimension_numbers = #tpu.dot_dimension_numbers<[1], [1], [0], [0], [0, 0, 1, 0], [], []>, transpose_lhs_hint = false} : vector<128x32xbf16>, vector<2048x32xbf16>, vector<128x2048xf32> -> vector<128x2048xf32>
        %reduce_max3A_1360 = arith.constant dense<0xFF800000> : vector<128xf32>
        %reduce_max3A_1361 = vector.multi_reduction <maximumf>, %dot_general3A_1359, %reduce_max3A_1360 [1] : vector<128x2048xf32> to vector<128xf32>
        %broadcast_in_dim3A_1362 = vector.shape_cast %reduce_max3A_1361 : vector<128xf32> to vector<128x1xf32>
        %sub3A_1363 = vector.broadcast %broadcast_in_dim3A_1362 : vector<128x1xf32> to vector<128x2048xf32>
        %sub3A_1364 = arith.subf %dot_general3A_1359, %sub3A_1363 : vector<128x2048xf32>
        %exp3A_1365 = math.exp %sub3A_1364 : vector<128x2048xf32>
        %convert_element_type3A_1366 = arith.truncf %exp3A_1365 : vector<128x2048xf32> to vector<128x2048xbf16>
        %get3A_1367 = arith.constant 0 : index
        %get3A_1368 = arith.constant 320 : index
        %get3A_1369 = vector.load %arg19[%get3A_1367, %get3A_1368] : memref<2176x512xbf16, #tpu.memory_space<vmem>>, vector<2048x64xbf16>
        %dot_general3A_1370 = arith.constant dense<0.000000e+00> : vector<128x64xf32>
        %dot_general3A_1371 = tpu.matmul %convert_element_type3A_1366, %get3A_1369, %dot_general3A_1370 {dimension_numbers = #tpu.dot_dimension_numbers<[1], [0], [0], [1], [0, 0, 1, 1], [], []>, transpose_lhs_hint = false} : vector<128x2048xbf16>, vector<2048x64xbf16>, vector<128x64xf32> -> vector<128x64xf32>
        %slice3A_1372 = vector.extract_strided_slice %dot_general3A_1371 {offsets = [0, 0], sizes = [128, 32], strides = [1, 1]} : vector<128x64xf32> to vector<128x32xf32>
        %slice3A_1373 = vector.extract_strided_slice %dot_general3A_1371 {offsets = [0, 32], sizes = [128, 1], strides = [1, 1]} : vector<128x64xf32> to vector<128x1xf32>
        %div3A_1374 = vector.broadcast %slice3A_1373 : vector<128x1xf32> to vector<128x32xf32>
        %div3A_1375 = arith.divf %slice3A_1372, %div3A_1374 : vector<128x32xf32>
        %slice3A_1376 = vector.extract_strided_slice %mul3A_1239 {offsets = [0, 192], sizes = [128, 32], strides = [1, 1]} : vector<128x256xf32> to vector<128x32xf32>
        %convert_element_type3A_1377 = arith.truncf %slice3A_1376 : vector<128x32xf32> to vector<128x32xbf16>
        %get3A_1378 = arith.constant 0 : index
        %get3A_1379 = arith.constant 192 : index
        %get3A_1380 = vector.load %arg18[%get3A_1378, %get3A_1379] : memref<2176x256xbf16, #tpu.memory_space<vmem>>, vector<2048x32xbf16>
        %dot_general3A_1381 = arith.constant dense<0.000000e+00> : vector<128x2048xf32>
        %dot_general3A_1382 = tpu.matmul %convert_element_type3A_1377, %get3A_1380, %dot_general3A_1381 {dimension_numbers = #tpu.dot_dimension_numbers<[1], [1], [0], [0], [0, 0, 1, 0], [], []>, transpose_lhs_hint = false} : vector<128x32xbf16>, vector<2048x32xbf16>, vector<128x2048xf32> -> vector<128x2048xf32>
        %reduce_max3A_1383 = arith.constant dense<0xFF800000> : vector<128xf32>
        %reduce_max3A_1384 = vector.multi_reduction <maximumf>, %dot_general3A_1382, %reduce_max3A_1383 [1] : vector<128x2048xf32> to vector<128xf32>
        %broadcast_in_dim3A_1385 = vector.shape_cast %reduce_max3A_1384 : vector<128xf32> to vector<128x1xf32>
        %sub3A_1386 = vector.broadcast %broadcast_in_dim3A_1385 : vector<128x1xf32> to vector<128x2048xf32>
        %sub3A_1387 = arith.subf %dot_general3A_1382, %sub3A_1386 : vector<128x2048xf32>
        %exp3A_1388 = math.exp %sub3A_1387 : vector<128x2048xf32>
        %convert_element_type3A_1389 = arith.truncf %exp3A_1388 : vector<128x2048xf32> to vector<128x2048xbf16>
        %get3A_1390 = arith.constant 0 : index
        %get3A_1391 = arith.constant 384 : index
        %get3A_1392 = vector.load %arg19[%get3A_1390, %get3A_1391] : memref<2176x512xbf16, #tpu.memory_space<vmem>>, vector<2048x64xbf16>
        %dot_general3A_1393 = arith.constant dense<0.000000e+00> : vector<128x64xf32>
        %dot_general3A_1394 = tpu.matmul %convert_element_type3A_1389, %get3A_1392, %dot_general3A_1393 {dimension_numbers = #tpu.dot_dimension_numbers<[1], [0], [0], [1], [0, 0, 1, 1], [], []>, transpose_lhs_hint = false} : vector<128x2048xbf16>, vector<2048x64xbf16>, vector<128x64xf32> -> vector<128x64xf32>
        %slice3A_1395 = vector.extract_strided_slice %dot_general3A_1394 {offsets = [0, 0], sizes = [128, 32], strides = [1, 1]} : vector<128x64xf32> to vector<128x32xf32>
        %slice3A_1396 = vector.extract_strided_slice %dot_general3A_1394 {offsets = [0, 32], sizes = [128, 1], strides = [1, 1]} : vector<128x64xf32> to vector<128x1xf32>
        %div3A_1397 = vector.broadcast %slice3A_1396 : vector<128x1xf32> to vector<128x32xf32>
        %div3A_1398 = arith.divf %slice3A_1395, %div3A_1397 : vector<128x32xf32>
        %slice3A_1399 = vector.extract_strided_slice %mul3A_1239 {offsets = [0, 224], sizes = [128, 32], strides = [1, 1]} : vector<128x256xf32> to vector<128x32xf32>
        %convert_element_type3A_1400 = arith.truncf %slice3A_1399 : vector<128x32xf32> to vector<128x32xbf16>
        %get3A_1401 = arith.constant 0 : index
        %get3A_1402 = arith.constant 224 : index
        %get3A_1403 = vector.load %arg18[%get3A_1401, %get3A_1402] : memref<2176x256xbf16, #tpu.memory_space<vmem>>, vector<2048x32xbf16>
        %dot_general3A_1404 = arith.constant dense<0.000000e+00> : vector<128x2048xf32>
        %dot_general3A_1405 = tpu.matmul %convert_element_type3A_1400, %get3A_1403, %dot_general3A_1404 {dimension_numbers = #tpu.dot_dimension_numbers<[1], [1], [0], [0], [0, 0, 1, 0], [], []>, transpose_lhs_hint = false} : vector<128x32xbf16>, vector<2048x32xbf16>, vector<128x2048xf32> -> vector<128x2048xf32>
        %reduce_max3A_1406 = arith.constant dense<0xFF800000> : vector<128xf32>
        %reduce_max3A_1407 = vector.multi_reduction <maximumf>, %dot_general3A_1405, %reduce_max3A_1406 [1] : vector<128x2048xf32> to vector<128xf32>
        %broadcast_in_dim3A_1408 = vector.shape_cast %reduce_max3A_1407 : vector<128xf32> to vector<128x1xf32>
        %sub3A_1409 = vector.broadcast %broadcast_in_dim3A_1408 : vector<128x1xf32> to vector<128x2048xf32>
        %sub3A_1410 = arith.subf %dot_general3A_1405, %sub3A_1409 : vector<128x2048xf32>
        %exp3A_1411 = math.exp %sub3A_1410 : vector<128x2048xf32>
        %convert_element_type3A_1412 = arith.truncf %exp3A_1411 : vector<128x2048xf32> to vector<128x2048xbf16>
        %get3A_1413 = arith.constant 0 : index
        %get3A_1414 = arith.constant 448 : index
        %get3A_1415 = vector.load %arg19[%get3A_1413, %get3A_1414] : memref<2176x512xbf16, #tpu.memory_space<vmem>>, vector<2048x64xbf16>
        %dot_general3A_1416 = arith.constant dense<0.000000e+00> : vector<128x64xf32>
        %dot_general3A_1417 = tpu.matmul %convert_element_type3A_1412, %get3A_1415, %dot_general3A_1416 {dimension_numbers = #tpu.dot_dimension_numbers<[1], [0], [0], [1], [0, 0, 1, 1], [], []>, transpose_lhs_hint = false} : vector<128x2048xbf16>, vector<2048x64xbf16>, vector<128x64xf32> -> vector<128x64xf32>
        %slice3A_1418 = vector.extract_strided_slice %dot_general3A_1417 {offsets = [0, 0], sizes = [128, 32], strides = [1, 1]} : vector<128x64xf32> to vector<128x32xf32>
        %slice3A_1419 = vector.extract_strided_slice %dot_general3A_1417 {offsets = [0, 32], sizes = [128, 1], strides = [1, 1]} : vector<128x64xf32> to vector<128x1xf32>
        %div3A_1420 = vector.broadcast %slice3A_1419 : vector<128x1xf32> to vector<128x32xf32>
        %div3A_1421 = arith.divf %slice3A_1418, %div3A_1420 : vector<128x32xf32>
        %concatenate3A_1422 = tpu.concatenate %div3A_1260, %div3A_1283, %div3A_1306, %div3A_1329, %div3A_1352, %div3A_1375, %div3A_1398, %div3A_1421 in 1 : vector<128x32xf32>, vector<128x32xf32>, vector<128x32xf32>, vector<128x32xf32>, vector<128x32xf32>, vector<128x32xf32>, vector<128x32xf32>, vector<128x32xf32> -> vector<128x256xf32>
        %jit3A_1423 = arith.constant 0.000000e+00 : f32
        %broadcast_in_dim3A_1424 = vector.shape_cast %and3A_1228 : vector<128x1xi1> to vector<128x1xi1>
        %broadcast_in_dim3A_1425 = vector.broadcast %broadcast_in_dim3A_1424 : vector<128x1xi1> to vector<128x256xi1>
        %broadcast_in_dim3A_1426 = vector.broadcast %jit3A_1423 : f32 to vector<128x256xf32>
        %select_n3A_1427 = arith.select %broadcast_in_dim3A_1425, %concatenate3A_1422, %broadcast_in_dim3A_1426 : vector<128x256xi1>, vector<128x256xf32>
        %swap3A_1428 = arith.index_cast %add3A_1222 : i32 to index
        %swap3A_1429 = arith.constant 0 : index
        %swap3A_1430 = vector.load %arg16[%swap3A_1428, %swap3A_1429] : memref<2176x384xf32, #tpu.memory_space<vmem>>, vector<128x256xf32>
        tpu.vector_store %arg16[%swap3A_1428, %swap3A_1429], %select_n3A_1427 {strides = array<i32>} : memref<2176x384xf32, #tpu.memory_space<vmem>>, vector<128x256xf32>,
        %while3A_1431 = arith.constant 0 : i32
        scf.yield %while3A_1431 : i32
      }
      %while3A_1204 = arith.constant 1 : i32
      %while3A_1205 = scf.for %while3A_1218 = %while3A_1201 to %while3A_1197 step %while3A_1204 iter_args(%while3A_1219 = %while3A_1203) -> (i32)  : i32 {
        %mul3A_1220 = arith.constant 128 : i32
        %mul3A_1221 = arith.muli %while3A_1218, %mul3A_1220 : i32
        %add3A_1222 = arith.addi %mul3A_1164, %mul3A_1221 : i32
        %iota3A_1223 = tpu.iota {dimensions = array<i32: 0>} : vector<128x1xi32>
        %add3A_1224 = vector.broadcast %add3A_1222 : i32 to vector<128x1xi32>
        %add3A_1225 = arith.addi %add3A_1224, %iota3A_1223 : vector<128x1xi32>
        %ge3A = vector.broadcast %get3A_1142 : i32 to vector<128x1xi32>
        %ge3A_1226 = arith.cmpi sge, %add3A_1225, %ge3A : vector<128x1xi32>
        %lt3A = vector.broadcast %get3A_1146 : i32 to vector<128x1xi32>
        %lt3A_1227 = arith.cmpi slt, %add3A_1225, %lt3A : vector<128x1xi32>
        %and3A_1228 = arith.andi %ge3A_1226, %lt3A_1227 : vector<128x1xi1>
        %get3A_1229 = arith.index_cast %add3A_1222 : i32 to index
        %get3A_1230 = arith.constant 0 : index
        %get3A_1231 = vector.load %arg17[%get3A_1229, %get3A_1230] : memref<2176x256xf32, #tpu.memory_space<vmem>>, vector<128x256xf32>
        %get3A_1232 = arith.constant 0 : index
        %get3A_1233 = arith.constant 0 : index
        %get3A_1234 = vector.load %arg3[%get3A_1232, %get3A_1233] : memref<256x256xf32, #tpu.memory_space<vmem>>, vector<256x256xf32>
        %dot_general3A_1235 = arith.constant dense<0.000000e+00> : vector<128x256xf32>
        %dot_general3A_1236 = tpu.matmul %get3A_1231, %get3A_1234, %dot_general3A_1235 {dimension_numbers = #tpu.dot_dimension_numbers<[1], [1], [0], [0], [0, 0, 1, 0], [], []>, transpose_lhs_hint = false} : vector<128x256xf32>, vector<256x256xf32>, vector<128x256xf32> -> vector<128x256xf32>
        %mul3A_1237 = arith.constant 0.176776692 : f32
        %mul3A_1238 = vector.broadcast %mul3A_1237 : f32 to vector<128x256xf32>
        %mul3A_1239 = arith.mulf %dot_general3A_1236, %mul3A_1238 : vector<128x256xf32>
        %slice3A_1240 = vector.extract_strided_slice %mul3A_1239 {offsets = [0, 0], sizes = [128, 32], strides = [1, 1]} : vector<128x256xf32> to vector<128x32xf32>
        %convert_element_type3A_1241 = arith.truncf %slice3A_1240 : vector<128x32xf32> to vector<128x32xbf16>
        %get3A_1242 = arith.constant 0 : index
        %get3A_1243 = arith.constant 0 : index
        %get3A_1244 = vector.load %arg18[%get3A_1242, %get3A_1243] : memref<2176x256xbf16, #tpu.memory_space<vmem>>, vector<2048x32xbf16>
        %dot_general3A_1245 = arith.constant dense<0.000000e+00> : vector<128x2048xf32>
        %dot_general3A_1246 = tpu.matmul %convert_element_type3A_1241, %get3A_1244, %dot_general3A_1245 {dimension_numbers = #tpu.dot_dimension_numbers<[1], [1], [0], [0], [0, 0, 1, 0], [], []>, transpose_lhs_hint = false} : vector<128x32xbf16>, vector<2048x32xbf16>, vector<128x2048xf32> -> vector<128x2048xf32>
        %reduce_max3A = arith.constant dense<0xFF800000> : vector<128xf32>
        %reduce_max3A_1247 = vector.multi_reduction <maximumf>, %dot_general3A_1246, %reduce_max3A [1] : vector<128x2048xf32> to vector<128xf32>
        %broadcast_in_dim3A_1248 = vector.shape_cast %reduce_max3A_1247 : vector<128xf32> to vector<128x1xf32>
        %sub3A_1249 = vector.broadcast %broadcast_in_dim3A_1248 : vector<128x1xf32> to vector<128x2048xf32>
        %sub3A_1250 = arith.subf %dot_general3A_1246, %sub3A_1249 : vector<128x2048xf32>
        %exp3A = math.exp %sub3A_1250 : vector<128x2048xf32>
        %convert_element_type3A_1251 = arith.truncf %exp3A : vector<128x2048xf32> to vector<128x2048xbf16>
        %get3A_1252 = arith.constant 0 : index
        %get3A_1253 = arith.constant 0 : index
        %get3A_1254 = vector.load %arg19[%get3A_1252, %get3A_1253] : memref<2176x512xbf16, #tpu.memory_space<vmem>>, vector<2048x64xbf16>
        %dot_general3A_1255 = arith.constant dense<0.000000e+00> : vector<128x64xf32>
        %dot_general3A_1256 = tpu.matmul %convert_element_type3A_1251, %get3A_1254, %dot_general3A_1255 {dimension_numbers = #tpu.dot_dimension_numbers<[1], [0], [0], [1], [0, 0, 1, 1], [], []>, transpose_lhs_hint = false} : vector<128x2048xbf16>, vector<2048x64xbf16>, vector<128x64xf32> -> vector<128x64xf32>
        %slice3A_1257 = vector.extract_strided_slice %dot_general3A_1256 {offsets = [0, 0], sizes = [128, 32], strides = [1, 1]} : vector<128x64xf32> to vector<128x32xf32>
        %slice3A_1258 = vector.extract_strided_slice %dot_general3A_1256 {offsets = [0, 32], sizes = [128, 1], strides = [1, 1]} : vector<128x64xf32> to vector<128x1xf32>
        %div3A_1259 = vector.broadcast %slice3A_1258 : vector<128x1xf32> to vector<128x32xf32>
        %div3A_1260 = arith.divf %slice3A_1257, %div3A_1259 : vector<128x32xf32>
        %slice3A_1261 = vector.extract_strided_slice %mul3A_1239 {offsets = [0, 32], sizes = [128, 32], strides = [1, 1]} : vector<128x256xf32> to vector<128x32xf32>
        %convert_element_type3A_1262 = arith.truncf %slice3A_1261 : vector<128x32xf32> to vector<128x32xbf16>
        %get3A_1263 = arith.constant 0 : index
        %get3A_1264 = arith.constant 32 : index
        %get3A_1265 = vector.load %arg18[%get3A_1263, %get3A_1264] : memref<2176x256xbf16, #tpu.memory_space<vmem>>, vector<2048x32xbf16>
        %dot_general3A_1266 = arith.constant dense<0.000000e+00> : vector<128x2048xf32>
        %dot_general3A_1267 = tpu.matmul %convert_element_type3A_1262, %get3A_1265, %dot_general3A_1266 {dimension_numbers = #tpu.dot_dimension_numbers<[1], [1], [0], [0], [0, 0, 1, 0], [], []>, transpose_lhs_hint = false} : vector<128x32xbf16>, vector<2048x32xbf16>, vector<128x2048xf32> -> vector<128x2048xf32>
        %reduce_max3A_1268 = arith.constant dense<0xFF800000> : vector<128xf32>
        %reduce_max3A_1269 = vector.multi_reduction <maximumf>, %dot_general3A_1267, %reduce_max3A_1268 [1] : vector<128x2048xf32> to vector<128xf32>
        %broadcast_in_dim3A_1270 = vector.shape_cast %reduce_max3A_1269 : vector<128xf32> to vector<128x1xf32>
        %sub3A_1271 = vector.broadcast %broadcast_in_dim3A_1270 : vector<128x1xf32> to vector<128x2048xf32>
        %sub3A_1272 = arith.subf %dot_general3A_1267, %sub3A_1271 : vector<128x2048xf32>
        %exp3A_1273 = math.exp %sub3A_1272 : vector<128x2048xf32>
        %convert_element_type3A_1274 = arith.truncf %exp3A_1273 : vector<128x2048xf32> to vector<128x2048xbf16>
        %get3A_1275 = arith.constant 0 : index
        %get3A_1276 = arith.constant 64 : index
        %get3A_1277 = vector.load %arg19[%get3A_1275, %get3A_1276] : memref<2176x512xbf16, #tpu.memory_space<vmem>>, vector<2048x64xbf16>
        %dot_general3A_1278 = arith.constant dense<0.000000e+00> : vector<128x64xf32>
        %dot_general3A_1279 = tpu.matmul %convert_element_type3A_1274, %get3A_1277, %dot_general3A_1278 {dimension_numbers = #tpu.dot_dimension_numbers<[1], [0], [0], [1], [0, 0, 1, 1], [], []>, transpose_lhs_hint = false} : vector<128x2048xbf16>, vector<2048x64xbf16>, vector<128x64xf32> -> vector<128x64xf32>
        %slice3A_1280 = vector.extract_strided_slice %dot_general3A_1279 {offsets = [0, 0], sizes = [128, 32], strides = [1, 1]} : vector<128x64xf32> to vector<128x32xf32>
        %slice3A_1281 = vector.extract_strided_slice %dot_general3A_1279 {offsets = [0, 32], sizes = [128, 1], strides = [1, 1]} : vector<128x64xf32> to vector<128x1xf32>
        %div3A_1282 = vector.broadcast %slice3A_1281 : vector<128x1xf32> to vector<128x32xf32>
        %div3A_1283 = arith.divf %slice3A_1280, %div3A_1282 : vector<128x32xf32>
        %slice3A_1284 = vector.extract_strided_slice %mul3A_1239 {offsets = [0, 64], sizes = [128, 32], strides = [1, 1]} : vector<128x256xf32> to vector<128x32xf32>
        %convert_element_type3A_1285 = arith.truncf %slice3A_1284 : vector<128x32xf32> to vector<128x32xbf16>
        %get3A_1286 = arith.constant 0 : index
        %get3A_1287 = arith.constant 64 : index
        %get3A_1288 = vector.load %arg18[%get3A_1286, %get3A_1287] : memref<2176x256xbf16, #tpu.memory_space<vmem>>, vector<2048x32xbf16>
        %dot_general3A_1289 = arith.constant dense<0.000000e+00> : vector<128x2048xf32>
        %dot_general3A_1290 = tpu.matmul %convert_element_type3A_1285, %get3A_1288, %dot_general3A_1289 {dimension_numbers = #tpu.dot_dimension_numbers<[1], [1], [0], [0], [0, 0, 1, 0], [], []>, transpose_lhs_hint = false} : vector<128x32xbf16>, vector<2048x32xbf16>, vector<128x2048xf32> -> vector<128x2048xf32>
        %reduce_max3A_1291 = arith.constant dense<0xFF800000> : vector<128xf32>
        %reduce_max3A_1292 = vector.multi_reduction <maximumf>, %dot_general3A_1290, %reduce_max3A_1291 [1] : vector<128x2048xf32> to vector<128xf32>
        %broadcast_in_dim3A_1293 = vector.shape_cast %reduce_max3A_1292 : vector<128xf32> to vector<128x1xf32>
        %sub3A_1294 = vector.broadcast %broadcast_in_dim3A_1293 : vector<128x1xf32> to vector<128x2048xf32>
        %sub3A_1295 = arith.subf %dot_general3A_1290, %sub3A_1294 : vector<128x2048xf32>
        %exp3A_1296 = math.exp %sub3A_1295 : vector<128x2048xf32>
        %convert_element_type3A_1297 = arith.truncf %exp3A_1296 : vector<128x2048xf32> to vector<128x2048xbf16>
        %get3A_1298 = arith.constant 0 : index
        %get3A_1299 = arith.constant 128 : index
        %get3A_1300 = vector.load %arg19[%get3A_1298, %get3A_1299] : memref<2176x512xbf16, #tpu.memory_space<vmem>>, vector<2048x64xbf16>
        %dot_general3A_1301 = arith.constant dense<0.000000e+00> : vector<128x64xf32>
        %dot_general3A_1302 = tpu.matmul %convert_element_type3A_1297, %get3A_1300, %dot_general3A_1301 {dimension_numbers = #tpu.dot_dimension_numbers<[1], [0], [0], [1], [0, 0, 1, 1], [], []>, transpose_lhs_hint = false} : vector<128x2048xbf16>, vector<2048x64xbf16>, vector<128x64xf32> -> vector<128x64xf32>
        %slice3A_1303 = vector.extract_strided_slice %dot_general3A_1302 {offsets = [0, 0], sizes = [128, 32], strides = [1, 1]} : vector<128x64xf32> to vector<128x32xf32>
        %slice3A_1304 = vector.extract_strided_slice %dot_general3A_1302 {offsets = [0, 32], sizes = [128, 1], strides = [1, 1]} : vector<128x64xf32> to vector<128x1xf32>
        %div3A_1305 = vector.broadcast %slice3A_1304 : vector<128x1xf32> to vector<128x32xf32>
        %div3A_1306 = arith.divf %slice3A_1303, %div3A_1305 : vector<128x32xf32>
        %slice3A_1307 = vector.extract_strided_slice %mul3A_1239 {offsets = [0, 96], sizes = [128, 32], strides = [1, 1]} : vector<128x256xf32> to vector<128x32xf32>
        %convert_element_type3A_1308 = arith.truncf %slice3A_1307 : vector<128x32xf32> to vector<128x32xbf16>
        %get3A_1309 = arith.constant 0 : index
        %get3A_1310 = arith.constant 96 : index
        %get3A_1311 = vector.load %arg18[%get3A_1309, %get3A_1310] : memref<2176x256xbf16, #tpu.memory_space<vmem>>, vector<2048x32xbf16>
        %dot_general3A_1312 = arith.constant dense<0.000000e+00> : vector<128x2048xf32>
        %dot_general3A_1313 = tpu.matmul %convert_element_type3A_1308, %get3A_1311, %dot_general3A_1312 {dimension_numbers = #tpu.dot_dimension_numbers<[1], [1], [0], [0], [0, 0, 1, 0], [], []>, transpose_lhs_hint = false} : vector<128x32xbf16>, vector<2048x32xbf16>, vector<128x2048xf32> -> vector<128x2048xf32>
        %reduce_max3A_1314 = arith.constant dense<0xFF800000> : vector<128xf32>
        %reduce_max3A_1315 = vector.multi_reduction <maximumf>, %dot_general3A_1313, %reduce_max3A_1314 [1] : vector<128x2048xf32> to vector<128xf32>
        %broadcast_in_dim3A_1316 = vector.shape_cast %reduce_max3A_1315 : vector<128xf32> to vector<128x1xf32>
        %sub3A_1317 = vector.broadcast %broadcast_in_dim3A_1316 : vector<128x1xf32> to vector<128x2048xf32>
        %sub3A_1318 = arith.subf %dot_general3A_1313, %sub3A_1317 : vector<128x2048xf32>
        %exp3A_1319 = math.exp %sub3A_1318 : vector<128x2048xf32>
        %convert_element_type3A_1320 = arith.truncf %exp3A_1319 : vector<128x2048xf32> to vector<128x2048xbf16>
        %get3A_1321 = arith.constant 0 : index
        %get3A_1322 = arith.constant 192 : index
        %get3A_1323 = vector.load %arg19[%get3A_1321, %get3A_1322] : memref<2176x512xbf16, #tpu.memory_space<vmem>>, vector<2048x64xbf16>
        %dot_general3A_1324 = arith.constant dense<0.000000e+00> : vector<128x64xf32>
        %dot_general3A_1325 = tpu.matmul %convert_element_type3A_1320, %get3A_1323, %dot_general3A_1324 {dimension_numbers = #tpu.dot_dimension_numbers<[1], [0], [0], [1], [0, 0, 1, 1], [], []>, transpose_lhs_hint = false} : vector<128x2048xbf16>, vector<2048x64xbf16>, vector<128x64xf32> -> vector<128x64xf32>
        %slice3A_1326 = vector.extract_strided_slice %dot_general3A_1325 {offsets = [0, 0], sizes = [128, 32], strides = [1, 1]} : vector<128x64xf32> to vector<128x32xf32>
        %slice3A_1327 = vector.extract_strided_slice %dot_general3A_1325 {offsets = [0, 32], sizes = [128, 1], strides = [1, 1]} : vector<128x64xf32> to vector<128x1xf32>
        %div3A_1328 = vector.broadcast %slice3A_1327 : vector<128x1xf32> to vector<128x32xf32>
        %div3A_1329 = arith.divf %slice3A_1326, %div3A_1328 : vector<128x32xf32>
        %slice3A_1330 = vector.extract_strided_slice %mul3A_1239 {offsets = [0, 128], sizes = [128, 32], strides = [1, 1]} : vector<128x256xf32> to vector<128x32xf32>
        %convert_element_type3A_1331 = arith.truncf %slice3A_1330 : vector<128x32xf32> to vector<128x32xbf16>
        %get3A_1332 = arith.constant 0 : index
        %get3A_1333 = arith.constant 128 : index
        %get3A_1334 = vector.load %arg18[%get3A_1332, %get3A_1333] : memref<2176x256xbf16, #tpu.memory_space<vmem>>, vector<2048x32xbf16>
        %dot_general3A_1335 = arith.constant dense<0.000000e+00> : vector<128x2048xf32>
        %dot_general3A_1336 = tpu.matmul %convert_element_type3A_1331, %get3A_1334, %dot_general3A_1335 {dimension_numbers = #tpu.dot_dimension_numbers<[1], [1], [0], [0], [0, 0, 1, 0], [], []>, transpose_lhs_hint = false} : vector<128x32xbf16>, vector<2048x32xbf16>, vector<128x2048xf32> -> vector<128x2048xf32>
        %reduce_max3A_1337 = arith.constant dense<0xFF800000> : vector<128xf32>
        %reduce_max3A_1338 = vector.multi_reduction <maximumf>, %dot_general3A_1336, %reduce_max3A_1337 [1] : vector<128x2048xf32> to vector<128xf32>
        %broadcast_in_dim3A_1339 = vector.shape_cast %reduce_max3A_1338 : vector<128xf32> to vector<128x1xf32>
        %sub3A_1340 = vector.broadcast %broadcast_in_dim3A_1339 : vector<128x1xf32> to vector<128x2048xf32>
        %sub3A_1341 = arith.subf %dot_general3A_1336, %sub3A_1340 : vector<128x2048xf32>
        %exp3A_1342 = math.exp %sub3A_1341 : vector<128x2048xf32>
        %convert_element_type3A_1343 = arith.truncf %exp3A_1342 : vector<128x2048xf32> to vector<128x2048xbf16>
        %get3A_1344 = arith.constant 0 : index
        %get3A_1345 = arith.constant 256 : index
        %get3A_1346 = vector.load %arg19[%get3A_1344, %get3A_1345] : memref<2176x512xbf16, #tpu.memory_space<vmem>>, vector<2048x64xbf16>
        %dot_general3A_1347 = arith.constant dense<0.000000e+00> : vector<128x64xf32>
        %dot_general3A_1348 = tpu.matmul %convert_element_type3A_1343, %get3A_1346, %dot_general3A_1347 {dimension_numbers = #tpu.dot_dimension_numbers<[1], [0], [0], [1], [0, 0, 1, 1], [], []>, transpose_lhs_hint = false} : vector<128x2048xbf16>, vector<2048x64xbf16>, vector<128x64xf32> -> vector<128x64xf32>
        %slice3A_1349 = vector.extract_strided_slice %dot_general3A_1348 {offsets = [0, 0], sizes = [128, 32], strides = [1, 1]} : vector<128x64xf32> to vector<128x32xf32>
        %slice3A_1350 = vector.extract_strided_slice %dot_general3A_1348 {offsets = [0, 32], sizes = [128, 1], strides = [1, 1]} : vector<128x64xf32> to vector<128x1xf32>
        %div3A_1351 = vector.broadcast %slice3A_1350 : vector<128x1xf32> to vector<128x32xf32>
        %div3A_1352 = arith.divf %slice3A_1349, %div3A_1351 : vector<128x32xf32>
        %slice3A_1353 = vector.extract_strided_slice %mul3A_1239 {offsets = [0, 160], sizes = [128, 32], strides = [1, 1]} : vector<128x256xf32> to vector<128x32xf32>
        %convert_element_type3A_1354 = arith.truncf %slice3A_1353 : vector<128x32xf32> to vector<128x32xbf16>
        %get3A_1355 = arith.constant 0 : index
        %get3A_1356 = arith.constant 160 : index
        %get3A_1357 = vector.load %arg18[%get3A_1355, %get3A_1356] : memref<2176x256xbf16, #tpu.memory_space<vmem>>, vector<2048x32xbf16>
        %dot_general3A_1358 = arith.constant dense<0.000000e+00> : vector<128x2048xf32>
        %dot_general3A_1359 = tpu.matmul %convert_element_type3A_1354, %get3A_1357, %dot_general3A_1358 {dimension_numbers = #tpu.dot_dimension_numbers<[1], [1], [0], [0], [0, 0, 1, 0], [], []>, transpose_lhs_hint = false} : vector<128x32xbf16>, vector<2048x32xbf16>, vector<128x2048xf32> -> vector<128x2048xf32>
        %reduce_max3A_1360 = arith.constant dense<0xFF800000> : vector<128xf32>
        %reduce_max3A_1361 = vector.multi_reduction <maximumf>, %dot_general3A_1359, %reduce_max3A_1360 [1] : vector<128x2048xf32> to vector<128xf32>
        %broadcast_in_dim3A_1362 = vector.shape_cast %reduce_max3A_1361 : vector<128xf32> to vector<128x1xf32>
        %sub3A_1363 = vector.broadcast %broadcast_in_dim3A_1362 : vector<128x1xf32> to vector<128x2048xf32>
        %sub3A_1364 = arith.subf %dot_general3A_1359, %sub3A_1363 : vector<128x2048xf32>
        %exp3A_1365 = math.exp %sub3A_1364 : vector<128x2048xf32>
        %convert_element_type3A_1366 = arith.truncf %exp3A_1365 : vector<128x2048xf32> to vector<128x2048xbf16>
        %get3A_1367 = arith.constant 0 : index
        %get3A_1368 = arith.constant 320 : index
        %get3A_1369 = vector.load %arg19[%get3A_1367, %get3A_1368] : memref<2176x512xbf16, #tpu.memory_space<vmem>>, vector<2048x64xbf16>
        %dot_general3A_1370 = arith.constant dense<0.000000e+00> : vector<128x64xf32>
        %dot_general3A_1371 = tpu.matmul %convert_element_type3A_1366, %get3A_1369, %dot_general3A_1370 {dimension_numbers = #tpu.dot_dimension_numbers<[1], [0], [0], [1], [0, 0, 1, 1], [], []>, transpose_lhs_hint = false} : vector<128x2048xbf16>, vector<2048x64xbf16>, vector<128x64xf32> -> vector<128x64xf32>
        %slice3A_1372 = vector.extract_strided_slice %dot_general3A_1371 {offsets = [0, 0], sizes = [128, 32], strides = [1, 1]} : vector<128x64xf32> to vector<128x32xf32>
        %slice3A_1373 = vector.extract_strided_slice %dot_general3A_1371 {offsets = [0, 32], sizes = [128, 1], strides = [1, 1]} : vector<128x64xf32> to vector<128x1xf32>
        %div3A_1374 = vector.broadcast %slice3A_1373 : vector<128x1xf32> to vector<128x32xf32>
        %div3A_1375 = arith.divf %slice3A_1372, %div3A_1374 : vector<128x32xf32>
        %slice3A_1376 = vector.extract_strided_slice %mul3A_1239 {offsets = [0, 192], sizes = [128, 32], strides = [1, 1]} : vector<128x256xf32> to vector<128x32xf32>
        %convert_element_type3A_1377 = arith.truncf %slice3A_1376 : vector<128x32xf32> to vector<128x32xbf16>
        %get3A_1378 = arith.constant 0 : index
        %get3A_1379 = arith.constant 192 : index
        %get3A_1380 = vector.load %arg18[%get3A_1378, %get3A_1379] : memref<2176x256xbf16, #tpu.memory_space<vmem>>, vector<2048x32xbf16>
        %dot_general3A_1381 = arith.constant dense<0.000000e+00> : vector<128x2048xf32>
        %dot_general3A_1382 = tpu.matmul %convert_element_type3A_1377, %get3A_1380, %dot_general3A_1381 {dimension_numbers = #tpu.dot_dimension_numbers<[1], [1], [0], [0], [0, 0, 1, 0], [], []>, transpose_lhs_hint = false} : vector<128x32xbf16>, vector<2048x32xbf16>, vector<128x2048xf32> -> vector<128x2048xf32>
        %reduce_max3A_1383 = arith.constant dense<0xFF800000> : vector<128xf32>
        %reduce_max3A_1384 = vector.multi_reduction <maximumf>, %dot_general3A_1382, %reduce_max3A_1383 [1] : vector<128x2048xf32> to vector<128xf32>
        %broadcast_in_dim3A_1385 = vector.shape_cast %reduce_max3A_1384 : vector<128xf32> to vector<128x1xf32>
        %sub3A_1386 = vector.broadcast %broadcast_in_dim3A_1385 : vector<128x1xf32> to vector<128x2048xf32>
        %sub3A_1387 = arith.subf %dot_general3A_1382, %sub3A_1386 : vector<128x2048xf32>
        %exp3A_1388 = math.exp %sub3A_1387 : vector<128x2048xf32>
        %convert_element_type3A_1389 = arith.truncf %exp3A_1388 : vector<128x2048xf32> to vector<128x2048xbf16>
        %get3A_1390 = arith.constant 0 : index
        %get3A_1391 = arith.constant 384 : index
        %get3A_1392 = vector.load %arg19[%get3A_1390, %get3A_1391] : memref<2176x512xbf16, #tpu.memory_space<vmem>>, vector<2048x64xbf16>
        %dot_general3A_1393 = arith.constant dense<0.000000e+00> : vector<128x64xf32>
        %dot_general3A_1394 = tpu.matmul %convert_element_type3A_1389, %get3A_1392, %dot_general3A_1393 {dimension_numbers = #tpu.dot_dimension_numbers<[1], [0], [0], [1], [0, 0, 1, 1], [], []>, transpose_lhs_hint = false} : vector<128x2048xbf16>, vector<2048x64xbf16>, vector<128x64xf32> -> vector<128x64xf32>
        %slice3A_1395 = vector.extract_strided_slice %dot_general3A_1394 {offsets = [0, 0], sizes = [128, 32], strides = [1, 1]} : vector<128x64xf32> to vector<128x32xf32>
        %slice3A_1396 = vector.extract_strided_slice %dot_general3A_1394 {offsets = [0, 32], sizes = [128, 1], strides = [1, 1]} : vector<128x64xf32> to vector<128x1xf32>
        %div3A_1397 = vector.broadcast %slice3A_1396 : vector<128x1xf32> to vector<128x32xf32>
        %div3A_1398 = arith.divf %slice3A_1395, %div3A_1397 : vector<128x32xf32>
        %slice3A_1399 = vector.extract_strided_slice %mul3A_1239 {offsets = [0, 224], sizes = [128, 32], strides = [1, 1]} : vector<128x256xf32> to vector<128x32xf32>
        %convert_element_type3A_1400 = arith.truncf %slice3A_1399 : vector<128x32xf32> to vector<128x32xbf16>
        %get3A_1401 = arith.constant 0 : index
        %get3A_1402 = arith.constant 224 : index
        %get3A_1403 = vector.load %arg18[%get3A_1401, %get3A_1402] : memref<2176x256xbf16, #tpu.memory_space<vmem>>, vector<2048x32xbf16>
        %dot_general3A_1404 = arith.constant dense<0.000000e+00> : vector<128x2048xf32>
        %dot_general3A_1405 = tpu.matmul %convert_element_type3A_1400, %get3A_1403, %dot_general3A_1404 {dimension_numbers = #tpu.dot_dimension_numbers<[1], [1], [0], [0], [0, 0, 1, 0], [], []>, transpose_lhs_hint = false} : vector<128x32xbf16>, vector<2048x32xbf16>, vector<128x2048xf32> -> vector<128x2048xf32>
        %reduce_max3A_1406 = arith.constant dense<0xFF800000> : vector<128xf32>
        %reduce_max3A_1407 = vector.multi_reduction <maximumf>, %dot_general3A_1405, %reduce_max3A_1406 [1] : vector<128x2048xf32> to vector<128xf32>
        %broadcast_in_dim3A_1408 = vector.shape_cast %reduce_max3A_1407 : vector<128xf32> to vector<128x1xf32>
        %sub3A_1409 = vector.broadcast %broadcast_in_dim3A_1408 : vector<128x1xf32> to vector<128x2048xf32>
        %sub3A_1410 = arith.subf %dot_general3A_1405, %sub3A_1409 : vector<128x2048xf32>
        %exp3A_1411 = math.exp %sub3A_1410 : vector<128x2048xf32>
        %convert_element_type3A_1412 = arith.truncf %exp3A_1411 : vector<128x2048xf32> to vector<128x2048xbf16>
        %get3A_1413 = arith.constant 0 : index
        %get3A_1414 = arith.constant 448 : index
        %get3A_1415 = vector.load %arg19[%get3A_1413, %get3A_1414] : memref<2176x512xbf16, #tpu.memory_space<vmem>>, vector<2048x64xbf16>
        %dot_general3A_1416 = arith.constant dense<0.000000e+00> : vector<128x64xf32>
        %dot_general3A_1417 = tpu.matmul %convert_element_type3A_1412, %get3A_1415, %dot_general3A_1416 {dimension_numbers = #tpu.dot_dimension_numbers<[1], [0], [0], [1], [0, 0, 1, 1], [], []>, transpose_lhs_hint = false} : vector<128x2048xbf16>, vector<2048x64xbf16>, vector<128x64xf32> -> vector<128x64xf32>
        %slice3A_1418 = vector.extract_strided_slice %dot_general3A_1417 {offsets = [0, 0], sizes = [128, 32], strides = [1, 1]} : vector<128x64xf32> to vector<128x32xf32>
        %slice3A_1419 = vector.extract_strided_slice %dot_general3A_1417 {offsets = [0, 32], sizes = [128, 1], strides = [1, 1]} : vector<128x64xf32> to vector<128x1xf32>
        %div3A_1420 = vector.broadcast %slice3A_1419 : vector<128x1xf32> to vector<128x32xf32>
        %div3A_1421 = arith.divf %slice3A_1418, %div3A_1420 : vector<128x32xf32>
        %concatenate3A_1422 = tpu.concatenate %div3A_1260, %div3A_1283, %div3A_1306, %div3A_1329, %div3A_1352, %div3A_1375, %div3A_1398, %div3A_1421 in 1 : vector<128x32xf32>, vector<128x32xf32>, vector<128x32xf32>, vector<128x32xf32>, vector<128x32xf32>, vector<128x32xf32>, vector<128x32xf32>, vector<128x32xf32> -> vector<128x256xf32>
        %jit3A_1423 = arith.constant 0.000000e+00 : f32
        %broadcast_in_dim3A_1424 = vector.shape_cast %and3A_1228 : vector<128x1xi1> to vector<128x1xi1>
        %broadcast_in_dim3A_1425 = vector.broadcast %broadcast_in_dim3A_1424 : vector<128x1xi1> to vector<128x256xi1>
        %broadcast_in_dim3A_1426 = vector.broadcast %jit3A_1423 : f32 to vector<128x256xf32>
        %select_n3A_1427 = arith.select %broadcast_in_dim3A_1425, %concatenate3A_1422, %broadcast_in_dim3A_1426 : vector<128x256xi1>, vector<128x256xf32>
        %swap3A_1428 = arith.index_cast %add3A_1222 : i32 to index
        %swap3A_1429 = arith.constant 0 : index
        %swap3A_1430 = vector.load %arg16[%swap3A_1428, %swap3A_1429] : memref<2176x384xf32, #tpu.memory_space<vmem>>, vector<128x256xf32>
        tpu.vector_store %arg16[%swap3A_1428, %swap3A_1429], %select_n3A_1427 {strides = array<i32>} : memref<2176x384xf32, #tpu.memory_space<vmem>>, vector<128x256xf32>,
        %while3A_1431 = arith.constant 0 : i32
        scf.yield %while3A_1431 : i32
      }
      %while3A_1206 = arith.constant 0 : i32
      %while3A_1207 = arith.constant 0 : i32
      %while3A_1208 = arith.subi %select_n3A_1193, %while3A_1206 : i32
      %while3A_1209 = arith.addi %while3A_1206, %while3A_1208 : i32
      %while3A_1210 = arith.constant 1 : i32
      %while3A_1211 = arith.divsi %while3A_1208, %while3A_1210 : i32
      %while3A_1212 = arith.muli %while3A_1211, %while3A_1210 : i32
      %while3A_1213 = arith.addi %while3A_1206, %while3A_1212 : i32
      %while3A_1214 = arith.constant 1 : i32
      %while3A_1215 = scf.for %while3A_1218 = %while3A_1206 to %while3A_1213 step %while3A_1214 iter_args(%while3A_1219 = %while3A_1207) -> (i32)  : i32 {
        %mul3A_1220 = arith.constant 128 : i32
        %mul3A_1221 = arith.muli %while3A_1218, %mul3A_1220 : i32
        %add3A_1222 = arith.addi %mul3A_1164, %mul3A_1221 : i32
        %iota3A_1223 = tpu.iota {dimensions = array<i32: 0>} : vector<128x1xi32>
        %add3A_1224 = vector.broadcast %add3A_1222 : i32 to vector<128x1xi32>
        %add3A_1225 = arith.addi %add3A_1224, %iota3A_1223 : vector<128x1xi32>
        %ge3A = vector.broadcast %get3A_1142 : i32 to vector<128x1xi32>
        %ge3A_1226 = arith.cmpi sge, %add3A_1225, %ge3A : vector<128x1xi32>
        %lt3A = vector.broadcast %get3A_1146 : i32 to vector<128x1xi32>
        %lt3A_1227 = arith.cmpi slt, %add3A_1225, %lt3A : vector<128x1xi32>
        %and3A_1228 = arith.andi %ge3A_1226, %lt3A_1227 : vector<128x1xi1>
        %get3A_1229 = arith.index_cast %add3A_1222 : i32 to index
        %get3A_1230 = arith.constant 0 : index
        %get3A_1231 = vector.load %arg17[%get3A_1229, %get3A_1230] : memref<2176x256xf32, #tpu.memory_space<vmem>>, vector<128x256xf32>
        %get3A_1232 = arith.index_cast %add3A_1222 : i32 to index
        %get3A_1233 = arith.constant 0 : index
        %get3A_1234 = vector.load %arg16[%get3A_1232, %get3A_1233] : memref<2176x384xf32, #tpu.memory_space<vmem>>, vector<128x256xf32>
        %add3A_1235 = arith.addf %get3A_1231, %get3A_1234 : vector<128x256xf32>
        %broadcast_in_dim3A_1236 = vector.shape_cast %and3A_1228 : vector<128x1xi1> to vector<128x1xi1>
        %broadcast_in_dim3A_1237 = vector.broadcast %broadcast_in_dim3A_1236 : vector<128x1xi1> to vector<128x256xi1>
        %select_n3A_1238 = arith.select %broadcast_in_dim3A_1237, %add3A_1235, %get3A_1231 : vector<128x256xi1>, vector<128x256xf32>
        %swap3A_1239 = arith.index_cast %add3A_1222 : i32 to index
        %swap3A_1240 = arith.constant 0 : index
        %swap3A_1241 = vector.load %arg17[%swap3A_1239, %swap3A_1240] : memref<2176x256xf32, #tpu.memory_space<vmem>>, vector<128x256xf32>
        tpu.vector_store %arg17[%swap3A_1239, %swap3A_1240], %select_n3A_1238 {strides = array<i32>} : memref<2176x256xf32, #tpu.memory_space<vmem>>, vector<128x256xf32>,
        %get3A_1242 = arith.constant 0 : index
        %get3A_1243 = arith.constant 0 : index
        %get3A_1244 = vector.load %arg4[%get3A_1242, %get3A_1243] : memref<256x256xf32, #tpu.memory_space<vmem>>, vector<256x256xf32>
        %dot_general3A_1245 = arith.constant dense<0.000000e+00> : vector<128x256xf32>
        %dot_general3A_1246 = tpu.matmul %select_n3A_1238, %get3A_1244, %dot_general3A_1245 {dimension_numbers = #tpu.dot_dimension_numbers<[1], [1], [0], [0], [0, 0, 1, 0], [], []>, transpose_lhs_hint = false} : vector<128x256xf32>, vector<256x256xf32>, vector<128x256xf32> -> vector<128x256xf32>
        %convert_element_type3A_1247 = arith.truncf %dot_general3A_1246 : vector<128x256xf32> to vector<128x256xbf16>
        %get3A_1248 = arith.index_cast %add3A_1222 : i32 to index
        %get3A_1249 = arith.constant 0 : index
        %get3A_1250 = vector.load %arg18[%get3A_1248, %get3A_1249] : memref<2176x256xbf16, #tpu.memory_space<vmem>>, vector<128x256xbf16>
        %broadcast_in_dim3A_1251 = vector.shape_cast %and3A_1228 : vector<128x1xi1> to vector<128x1xi1>
        %broadcast_in_dim3A_1252 = vector.broadcast %broadcast_in_dim3A_1251 : vector<128x1xi1> to vector<128x256xi1>
        %select_n3A_1253 = arith.select %broadcast_in_dim3A_1252, %convert_element_type3A_1247, %get3A_1250 : vector<128x256xi1>, vector<128x256xbf16>
        %swap3A_1254 = arith.index_cast %add3A_1222 : i32 to index
        %swap3A_1255 = arith.constant 0 : index
        %swap3A_1256 = vector.load %arg18[%swap3A_1254, %swap3A_1255] : memref<2176x256xbf16, #tpu.memory_space<vmem>>, vector<128x256xbf16>
        tpu.vector_store %arg18[%swap3A_1254, %swap3A_1255], %select_n3A_1253 {strides = array<i32>} : memref<2176x256xbf16, #tpu.memory_space<vmem>>, vector<128x256xbf16>,
        %get3A_1257 = arith.constant 0 : index
        %get3A_1258 = arith.constant 0 : index
        %get3A_1259 = vector.load %arg5[%get3A_1257, %get3A_1258] : memref<256x256xf32, #tpu.memory_space<vmem>>, vector<256x256xf32>
        %dot_general3A_1260 = arith.constant dense<0.000000e+00> : vector<128x256xf32>
        %dot_general3A_1261 = tpu.matmul %select_n3A_1238, %get3A_1259, %dot_general3A_1260 {dimension_numbers = #tpu.dot_dimension_numbers<[1], [1], [0], [0], [0, 0, 1, 0], [], []>, transpose_lhs_hint = false} : vector<128x256xf32>, vector<256x256xf32>, vector<128x256xf32> -> vector<128x256xf32>
        %iota3A_1262 = tpu.iota {dimensions = array<i32: 1>} : vector<128x32xi32>
        %eq3A_1263 = arith.constant 0 : i32
        %eq3A_1264 = vector.broadcast %eq3A_1263 : i32 to vector<128x32xi32>
        %eq3A_1265 = arith.cmpi eq, %iota3A_1262, %eq3A_1264 : vector<128x32xi32>
        %convert_element_type3A_1266 = arith.extui %eq3A_1265 : vector<128x32xi1> to vector<128x32xi32>
        %convert_element_type3A_1267 = arith.sitofp %convert_element_type3A_1266 : vector<128x32xi32> to vector<128x32xf32>
        %convert_element_type3A_1268 = arith.truncf %convert_element_type3A_1267 : vector<128x32xf32> to vector<128x32xbf16>
        %slice3A_1269 = vector.extract_strided_slice %dot_general3A_1261 {offsets = [0, 0], sizes = [128, 32], strides = [1, 1]} : vector<128x256xf32> to vector<128x32xf32>
        %convert_element_type3A_1270 = arith.truncf %slice3A_1269 : vector<128x32xf32> to vector<128x32xbf16>
        %slice3A_1271 = vector.extract_strided_slice %dot_general3A_1261 {offsets = [0, 32], sizes = [128, 32], strides = [1, 1]} : vector<128x256xf32> to vector<128x32xf32>
        %convert_element_type3A_1272 = arith.truncf %slice3A_1271 : vector<128x32xf32> to vector<128x32xbf16>
        %slice3A_1273 = vector.extract_strided_slice %dot_general3A_1261 {offsets = [0, 64], sizes = [128, 32], strides = [1, 1]} : vector<128x256xf32> to vector<128x32xf32>
        %convert_element_type3A_1274 = arith.truncf %slice3A_1273 : vector<128x32xf32> to vector<128x32xbf16>
        %slice3A_1275 = vector.extract_strided_slice %dot_general3A_1261 {offsets = [0, 96], sizes = [128, 32], strides = [1, 1]} : vector<128x256xf32> to vector<128x32xf32>
        %convert_element_type3A_1276 = arith.truncf %slice3A_1275 : vector<128x32xf32> to vector<128x32xbf16>
        %slice3A_1277 = vector.extract_strided_slice %dot_general3A_1261 {offsets = [0, 128], sizes = [128, 32], strides = [1, 1]} : vector<128x256xf32> to vector<128x32xf32>
        %convert_element_type3A_1278 = arith.truncf %slice3A_1277 : vector<128x32xf32> to vector<128x32xbf16>
        %slice3A_1279 = vector.extract_strided_slice %dot_general3A_1261 {offsets = [0, 160], sizes = [128, 32], strides = [1, 1]} : vector<128x256xf32> to vector<128x32xf32>
        %convert_element_type3A_1280 = arith.truncf %slice3A_1279 : vector<128x32xf32> to vector<128x32xbf16>
        %slice3A_1281 = vector.extract_strided_slice %dot_general3A_1261 {offsets = [0, 192], sizes = [128, 32], strides = [1, 1]} : vector<128x256xf32> to vector<128x32xf32>
        %convert_element_type3A_1282 = arith.truncf %slice3A_1281 : vector<128x32xf32> to vector<128x32xbf16>
        %slice3A_1283 = vector.extract_strided_slice %dot_general3A_1261 {offsets = [0, 224], sizes = [128, 32], strides = [1, 1]} : vector<128x256xf32> to vector<128x32xf32>
        %convert_element_type3A_1284 = arith.truncf %slice3A_1283 : vector<128x32xf32> to vector<128x32xbf16>
        %concatenate3A_1285 = tpu.concatenate %convert_element_type3A_1270, %convert_element_type3A_1268, %convert_element_type3A_1272, %convert_element_type3A_1268, %convert_element_type3A_1274, %convert_element_type3A_1268, %convert_element_type3A_1276, %convert_element_type3A_1268, %convert_element_type3A_1278, %convert_element_type3A_1268, %convert_element_type3A_1280, %convert_element_type3A_1268, %convert_element_type3A_1282, %convert_element_type3A_1268, %convert_element_type3A_1284, %convert_element_type3A_1268 in 1 : vector<128x32xbf16>, vector<128x32xbf16>, vector<128x32xbf16>, vector<128x32xbf16>, vector<128x32xbf16>, vector<128x32xbf16>, vector<128x32xbf16>, vector<128x32xbf16>, vector<128x32xbf16>, vector<128x32xbf16>, vector<128x32xbf16>, vector<128x32xbf16>, vector<128x32xbf16>, vector<128x32xbf16>, vector<128x32xbf16>, vector<128x32xbf16> -> vector<128x512xbf16>
        %get3A_1286 = arith.index_cast %add3A_1222 : i32 to index
        %get3A_1287 = arith.constant 0 : index
        %get3A_1288 = vector.load %arg19[%get3A_1286, %get3A_1287] : memref<2176x512xbf16, #tpu.memory_space<vmem>>, vector<128x512xbf16>
        %broadcast_in_dim3A_1289 = vector.shape_cast %and3A_1228 : vector<128x1xi1> to vector<128x1xi1>
        %broadcast_in_dim3A_1290 = vector.broadcast %broadcast_in_dim3A_1289 : vector<128x1xi1> to vector<128x512xi1>
        %select_n3A_1291 = arith.select %broadcast_in_dim3A_1290, %concatenate3A_1285, %get3A_1288 : vector<128x512xi1>, vector<128x512xbf16>
        %swap3A_1292 = arith.index_cast %add3A_1222 : i32 to index
        %swap3A_1293 = arith.constant 0 : index
        %swap3A_1294 = vector.load %arg19[%swap3A_1292, %swap3A_1293] : memref<2176x512xbf16, #tpu.memory_space<vmem>>, vector<128x512xbf16>
        tpu.vector_store %arg19[%swap3A_1292, %swap3A_1293], %select_n3A_1291 {strides = array<i32>} : memref<2176x512xbf16, #tpu.memory_space<vmem>>, vector<128x512xbf16>,
        %while3A_1295 = arith.constant 0 : i32
        scf.yield %while3A_1295 : i32
      }
      %while3A_1216 = arith.constant 1 : i32
      %while3A_1217 = scf.for %while3A_1218 = %while3A_1213 to %while3A_1209 step %while3A_1216 iter_args(%while3A_1219 = %while3A_1215) -> (i32)  : i32 {
        %mul3A_1220 = arith.constant 128 : i32
        %mul3A_1221 = arith.muli %while3A_1218, %mul3A_1220 : i32
        %add3A_1222 = arith.addi %mul3A_1164, %mul3A_1221 : i32
        %iota3A_1223 = tpu.iota {dimensions = array<i32: 0>} : vector<128x1xi32>
        %add3A_1224 = vector.broadcast %add3A_1222 : i32 to vector<128x1xi32>
        %add3A_1225 = arith.addi %add3A_1224, %iota3A_1223 : vector<128x1xi32>
        %ge3A = vector.broadcast %get3A_1142 : i32 to vector<128x1xi32>
        %ge3A_1226 = arith.cmpi sge, %add3A_1225, %ge3A : vector<128x1xi32>
        %lt3A = vector.broadcast %get3A_1146 : i32 to vector<128x1xi32>
        %lt3A_1227 = arith.cmpi slt, %add3A_1225, %lt3A : vector<128x1xi32>
        %and3A_1228 = arith.andi %ge3A_1226, %lt3A_1227 : vector<128x1xi1>
        %get3A_1229 = arith.index_cast %add3A_1222 : i32 to index
        %get3A_1230 = arith.constant 0 : index
        %get3A_1231 = vector.load %arg17[%get3A_1229, %get3A_1230] : memref<2176x256xf32, #tpu.memory_space<vmem>>, vector<128x256xf32>
        %get3A_1232 = arith.index_cast %add3A_1222 : i32 to index
        %get3A_1233 = arith.constant 0 : index
        %get3A_1234 = vector.load %arg16[%get3A_1232, %get3A_1233] : memref<2176x384xf32, #tpu.memory_space<vmem>>, vector<128x256xf32>
        %add3A_1235 = arith.addf %get3A_1231, %get3A_1234 : vector<128x256xf32>
        %broadcast_in_dim3A_1236 = vector.shape_cast %and3A_1228 : vector<128x1xi1> to vector<128x1xi1>
        %broadcast_in_dim3A_1237 = vector.broadcast %broadcast_in_dim3A_1236 : vector<128x1xi1> to vector<128x256xi1>
        %select_n3A_1238 = arith.select %broadcast_in_dim3A_1237, %add3A_1235, %get3A_1231 : vector<128x256xi1>, vector<128x256xf32>
        %swap3A_1239 = arith.index_cast %add3A_1222 : i32 to index
        %swap3A_1240 = arith.constant 0 : index
        %swap3A_1241 = vector.load %arg17[%swap3A_1239, %swap3A_1240] : memref<2176x256xf32, #tpu.memory_space<vmem>>, vector<128x256xf32>
        tpu.vector_store %arg17[%swap3A_1239, %swap3A_1240], %select_n3A_1238 {strides = array<i32>} : memref<2176x256xf32, #tpu.memory_space<vmem>>, vector<128x256xf32>,
        %get3A_1242 = arith.constant 0 : index
        %get3A_1243 = arith.constant 0 : index
        %get3A_1244 = vector.load %arg4[%get3A_1242, %get3A_1243] : memref<256x256xf32, #tpu.memory_space<vmem>>, vector<256x256xf32>
        %dot_general3A_1245 = arith.constant dense<0.000000e+00> : vector<128x256xf32>
        %dot_general3A_1246 = tpu.matmul %select_n3A_1238, %get3A_1244, %dot_general3A_1245 {dimension_numbers = #tpu.dot_dimension_numbers<[1], [1], [0], [0], [0, 0, 1, 0], [], []>, transpose_lhs_hint = false} : vector<128x256xf32>, vector<256x256xf32>, vector<128x256xf32> -> vector<128x256xf32>
        %convert_element_type3A_1247 = arith.truncf %dot_general3A_1246 : vector<128x256xf32> to vector<128x256xbf16>
        %get3A_1248 = arith.index_cast %add3A_1222 : i32 to index
        %get3A_1249 = arith.constant 0 : index
        %get3A_1250 = vector.load %arg18[%get3A_1248, %get3A_1249] : memref<2176x256xbf16, #tpu.memory_space<vmem>>, vector<128x256xbf16>
        %broadcast_in_dim3A_1251 = vector.shape_cast %and3A_1228 : vector<128x1xi1> to vector<128x1xi1>
        %broadcast_in_dim3A_1252 = vector.broadcast %broadcast_in_dim3A_1251 : vector<128x1xi1> to vector<128x256xi1>
        %select_n3A_1253 = arith.select %broadcast_in_dim3A_1252, %convert_element_type3A_1247, %get3A_1250 : vector<128x256xi1>, vector<128x256xbf16>
        %swap3A_1254 = arith.index_cast %add3A_1222 : i32 to index
        %swap3A_1255 = arith.constant 0 : index
        %swap3A_1256 = vector.load %arg18[%swap3A_1254, %swap3A_1255] : memref<2176x256xbf16, #tpu.memory_space<vmem>>, vector<128x256xbf16>
        tpu.vector_store %arg18[%swap3A_1254, %swap3A_1255], %select_n3A_1253 {strides = array<i32>} : memref<2176x256xbf16, #tpu.memory_space<vmem>>, vector<128x256xbf16>,
        %get3A_1257 = arith.constant 0 : index
        %get3A_1258 = arith.constant 0 : index
        %get3A_1259 = vector.load %arg5[%get3A_1257, %get3A_1258] : memref<256x256xf32, #tpu.memory_space<vmem>>, vector<256x256xf32>
        %dot_general3A_1260 = arith.constant dense<0.000000e+00> : vector<128x256xf32>
        %dot_general3A_1261 = tpu.matmul %select_n3A_1238, %get3A_1259, %dot_general3A_1260 {dimension_numbers = #tpu.dot_dimension_numbers<[1], [1], [0], [0], [0, 0, 1, 0], [], []>, transpose_lhs_hint = false} : vector<128x256xf32>, vector<256x256xf32>, vector<128x256xf32> -> vector<128x256xf32>
        %iota3A_1262 = tpu.iota {dimensions = array<i32: 1>} : vector<128x32xi32>
        %eq3A_1263 = arith.constant 0 : i32
        %eq3A_1264 = vector.broadcast %eq3A_1263 : i32 to vector<128x32xi32>
        %eq3A_1265 = arith.cmpi eq, %iota3A_1262, %eq3A_1264 : vector<128x32xi32>
        %convert_element_type3A_1266 = arith.extui %eq3A_1265 : vector<128x32xi1> to vector<128x32xi32>
        %convert_element_type3A_1267 = arith.sitofp %convert_element_type3A_1266 : vector<128x32xi32> to vector<128x32xf32>
        %convert_element_type3A_1268 = arith.truncf %convert_element_type3A_1267 : vector<128x32xf32> to vector<128x32xbf16>
        %slice3A_1269 = vector.extract_strided_slice %dot_general3A_1261 {offsets = [0, 0], sizes = [128, 32], strides = [1, 1]} : vector<128x256xf32> to vector<128x32xf32>
        %convert_element_type3A_1270 = arith.truncf %slice3A_1269 : vector<128x32xf32> to vector<128x32xbf16>
        %slice3A_1271 = vector.extract_strided_slice %dot_general3A_1261 {offsets = [0, 32], sizes = [128, 32], strides = [1, 1]} : vector<128x256xf32> to vector<128x32xf32>
        %convert_element_type3A_1272 = arith.truncf %slice3A_1271 : vector<128x32xf32> to vector<128x32xbf16>
        %slice3A_1273 = vector.extract_strided_slice %dot_general3A_1261 {offsets = [0, 64], sizes = [128, 32], strides = [1, 1]} : vector<128x256xf32> to vector<128x32xf32>
        %convert_element_type3A_1274 = arith.truncf %slice3A_1273 : vector<128x32xf32> to vector<128x32xbf16>
        %slice3A_1275 = vector.extract_strided_slice %dot_general3A_1261 {offsets = [0, 96], sizes = [128, 32], strides = [1, 1]} : vector<128x256xf32> to vector<128x32xf32>
        %convert_element_type3A_1276 = arith.truncf %slice3A_1275 : vector<128x32xf32> to vector<128x32xbf16>
        %slice3A_1277 = vector.extract_strided_slice %dot_general3A_1261 {offsets = [0, 128], sizes = [128, 32], strides = [1, 1]} : vector<128x256xf32> to vector<128x32xf32>
        %convert_element_type3A_1278 = arith.truncf %slice3A_1277 : vector<128x32xf32> to vector<128x32xbf16>
        %slice3A_1279 = vector.extract_strided_slice %dot_general3A_1261 {offsets = [0, 160], sizes = [128, 32], strides = [1, 1]} : vector<128x256xf32> to vector<128x32xf32>
        %convert_element_type3A_1280 = arith.truncf %slice3A_1279 : vector<128x32xf32> to vector<128x32xbf16>
        %slice3A_1281 = vector.extract_strided_slice %dot_general3A_1261 {offsets = [0, 192], sizes = [128, 32], strides = [1, 1]} : vector<128x256xf32> to vector<128x32xf32>
        %convert_element_type3A_1282 = arith.truncf %slice3A_1281 : vector<128x32xf32> to vector<128x32xbf16>
        %slice3A_1283 = vector.extract_strided_slice %dot_general3A_1261 {offsets = [0, 224], sizes = [128, 32], strides = [1, 1]} : vector<128x256xf32> to vector<128x32xf32>
        %convert_element_type3A_1284 = arith.truncf %slice3A_1283 : vector<128x32xf32> to vector<128x32xbf16>
        %concatenate3A_1285 = tpu.concatenate %convert_element_type3A_1270, %convert_element_type3A_1268, %convert_element_type3A_1272, %convert_element_type3A_1268, %convert_element_type3A_1274, %convert_element_type3A_1268, %convert_element_type3A_1276, %convert_element_type3A_1268, %convert_element_type3A_1278, %convert_element_type3A_1268, %convert_element_type3A_1280, %convert_element_type3A_1268, %convert_element_type3A_1282, %convert_element_type3A_1268, %convert_element_type3A_1284, %convert_element_type3A_1268 in 1 : vector<128x32xbf16>, vector<128x32xbf16>, vector<128x32xbf16>, vector<128x32xbf16>, vector<128x32xbf16>, vector<128x32xbf16>, vector<128x32xbf16>, vector<128x32xbf16>, vector<128x32xbf16>, vector<128x32xbf16>, vector<128x32xbf16>, vector<128x32xbf16>, vector<128x32xbf16>, vector<128x32xbf16>, vector<128x32xbf16>, vector<128x32xbf16> -> vector<128x512xbf16>
        %get3A_1286 = arith.index_cast %add3A_1222 : i32 to index
        %get3A_1287 = arith.constant 0 : index
        %get3A_1288 = vector.load %arg19[%get3A_1286, %get3A_1287] : memref<2176x512xbf16, #tpu.memory_space<vmem>>, vector<128x512xbf16>
        %broadcast_in_dim3A_1289 = vector.shape_cast %and3A_1228 : vector<128x1xi1> to vector<128x1xi1>
        %broadcast_in_dim3A_1290 = vector.broadcast %broadcast_in_dim3A_1289 : vector<128x1xi1> to vector<128x512xi1>
        %select_n3A_1291 = arith.select %broadcast_in_dim3A_1290, %concatenate3A_1285, %get3A_1288 : vector<128x512xi1>, vector<128x512xbf16>
        %swap3A_1292 = arith.index_cast %add3A_1222 : i32 to index
        %swap3A_1293 = arith.constant 0 : index
        %swap3A_1294 = vector.load %arg19[%swap3A_1292, %swap3A_1293] : memref<2176x512xbf16, #tpu.memory_space<vmem>>, vector<128x512xbf16>
        tpu.vector_store %arg19[%swap3A_1292, %swap3A_1293], %select_n3A_1291 {strides = array<i32>} : memref<2176x512xbf16, #tpu.memory_space<vmem>>, vector<128x512xbf16>,
        %while3A_1295 = arith.constant 0 : i32
        scf.yield %while3A_1295 : i32
      }
    }
    %get3A_426 = arith.constant 0 : index
    %get3A_427 = arith.constant 0 : index
    %get3A_428 = vector.load %arg17[%get3A_426, %get3A_427] : memref<2176x256xf32, #tpu.memory_space<vmem>>, vector<256x256xf32>
    %convert_element_type3A_429 = arith.truncf %get3A_428 : vector<256x256xf32> to vector<256x256xbf16>
    %get3A_430 = arith.constant 0 : index
    %get3A_431 = arith.constant 0 : index
    %get3A_432 = vector.load %arg6[%get3A_430, %get3A_431] : memref<256x256xf32, #tpu.memory_space<vmem>>, vector<256x256xf32>
    %convert_element_type3A_433 = arith.truncf %get3A_432 : vector<256x256xf32> to vector<256x256xbf16>
    %dot_general3A_434 = arith.constant dense<0.000000e+00> : vector<256x256xf32>
    %dot_general3A_435 = tpu.matmul %convert_element_type3A_429, %convert_element_type3A_433, %dot_general3A_434 {dimension_numbers = #tpu.dot_dimension_numbers<[1], [1], [0], [0], [0, 0, 1, 0], [], []>, transpose_lhs_hint = false} : vector<256x256xbf16>, vector<256x256xbf16>, vector<256x256xf32> -> vector<256x256xf32>
    %get3A_436 = arith.constant 0 : index
    %get3A_437 = arith.constant 0 : index
    %get3A_438 = vector.load %arg7[%get3A_436, %get3A_437] : memref<1x256xf32, #tpu.memory_space<vmem>>, vector<1x256xf32>
    %add3A = vector.broadcast %get3A_438 : vector<1x256xf32> to vector<256x256xf32>
    %add3A_439 = arith.addf %dot_general3A_435, %add3A : vector<256x256xf32>
    %max3A = arith.constant 0.000000e+00 : f32
    %max3A_440 = vector.broadcast %max3A : f32 to vector<256x256xf32>
    %max3A_441 = arith.maximumf %add3A_439, %max3A_440 : vector<256x256xf32>
    %convert_element_type3A_442 = arith.truncf %max3A_441 : vector<256x256xf32> to vector<256x256xbf16>
    %get3A_443 = arith.constant 0 : index
    %get3A_444 = arith.constant 0 : index
    %get3A_445 = vector.load %arg8[%get3A_443, %get3A_444] : memref<256x256xf32, #tpu.memory_space<vmem>>, vector<256x256xf32>
    %convert_element_type3A_446 = arith.truncf %get3A_445 : vector<256x256xf32> to vector<256x256xbf16>
    %dot_general3A_447 = arith.constant dense<0.000000e+00> : vector<256x256xf32>
    %dot_general3A_448 = tpu.matmul %convert_element_type3A_442, %convert_element_type3A_446, %dot_general3A_447 {dimension_numbers = #tpu.dot_dimension_numbers<[1], [1], [0], [0], [0, 0, 1, 0], [], []>, transpose_lhs_hint = false} : vector<256x256xbf16>, vector<256x256xbf16>, vector<256x256xf32> -> vector<256x256xf32>
    %get3A_449 = arith.constant 0 : index
    %get3A_450 = arith.constant 0 : index
    %get3A_451 = vector.load %arg9[%get3A_449, %get3A_450] : memref<1x256xf32, #tpu.memory_space<vmem>>, vector<1x256xf32>
    %add3A_452 = vector.broadcast %get3A_451 : vector<1x256xf32> to vector<256x256xf32>
    %add3A_453 = arith.addf %dot_general3A_448, %add3A_452 : vector<256x256xf32>
    %max3A_454 = arith.constant 0.000000e+00 : f32
    %max3A_455 = vector.broadcast %max3A_454 : f32 to vector<256x256xf32>
    %max3A_456 = arith.maximumf %add3A_453, %max3A_455 : vector<256x256xf32>
    %convert_element_type3A_457 = arith.truncf %max3A_456 : vector<256x256xf32> to vector<256x256xbf16>
    %get3A_458 = arith.constant 0 : index
    %get3A_459 = arith.constant 0 : index
    %get3A_460 = vector.load %arg10[%get3A_458, %get3A_459] : memref<256x256xf32, #tpu.memory_space<vmem>>, vector<256x256xf32>
    %convert_element_type3A_461 = arith.truncf %get3A_460 : vector<256x256xf32> to vector<256x256xbf16>
    %dot_general3A_462 = arith.constant dense<0.000000e+00> : vector<256x256xf32>
    %dot_general3A_463 = tpu.matmul %convert_element_type3A_457, %convert_element_type3A_461, %dot_general3A_462 {dimension_numbers = #tpu.dot_dimension_numbers<[1], [1], [0], [0], [0, 0, 1, 0], [], []>, transpose_lhs_hint = false} : vector<256x256xbf16>, vector<256x256xbf16>, vector<256x256xf32> -> vector<256x256xf32>
    %get3A_464 = arith.constant 0 : index
    %get3A_465 = arith.constant 0 : index
    %get3A_466 = vector.load %arg11[%get3A_464, %get3A_465] : memref<1x256xf32, #tpu.memory_space<vmem>>, vector<1x256xf32>
    %add3A_467 = vector.broadcast %get3A_466 : vector<1x256xf32> to vector<256x256xf32>
    %add3A_468 = arith.addf %dot_general3A_463, %add3A_467 : vector<256x256xf32>
    %max3A_469 = arith.constant 0.000000e+00 : f32
    %max3A_470 = vector.broadcast %max3A_469 : f32 to vector<256x256xf32>
    %max3A_471 = arith.maximumf %add3A_468, %max3A_470 : vector<256x256xf32>
    %convert_element_type3A_472 = arith.truncf %max3A_471 : vector<256x256xf32> to vector<256x256xbf16>
    %get3A_473 = arith.constant 0 : index
    %get3A_474 = arith.constant 0 : index
    %get3A_475 = vector.load %arg12[%get3A_473, %get3A_474] : memref<256x256xf32, #tpu.memory_space<vmem>>, vector<256x256xf32>
    %convert_element_type3A_476 = arith.truncf %get3A_475 : vector<256x256xf32> to vector<256x256xbf16>
    %dot_general3A_477 = arith.constant dense<0.000000e+00> : vector<256x256xf32>
    %dot_general3A_478 = tpu.matmul %convert_element_type3A_472, %convert_element_type3A_476, %dot_general3A_477 {dimension_numbers = #tpu.dot_dimension_numbers<[1], [1], [0], [0], [0, 0, 1, 0], [], []>, transpose_lhs_hint = false} : vector<256x256xbf16>, vector<256x256xbf16>, vector<256x256xf32> -> vector<256x256xf32>
    %get3A_479 = arith.constant 0 : index
    %get3A_480 = arith.constant 0 : index
    %get3A_481 = vector.load %arg13[%get3A_479, %get3A_480] : memref<1x256xf32, #tpu.memory_space<vmem>>, vector<1x256xf32>
    %add3A_482 = vector.broadcast %get3A_481 : vector<1x256xf32> to vector<256x256xf32>
    %add3A_483 = arith.addf %dot_general3A_478, %add3A_482 : vector<256x256xf32>
    %max3A_484 = arith.constant 0.000000e+00 : f32
    %max3A_485 = vector.broadcast %max3A_484 : f32 to vector<256x256xf32>
    %max3A_486 = arith.maximumf %add3A_483, %max3A_485 : vector<256x256xf32>
    %get3A_487 = arith.constant 0 : index
    %get3A_488 = arith.constant 0 : index
    %get3A_489 = vector.load %arg14[%get3A_487, %get3A_488] : memref<1x256xf32, #tpu.memory_space<vmem>>, vector<1x256xf32>
    %mul3A = vector.broadcast %get3A_489 : vector<1x256xf32> to vector<256x256xf32>
    %mul3A_490 = arith.mulf %max3A_486, %mul3A : vector<256x256xf32>
    %reduce_sum3A = arith.constant dense<0.000000e+00> : vector<256xf32>
    %reduce_sum3A_491 = vector.multi_reduction <add>, %mul3A_490, %reduce_sum3A [1] : vector<256x256xf32> to vector<256xf32>
    %broadcast_in_dim3A = vector.shape_cast %reduce_sum3A_491 : vector<256xf32> to vector<256x1xf32>
    %get3A_492 = arith.constant 0 : index
    %get3A_493 = arith.constant 0 : index
    %get3A_494 = vector.load %arg15[%get3A_492, %get3A_493] : memref<1x1xf32, #tpu.memory_space<vmem>>, vector<1x1xf32>
    %add3A_495 = vector.broadcast %get3A_494 : vector<1x1xf32> to vector<256x1xf32>
    %add3A_496 = arith.addf %broadcast_in_dim3A, %add3A_495 : vector<256x1xf32>
    %logistic3A = arith.negf %add3A_496 : vector<256x1xf32>
    %logistic3A_497 = math.exp %logistic3A : vector<256x1xf32>
    %logistic3A_498 = arith.constant 1.000000e+00 : f32
    %logistic3A_499 = vector.broadcast %logistic3A_498 : f32 to vector<256x1xf32>
    %logistic3A_500 = arith.addf %logistic3A_499, %logistic3A_497 : vector<256x1xf32>
    %logistic3A_501 = arith.divf %logistic3A_499, %logistic3A_500 : vector<256x1xf32>
    %swap3A_502 = arith.constant 0 : index
    %swap3A_503 = arith.constant 0 : index
    %swap3A_504 = vector.load %arg16[%swap3A_502, %swap3A_503] : memref<2176x384xf32, #tpu.memory_space<vmem>>, vector<256x256xf32>
    tpu.vector_store %arg16[%swap3A_502, %swap3A_503], %get3A_428 {strides = array<i32>} : memref<2176x384xf32, #tpu.memory_space<vmem>>, vector<256x256xf32>,
    %broadcast_in_dim3A_505 = vector.shape_cast %logistic3A_501 : vector<256x1xf32> to vector<256x1xf32>
    %broadcast_in_dim3A_506 = vector.broadcast %broadcast_in_dim3A_505 : vector<256x1xf32> to vector<256x128xf32>
    %swap3A_507 = arith.constant 0 : index
    %swap3A_508 = arith.constant 256 : index
    %swap3A_509 = vector.load %arg16[%swap3A_507, %swap3A_508] : memref<2176x384xf32, #tpu.memory_space<vmem>>, vector<256x128xf32>
    tpu.vector_store %arg16[%swap3A_507, %swap3A_508], %broadcast_in_dim3A_506 {strides = array<i32>} : memref<2176x384xf32, #tpu.memory_space<vmem>>, vector<256x128xf32>,
    %get3A_510 = arith.constant 256 : index
    %get3A_511 = arith.constant 0 : index
    %get3A_512 = vector.load %arg17[%get3A_510, %get3A_511] : memref<2176x256xf32, #tpu.memory_space<vmem>>, vector<256x256xf32>
    %convert_element_type3A_513 = arith.truncf %get3A_512 : vector<256x256xf32> to vector<256x256xbf16>
    %get3A_514 = arith.constant 0 : index
    %get3A_515 = arith.constant 0 : index
    %get3A_516 = vector.load %arg6[%get3A_514, %get3A_515] : memref<256x256xf32, #tpu.memory_space<vmem>>, vector<256x256xf32>
    %convert_element_type3A_517 = arith.truncf %get3A_516 : vector<256x256xf32> to vector<256x256xbf16>
    %dot_general3A_518 = arith.constant dense<0.000000e+00> : vector<256x256xf32>
    %dot_general3A_519 = tpu.matmul %convert_element_type3A_513, %convert_element_type3A_517, %dot_general3A_518 {dimension_numbers = #tpu.dot_dimension_numbers<[1], [1], [0], [0], [0, 0, 1, 0], [], []>, transpose_lhs_hint = false} : vector<256x256xbf16>, vector<256x256xbf16>, vector<256x256xf32> -> vector<256x256xf32>
    %get3A_520 = arith.constant 0 : index
    %get3A_521 = arith.constant 0 : index
    %get3A_522 = vector.load %arg7[%get3A_520, %get3A_521] : memref<1x256xf32, #tpu.memory_space<vmem>>, vector<1x256xf32>
    %add3A_523 = vector.broadcast %get3A_522 : vector<1x256xf32> to vector<256x256xf32>
    %add3A_524 = arith.addf %dot_general3A_519, %add3A_523 : vector<256x256xf32>
    %max3A_525 = arith.constant 0.000000e+00 : f32
    %max3A_526 = vector.broadcast %max3A_525 : f32 to vector<256x256xf32>
    %max3A_527 = arith.maximumf %add3A_524, %max3A_526 : vector<256x256xf32>
    %convert_element_type3A_528 = arith.truncf %max3A_527 : vector<256x256xf32> to vector<256x256xbf16>
    %get3A_529 = arith.constant 0 : index
    %get3A_530 = arith.constant 0 : index
    %get3A_531 = vector.load %arg8[%get3A_529, %get3A_530] : memref<256x256xf32, #tpu.memory_space<vmem>>, vector<256x256xf32>
    %convert_element_type3A_532 = arith.truncf %get3A_531 : vector<256x256xf32> to vector<256x256xbf16>
    %dot_general3A_533 = arith.constant dense<0.000000e+00> : vector<256x256xf32>
    %dot_general3A_534 = tpu.matmul %convert_element_type3A_528, %convert_element_type3A_532, %dot_general3A_533 {dimension_numbers = #tpu.dot_dimension_numbers<[1], [1], [0], [0], [0, 0, 1, 0], [], []>, transpose_lhs_hint = false} : vector<256x256xbf16>, vector<256x256xbf16>, vector<256x256xf32> -> vector<256x256xf32>
    %get3A_535 = arith.constant 0 : index
    %get3A_536 = arith.constant 0 : index
    %get3A_537 = vector.load %arg9[%get3A_535, %get3A_536] : memref<1x256xf32, #tpu.memory_space<vmem>>, vector<1x256xf32>
    %add3A_538 = vector.broadcast %get3A_537 : vector<1x256xf32> to vector<256x256xf32>
    %add3A_539 = arith.addf %dot_general3A_534, %add3A_538 : vector<256x256xf32>
    %max3A_540 = arith.constant 0.000000e+00 : f32
    %max3A_541 = vector.broadcast %max3A_540 : f32 to vector<256x256xf32>
    %max3A_542 = arith.maximumf %add3A_539, %max3A_541 : vector<256x256xf32>
    %convert_element_type3A_543 = arith.truncf %max3A_542 : vector<256x256xf32> to vector<256x256xbf16>
    %get3A_544 = arith.constant 0 : index
    %get3A_545 = arith.constant 0 : index
    %get3A_546 = vector.load %arg10[%get3A_544, %get3A_545] : memref<256x256xf32, #tpu.memory_space<vmem>>, vector<256x256xf32>
    %convert_element_type3A_547 = arith.truncf %get3A_546 : vector<256x256xf32> to vector<256x256xbf16>
    %dot_general3A_548 = arith.constant dense<0.000000e+00> : vector<256x256xf32>
    %dot_general3A_549 = tpu.matmul %convert_element_type3A_543, %convert_element_type3A_547, %dot_general3A_548 {dimension_numbers = #tpu.dot_dimension_numbers<[1], [1], [0], [0], [0, 0, 1, 0], [], []>, transpose_lhs_hint = false} : vector<256x256xbf16>, vector<256x256xbf16>, vector<256x256xf32> -> vector<256x256xf32>
    %get3A_550 = arith.constant 0 : index
    %get3A_551 = arith.constant 0 : index
    %get3A_552 = vector.load %arg11[%get3A_550, %get3A_551] : memref<1x256xf32, #tpu.memory_space<vmem>>, vector<1x256xf32>
    %add3A_553 = vector.broadcast %get3A_552 : vector<1x256xf32> to vector<256x256xf32>
    %add3A_554 = arith.addf %dot_general3A_549, %add3A_553 : vector<256x256xf32>
    %max3A_555 = arith.constant 0.000000e+00 : f32
    %max3A_556 = vector.broadcast %max3A_555 : f32 to vector<256x256xf32>
    %max3A_557 = arith.maximumf %add3A_554, %max3A_556 : vector<256x256xf32>
    %convert_element_type3A_558 = arith.truncf %max3A_557 : vector<256x256xf32> to vector<256x256xbf16>
    %get3A_559 = arith.constant 0 : index
    %get3A_560 = arith.constant 0 : index
    %get3A_561 = vector.load %arg12[%get3A_559, %get3A_560] : memref<256x256xf32, #tpu.memory_space<vmem>>, vector<256x256xf32>
    %convert_element_type3A_562 = arith.truncf %get3A_561 : vector<256x256xf32> to vector<256x256xbf16>
    %dot_general3A_563 = arith.constant dense<0.000000e+00> : vector<256x256xf32>
    %dot_general3A_564 = tpu.matmul %convert_element_type3A_558, %convert_element_type3A_562, %dot_general3A_563 {dimension_numbers = #tpu.dot_dimension_numbers<[1], [1], [0], [0], [0, 0, 1, 0], [], []>, transpose_lhs_hint = false} : vector<256x256xbf16>, vector<256x256xbf16>, vector<256x256xf32> -> vector<256x256xf32>
    %get3A_565 = arith.constant 0 : index
    %get3A_566 = arith.constant 0 : index
    %get3A_567 = vector.load %arg13[%get3A_565, %get3A_566] : memref<1x256xf32, #tpu.memory_space<vmem>>, vector<1x256xf32>
    %add3A_568 = vector.broadcast %get3A_567 : vector<1x256xf32> to vector<256x256xf32>
    %add3A_569 = arith.addf %dot_general3A_564, %add3A_568 : vector<256x256xf32>
    %max3A_570 = arith.constant 0.000000e+00 : f32
    %max3A_571 = vector.broadcast %max3A_570 : f32 to vector<256x256xf32>
    %max3A_572 = arith.maximumf %add3A_569, %max3A_571 : vector<256x256xf32>
    %get3A_573 = arith.constant 0 : index
    %get3A_574 = arith.constant 0 : index
    %get3A_575 = vector.load %arg14[%get3A_573, %get3A_574] : memref<1x256xf32, #tpu.memory_space<vmem>>, vector<1x256xf32>
    %mul3A_576 = vector.broadcast %get3A_575 : vector<1x256xf32> to vector<256x256xf32>
    %mul3A_577 = arith.mulf %max3A_572, %mul3A_576 : vector<256x256xf32>
    %reduce_sum3A_578 = arith.constant dense<0.000000e+00> : vector<256xf32>
    %reduce_sum3A_579 = vector.multi_reduction <add>, %mul3A_577, %reduce_sum3A_578 [1] : vector<256x256xf32> to vector<256xf32>
    %broadcast_in_dim3A_580 = vector.shape_cast %reduce_sum3A_579 : vector<256xf32> to vector<256x1xf32>
    %get3A_581 = arith.constant 0 : index
    %get3A_582 = arith.constant 0 : index
    %get3A_583 = vector.load %arg15[%get3A_581, %get3A_582] : memref<1x1xf32, #tpu.memory_space<vmem>>, vector<1x1xf32>
    %add3A_584 = vector.broadcast %get3A_583 : vector<1x1xf32> to vector<256x1xf32>
    %add3A_585 = arith.addf %broadcast_in_dim3A_580, %add3A_584 : vector<256x1xf32>
    %logistic3A_586 = arith.negf %add3A_585 : vector<256x1xf32>
    %logistic3A_587 = math.exp %logistic3A_586 : vector<256x1xf32>
    %logistic3A_588 = arith.constant 1.000000e+00 : f32
    %logistic3A_589 = vector.broadcast %logistic3A_588 : f32 to vector<256x1xf32>
    %logistic3A_590 = arith.addf %logistic3A_589, %logistic3A_587 : vector<256x1xf32>
    %logistic3A_591 = arith.divf %logistic3A_589, %logistic3A_590 : vector<256x1xf32>
    %swap3A_592 = arith.constant 256 : index
    %swap3A_593 = arith.constant 0 : index
    %swap3A_594 = vector.load %arg16[%swap3A_592, %swap3A_593] : memref<2176x384xf32, #tpu.memory_space<vmem>>, vector<256x256xf32>
    tpu.vector_store %arg16[%swap3A_592, %swap3A_593], %get3A_512 {strides = array<i32>} : memref<2176x384xf32, #tpu.memory_space<vmem>>, vector<256x256xf32>,
    %broadcast_in_dim3A_595 = vector.shape_cast %logistic3A_591 : vector<256x1xf32> to vector<256x1xf32>
    %broadcast_in_dim3A_596 = vector.broadcast %broadcast_in_dim3A_595 : vector<256x1xf32> to vector<256x128xf32>
    %swap3A_597 = arith.constant 256 : index
    %swap3A_598 = arith.constant 256 : index
    %swap3A_599 = vector.load %arg16[%swap3A_597, %swap3A_598] : memref<2176x384xf32, #tpu.memory_space<vmem>>, vector<256x128xf32>
    tpu.vector_store %arg16[%swap3A_597, %swap3A_598], %broadcast_in_dim3A_596 {strides = array<i32>} : memref<2176x384xf32, #tpu.memory_space<vmem>>, vector<256x128xf32>,
    %get3A_600 = arith.constant 512 : index
    %get3A_601 = arith.constant 0 : index
    %get3A_602 = vector.load %arg17[%get3A_600, %get3A_601] : memref<2176x256xf32, #tpu.memory_space<vmem>>, vector<256x256xf32>
    %convert_element_type3A_603 = arith.truncf %get3A_602 : vector<256x256xf32> to vector<256x256xbf16>
    %get3A_604 = arith.constant 0 : index
    %get3A_605 = arith.constant 0 : index
    %get3A_606 = vector.load %arg6[%get3A_604, %get3A_605] : memref<256x256xf32, #tpu.memory_space<vmem>>, vector<256x256xf32>
    %convert_element_type3A_607 = arith.truncf %get3A_606 : vector<256x256xf32> to vector<256x256xbf16>
    %dot_general3A_608 = arith.constant dense<0.000000e+00> : vector<256x256xf32>
    %dot_general3A_609 = tpu.matmul %convert_element_type3A_603, %convert_element_type3A_607, %dot_general3A_608 {dimension_numbers = #tpu.dot_dimension_numbers<[1], [1], [0], [0], [0, 0, 1, 0], [], []>, transpose_lhs_hint = false} : vector<256x256xbf16>, vector<256x256xbf16>, vector<256x256xf32> -> vector<256x256xf32>
    %get3A_610 = arith.constant 0 : index
    %get3A_611 = arith.constant 0 : index
    %get3A_612 = vector.load %arg7[%get3A_610, %get3A_611] : memref<1x256xf32, #tpu.memory_space<vmem>>, vector<1x256xf32>
    %add3A_613 = vector.broadcast %get3A_612 : vector<1x256xf32> to vector<256x256xf32>
    %add3A_614 = arith.addf %dot_general3A_609, %add3A_613 : vector<256x256xf32>
    %max3A_615 = arith.constant 0.000000e+00 : f32
    %max3A_616 = vector.broadcast %max3A_615 : f32 to vector<256x256xf32>
    %max3A_617 = arith.maximumf %add3A_614, %max3A_616 : vector<256x256xf32>
    %convert_element_type3A_618 = arith.truncf %max3A_617 : vector<256x256xf32> to vector<256x256xbf16>
    %get3A_619 = arith.constant 0 : index
    %get3A_620 = arith.constant 0 : index
    %get3A_621 = vector.load %arg8[%get3A_619, %get3A_620] : memref<256x256xf32, #tpu.memory_space<vmem>>, vector<256x256xf32>
    %convert_element_type3A_622 = arith.truncf %get3A_621 : vector<256x256xf32> to vector<256x256xbf16>
    %dot_general3A_623 = arith.constant dense<0.000000e+00> : vector<256x256xf32>
    %dot_general3A_624 = tpu.matmul %convert_element_type3A_618, %convert_element_type3A_622, %dot_general3A_623 {dimension_numbers = #tpu.dot_dimension_numbers<[1], [1], [0], [0], [0, 0, 1, 0], [], []>, transpose_lhs_hint = false} : vector<256x256xbf16>, vector<256x256xbf16>, vector<256x256xf32> -> vector<256x256xf32>
    %get3A_625 = arith.constant 0 : index
    %get3A_626 = arith.constant 0 : index
    %get3A_627 = vector.load %arg9[%get3A_625, %get3A_626] : memref<1x256xf32, #tpu.memory_space<vmem>>, vector<1x256xf32>
    %add3A_628 = vector.broadcast %get3A_627 : vector<1x256xf32> to vector<256x256xf32>
    %add3A_629 = arith.addf %dot_general3A_624, %add3A_628 : vector<256x256xf32>
    %max3A_630 = arith.constant 0.000000e+00 : f32
    %max3A_631 = vector.broadcast %max3A_630 : f32 to vector<256x256xf32>
    %max3A_632 = arith.maximumf %add3A_629, %max3A_631 : vector<256x256xf32>
    %convert_element_type3A_633 = arith.truncf %max3A_632 : vector<256x256xf32> to vector<256x256xbf16>
    %get3A_634 = arith.constant 0 : index
    %get3A_635 = arith.constant 0 : index
    %get3A_636 = vector.load %arg10[%get3A_634, %get3A_635] : memref<256x256xf32, #tpu.memory_space<vmem>>, vector<256x256xf32>
    %convert_element_type3A_637 = arith.truncf %get3A_636 : vector<256x256xf32> to vector<256x256xbf16>
    %dot_general3A_638 = arith.constant dense<0.000000e+00> : vector<256x256xf32>
    %dot_general3A_639 = tpu.matmul %convert_element_type3A_633, %convert_element_type3A_637, %dot_general3A_638 {dimension_numbers = #tpu.dot_dimension_numbers<[1], [1], [0], [0], [0, 0, 1, 0], [], []>, transpose_lhs_hint = false} : vector<256x256xbf16>, vector<256x256xbf16>, vector<256x256xf32> -> vector<256x256xf32>
    %get3A_640 = arith.constant 0 : index
    %get3A_641 = arith.constant 0 : index
    %get3A_642 = vector.load %arg11[%get3A_640, %get3A_641] : memref<1x256xf32, #tpu.memory_space<vmem>>, vector<1x256xf32>
    %add3A_643 = vector.broadcast %get3A_642 : vector<1x256xf32> to vector<256x256xf32>
    %add3A_644 = arith.addf %dot_general3A_639, %add3A_643 : vector<256x256xf32>
    %max3A_645 = arith.constant 0.000000e+00 : f32
    %max3A_646 = vector.broadcast %max3A_645 : f32 to vector<256x256xf32>
    %max3A_647 = arith.maximumf %add3A_644, %max3A_646 : vector<256x256xf32>
    %convert_element_type3A_648 = arith.truncf %max3A_647 : vector<256x256xf32> to vector<256x256xbf16>
    %get3A_649 = arith.constant 0 : index
    %get3A_650 = arith.constant 0 : index
    %get3A_651 = vector.load %arg12[%get3A_649, %get3A_650] : memref<256x256xf32, #tpu.memory_space<vmem>>, vector<256x256xf32>
    %convert_element_type3A_652 = arith.truncf %get3A_651 : vector<256x256xf32> to vector<256x256xbf16>
    %dot_general3A_653 = arith.constant dense<0.000000e+00> : vector<256x256xf32>
    %dot_general3A_654 = tpu.matmul %convert_element_type3A_648, %convert_element_type3A_652, %dot_general3A_653 {dimension_numbers = #tpu.dot_dimension_numbers<[1], [1], [0], [0], [0, 0, 1, 0], [], []>, transpose_lhs_hint = false} : vector<256x256xbf16>, vector<256x256xbf16>, vector<256x256xf32> -> vector<256x256xf32>
    %get3A_655 = arith.constant 0 : index
    %get3A_656 = arith.constant 0 : index
    %get3A_657 = vector.load %arg13[%get3A_655, %get3A_656] : memref<1x256xf32, #tpu.memory_space<vmem>>, vector<1x256xf32>
    %add3A_658 = vector.broadcast %get3A_657 : vector<1x256xf32> to vector<256x256xf32>
    %add3A_659 = arith.addf %dot_general3A_654, %add3A_658 : vector<256x256xf32>
    %max3A_660 = arith.constant 0.000000e+00 : f32
    %max3A_661 = vector.broadcast %max3A_660 : f32 to vector<256x256xf32>
    %max3A_662 = arith.maximumf %add3A_659, %max3A_661 : vector<256x256xf32>
    %get3A_663 = arith.constant 0 : index
    %get3A_664 = arith.constant 0 : index
    %get3A_665 = vector.load %arg14[%get3A_663, %get3A_664] : memref<1x256xf32, #tpu.memory_space<vmem>>, vector<1x256xf32>
    %mul3A_666 = vector.broadcast %get3A_665 : vector<1x256xf32> to vector<256x256xf32>
    %mul3A_667 = arith.mulf %max3A_662, %mul3A_666 : vector<256x256xf32>
    %reduce_sum3A_668 = arith.constant dense<0.000000e+00> : vector<256xf32>
    %reduce_sum3A_669 = vector.multi_reduction <add>, %mul3A_667, %reduce_sum3A_668 [1] : vector<256x256xf32> to vector<256xf32>
    %broadcast_in_dim3A_670 = vector.shape_cast %reduce_sum3A_669 : vector<256xf32> to vector<256x1xf32>
    %get3A_671 = arith.constant 0 : index
    %get3A_672 = arith.constant 0 : index
    %get3A_673 = vector.load %arg15[%get3A_671, %get3A_672] : memref<1x1xf32, #tpu.memory_space<vmem>>, vector<1x1xf32>
    %add3A_674 = vector.broadcast %get3A_673 : vector<1x1xf32> to vector<256x1xf32>
    %add3A_675 = arith.addf %broadcast_in_dim3A_670, %add3A_674 : vector<256x1xf32>
    %logistic3A_676 = arith.negf %add3A_675 : vector<256x1xf32>
    %logistic3A_677 = math.exp %logistic3A_676 : vector<256x1xf32>
    %logistic3A_678 = arith.constant 1.000000e+00 : f32
    %logistic3A_679 = vector.broadcast %logistic3A_678 : f32 to vector<256x1xf32>
    %logistic3A_680 = arith.addf %logistic3A_679, %logistic3A_677 : vector<256x1xf32>
    %logistic3A_681 = arith.divf %logistic3A_679, %logistic3A_680 : vector<256x1xf32>
    %swap3A_682 = arith.constant 512 : index
    %swap3A_683 = arith.constant 0 : index
    %swap3A_684 = vector.load %arg16[%swap3A_682, %swap3A_683] : memref<2176x384xf32, #tpu.memory_space<vmem>>, vector<256x256xf32>
    tpu.vector_store %arg16[%swap3A_682, %swap3A_683], %get3A_602 {strides = array<i32>} : memref<2176x384xf32, #tpu.memory_space<vmem>>, vector<256x256xf32>,
    %broadcast_in_dim3A_685 = vector.shape_cast %logistic3A_681 : vector<256x1xf32> to vector<256x1xf32>
    %broadcast_in_dim3A_686 = vector.broadcast %broadcast_in_dim3A_685 : vector<256x1xf32> to vector<256x128xf32>
    %swap3A_687 = arith.constant 512 : index
    %swap3A_688 = arith.constant 256 : index
    %swap3A_689 = vector.load %arg16[%swap3A_687, %swap3A_688] : memref<2176x384xf32, #tpu.memory_space<vmem>>, vector<256x128xf32>
    tpu.vector_store %arg16[%swap3A_687, %swap3A_688], %broadcast_in_dim3A_686 {strides = array<i32>} : memref<2176x384xf32, #tpu.memory_space<vmem>>, vector<256x128xf32>,
    %get3A_690 = arith.constant 768 : index
    %get3A_691 = arith.constant 0 : index
    %get3A_692 = vector.load %arg17[%get3A_690, %get3A_691] : memref<2176x256xf32, #tpu.memory_space<vmem>>, vector<256x256xf32>
    %convert_element_type3A_693 = arith.truncf %get3A_692 : vector<256x256xf32> to vector<256x256xbf16>
    %get3A_694 = arith.constant 0 : index
    %get3A_695 = arith.constant 0 : index
    %get3A_696 = vector.load %arg6[%get3A_694, %get3A_695] : memref<256x256xf32, #tpu.memory_space<vmem>>, vector<256x256xf32>
    %convert_element_type3A_697 = arith.truncf %get3A_696 : vector<256x256xf32> to vector<256x256xbf16>
    %dot_general3A_698 = arith.constant dense<0.000000e+00> : vector<256x256xf32>
    %dot_general3A_699 = tpu.matmul %convert_element_type3A_693, %convert_element_type3A_697, %dot_general3A_698 {dimension_numbers = #tpu.dot_dimension_numbers<[1], [1], [0], [0], [0, 0, 1, 0], [], []>, transpose_lhs_hint = false} : vector<256x256xbf16>, vector<256x256xbf16>, vector<256x256xf32> -> vector<256x256xf32>
    %get3A_700 = arith.constant 0 : index
    %get3A_701 = arith.constant 0 : index
    %get3A_702 = vector.load %arg7[%get3A_700, %get3A_701] : memref<1x256xf32, #tpu.memory_space<vmem>>, vector<1x256xf32>
    %add3A_703 = vector.broadcast %get3A_702 : vector<1x256xf32> to vector<256x256xf32>
    %add3A_704 = arith.addf %dot_general3A_699, %add3A_703 : vector<256x256xf32>
    %max3A_705 = arith.constant 0.000000e+00 : f32
    %max3A_706 = vector.broadcast %max3A_705 : f32 to vector<256x256xf32>
    %max3A_707 = arith.maximumf %add3A_704, %max3A_706 : vector<256x256xf32>
    %convert_element_type3A_708 = arith.truncf %max3A_707 : vector<256x256xf32> to vector<256x256xbf16>
    %get3A_709 = arith.constant 0 : index
    %get3A_710 = arith.constant 0 : index
    %get3A_711 = vector.load %arg8[%get3A_709, %get3A_710] : memref<256x256xf32, #tpu.memory_space<vmem>>, vector<256x256xf32>
    %convert_element_type3A_712 = arith.truncf %get3A_711 : vector<256x256xf32> to vector<256x256xbf16>
    %dot_general3A_713 = arith.constant dense<0.000000e+00> : vector<256x256xf32>
    %dot_general3A_714 = tpu.matmul %convert_element_type3A_708, %convert_element_type3A_712, %dot_general3A_713 {dimension_numbers = #tpu.dot_dimension_numbers<[1], [1], [0], [0], [0, 0, 1, 0], [], []>, transpose_lhs_hint = false} : vector<256x256xbf16>, vector<256x256xbf16>, vector<256x256xf32> -> vector<256x256xf32>
    %get3A_715 = arith.constant 0 : index
    %get3A_716 = arith.constant 0 : index
    %get3A_717 = vector.load %arg9[%get3A_715, %get3A_716] : memref<1x256xf32, #tpu.memory_space<vmem>>, vector<1x256xf32>
    %add3A_718 = vector.broadcast %get3A_717 : vector<1x256xf32> to vector<256x256xf32>
    %add3A_719 = arith.addf %dot_general3A_714, %add3A_718 : vector<256x256xf32>
    %max3A_720 = arith.constant 0.000000e+00 : f32
    %max3A_721 = vector.broadcast %max3A_720 : f32 to vector<256x256xf32>
    %max3A_722 = arith.maximumf %add3A_719, %max3A_721 : vector<256x256xf32>
    %convert_element_type3A_723 = arith.truncf %max3A_722 : vector<256x256xf32> to vector<256x256xbf16>
    %get3A_724 = arith.constant 0 : index
    %get3A_725 = arith.constant 0 : index
    %get3A_726 = vector.load %arg10[%get3A_724, %get3A_725] : memref<256x256xf32, #tpu.memory_space<vmem>>, vector<256x256xf32>
    %convert_element_type3A_727 = arith.truncf %get3A_726 : vector<256x256xf32> to vector<256x256xbf16>
    %dot_general3A_728 = arith.constant dense<0.000000e+00> : vector<256x256xf32>
    %dot_general3A_729 = tpu.matmul %convert_element_type3A_723, %convert_element_type3A_727, %dot_general3A_728 {dimension_numbers = #tpu.dot_dimension_numbers<[1], [1], [0], [0], [0, 0, 1, 0], [], []>, transpose_lhs_hint = false} : vector<256x256xbf16>, vector<256x256xbf16>, vector<256x256xf32> -> vector<256x256xf32>
    %get3A_730 = arith.constant 0 : index
    %get3A_731 = arith.constant 0 : index
    %get3A_732 = vector.load %arg11[%get3A_730, %get3A_731] : memref<1x256xf32, #tpu.memory_space<vmem>>, vector<1x256xf32>
    %add3A_733 = vector.broadcast %get3A_732 : vector<1x256xf32> to vector<256x256xf32>
    %add3A_734 = arith.addf %dot_general3A_729, %add3A_733 : vector<256x256xf32>
    %max3A_735 = arith.constant 0.000000e+00 : f32
    %max3A_736 = vector.broadcast %max3A_735 : f32 to vector<256x256xf32>
    %max3A_737 = arith.maximumf %add3A_734, %max3A_736 : vector<256x256xf32>
    %convert_element_type3A_738 = arith.truncf %max3A_737 : vector<256x256xf32> to vector<256x256xbf16>
    %get3A_739 = arith.constant 0 : index
    %get3A_740 = arith.constant 0 : index
    %get3A_741 = vector.load %arg12[%get3A_739, %get3A_740] : memref<256x256xf32, #tpu.memory_space<vmem>>, vector<256x256xf32>
    %convert_element_type3A_742 = arith.truncf %get3A_741 : vector<256x256xf32> to vector<256x256xbf16>
    %dot_general3A_743 = arith.constant dense<0.000000e+00> : vector<256x256xf32>
    %dot_general3A_744 = tpu.matmul %convert_element_type3A_738, %convert_element_type3A_742, %dot_general3A_743 {dimension_numbers = #tpu.dot_dimension_numbers<[1], [1], [0], [0], [0, 0, 1, 0], [], []>, transpose_lhs_hint = false} : vector<256x256xbf16>, vector<256x256xbf16>, vector<256x256xf32> -> vector<256x256xf32>
    %get3A_745 = arith.constant 0 : index
    %get3A_746 = arith.constant 0 : index
    %get3A_747 = vector.load %arg13[%get3A_745, %get3A_746] : memref<1x256xf32, #tpu.memory_space<vmem>>, vector<1x256xf32>
    %add3A_748 = vector.broadcast %get3A_747 : vector<1x256xf32> to vector<256x256xf32>
    %add3A_749 = arith.addf %dot_general3A_744, %add3A_748 : vector<256x256xf32>
    %max3A_750 = arith.constant 0.000000e+00 : f32
    %max3A_751 = vector.broadcast %max3A_750 : f32 to vector<256x256xf32>
    %max3A_752 = arith.maximumf %add3A_749, %max3A_751 : vector<256x256xf32>
    %get3A_753 = arith.constant 0 : index
    %get3A_754 = arith.constant 0 : index
    %get3A_755 = vector.load %arg14[%get3A_753, %get3A_754] : memref<1x256xf32, #tpu.memory_space<vmem>>, vector<1x256xf32>
    %mul3A_756 = vector.broadcast %get3A_755 : vector<1x256xf32> to vector<256x256xf32>
    %mul3A_757 = arith.mulf %max3A_752, %mul3A_756 : vector<256x256xf32>
    %reduce_sum3A_758 = arith.constant dense<0.000000e+00> : vector<256xf32>
    %reduce_sum3A_759 = vector.multi_reduction <add>, %mul3A_757, %reduce_sum3A_758 [1] : vector<256x256xf32> to vector<256xf32>
    %broadcast_in_dim3A_760 = vector.shape_cast %reduce_sum3A_759 : vector<256xf32> to vector<256x1xf32>
    %get3A_761 = arith.constant 0 : index
    %get3A_762 = arith.constant 0 : index
    %get3A_763 = vector.load %arg15[%get3A_761, %get3A_762] : memref<1x1xf32, #tpu.memory_space<vmem>>, vector<1x1xf32>
    %add3A_764 = vector.broadcast %get3A_763 : vector<1x1xf32> to vector<256x1xf32>
    %add3A_765 = arith.addf %broadcast_in_dim3A_760, %add3A_764 : vector<256x1xf32>
    %logistic3A_766 = arith.negf %add3A_765 : vector<256x1xf32>
    %logistic3A_767 = math.exp %logistic3A_766 : vector<256x1xf32>
    %logistic3A_768 = arith.constant 1.000000e+00 : f32
    %logistic3A_769 = vector.broadcast %logistic3A_768 : f32 to vector<256x1xf32>
    %logistic3A_770 = arith.addf %logistic3A_769, %logistic3A_767 : vector<256x1xf32>
    %logistic3A_771 = arith.divf %logistic3A_769, %logistic3A_770 : vector<256x1xf32>
    %swap3A_772 = arith.constant 768 : index
    %swap3A_773 = arith.constant 0 : index
    %swap3A_774 = vector.load %arg16[%swap3A_772, %swap3A_773] : memref<2176x384xf32, #tpu.memory_space<vmem>>, vector<256x256xf32>
    tpu.vector_store %arg16[%swap3A_772, %swap3A_773], %get3A_692 {strides = array<i32>} : memref<2176x384xf32, #tpu.memory_space<vmem>>, vector<256x256xf32>,
    %broadcast_in_dim3A_775 = vector.shape_cast %logistic3A_771 : vector<256x1xf32> to vector<256x1xf32>
    %broadcast_in_dim3A_776 = vector.broadcast %broadcast_in_dim3A_775 : vector<256x1xf32> to vector<256x128xf32>
    %swap3A_777 = arith.constant 768 : index
    %swap3A_778 = arith.constant 256 : index
    %swap3A_779 = vector.load %arg16[%swap3A_777, %swap3A_778] : memref<2176x384xf32, #tpu.memory_space<vmem>>, vector<256x128xf32>
    tpu.vector_store %arg16[%swap3A_777, %swap3A_778], %broadcast_in_dim3A_776 {strides = array<i32>} : memref<2176x384xf32, #tpu.memory_space<vmem>>, vector<256x128xf32>,
    %get3A_780 = arith.constant 1024 : index
    %get3A_781 = arith.constant 0 : index
    %get3A_782 = vector.load %arg17[%get3A_780, %get3A_781] : memref<2176x256xf32, #tpu.memory_space<vmem>>, vector<256x256xf32>
    %convert_element_type3A_783 = arith.truncf %get3A_782 : vector<256x256xf32> to vector<256x256xbf16>
    %get3A_784 = arith.constant 0 : index
    %get3A_785 = arith.constant 0 : index
    %get3A_786 = vector.load %arg6[%get3A_784, %get3A_785] : memref<256x256xf32, #tpu.memory_space<vmem>>, vector<256x256xf32>
    %convert_element_type3A_787 = arith.truncf %get3A_786 : vector<256x256xf32> to vector<256x256xbf16>
    %dot_general3A_788 = arith.constant dense<0.000000e+00> : vector<256x256xf32>
    %dot_general3A_789 = tpu.matmul %convert_element_type3A_783, %convert_element_type3A_787, %dot_general3A_788 {dimension_numbers = #tpu.dot_dimension_numbers<[1], [1], [0], [0], [0, 0, 1, 0], [], []>, transpose_lhs_hint = false} : vector<256x256xbf16>, vector<256x256xbf16>, vector<256x256xf32> -> vector<256x256xf32>
    %get3A_790 = arith.constant 0 : index
    %get3A_791 = arith.constant 0 : index
    %get3A_792 = vector.load %arg7[%get3A_790, %get3A_791] : memref<1x256xf32, #tpu.memory_space<vmem>>, vector<1x256xf32>
    %add3A_793 = vector.broadcast %get3A_792 : vector<1x256xf32> to vector<256x256xf32>
    %add3A_794 = arith.addf %dot_general3A_789, %add3A_793 : vector<256x256xf32>
    %max3A_795 = arith.constant 0.000000e+00 : f32
    %max3A_796 = vector.broadcast %max3A_795 : f32 to vector<256x256xf32>
    %max3A_797 = arith.maximumf %add3A_794, %max3A_796 : vector<256x256xf32>
    %convert_element_type3A_798 = arith.truncf %max3A_797 : vector<256x256xf32> to vector<256x256xbf16>
    %get3A_799 = arith.constant 0 : index
    %get3A_800 = arith.constant 0 : index
    %get3A_801 = vector.load %arg8[%get3A_799, %get3A_800] : memref<256x256xf32, #tpu.memory_space<vmem>>, vector<256x256xf32>
    %convert_element_type3A_802 = arith.truncf %get3A_801 : vector<256x256xf32> to vector<256x256xbf16>
    %dot_general3A_803 = arith.constant dense<0.000000e+00> : vector<256x256xf32>
    %dot_general3A_804 = tpu.matmul %convert_element_type3A_798, %convert_element_type3A_802, %dot_general3A_803 {dimension_numbers = #tpu.dot_dimension_numbers<[1], [1], [0], [0], [0, 0, 1, 0], [], []>, transpose_lhs_hint = false} : vector<256x256xbf16>, vector<256x256xbf16>, vector<256x256xf32> -> vector<256x256xf32>
    %get3A_805 = arith.constant 0 : index
    %get3A_806 = arith.constant 0 : index
    %get3A_807 = vector.load %arg9[%get3A_805, %get3A_806] : memref<1x256xf32, #tpu.memory_space<vmem>>, vector<1x256xf32>
    %add3A_808 = vector.broadcast %get3A_807 : vector<1x256xf32> to vector<256x256xf32>
    %add3A_809 = arith.addf %dot_general3A_804, %add3A_808 : vector<256x256xf32>
    %max3A_810 = arith.constant 0.000000e+00 : f32
    %max3A_811 = vector.broadcast %max3A_810 : f32 to vector<256x256xf32>
    %max3A_812 = arith.maximumf %add3A_809, %max3A_811 : vector<256x256xf32>
    %convert_element_type3A_813 = arith.truncf %max3A_812 : vector<256x256xf32> to vector<256x256xbf16>
    %get3A_814 = arith.constant 0 : index
    %get3A_815 = arith.constant 0 : index
    %get3A_816 = vector.load %arg10[%get3A_814, %get3A_815] : memref<256x256xf32, #tpu.memory_space<vmem>>, vector<256x256xf32>
    %convert_element_type3A_817 = arith.truncf %get3A_816 : vector<256x256xf32> to vector<256x256xbf16>
    %dot_general3A_818 = arith.constant dense<0.000000e+00> : vector<256x256xf32>
    %dot_general3A_819 = tpu.matmul %convert_element_type3A_813, %convert_element_type3A_817, %dot_general3A_818 {dimension_numbers = #tpu.dot_dimension_numbers<[1], [1], [0], [0], [0, 0, 1, 0], [], []>, transpose_lhs_hint = false} : vector<256x256xbf16>, vector<256x256xbf16>, vector<256x256xf32> -> vector<256x256xf32>
    %get3A_820 = arith.constant 0 : index
    %get3A_821 = arith.constant 0 : index
    %get3A_822 = vector.load %arg11[%get3A_820, %get3A_821] : memref<1x256xf32, #tpu.memory_space<vmem>>, vector<1x256xf32>
    %add3A_823 = vector.broadcast %get3A_822 : vector<1x256xf32> to vector<256x256xf32>
    %add3A_824 = arith.addf %dot_general3A_819, %add3A_823 : vector<256x256xf32>
    %max3A_825 = arith.constant 0.000000e+00 : f32
    %max3A_826 = vector.broadcast %max3A_825 : f32 to vector<256x256xf32>
    %max3A_827 = arith.maximumf %add3A_824, %max3A_826 : vector<256x256xf32>
    %convert_element_type3A_828 = arith.truncf %max3A_827 : vector<256x256xf32> to vector<256x256xbf16>
    %get3A_829 = arith.constant 0 : index
    %get3A_830 = arith.constant 0 : index
    %get3A_831 = vector.load %arg12[%get3A_829, %get3A_830] : memref<256x256xf32, #tpu.memory_space<vmem>>, vector<256x256xf32>
    %convert_element_type3A_832 = arith.truncf %get3A_831 : vector<256x256xf32> to vector<256x256xbf16>
    %dot_general3A_833 = arith.constant dense<0.000000e+00> : vector<256x256xf32>
    %dot_general3A_834 = tpu.matmul %convert_element_type3A_828, %convert_element_type3A_832, %dot_general3A_833 {dimension_numbers = #tpu.dot_dimension_numbers<[1], [1], [0], [0], [0, 0, 1, 0], [], []>, transpose_lhs_hint = false} : vector<256x256xbf16>, vector<256x256xbf16>, vector<256x256xf32> -> vector<256x256xf32>
    %get3A_835 = arith.constant 0 : index
    %get3A_836 = arith.constant 0 : index
    %get3A_837 = vector.load %arg13[%get3A_835, %get3A_836] : memref<1x256xf32, #tpu.memory_space<vmem>>, vector<1x256xf32>
    %add3A_838 = vector.broadcast %get3A_837 : vector<1x256xf32> to vector<256x256xf32>
    %add3A_839 = arith.addf %dot_general3A_834, %add3A_838 : vector<256x256xf32>
    %max3A_840 = arith.constant 0.000000e+00 : f32
    %max3A_841 = vector.broadcast %max3A_840 : f32 to vector<256x256xf32>
    %max3A_842 = arith.maximumf %add3A_839, %max3A_841 : vector<256x256xf32>
    %get3A_843 = arith.constant 0 : index
    %get3A_844 = arith.constant 0 : index
    %get3A_845 = vector.load %arg14[%get3A_843, %get3A_844] : memref<1x256xf32, #tpu.memory_space<vmem>>, vector<1x256xf32>
    %mul3A_846 = vector.broadcast %get3A_845 : vector<1x256xf32> to vector<256x256xf32>
    %mul3A_847 = arith.mulf %max3A_842, %mul3A_846 : vector<256x256xf32>
    %reduce_sum3A_848 = arith.constant dense<0.000000e+00> : vector<256xf32>
    %reduce_sum3A_849 = vector.multi_reduction <add>, %mul3A_847, %reduce_sum3A_848 [1] : vector<256x256xf32> to vector<256xf32>
    %broadcast_in_dim3A_850 = vector.shape_cast %reduce_sum3A_849 : vector<256xf32> to vector<256x1xf32>
    %get3A_851 = arith.constant 0 : index
    %get3A_852 = arith.constant 0 : index
    %get3A_853 = vector.load %arg15[%get3A_851, %get3A_852] : memref<1x1xf32, #tpu.memory_space<vmem>>, vector<1x1xf32>
    %add3A_854 = vector.broadcast %get3A_853 : vector<1x1xf32> to vector<256x1xf32>
    %add3A_855 = arith.addf %broadcast_in_dim3A_850, %add3A_854 : vector<256x1xf32>
    %logistic3A_856 = arith.negf %add3A_855 : vector<256x1xf32>
    %logistic3A_857 = math.exp %logistic3A_856 : vector<256x1xf32>
    %logistic3A_858 = arith.constant 1.000000e+00 : f32
    %logistic3A_859 = vector.broadcast %logistic3A_858 : f32 to vector<256x1xf32>
    %logistic3A_860 = arith.addf %logistic3A_859, %logistic3A_857 : vector<256x1xf32>
    %logistic3A_861 = arith.divf %logistic3A_859, %logistic3A_860 : vector<256x1xf32>
    %swap3A_862 = arith.constant 1024 : index
    %swap3A_863 = arith.constant 0 : index
    %swap3A_864 = vector.load %arg16[%swap3A_862, %swap3A_863] : memref<2176x384xf32, #tpu.memory_space<vmem>>, vector<256x256xf32>
    tpu.vector_store %arg16[%swap3A_862, %swap3A_863], %get3A_782 {strides = array<i32>} : memref<2176x384xf32, #tpu.memory_space<vmem>>, vector<256x256xf32>,
    %broadcast_in_dim3A_865 = vector.shape_cast %logistic3A_861 : vector<256x1xf32> to vector<256x1xf32>
    %broadcast_in_dim3A_866 = vector.broadcast %broadcast_in_dim3A_865 : vector<256x1xf32> to vector<256x128xf32>
    %swap3A_867 = arith.constant 1024 : index
    %swap3A_868 = arith.constant 256 : index
    %swap3A_869 = vector.load %arg16[%swap3A_867, %swap3A_868] : memref<2176x384xf32, #tpu.memory_space<vmem>>, vector<256x128xf32>
    tpu.vector_store %arg16[%swap3A_867, %swap3A_868], %broadcast_in_dim3A_866 {strides = array<i32>} : memref<2176x384xf32, #tpu.memory_space<vmem>>, vector<256x128xf32>,
    %get3A_870 = arith.constant 1280 : index
    %get3A_871 = arith.constant 0 : index
    %get3A_872 = vector.load %arg17[%get3A_870, %get3A_871] : memref<2176x256xf32, #tpu.memory_space<vmem>>, vector<256x256xf32>
    %convert_element_type3A_873 = arith.truncf %get3A_872 : vector<256x256xf32> to vector<256x256xbf16>
    %get3A_874 = arith.constant 0 : index
    %get3A_875 = arith.constant 0 : index
    %get3A_876 = vector.load %arg6[%get3A_874, %get3A_875] : memref<256x256xf32, #tpu.memory_space<vmem>>, vector<256x256xf32>
    %convert_element_type3A_877 = arith.truncf %get3A_876 : vector<256x256xf32> to vector<256x256xbf16>
    %dot_general3A_878 = arith.constant dense<0.000000e+00> : vector<256x256xf32>
    %dot_general3A_879 = tpu.matmul %convert_element_type3A_873, %convert_element_type3A_877, %dot_general3A_878 {dimension_numbers = #tpu.dot_dimension_numbers<[1], [1], [0], [0], [0, 0, 1, 0], [], []>, transpose_lhs_hint = false} : vector<256x256xbf16>, vector<256x256xbf16>, vector<256x256xf32> -> vector<256x256xf32>
    %get3A_880 = arith.constant 0 : index
    %get3A_881 = arith.constant 0 : index
    %get3A_882 = vector.load %arg7[%get3A_880, %get3A_881] : memref<1x256xf32, #tpu.memory_space<vmem>>, vector<1x256xf32>
    %add3A_883 = vector.broadcast %get3A_882 : vector<1x256xf32> to vector<256x256xf32>
    %add3A_884 = arith.addf %dot_general3A_879, %add3A_883 : vector<256x256xf32>
    %max3A_885 = arith.constant 0.000000e+00 : f32
    %max3A_886 = vector.broadcast %max3A_885 : f32 to vector<256x256xf32>
    %max3A_887 = arith.maximumf %add3A_884, %max3A_886 : vector<256x256xf32>
    %convert_element_type3A_888 = arith.truncf %max3A_887 : vector<256x256xf32> to vector<256x256xbf16>
    %get3A_889 = arith.constant 0 : index
    %get3A_890 = arith.constant 0 : index
    %get3A_891 = vector.load %arg8[%get3A_889, %get3A_890] : memref<256x256xf32, #tpu.memory_space<vmem>>, vector<256x256xf32>
    %convert_element_type3A_892 = arith.truncf %get3A_891 : vector<256x256xf32> to vector<256x256xbf16>
    %dot_general3A_893 = arith.constant dense<0.000000e+00> : vector<256x256xf32>
    %dot_general3A_894 = tpu.matmul %convert_element_type3A_888, %convert_element_type3A_892, %dot_general3A_893 {dimension_numbers = #tpu.dot_dimension_numbers<[1], [1], [0], [0], [0, 0, 1, 0], [], []>, transpose_lhs_hint = false} : vector<256x256xbf16>, vector<256x256xbf16>, vector<256x256xf32> -> vector<256x256xf32>
    %get3A_895 = arith.constant 0 : index
    %get3A_896 = arith.constant 0 : index
    %get3A_897 = vector.load %arg9[%get3A_895, %get3A_896] : memref<1x256xf32, #tpu.memory_space<vmem>>, vector<1x256xf32>
    %add3A_898 = vector.broadcast %get3A_897 : vector<1x256xf32> to vector<256x256xf32>
    %add3A_899 = arith.addf %dot_general3A_894, %add3A_898 : vector<256x256xf32>
    %max3A_900 = arith.constant 0.000000e+00 : f32
    %max3A_901 = vector.broadcast %max3A_900 : f32 to vector<256x256xf32>
    %max3A_902 = arith.maximumf %add3A_899, %max3A_901 : vector<256x256xf32>
    %convert_element_type3A_903 = arith.truncf %max3A_902 : vector<256x256xf32> to vector<256x256xbf16>
    %get3A_904 = arith.constant 0 : index
    %get3A_905 = arith.constant 0 : index
    %get3A_906 = vector.load %arg10[%get3A_904, %get3A_905] : memref<256x256xf32, #tpu.memory_space<vmem>>, vector<256x256xf32>
    %convert_element_type3A_907 = arith.truncf %get3A_906 : vector<256x256xf32> to vector<256x256xbf16>
    %dot_general3A_908 = arith.constant dense<0.000000e+00> : vector<256x256xf32>
    %dot_general3A_909 = tpu.matmul %convert_element_type3A_903, %convert_element_type3A_907, %dot_general3A_908 {dimension_numbers = #tpu.dot_dimension_numbers<[1], [1], [0], [0], [0, 0, 1, 0], [], []>, transpose_lhs_hint = false} : vector<256x256xbf16>, vector<256x256xbf16>, vector<256x256xf32> -> vector<256x256xf32>
    %get3A_910 = arith.constant 0 : index
    %get3A_911 = arith.constant 0 : index
    %get3A_912 = vector.load %arg11[%get3A_910, %get3A_911] : memref<1x256xf32, #tpu.memory_space<vmem>>, vector<1x256xf32>
    %add3A_913 = vector.broadcast %get3A_912 : vector<1x256xf32> to vector<256x256xf32>
    %add3A_914 = arith.addf %dot_general3A_909, %add3A_913 : vector<256x256xf32>
    %max3A_915 = arith.constant 0.000000e+00 : f32
    %max3A_916 = vector.broadcast %max3A_915 : f32 to vector<256x256xf32>
    %max3A_917 = arith.maximumf %add3A_914, %max3A_916 : vector<256x256xf32>
    %convert_element_type3A_918 = arith.truncf %max3A_917 : vector<256x256xf32> to vector<256x256xbf16>
    %get3A_919 = arith.constant 0 : index
    %get3A_920 = arith.constant 0 : index
    %get3A_921 = vector.load %arg12[%get3A_919, %get3A_920] : memref<256x256xf32, #tpu.memory_space<vmem>>, vector<256x256xf32>
    %convert_element_type3A_922 = arith.truncf %get3A_921 : vector<256x256xf32> to vector<256x256xbf16>
    %dot_general3A_923 = arith.constant dense<0.000000e+00> : vector<256x256xf32>
    %dot_general3A_924 = tpu.matmul %convert_element_type3A_918, %convert_element_type3A_922, %dot_general3A_923 {dimension_numbers = #tpu.dot_dimension_numbers<[1], [1], [0], [0], [0, 0, 1, 0], [], []>, transpose_lhs_hint = false} : vector<256x256xbf16>, vector<256x256xbf16>, vector<256x256xf32> -> vector<256x256xf32>
    %get3A_925 = arith.constant 0 : index
    %get3A_926 = arith.constant 0 : index
    %get3A_927 = vector.load %arg13[%get3A_925, %get3A_926] : memref<1x256xf32, #tpu.memory_space<vmem>>, vector<1x256xf32>
    %add3A_928 = vector.broadcast %get3A_927 : vector<1x256xf32> to vector<256x256xf32>
    %add3A_929 = arith.addf %dot_general3A_924, %add3A_928 : vector<256x256xf32>
    %max3A_930 = arith.constant 0.000000e+00 : f32
    %max3A_931 = vector.broadcast %max3A_930 : f32 to vector<256x256xf32>
    %max3A_932 = arith.maximumf %add3A_929, %max3A_931 : vector<256x256xf32>
    %get3A_933 = arith.constant 0 : index
    %get3A_934 = arith.constant 0 : index
    %get3A_935 = vector.load %arg14[%get3A_933, %get3A_934] : memref<1x256xf32, #tpu.memory_space<vmem>>, vector<1x256xf32>
    %mul3A_936 = vector.broadcast %get3A_935 : vector<1x256xf32> to vector<256x256xf32>
    %mul3A_937 = arith.mulf %max3A_932, %mul3A_936 : vector<256x256xf32>
    %reduce_sum3A_938 = arith.constant dense<0.000000e+00> : vector<256xf32>
    %reduce_sum3A_939 = vector.multi_reduction <add>, %mul3A_937, %reduce_sum3A_938 [1] : vector<256x256xf32> to vector<256xf32>
    %broadcast_in_dim3A_940 = vector.shape_cast %reduce_sum3A_939 : vector<256xf32> to vector<256x1xf32>
    %get3A_941 = arith.constant 0 : index
    %get3A_942 = arith.constant 0 : index
    %get3A_943 = vector.load %arg15[%get3A_941, %get3A_942] : memref<1x1xf32, #tpu.memory_space<vmem>>, vector<1x1xf32>
    %add3A_944 = vector.broadcast %get3A_943 : vector<1x1xf32> to vector<256x1xf32>
    %add3A_945 = arith.addf %broadcast_in_dim3A_940, %add3A_944 : vector<256x1xf32>
    %logistic3A_946 = arith.negf %add3A_945 : vector<256x1xf32>
    %logistic3A_947 = math.exp %logistic3A_946 : vector<256x1xf32>
    %logistic3A_948 = arith.constant 1.000000e+00 : f32
    %logistic3A_949 = vector.broadcast %logistic3A_948 : f32 to vector<256x1xf32>
    %logistic3A_950 = arith.addf %logistic3A_949, %logistic3A_947 : vector<256x1xf32>
    %logistic3A_951 = arith.divf %logistic3A_949, %logistic3A_950 : vector<256x1xf32>
    %swap3A_952 = arith.constant 1280 : index
    %swap3A_953 = arith.constant 0 : index
    %swap3A_954 = vector.load %arg16[%swap3A_952, %swap3A_953] : memref<2176x384xf32, #tpu.memory_space<vmem>>, vector<256x256xf32>
    tpu.vector_store %arg16[%swap3A_952, %swap3A_953], %get3A_872 {strides = array<i32>} : memref<2176x384xf32, #tpu.memory_space<vmem>>, vector<256x256xf32>,
    %broadcast_in_dim3A_955 = vector.shape_cast %logistic3A_951 : vector<256x1xf32> to vector<256x1xf32>
    %broadcast_in_dim3A_956 = vector.broadcast %broadcast_in_dim3A_955 : vector<256x1xf32> to vector<256x128xf32>
    %swap3A_957 = arith.constant 1280 : index
    %swap3A_958 = arith.constant 256 : index
    %swap3A_959 = vector.load %arg16[%swap3A_957, %swap3A_958] : memref<2176x384xf32, #tpu.memory_space<vmem>>, vector<256x128xf32>
    tpu.vector_store %arg16[%swap3A_957, %swap3A_958], %broadcast_in_dim3A_956 {strides = array<i32>} : memref<2176x384xf32, #tpu.memory_space<vmem>>, vector<256x128xf32>,
    %get3A_960 = arith.constant 1536 : index
    %get3A_961 = arith.constant 0 : index
    %get3A_962 = vector.load %arg17[%get3A_960, %get3A_961] : memref<2176x256xf32, #tpu.memory_space<vmem>>, vector<256x256xf32>
    %convert_element_type3A_963 = arith.truncf %get3A_962 : vector<256x256xf32> to vector<256x256xbf16>
    %get3A_964 = arith.constant 0 : index
    %get3A_965 = arith.constant 0 : index
    %get3A_966 = vector.load %arg6[%get3A_964, %get3A_965] : memref<256x256xf32, #tpu.memory_space<vmem>>, vector<256x256xf32>
    %convert_element_type3A_967 = arith.truncf %get3A_966 : vector<256x256xf32> to vector<256x256xbf16>
    %dot_general3A_968 = arith.constant dense<0.000000e+00> : vector<256x256xf32>
    %dot_general3A_969 = tpu.matmul %convert_element_type3A_963, %convert_element_type3A_967, %dot_general3A_968 {dimension_numbers = #tpu.dot_dimension_numbers<[1], [1], [0], [0], [0, 0, 1, 0], [], []>, transpose_lhs_hint = false} : vector<256x256xbf16>, vector<256x256xbf16>, vector<256x256xf32> -> vector<256x256xf32>
    %get3A_970 = arith.constant 0 : index
    %get3A_971 = arith.constant 0 : index
    %get3A_972 = vector.load %arg7[%get3A_970, %get3A_971] : memref<1x256xf32, #tpu.memory_space<vmem>>, vector<1x256xf32>
    %add3A_973 = vector.broadcast %get3A_972 : vector<1x256xf32> to vector<256x256xf32>
    %add3A_974 = arith.addf %dot_general3A_969, %add3A_973 : vector<256x256xf32>
    %max3A_975 = arith.constant 0.000000e+00 : f32
    %max3A_976 = vector.broadcast %max3A_975 : f32 to vector<256x256xf32>
    %max3A_977 = arith.maximumf %add3A_974, %max3A_976 : vector<256x256xf32>
    %convert_element_type3A_978 = arith.truncf %max3A_977 : vector<256x256xf32> to vector<256x256xbf16>
    %get3A_979 = arith.constant 0 : index
    %get3A_980 = arith.constant 0 : index
    %get3A_981 = vector.load %arg8[%get3A_979, %get3A_980] : memref<256x256xf32, #tpu.memory_space<vmem>>, vector<256x256xf32>
    %convert_element_type3A_982 = arith.truncf %get3A_981 : vector<256x256xf32> to vector<256x256xbf16>
    %dot_general3A_983 = arith.constant dense<0.000000e+00> : vector<256x256xf32>
    %dot_general3A_984 = tpu.matmul %convert_element_type3A_978, %convert_element_type3A_982, %dot_general3A_983 {dimension_numbers = #tpu.dot_dimension_numbers<[1], [1], [0], [0], [0, 0, 1, 0], [], []>, transpose_lhs_hint = false} : vector<256x256xbf16>, vector<256x256xbf16>, vector<256x256xf32> -> vector<256x256xf32>
    %get3A_985 = arith.constant 0 : index
    %get3A_986 = arith.constant 0 : index
    %get3A_987 = vector.load %arg9[%get3A_985, %get3A_986] : memref<1x256xf32, #tpu.memory_space<vmem>>, vector<1x256xf32>
    %add3A_988 = vector.broadcast %get3A_987 : vector<1x256xf32> to vector<256x256xf32>
    %add3A_989 = arith.addf %dot_general3A_984, %add3A_988 : vector<256x256xf32>
    %max3A_990 = arith.constant 0.000000e+00 : f32
    %max3A_991 = vector.broadcast %max3A_990 : f32 to vector<256x256xf32>
    %max3A_992 = arith.maximumf %add3A_989, %max3A_991 : vector<256x256xf32>
    %convert_element_type3A_993 = arith.truncf %max3A_992 : vector<256x256xf32> to vector<256x256xbf16>
    %get3A_994 = arith.constant 0 : index
    %get3A_995 = arith.constant 0 : index
    %get3A_996 = vector.load %arg10[%get3A_994, %get3A_995] : memref<256x256xf32, #tpu.memory_space<vmem>>, vector<256x256xf32>
    %convert_element_type3A_997 = arith.truncf %get3A_996 : vector<256x256xf32> to vector<256x256xbf16>
    %dot_general3A_998 = arith.constant dense<0.000000e+00> : vector<256x256xf32>
    %dot_general3A_999 = tpu.matmul %convert_element_type3A_993, %convert_element_type3A_997, %dot_general3A_998 {dimension_numbers = #tpu.dot_dimension_numbers<[1], [1], [0], [0], [0, 0, 1, 0], [], []>, transpose_lhs_hint = false} : vector<256x256xbf16>, vector<256x256xbf16>, vector<256x256xf32> -> vector<256x256xf32>
    %get3A_1000 = arith.constant 0 : index
    %get3A_1001 = arith.constant 0 : index
    %get3A_1002 = vector.load %arg11[%get3A_1000, %get3A_1001] : memref<1x256xf32, #tpu.memory_space<vmem>>, vector<1x256xf32>
    %add3A_1003 = vector.broadcast %get3A_1002 : vector<1x256xf32> to vector<256x256xf32>
    %add3A_1004 = arith.addf %dot_general3A_999, %add3A_1003 : vector<256x256xf32>
    %max3A_1005 = arith.constant 0.000000e+00 : f32
    %max3A_1006 = vector.broadcast %max3A_1005 : f32 to vector<256x256xf32>
    %max3A_1007 = arith.maximumf %add3A_1004, %max3A_1006 : vector<256x256xf32>
    %convert_element_type3A_1008 = arith.truncf %max3A_1007 : vector<256x256xf32> to vector<256x256xbf16>
    %get3A_1009 = arith.constant 0 : index
    %get3A_1010 = arith.constant 0 : index
    %get3A_1011 = vector.load %arg12[%get3A_1009, %get3A_1010] : memref<256x256xf32, #tpu.memory_space<vmem>>, vector<256x256xf32>
    %convert_element_type3A_1012 = arith.truncf %get3A_1011 : vector<256x256xf32> to vector<256x256xbf16>
    %dot_general3A_1013 = arith.constant dense<0.000000e+00> : vector<256x256xf32>
    %dot_general3A_1014 = tpu.matmul %convert_element_type3A_1008, %convert_element_type3A_1012, %dot_general3A_1013 {dimension_numbers = #tpu.dot_dimension_numbers<[1], [1], [0], [0], [0, 0, 1, 0], [], []>, transpose_lhs_hint = false} : vector<256x256xbf16>, vector<256x256xbf16>, vector<256x256xf32> -> vector<256x256xf32>
    %get3A_1015 = arith.constant 0 : index
    %get3A_1016 = arith.constant 0 : index
    %get3A_1017 = vector.load %arg13[%get3A_1015, %get3A_1016] : memref<1x256xf32, #tpu.memory_space<vmem>>, vector<1x256xf32>
    %add3A_1018 = vector.broadcast %get3A_1017 : vector<1x256xf32> to vector<256x256xf32>
    %add3A_1019 = arith.addf %dot_general3A_1014, %add3A_1018 : vector<256x256xf32>
    %max3A_1020 = arith.constant 0.000000e+00 : f32
    %max3A_1021 = vector.broadcast %max3A_1020 : f32 to vector<256x256xf32>
    %max3A_1022 = arith.maximumf %add3A_1019, %max3A_1021 : vector<256x256xf32>
    %get3A_1023 = arith.constant 0 : index
    %get3A_1024 = arith.constant 0 : index
    %get3A_1025 = vector.load %arg14[%get3A_1023, %get3A_1024] : memref<1x256xf32, #tpu.memory_space<vmem>>, vector<1x256xf32>
    %mul3A_1026 = vector.broadcast %get3A_1025 : vector<1x256xf32> to vector<256x256xf32>
    %mul3A_1027 = arith.mulf %max3A_1022, %mul3A_1026 : vector<256x256xf32>
    %reduce_sum3A_1028 = arith.constant dense<0.000000e+00> : vector<256xf32>
    %reduce_sum3A_1029 = vector.multi_reduction <add>, %mul3A_1027, %reduce_sum3A_1028 [1] : vector<256x256xf32> to vector<256xf32>
    %broadcast_in_dim3A_1030 = vector.shape_cast %reduce_sum3A_1029 : vector<256xf32> to vector<256x1xf32>
    %get3A_1031 = arith.constant 0 : index
    %get3A_1032 = arith.constant 0 : index
    %get3A_1033 = vector.load %arg15[%get3A_1031, %get3A_1032] : memref<1x1xf32, #tpu.memory_space<vmem>>, vector<1x1xf32>
    %add3A_1034 = vector.broadcast %get3A_1033 : vector<1x1xf32> to vector<256x1xf32>
    %add3A_1035 = arith.addf %broadcast_in_dim3A_1030, %add3A_1034 : vector<256x1xf32>
    %logistic3A_1036 = arith.negf %add3A_1035 : vector<256x1xf32>
    %logistic3A_1037 = math.exp %logistic3A_1036 : vector<256x1xf32>
    %logistic3A_1038 = arith.constant 1.000000e+00 : f32
    %logistic3A_1039 = vector.broadcast %logistic3A_1038 : f32 to vector<256x1xf32>
    %logistic3A_1040 = arith.addf %logistic3A_1039, %logistic3A_1037 : vector<256x1xf32>
    %logistic3A_1041 = arith.divf %logistic3A_1039, %logistic3A_1040 : vector<256x1xf32>
    %swap3A_1042 = arith.constant 1536 : index
    %swap3A_1043 = arith.constant 0 : index
    %swap3A_1044 = vector.load %arg16[%swap3A_1042, %swap3A_1043] : memref<2176x384xf32, #tpu.memory_space<vmem>>, vector<256x256xf32>
    tpu.vector_store %arg16[%swap3A_1042, %swap3A_1043], %get3A_962 {strides = array<i32>} : memref<2176x384xf32, #tpu.memory_space<vmem>>, vector<256x256xf32>,
    %broadcast_in_dim3A_1045 = vector.shape_cast %logistic3A_1041 : vector<256x1xf32> to vector<256x1xf32>
    %broadcast_in_dim3A_1046 = vector.broadcast %broadcast_in_dim3A_1045 : vector<256x1xf32> to vector<256x128xf32>
    %swap3A_1047 = arith.constant 1536 : index
    %swap3A_1048 = arith.constant 256 : index
    %swap3A_1049 = vector.load %arg16[%swap3A_1047, %swap3A_1048] : memref<2176x384xf32, #tpu.memory_space<vmem>>, vector<256x128xf32>
    tpu.vector_store %arg16[%swap3A_1047, %swap3A_1048], %broadcast_in_dim3A_1046 {strides = array<i32>} : memref<2176x384xf32, #tpu.memory_space<vmem>>, vector<256x128xf32>,
    %get3A_1050 = arith.constant 1792 : index
    %get3A_1051 = arith.constant 0 : index
    %get3A_1052 = vector.load %arg17[%get3A_1050, %get3A_1051] : memref<2176x256xf32, #tpu.memory_space<vmem>>, vector<256x256xf32>
    %convert_element_type3A_1053 = arith.truncf %get3A_1052 : vector<256x256xf32> to vector<256x256xbf16>
    %get3A_1054 = arith.constant 0 : index
    %get3A_1055 = arith.constant 0 : index
    %get3A_1056 = vector.load %arg6[%get3A_1054, %get3A_1055] : memref<256x256xf32, #tpu.memory_space<vmem>>, vector<256x256xf32>
    %convert_element_type3A_1057 = arith.truncf %get3A_1056 : vector<256x256xf32> to vector<256x256xbf16>
    %dot_general3A_1058 = arith.constant dense<0.000000e+00> : vector<256x256xf32>
    %dot_general3A_1059 = tpu.matmul %convert_element_type3A_1053, %convert_element_type3A_1057, %dot_general3A_1058 {dimension_numbers = #tpu.dot_dimension_numbers<[1], [1], [0], [0], [0, 0, 1, 0], [], []>, transpose_lhs_hint = false} : vector<256x256xbf16>, vector<256x256xbf16>, vector<256x256xf32> -> vector<256x256xf32>
    %get3A_1060 = arith.constant 0 : index
    %get3A_1061 = arith.constant 0 : index
    %get3A_1062 = vector.load %arg7[%get3A_1060, %get3A_1061] : memref<1x256xf32, #tpu.memory_space<vmem>>, vector<1x256xf32>
    %add3A_1063 = vector.broadcast %get3A_1062 : vector<1x256xf32> to vector<256x256xf32>
    %add3A_1064 = arith.addf %dot_general3A_1059, %add3A_1063 : vector<256x256xf32>
    %max3A_1065 = arith.constant 0.000000e+00 : f32
    %max3A_1066 = vector.broadcast %max3A_1065 : f32 to vector<256x256xf32>
    %max3A_1067 = arith.maximumf %add3A_1064, %max3A_1066 : vector<256x256xf32>
    %convert_element_type3A_1068 = arith.truncf %max3A_1067 : vector<256x256xf32> to vector<256x256xbf16>
    %get3A_1069 = arith.constant 0 : index
    %get3A_1070 = arith.constant 0 : index
    %get3A_1071 = vector.load %arg8[%get3A_1069, %get3A_1070] : memref<256x256xf32, #tpu.memory_space<vmem>>, vector<256x256xf32>
    %convert_element_type3A_1072 = arith.truncf %get3A_1071 : vector<256x256xf32> to vector<256x256xbf16>
    %dot_general3A_1073 = arith.constant dense<0.000000e+00> : vector<256x256xf32>
    %dot_general3A_1074 = tpu.matmul %convert_element_type3A_1068, %convert_element_type3A_1072, %dot_general3A_1073 {dimension_numbers = #tpu.dot_dimension_numbers<[1], [1], [0], [0], [0, 0, 1, 0], [], []>, transpose_lhs_hint = false} : vector<256x256xbf16>, vector<256x256xbf16>, vector<256x256xf32> -> vector<256x256xf32>
    %get3A_1075 = arith.constant 0 : index
    %get3A_1076 = arith.constant 0 : index
    %get3A_1077 = vector.load %arg9[%get3A_1075, %get3A_1076] : memref<1x256xf32, #tpu.memory_space<vmem>>, vector<1x256xf32>
    %add3A_1078 = vector.broadcast %get3A_1077 : vector<1x256xf32> to vector<256x256xf32>
    %add3A_1079 = arith.addf %dot_general3A_1074, %add3A_1078 : vector<256x256xf32>
    %max3A_1080 = arith.constant 0.000000e+00 : f32
    %max3A_1081 = vector.broadcast %max3A_1080 : f32 to vector<256x256xf32>
    %max3A_1082 = arith.maximumf %add3A_1079, %max3A_1081 : vector<256x256xf32>
    %convert_element_type3A_1083 = arith.truncf %max3A_1082 : vector<256x256xf32> to vector<256x256xbf16>
    %get3A_1084 = arith.constant 0 : index
    %get3A_1085 = arith.constant 0 : index
    %get3A_1086 = vector.load %arg10[%get3A_1084, %get3A_1085] : memref<256x256xf32, #tpu.memory_space<vmem>>, vector<256x256xf32>
    %convert_element_type3A_1087 = arith.truncf %get3A_1086 : vector<256x256xf32> to vector<256x256xbf16>
    %dot_general3A_1088 = arith.constant dense<0.000000e+00> : vector<256x256xf32>
    %dot_general3A_1089 = tpu.matmul %convert_element_type3A_1083, %convert_element_type3A_1087, %dot_general3A_1088 {dimension_numbers = #tpu.dot_dimension_numbers<[1], [1], [0], [0], [0, 0, 1, 0], [], []>, transpose_lhs_hint = false} : vector<256x256xbf16>, vector<256x256xbf16>, vector<256x256xf32> -> vector<256x256xf32>
    %get3A_1090 = arith.constant 0 : index
    %get3A_1091 = arith.constant 0 : index
    %get3A_1092 = vector.load %arg11[%get3A_1090, %get3A_1091] : memref<1x256xf32, #tpu.memory_space<vmem>>, vector<1x256xf32>
    %add3A_1093 = vector.broadcast %get3A_1092 : vector<1x256xf32> to vector<256x256xf32>
    %add3A_1094 = arith.addf %dot_general3A_1089, %add3A_1093 : vector<256x256xf32>
    %max3A_1095 = arith.constant 0.000000e+00 : f32
    %max3A_1096 = vector.broadcast %max3A_1095 : f32 to vector<256x256xf32>
    %max3A_1097 = arith.maximumf %add3A_1094, %max3A_1096 : vector<256x256xf32>
    %convert_element_type3A_1098 = arith.truncf %max3A_1097 : vector<256x256xf32> to vector<256x256xbf16>
    %get3A_1099 = arith.constant 0 : index
    %get3A_1100 = arith.constant 0 : index
    %get3A_1101 = vector.load %arg12[%get3A_1099, %get3A_1100] : memref<256x256xf32, #tpu.memory_space<vmem>>, vector<256x256xf32>
    %convert_element_type3A_1102 = arith.truncf %get3A_1101 : vector<256x256xf32> to vector<256x256xbf16>
    %dot_general3A_1103 = arith.constant dense<0.000000e+00> : vector<256x256xf32>
    %dot_general3A_1104 = tpu.matmul %convert_element_type3A_1098, %convert_element_type3A_1102, %dot_general3A_1103 {dimension_numbers = #tpu.dot_dimension_numbers<[1], [1], [0], [0], [0, 0, 1, 0], [], []>, transpose_lhs_hint = false} : vector<256x256xbf16>, vector<256x256xbf16>, vector<256x256xf32> -> vector<256x256xf32>
    %get3A_1105 = arith.constant 0 : index
    %get3A_1106 = arith.constant 0 : index
    %get3A_1107 = vector.load %arg13[%get3A_1105, %get3A_1106] : memref<1x256xf32, #tpu.memory_space<vmem>>, vector<1x256xf32>
    %add3A_1108 = vector.broadcast %get3A_1107 : vector<1x256xf32> to vector<256x256xf32>
    %add3A_1109 = arith.addf %dot_general3A_1104, %add3A_1108 : vector<256x256xf32>
    %max3A_1110 = arith.constant 0.000000e+00 : f32
    %max3A_1111 = vector.broadcast %max3A_1110 : f32 to vector<256x256xf32>
    %max3A_1112 = arith.maximumf %add3A_1109, %max3A_1111 : vector<256x256xf32>
    %get3A_1113 = arith.constant 0 : index
    %get3A_1114 = arith.constant 0 : index
    %get3A_1115 = vector.load %arg14[%get3A_1113, %get3A_1114] : memref<1x256xf32, #tpu.memory_space<vmem>>, vector<1x256xf32>
    %mul3A_1116 = vector.broadcast %get3A_1115 : vector<1x256xf32> to vector<256x256xf32>
    %mul3A_1117 = arith.mulf %max3A_1112, %mul3A_1116 : vector<256x256xf32>
    %reduce_sum3A_1118 = arith.constant dense<0.000000e+00> : vector<256xf32>
    %reduce_sum3A_1119 = vector.multi_reduction <add>, %mul3A_1117, %reduce_sum3A_1118 [1] : vector<256x256xf32> to vector<256xf32>
    %broadcast_in_dim3A_1120 = vector.shape_cast %reduce_sum3A_1119 : vector<256xf32> to vector<256x1xf32>
    %get3A_1121 = arith.constant 0 : index
    %get3A_1122 = arith.constant 0 : index
    %get3A_1123 = vector.load %arg15[%get3A_1121, %get3A_1122] : memref<1x1xf32, #tpu.memory_space<vmem>>, vector<1x1xf32>
    %add3A_1124 = vector.broadcast %get3A_1123 : vector<1x1xf32> to vector<256x1xf32>
    %add3A_1125 = arith.addf %broadcast_in_dim3A_1120, %add3A_1124 : vector<256x1xf32>
    %logistic3A_1126 = arith.negf %add3A_1125 : vector<256x1xf32>
    %logistic3A_1127 = math.exp %logistic3A_1126 : vector<256x1xf32>
    %logistic3A_1128 = arith.constant 1.000000e+00 : f32
    %logistic3A_1129 = vector.broadcast %logistic3A_1128 : f32 to vector<256x1xf32>
    %logistic3A_1130 = arith.addf %logistic3A_1129, %logistic3A_1127 : vector<256x1xf32>
    %logistic3A_1131 = arith.divf %logistic3A_1129, %logistic3A_1130 : vector<256x1xf32>
    %swap3A_1132 = arith.constant 1792 : index
    %swap3A_1133 = arith.constant 0 : index
    %swap3A_1134 = vector.load %arg16[%swap3A_1132, %swap3A_1133] : memref<2176x384xf32, #tpu.memory_space<vmem>>, vector<256x256xf32>
    tpu.vector_store %arg16[%swap3A_1132, %swap3A_1133], %get3A_1052 {strides = array<i32>} : memref<2176x384xf32, #tpu.memory_space<vmem>>, vector<256x256xf32>,
    %broadcast_in_dim3A_1135 = vector.shape_cast %logistic3A_1131 : vector<256x1xf32> to vector<256x1xf32>
    %broadcast_in_dim3A_1136 = vector.broadcast %broadcast_in_dim3A_1135 : vector<256x1xf32> to vector<256x128xf32>
    %swap3A_1137 = arith.constant 1792 : index
    %swap3A_1138 = arith.constant 256 : index
    %swap3A_1139 = vector.load %arg16[%swap3A_1137, %swap3A_1138] : memref<2176x384xf32, #tpu.memory_space<vmem>>, vector<256x128xf32>
    tpu.vector_store %arg16[%swap3A_1137, %swap3A_1138], %broadcast_in_dim3A_1136 {strides = array<i32>} : memref<2176x384xf32, #tpu.memory_space<vmem>>, vector<256x128xf32>,
    return
  }
}

</mosaic_0001>

<sc_bundles>
// kernel: kernel.12.cloned.1.call-start
scs
__scs_entry_jumppad:
0x0: {  	(pc) =	sbr.rel $0x88, $3  }
0x1: {  	(tag) =	ssettag $0x0;
	lr =	simm.s32 $0x1  }
0x2: {  	[smem:$0x3F91] =	sst lr;
	_ =	strace $0xD0000000  }
0x3: {  	_ = 	snop  }
0x4: {  	_ = 	snop  }
0x5: {  	_ = 	snop  }
0x6: {  	_ = 	snop  }
0x7: {  	_ = 	snop  }
__scs_overlays_trampoline_lowered:
0x8: {  	[smem:$0x3FA0] =	sst s0  }
0x9: {  	[smem:$0x3FA1] =	sst s1  }
0xa: {  	[smem:$0x3FA2] =	sst s2  }
0xb: {  	[smem:$0x3FA3] =	sst s3  }
0xc: {  	[smem:$0x3FA4] =	sst s4  }
0xd: {  	[smem:$0x3FA5] =	sst s5  }
0xe: {  	[smem:$0x3FA6] =	sst s6  }
0xf: {  	[smem:$0x3FA7] =	sst s7  }
0x10: {  	[smem:$0x3FA8] =	sst s8  }
0x11: {  	[smem:$0x3FA9] =	sst s9;
	s0 =	simm.s32 @!p0 $0x0  }
0x12: {  	s1 =	sld [smem:$0x3F8F];
	s0 =	simm.s32 @p0 $0x1  }
0x13: {  	[smem:$0x3FAA] =	sst s0;
	s0 =	simm.s32 @!p1 $0x0  }
0x14: {  	s2 =	sld [smem:$0x3F8E];
	s0 =	simm.s32 @p1 $0x1  }
0x15: {  	[smem:$0x3FAB] =	sst s0;
	s0 =	simm.s32 @!p2 $0x0  }
0x16: {  	s3 =	sld [smem:$0x3FDB];
	s0 =	simm.s32 @p2 $0x1  }
0x17: {  	s4 =	simm.s32 $0x1BF5;
	[smem:$0x3FAD] =	sst s0  }
0x18: {  	s0 =	sld [smem:$0x3F90];
	_ =	swait.ge [sflag:s4], $0x0  }
0x19: {  	s7 =	sld [smem:$0x3F91]  }
0x1a: {  	s8 =	sadd.s32 $0xFFFFE003, lr  }
0x1b: {  	s9 =	sadd.s32 $0xFFFFFEF7, lr;
	s5 =	simm.s32 $0xFFFFFFFF;
	p2 =	slt.u32 s8, $0xFFFFF086  }
0x1c: {  	p1 =	slt.u32 s9, $0xF7A;
	s5 =	simm.s32 @!p2 $0x0  }
0x1d: {  	s5 =	simm.s32 @p1 $0x1;
	p0 =	seq.s32 s7, s2  }
0x1e: {  	s7 =	smul.u32 @!p0 $0xF7A, s2;
	p2 =	seq.s32 @!p0 s5, $0x0  }
0x1f: {  	s9 =	smul.u32 $0xF7A, s1;
	s8 =	simm.s32 @!p0 $0x1BF5;
	p2 =	por !p2, p0  }
0x20: {  	[sflag:s8] =	ssyncset.s32 @!p0 $0xFFFFF086;
	s6 =	sadd.s32 @!p0 s3, s7;
	s7 =	simm.s32 @!p0 $0x108  }
0x21: {  	s3 =	sadd.s32 s3, s9;
	s6 =	sadd.s32 @!p0 $0x88, s6;
	s7 =	simm.s32 @p2 $0x1082  }
0x22: {  	[simem:s7], [sflag:s8] =	dma.local @!p0 [hbm:s6], $0xF7A  }
0x23: {  	s9 =	sor.u32 $0xD0000000, s2;
	s6 =	simm.s32 $0x108;
	_ =	swait.ge @!p0 [sflag:s8], $0x0  }
0x24: {  	s3 =	sadd.s32 $0x88, s3;
	s6 =	simm.s32 @!p1 $0x1082;
	[sflag:s4] =	ssyncset.s32 $0xFFFFF086  }
0x25: {  	[simem:s6], [sflag:s4] =	dma.local [hbm:s3], $0xF7A  }
0x26: {  	[smem:$0x3F91] =	sst s1;
	(tag) =	ssettag s2;
	_ =	strace s9  }
0x27: {  	s1 =	sld [smem:$0x3FA1]  }
0x28: {  	s2 =	sld [smem:$0x3FA2]  }
0x29: {  	s4 =	sld [smem:$0x3FA4]  }
0x2a: {  	p0 =	seq.s32 s5, $0x0;
	s5 =	sld [smem:$0x3FA5]  }
0x2b: {  	s6 =	sld [smem:$0x3FA6]  }
0x2c: {  	s7 =	sld [smem:$0x3FA7]  }
0x2d: {  	s3 =	simm.s32 $0x108;
	s8 =	sld [smem:$0x3FA8]  }
0x2e: {  	s3 =	simm.s32 @!p0 $0x1082;
	s9 =	sld [smem:$0x3FA9]  }
0x2f: {  	lr =	sadd.s32 s0, s3;
	s0 =	sld [smem:$0x3FA0]  }
0x30: {  	s3 =	sld [smem:$0x3FA3]  }
0x31: {  	[smem:$0x3FAC] =	sst s10  }
0x32: {  	s10 =	sld [smem:$0x3FAA];
	_ =	sdelay $0x3  }
0x33: {  	p0 =	seq.s32 s10, $0x1;
	s10 =	sld [smem:$0x3FAC];
	_ =	sdelay $0x3  }
0x34: {  	[smem:$0x3FAC] =	sst s10  }
0x35: {  	s10 =	sld [smem:$0x3FAB];
	_ =	sdelay $0x3  }
0x36: {  	p1 =	seq.s32 s10, $0x1;
	s10 =	sld [smem:$0x3FAC];
	_ =	sdelay $0x3  }
0x37: {  	[smem:$0x3FAC] =	sst s10  }
0x38: {  	s10 =	sld [smem:$0x3FAD]  }
0x39: {  	_ = 	snop;
	(pc) =	sbr.ind lr, $3  }
0x3a: {  	_ = 	snop  }
0x3b: {  	_ = 	snop  }
0x3c: {  	p2 =	seq.s32 s10, $0x1;
	s10 =	sld [smem:$0x3FAC]  }
0x3d: {  	_ =	shalt  }
0x3e: {  	_ =	shalt  }
0x3f: {  	_ =	shalt  }
0x40: {  	_ =	shalt  }
0x41: {  	_ =	shalt  }
0x42: {  	_ =	shalt  }
0x43: {  	_ =	shalt  }
0x44: {  	_ =	shalt  }
0x45: {  	_ =	shalt  }
0x46: {  	_ =	shalt  }
0x47: {  	_ =	shalt  }
0x48: {  	_ =	shalt  }
0x49: {  	_ =	shalt  }
0x4a: {  	_ =	shalt  }
0x4b: {  	_ =	shalt  }
0x4c: {  	_ =	shalt  }
0x4d: {  	_ =	shalt  }
0x4e: {  	_ =	shalt  }
0x4f: {  	_ =	shalt  }
0x50: {  	_ =	shalt  }
0x51: {  	_ =	shalt  }
0x52: {  	_ =	shalt  }
0x53: {  	_ =	shalt  }
0x54: {  	_ =	shalt  }
0x55: {  	_ =	shalt  }
0x56: {  	_ =	shalt  }
0x57: {  	_ =	shalt  }
0x58: {  	_ =	shalt  }
0x59: {  	_ =	shalt  }
0x5a: {  	_ =	shalt  }
0x5b: {  	_ =	shalt  }
0x5c: {  	_ =	shalt  }
0x5d: {  	_ =	shalt  }
0x5e: {  	_ =	shalt  }
0x5f: {  	_ =	shalt  }
0x60: {  	_ =	shalt  }
0x61: {  	_ =	shalt  }
0x62: {  	_ =	shalt  }
0x63: {  	_ =	shalt  }
0x64: {  	_ =	shalt  }
0x65: {  	_ =	shalt  }
0x66: {  	_ =	shalt  }
0x67: {  	_ =	shalt  }
0x68: {  	_ =	shalt  }
0x69: {  	_ =	shalt  }
0x6a: {  	_ =	shalt  }
0x6b: {  	_ =	shalt  }
0x6c: {  	_ =	shalt  }
0x6d: {  	_ =	shalt  }
0x6e: {  	_ =	shalt  }
0x6f: {  	_ =	shalt  }
0x70: {  	_ =	shalt  }
0x71: {  	_ =	shalt  }
0x72: {  	_ =	shalt  }
0x73: {  	_ =	shalt  }
0x74: {  	_ =	shalt  }
0x75: {  	_ =	shalt  }
0x76: {  	_ =	shalt  }
0x77: {  	_ =	shalt  }
0x78: {  	_ =	shalt  }
0x79: {  	_ =	shalt  }
0x7a: {  	_ =	shalt  }
0x7b: {  	_ =	shalt  }
0x7c: {  	_ =	shalt  }
0x7d: {  	_ =	shalt  }
0x7e: {  	_ =	shalt  }
0x7f: {  	_ =	shalt  }
0x80: {  	_ =	shalt  }
0x81: {  	_ =	shalt  }
0x82: {  	_ =	shalt  }
0x83: {  	_ =	shalt  }
0x84: {  	_ =	shalt  }
0x85: {  	_ =	shalt  }
0x86: {  	_ =	shalt  }
0x87: {  	_ =	shalt  }
.Lfunc_end0:
.L_simem_size_0:
called_computation.2_lowered:
.L_overlay_start_0:
0x88: {  	s2 =	sld [smem:$0x3FD9]  }
0x89: {  	s3 =	sld [smem:$0x3FFE];
	_ =	sdelay $0x1  }
0x8a: {  	s1 =	srdreg.scid  }
0x8b: {  	s0 =	sand.u32 $0x1, s1  }
0x8c: {  	s16 =	sshll.u32 s0, $0xA;
	s2 =	sadd.s32 s3, s2  }
0x8d: {  	s2 =	sadd.s32 s2, s16  }
0x8e: {  	[smem:$0x3FB8] =	sst s2  }
0x8f: {  	_ = 	snop  }
0x90: {  	(tm) =	ssettm $0x1  }
0x91: {  	s17 =	sld [smem:$0x3FFB];
	_ =	sdelay $0x3  }
0x92: {  	_ =	strace s17  }
0x93: {  	s2 =	sld [smem:$0x3FFC];
	_ =	sdelay $0x3  }
0x94: {  	_ =	strace s2  }
0x95: {  	s2 =	sld [smem:$0x3FFD];
	_ =	sdelay $0x3  }
0x96: {  	_ =	strace s2  }
0x97: {  	_ =	strace $0x8FFFFFFF  }
0x98: {  	s18 =	sld [smem:$0x3FDB];
	_ =	sdelay $0x1  }
0x99: {  	s19 =	simm.s32 $_scs_section_size  }
0x9a: {  	s4 =	simm.s32 $_size__tile_overlayer_lowered;
	s5 =	simm.s32 $_tile_overlayer_lowered  }
0x9b: {  	s22 =	simm.s32 $0x1BFF;
	s21 =	sshll.u32 s5, $0x1;
	s2 =	sadd.s32 s19, s18  }
0x9c: {  	s6 =	simm.s32 $0x0;
	s20 =	sshll.u32 s4, $0x1;
	s4 =	sadd.s32 s21, s2  }
0x9d: {  	[timem:s6], [sflag:s22] =	dma.local [hbm:s4], s20  }
0x9e: {  	_ =	swait.ge [sflag:s22], s20  }
0x9f: {  	s3 =	ssub.s32 $0x0, s20;
	[sflag:s22] =	ssyncset.done $0x0  }
0xa0: {  	[sflag:s22] =	ssyncadd.s32 s3;
	_ =	sdelay $0x1  }
0xa1: {  	s23 =	simm.s32 $0x1B8B  }
0xa2: {  	_ =	swait.ge [sflag:s23], $0x1  }
0xa3: {  	[sflag:s23] =	ssyncset.done $0x0  }
0xa4: {  	s25 =	simm.s32 $0x1B8E;
	s24 =	sld [smem:$0x3FFE];
	[sflag:s23] =	ssyncadd.s32 $0xFFFFFFFF  }
0xa5: {  	s26 =	simm.s32 $execute0_lowered;
	[smem:$0x3FD2] =	sst s25  }
0xa6: {  	s4 =	sshll.u32 s26, $0x1;
	_ =	strace $0x8000004C;
	[dreg:$0x1] =	wrdreg $0xFFFFFFFF  }
0xa7: {  	s28 =	simm.s32 $_size_execute0_lowered;
	s2 =	sadd.s32 s2, s4;
	[dreg:$0x0] =	wrdreg $0x0  }
0xa8: {  	s4 =	sshll.u32 s28, $0x1;
	[dreg:$0x2] =	wrdreg s2  }
0xa9: {  	[dreg:$0x3] =	wrdreg s4  }
0xaa: {  	[dreg:$0x4] =	wrdreg $0xC0  }
0xab: {  	_ =	task [dreg:s6], $0x5FFFF  }
0xac: {  	[dreg:$0x1] =	wrdreg $0xFFFFFFFF  }
0xad: {  	[dreg:$0x0] =	wrdreg $0x60  }
0xae: {  	[dreg:$0x2] =	wrdreg s24  }
0xaf: {  	[dreg:$0x3] =	wrdreg $0x9  }
0xb0: {  	_ =	task.clear_ibuf [dreg:s6], $0x4FFFF;
	_ =	strace $0x9000004C  }
0xb1: {  	s29 =	simm.s32 $0x9;
	_ =	strace $0x8000004E  }
0xb2: {  	_ =	swait.ge [sflag:s29], $0x1  }
0xb3: {  	[sflag:s29] =	ssyncadd.s32 $0xFFFFFFFF  }
0xb4: {  	_ =	strace $0x9000004E  }
0xb5: {  	_ =	sfence  }
0xb6: {  	s30 =	sld [smem:$0x0];
	_ =	sdelay $0x2  }
0xb7: {  	s31 =	sshll.u32 s1, $0xD;
	s1 =	sshrl.u32 s1, $0x2  }
0xb8: {  	s3 =	sand.u32 $0x4000, s31;
	s1 =	sadd.s32 s1, s30  }
0xb9: {  	s0 =	sor.u32 s3, s0;
	s1 =	sshll.u32 s1, $0x11  }
0xba: {  	s0 =	sor.u32 s1, s0  }
0xbb: {  	s0 =	sadd.s32 $0x8F2B, s0  }
0xbc: {  	[sflag:s0] =	ssyncadd.remote.s32 $0x1  }
0xbd: {  	_ =	sfence.sel $0xFFFF  }
0xbe: {  	[dreg:$0x0] =	wrdreg $0xFFFFFFFF;
	(pc) =	sbr.abs _section_cstart, $3  }
0xbf: {  	[dreg:$0x1] =	wrdreg $0xFFFFFFFF  }
0xc0: {  	_ =	task.clear_ibuf [dreg:s6], $0x2FFFF;
	_ =	strace $0x9FFFFFFF  }
0xc1: {  	(tm) =	ssettm $0x7FFFFFFF  }
tec
execute0_lowered:
.L_overlay_start_1:
0x0: {  	(tag) =	ssettag $0x1  }
0x1: {  	s5 =	rddreg [dreg:$0x0];
	s2 =	srdreg.scid  }
0x2: {  	s0 =	rddreg [dreg:$0x1];
	s1 =	stileid.u32  }
0x3: {  	s9 =	simm.s32 $0x80;
	s10 =	simm.s32 $0x880;
	s11 =	simm.s32 $0xC80  }
0x4: {  	s12 =	simm.s32 $0x1480;
	s13 =	simm.s32 $0x1880;
	s14 =	simm.s32 $0x2080  }
0x5: {  	s15 =	simm.s32 $0x2480;
	s16 =	simm.s32 $0x2C80;
	s17 =	simm.s32 $0x3080  }
0x6: {  	s18 =	simm.s32 $0x3880;
	s19 =	simm.s32 $0x3C80;
	s20 =	simm.s32 $0x4480  }
0x7: {  	s21 =	simm.s32 $0x4880;
	s22 =	simm.s32 $0x5080;
	s23 =	simm.s32 $0x5480  }
0x8: {  	s24 =	simm.s32 $0x5C80;
	s25 =	simm.s32 $0x1;
	s3 =	sand.u32 $0x1, s2  }
0x9: {  	s2 =	simm.s32 $0x0;
	s4 =	sshll.u32 s1, $0x4;
	s6 =	sshll.u32 s3, $0x3  }
0xa: {  	[smem:$0x7FF] =	sst s2;
	s7 =	ssub.s32 $0x2, s3;
	s4 =	sor.u32 s6, s4  }
0xb: {  	s3 =	sadd.s32 $0x3A00, s5;
	s8 =	sshrl.u32 s7, $0x1;
	s6 =	smul.u32 $0x180, s4  }
0xc: {  	v2 =	vlaneseq.u32;
	_ =	strace $0x8000004D;
	s4 =	sadd.s32 s4, s5;
	s7 =	ssub.s32 s7, s8  }
0xd: {  	vm0 =	vmmov $0xffff;
	vm1 =	vmmov $0xff;
	v1 =	vshrl.u32 v2, $0x3;
	s8 =	simm.s32 $0x2;
	s4 =	sadd.s32 $0x3800, s4;
	s6 =	sadd.s32 s6, s5  }
0xe: {  	v0 =	vand.u32 $0x7, v2;
	v2 =	vor.u32 $0x8, v2;
	v1 =	vmul.u32 $0x8, v1;
	s7 =	smax.u32 s7, $0x1;
	s5 =	sadd.s32 $0x3B00, s5;
	s6 =	sadd.s32 $0x1D200, s6  }
.LBB2_1:
0xf: {  	[tilespmem:s2], [sflag:$0x2] =	stream.linear.gather [hbm4b:s4+s2], $0x40, $0x38;
	[tilespmem:$0x6080] =	vst v63  }
0x10: {  	_ =	swait.ge [sflag:s8], $0x40  }
0x11: {  	[sflag:s8] =	ssyncset.done $0x0  }
0x12: {  	[sflag:s8] =	ssyncadd.s32 $0xFFFFFFC0  }
0x13: {  	v3 =	vld [tilespmem:$0x0];
	_ =	sdelay $0x4  }
0x14: {  	v4 =	vshrl.u32 v3, $0x3  }
0x15: {  	v4 =	vmul.u32 $0x18, v4  }
0x16: {  	v3 =	vand.u32 $0x7, v3  }
0x17: {  	v3 =	vor.u32 v3, v4  }
0x18: {  	v4 =	vperm.xlane v3, v0;
	_ =	sdelay $0x1  }
0x19: {  	v4 =	vadd.s32 v1, v4;
	_ =	sdelay $0x1  }
0x1a: {  	v3 =	vperm.xlane v3, v2;
	_ =	sdelay $0x1  }
0x1b: {  	v3 =	vadd.s32 v1, v3  }
0x1c: {  	[tilespmem:s9], [sflag:$0x1] =	stream.indirect_vreg.gather [hbm4b:s3+s2], $0x80, v4, vm0, $0xb8;
	[tilespmem:$0x6080] =	vst v63  }
0x1d: {  	_ = 	snop  }
0x1e: {  	[tilespmem:s10], [sflag:$0x1] =	stream.indirect_vreg.gather [hbm4b:s5+s2], $0x80, v4, vm1, $0xb8;
	[tilespmem:$0x6080] =	vst v63  }
0x1f: {  	_ = 	snop  }
0x20: {  	[tilespmem:s11], [sflag:$0x1] =	stream.indirect_vreg.gather [hbm4b:s3+s2], $0x80, v3, vm0, $0xb8;
	[tilespmem:$0x6080] =	vst v63  }
0x21: {  	_ = 	snop  }
0x22: {  	[tilespmem:s12], [sflag:$0x1] =	stream.indirect_vreg.gather [hbm4b:s5+s2], $0x80, v3, vm1, $0xb8;
	[tilespmem:$0x6080] =	vst v63  }
0x23: {  	v3 =	vld [tilespmem:$0x10];
	_ =	sdelay $0x4  }
0x24: {  	v61 =	vshrl.u32 v3, $0x3  }
0x25: {  	v4 =	vmul.u32 $0x18, v61  }
0x26: {  	v3 =	vand.u32 $0x7, v3  }
0x27: {  	v3 =	vor.u32 v3, v4  }
0x28: {  	v4 =	vperm.xlane v3, v0;
	_ =	sdelay $0x1  }
0x29: {  	v4 =	vadd.s32 v1, v4;
	_ =	sdelay $0x1  }
0x2a: {  	v3 =	vperm.xlane v3, v2;
	_ =	sdelay $0x1  }
0x2b: {  	v3 =	vadd.s32 v1, v3  }
0x2c: {  	[tilespmem:s13], [sflag:$0x1] =	stream.indirect_vreg.gather [hbm4b:s3+s2], $0x80, v4, vm0, $0xb8;
	[tilespmem:$0x6080] =	vst v63  }
0x2d: {  	_ = 	snop  }
0x2e: {  	[tilespmem:s14], [sflag:$0x1] =	stream.indirect_vreg.gather [hbm4b:s5+s2], $0x80, v4, vm1, $0xb8;
	[tilespmem:$0x6080] =	vst v63  }
0x2f: {  	_ = 	snop  }
0x30: {  	[tilespmem:s15], [sflag:$0x1] =	stream.indirect_vreg.gather [hbm4b:s3+s2], $0x80, v3, vm0, $0xb8;
	[tilespmem:$0x6080] =	vst v63  }
0x31: {  	_ = 	snop  }
0x32: {  	[tilespmem:s16], [sflag:$0x1] =	stream.indirect_vreg.gather [hbm4b:s5+s2], $0x80, v3, vm1, $0xb8;
	[tilespmem:$0x6080] =	vst v63  }
0x33: {  	v3 =	vld [tilespmem:$0x20];
	_ =	sdelay $0x4  }
0x34: {  	v62 =	vshrl.u32 v3, $0x3  }
0x35: {  	v4 =	vmul.u32 $0x18, v62  }
0x36: {  	v3 =	vand.u32 $0x7, v3  }
0x37: {  	v3 =	vor.u32 v3, v4  }
0x38: {  	v4 =	vperm.xlane v3, v0;
	_ =	sdelay $0x1  }
0x39: {  	v4 =	vadd.s32 v1, v4;
	_ =	sdelay $0x1  }
0x3a: {  	v3 =	vperm.xlane v3, v2;
	_ =	sdelay $0x1  }
0x3b: {  	v3 =	vadd.s32 v1, v3  }
0x3c: {  	[tilespmem:s17], [sflag:$0x1] =	stream.indirect_vreg.gather [hbm4b:s3+s2], $0x80, v4, vm0, $0xb8;
	[tilespmem:$0x6080] =	vst v63  }
0x3d: {  	_ = 	snop  }
0x3e: {  	[tilespmem:s18], [sflag:$0x1] =	stream.indirect_vreg.gather [hbm4b:s5+s2], $0x80, v4, vm1, $0xb8;
	[tilespmem:$0x6080] =	vst v63  }
0x3f: {  	_ = 	snop  }
0x40: {  	[tilespmem:s19], [sflag:$0x1] =	stream.indirect_vreg.gather [hbm4b:s3+s2], $0x80, v3, vm0, $0xb8;
	[tilespmem:$0x6080] =	vst v63  }
0x41: {  	_ = 	snop  }
0x42: {  	[tilespmem:s20], [sflag:$0x1] =	stream.indirect_vreg.gather [hbm4b:s5+s2], $0x80, v3, vm1, $0xb8;
	[tilespmem:$0x6080] =	vst v63  }
0x43: {  	v3 =	vld [tilespmem:$0x30];
	_ =	sdelay $0x4  }
0x44: {  	v63 =	vshrl.u32 v3, $0x3  }
0x45: {  	v4 =	vmul.u32 $0x18, v63  }
0x46: {  	v3 =	vand.u32 $0x7, v3  }
0x47: {  	v3 =	vor.u32 v3, v4  }
0x48: {  	v4 =	vperm.xlane v3, v0;
	_ =	sdelay $0x1  }
0x49: {  	v4 =	vadd.s32 v1, v4;
	_ =	sdelay $0x1  }
0x4a: {  	v3 =	vperm.xlane v3, v2;
	_ =	sdelay $0x1  }
0x4b: {  	v3 =	vadd.s32 v1, v3  }
0x4c: {  	[tilespmem:s21], [sflag:$0x1] =	stream.indirect_vreg.gather [hbm4b:s3+s2], $0x80, v4, vm0, $0xb8;
	[tilespmem:$0x6080] =	vst v63  }
0x4d: {  	_ = 	snop  }
0x4e: {  	[tilespmem:s22], [sflag:$0x1] =	stream.indirect_vreg.gather [hbm4b:s5+s2], $0x80, v4, vm1, $0xb8;
	[tilespmem:$0x6080] =	vst v63  }
0x4f: {  	_ = 	snop  }
0x50: {  	[tilespmem:s23], [sflag:$0x1] =	stream.indirect_vreg.gather [hbm4b:s3+s2], $0x80, v3, vm0, $0xb8;
	[tilespmem:$0x6080] =	vst v63  }
0x51: {  	_ = 	snop  }
0x52: {  	[tilespmem:s24], [sflag:$0x1] =	stream.indirect_vreg.gather [hbm4b:s5+s2], $0x80, v3, vm1, $0xb8;
	[tilespmem:$0x6080] =	vst v63  }
0x53: {  	_ =	swait.ge [sflag:s25], $0x6000  }
0x54: {  	p0 =	sne.s32 s7, $0x1;
	[sflag:s25] =	ssyncset.done $0x0  }
.Ltmp0:
0x55: {  	[sflag:s25] =	ssyncadd.s32 $0xFFFFA000;
	(pc) =	sbr.rel @p0 .LBB2_1-.Ltmp0, $4  }
0x56: {  	[hbm4b:s6+s2] =	stream.linear.scatter [tilespmem:s9], [sflag:$0x2], $0x6000, $0x38;
	[tilespmem:$0x6080] =	vst v63  }
0x57: {  	_ =	swait.ge [sflag:s8], $0x6000  }
0x58: {  	[sflag:s8] =	ssyncset.done $0x0  }
0x59: {  	s7 =	sadd.s32 $0xFFFFFFFF, s7;
	[sflag:s8] =	ssyncadd.s32 $0xFFFFA000  }
0x5a: {  	_ =	sfence.sel $0x180000  }
0x5b: {  	[bflag:$0x0] =	sbarrier.arrive $0xFFFF  }
0x5c: {  	p0 =	sne.s32 s1, $0x0;
	_ =	strace $0x9000004D  }
0x5d: {  	s0 =	sadd.s32 @!p0 $0x100000, s0;
	[bflag:$0x2] =	sbarrier.arrive $0xFFFF  }
0x5e: {  	[sflag:s0] =	ssyncadd.tile.s32 @!p0 $0x1;
	_ =	shalt  }
.Lfunc_end2:
_tile_overlayer_lowered:
.L_overlay_start_2:
0x5f: {  	(tag) =	ssettag $0x2  }
0x60: {  	s0 =	rddreg [dreg:$0x0];
	s2 =	stileid.u32  }
0x61: {  	s1 =	rddreg [dreg:$0x1];
	p0 =	sne.s32 s2, $0x0  }
0x62: {  	s3 =	rddreg [dreg:$0x2];
	[bflag:$0x3] =	sbarrier.arrive $0xFFFF;
	s2 =	simm.s32 @!p0 $0x1C02  }
0x63: {  	[timem:s3], [sflag:s2] =	dma.local @!p0 [hbm:s0], s1  }
0x64: {  	s0 =	simm.s32 @!p0 $0x2  }
0x65: {  	_ =	swait.ge @!p0 [sflag:s0], s1  }
0x66: {  	s1 =	ssub.s32 @!p0 $0x0, s1;
	[sflag:s0] =	ssyncset.done @!p0 $0x0  }
0x67: {  	[sflag:s0] =	ssyncadd.s32 @!p0 s1  }
0x68: {  	[bflag:$0x3] =	sbarrier.arrive $0xFFFF  }
0x69: {  	_ =	shalt  }

// kernel: kernel.6.cloned.1.call-start
scs
__scs_entry_jumppad:
0x0: {  	(pc) =	sbr.rel $0x88, $3  }
0x1: {  	(tag) =	ssettag $0x0;
	lr =	simm.s32 $0x1  }
0x2: {  	[smem:$0x3F91] =	sst lr;
	_ =	strace $0xD0000000  }
0x3: {  	_ = 	snop  }
0x4: {  	_ = 	snop  }
0x5: {  	_ = 	snop  }
0x6: {  	_ = 	snop  }
0x7: {  	_ = 	snop  }
__scs_overlays_trampoline_lowered:
0x8: {  	[smem:$0x3FA0] =	sst s0  }
0x9: {  	[smem:$0x3FA1] =	sst s1  }
0xa: {  	[smem:$0x3FA2] =	sst s2  }
0xb: {  	[smem:$0x3FA3] =	sst s3  }
0xc: {  	[smem:$0x3FA4] =	sst s4  }
0xd: {  	[smem:$0x3FA5] =	sst s5  }
0xe: {  	[smem:$0x3FA6] =	sst s6  }
0xf: {  	[smem:$0x3FA7] =	sst s7  }
0x10: {  	[smem:$0x3FA8] =	sst s8  }
0x11: {  	[smem:$0x3FA9] =	sst s9;
	s0 =	simm.s32 @!p0 $0x0  }
0x12: {  	s1 =	sld [smem:$0x3F8F];
	s0 =	simm.s32 @p0 $0x1  }
0x13: {  	[smem:$0x3FAA] =	sst s0;
	s0 =	simm.s32 @!p1 $0x0  }
0x14: {  	s2 =	sld [smem:$0x3F8E];
	s0 =	simm.s32 @p1 $0x1  }
0x15: {  	[smem:$0x3FAB] =	sst s0;
	s0 =	simm.s32 @!p2 $0x0  }
0x16: {  	s3 =	sld [smem:$0x3FDB];
	s0 =	simm.s32 @p2 $0x1  }
0x17: {  	s4 =	simm.s32 $0x1BF5;
	[smem:$0x3FAD] =	sst s0  }
0x18: {  	s0 =	sld [smem:$0x3F90];
	_ =	swait.ge [sflag:s4], $0x0  }
0x19: {  	s7 =	sld [smem:$0x3F91]  }
0x1a: {  	s8 =	sadd.s32 $0xFFFFE003, lr  }
0x1b: {  	s9 =	sadd.s32 $0xFFFFFEF7, lr;
	s5 =	simm.s32 $0xFFFFFFFF;
	p2 =	slt.u32 s8, $0xFFFFF086  }
0x1c: {  	p1 =	slt.u32 s9, $0xF7A;
	s5 =	simm.s32 @!p2 $0x0  }
0x1d: {  	s5 =	simm.s32 @p1 $0x1;
	p0 =	seq.s32 s7, s2  }
0x1e: {  	s7 =	smul.u32 @!p0 $0xF7A, s2;
	p2 =	seq.s32 @!p0 s5, $0x0  }
0x1f: {  	s9 =	smul.u32 $0xF7A, s1;
	s8 =	simm.s32 @!p0 $0x1BF5;
	p2 =	por !p2, p0  }
0x20: {  	[sflag:s8] =	ssyncset.s32 @!p0 $0xFFFFF086;
	s6 =	sadd.s32 @!p0 s3, s7;
	s7 =	simm.s32 @!p0 $0x108  }
0x21: {  	s3 =	sadd.s32 s3, s9;
	s6 =	sadd.s32 @!p0 $0x88, s6;
	s7 =	simm.s32 @p2 $0x1082  }
0x22: {  	[simem:s7], [sflag:s8] =	dma.local @!p0 [hbm:s6], $0xF7A  }
0x23: {  	s9 =	sor.u32 $0xD0000000, s2;
	s6 =	simm.s32 $0x108;
	_ =	swait.ge @!p0 [sflag:s8], $0x0  }
0x24: {  	s3 =	sadd.s32 $0x88, s3;
	s6 =	simm.s32 @!p1 $0x1082;
	[sflag:s4] =	ssyncset.s32 $0xFFFFF086  }
0x25: {  	[simem:s6], [sflag:s4] =	dma.local [hbm:s3], $0xF7A  }
0x26: {  	[smem:$0x3F91] =	sst s1;
	(tag) =	ssettag s2;
	_ =	strace s9  }
0x27: {  	s1 =	sld [smem:$0x3FA1]  }
0x28: {  	s2 =	sld [smem:$0x3FA2]  }
0x29: {  	s4 =	sld [smem:$0x3FA4]  }
0x2a: {  	p0 =	seq.s32 s5, $0x0;
	s5 =	sld [smem:$0x3FA5]  }
0x2b: {  	s6 =	sld [smem:$0x3FA6]  }
0x2c: {  	s7 =	sld [smem:$0x3FA7]  }
0x2d: {  	s3 =	simm.s32 $0x108;
	s8 =	sld [smem:$0x3FA8]  }
0x2e: {  	s3 =	simm.s32 @!p0 $0x1082;
	s9 =	sld [smem:$0x3FA9]  }
0x2f: {  	lr =	sadd.s32 s0, s3;
	s0 =	sld [smem:$0x3FA0]  }
0x30: {  	s3 =	sld [smem:$0x3FA3]  }
0x31: {  	[smem:$0x3FAC] =	sst s10  }
0x32: {  	s10 =	sld [smem:$0x3FAA];
	_ =	sdelay $0x3  }
0x33: {  	p0 =	seq.s32 s10, $0x1;
	s10 =	sld [smem:$0x3FAC];
	_ =	sdelay $0x3  }
0x34: {  	[smem:$0x3FAC] =	sst s10  }
0x35: {  	s10 =	sld [smem:$0x3FAB];
	_ =	sdelay $0x3  }
0x36: {  	p1 =	seq.s32 s10, $0x1;
	s10 =	sld [smem:$0x3FAC];
	_ =	sdelay $0x3  }
0x37: {  	[smem:$0x3FAC] =	sst s10  }
0x38: {  	s10 =	sld [smem:$0x3FAD]  }
0x39: {  	_ = 	snop;
	(pc) =	sbr.ind lr, $3  }
0x3a: {  	_ = 	snop  }
0x3b: {  	_ = 	snop  }
0x3c: {  	p2 =	seq.s32 s10, $0x1;
	s10 =	sld [smem:$0x3FAC]  }
0x3d: {  	_ =	shalt  }
0x3e: {  	_ =	shalt  }
0x3f: {  	_ =	shalt  }
0x40: {  	_ =	shalt  }
0x41: {  	_ =	shalt  }
0x42: {  	_ =	shalt  }
0x43: {  	_ =	shalt  }
0x44: {  	_ =	shalt  }
0x45: {  	_ =	shalt  }
0x46: {  	_ =	shalt  }
0x47: {  	_ =	shalt  }
0x48: {  	_ =	shalt  }
0x49: {  	_ =	shalt  }
0x4a: {  	_ =	shalt  }
0x4b: {  	_ =	shalt  }
0x4c: {  	_ =	shalt  }
0x4d: {  	_ =	shalt  }
0x4e: {  	_ =	shalt  }
0x4f: {  	_ =	shalt  }
0x50: {  	_ =	shalt  }
0x51: {  	_ =	shalt  }
0x52: {  	_ =	shalt  }
0x53: {  	_ =	shalt  }
0x54: {  	_ =	shalt  }
0x55: {  	_ =	shalt  }
0x56: {  	_ =	shalt  }
0x57: {  	_ =	shalt  }
0x58: {  	_ =	shalt  }
0x59: {  	_ =	shalt  }
0x5a: {  	_ =	shalt  }
0x5b: {  	_ =	shalt  }
0x5c: {  	_ =	shalt  }
0x5d: {  	_ =	shalt  }
0x5e: {  	_ =	shalt  }
0x5f: {  	_ =	shalt  }
0x60: {  	_ =	shalt  }
0x61: {  	_ =	shalt  }
0x62: {  	_ =	shalt  }
0x63: {  	_ =	shalt  }
0x64: {  	_ =	shalt  }
0x65: {  	_ =	shalt  }
0x66: {  	_ =	shalt  }
0x67: {  	_ =	shalt  }
0x68: {  	_ =	shalt  }
0x69: {  	_ =	shalt  }
0x6a: {  	_ =	shalt  }
0x6b: {  	_ =	shalt  }
0x6c: {  	_ =	shalt  }
0x6d: {  	_ =	shalt  }
0x6e: {  	_ =	shalt  }
0x6f: {  	_ =	shalt  }
0x70: {  	_ =	shalt  }
0x71: {  	_ =	shalt  }
0x72: {  	_ =	shalt  }
0x73: {  	_ =	shalt  }
0x74: {  	_ =	shalt  }
0x75: {  	_ =	shalt  }
0x76: {  	_ =	shalt  }
0x77: {  	_ =	shalt  }
0x78: {  	_ =	shalt  }
0x79: {  	_ =	shalt  }
0x7a: {  	_ =	shalt  }
0x7b: {  	_ =	shalt  }
0x7c: {  	_ =	shalt  }
0x7d: {  	_ =	shalt  }
0x7e: {  	_ =	shalt  }
0x7f: {  	_ =	shalt  }
0x80: {  	_ =	shalt  }
0x81: {  	_ =	shalt  }
0x82: {  	_ =	shalt  }
0x83: {  	_ =	shalt  }
0x84: {  	_ =	shalt  }
0x85: {  	_ =	shalt  }
0x86: {  	_ =	shalt  }
0x87: {  	_ =	shalt  }
.Lfunc_end0:
.L_simem_size_0:
called_computation_lowered:
.L_overlay_start_0:
0x88: {  	s2 =	sld [smem:$0x3FD9]  }
0x89: {  	s3 =	sld [smem:$0x3FFE];
	_ =	sdelay $0x1  }
0x8a: {  	s1 =	srdreg.scid  }
0x8b: {  	s0 =	sand.u32 $0x1, s1  }
0x8c: {  	s14 =	sshll.u32 s0, $0xA;
	s2 =	sadd.s32 s3, s2  }
0x8d: {  	s2 =	sadd.s32 s2, s14  }
0x8e: {  	[smem:$0x3FB8] =	sst s2  }
0x8f: {  	_ = 	snop  }
0x90: {  	s2 =	sld [smem:$0x3FD0];
	_ =	sdelay $0x2  }
0x91: {  	s15 =	simm.s32 $0xA;
	s4 =	simm.s32 $0x10  }
0x92: {  	[smem:s4], [sflag:s15] =	dma.local [hbm:s2], $0x1  }
0x93: {  	_ =	swait.eq [sflag:s15], $0x1  }
0x94: {  	[sflag:s15] =	ssyncset.done $0x0  }
0x95: {  	[sflag:s15] =	ssyncadd.s32 $0xFFFFFFFF  }
0x96: {  	s16 =	sld [smem:$0x11];
	(tm) =	ssettm $0x1  }
0x97: {  	s17 =	sld [smem:$0x3FFB];
	_ =	sdelay $0x3  }
0x98: {  	_ =	strace s17  }
0x99: {  	s3 =	sld [smem:$0x3FFC];
	_ =	sdelay $0x3  }
0x9a: {  	_ =	strace s3  }
0x9b: {  	s3 =	sld [smem:$0x3FFD];
	_ =	sdelay $0x3  }
0x9c: {  	_ =	strace s3  }
0x9d: {  	_ =	strace $0x8FFFFFFF  }
0x9e: {  	s18 =	sld [smem:$0x3FDB];
	_ =	sdelay $0x1  }
0x9f: {  	s19 =	simm.s32 $_scs_section_size  }
0xa0: {  	s5 =	simm.s32 $_size__tile_overlayer_lowered;
	s6 =	simm.s32 $_tile_overlayer_lowered  }
0xa1: {  	s22 =	simm.s32 $0x1BFF;
	s21 =	sshll.u32 s6, $0x1;
	s3 =	sadd.s32 s19, s18  }
0xa2: {  	s7 =	simm.s32 $0x0;
	s20 =	sshll.u32 s5, $0x1;
	s5 =	sadd.s32 s21, s3  }
0xa3: {  	[timem:s7], [sflag:s22] =	dma.local [hbm:s5], s20  }
0xa4: {  	_ =	swait.ge [sflag:s22], s20  }
0xa5: {  	s4 =	ssub.s32 $0x0, s20;
	[sflag:s22] =	ssyncset.done $0x0  }
0xa6: {  	[sflag:s22] =	ssyncadd.s32 s4;
	_ =	sdelay $0x1  }
0xa7: {  	s23 =	simm.s32 $0x1B8B  }
0xa8: {  	_ =	swait.ge [sflag:s23], $0x1  }
0xa9: {  	[sflag:s23] =	ssyncset.done $0x0  }
0xaa: {  	s25 =	simm.s32 $0x1B8E;
	s24 =	sld [smem:$0x3FFE];
	[sflag:s23] =	ssyncadd.s32 $0xFFFFFFFF  }
0xab: {  	s26 =	simm.s32 $execute0_lowered;
	[smem:$0x3FD2] =	sst s25  }
0xac: {  	s5 =	sshll.u32 s26, $0x1;
	_ =	strace $0x80000046;
	[dreg:$0x1] =	wrdreg $0xFFFFFFFF  }
0xad: {  	s28 =	simm.s32 $_size_execute0_lowered;
	s3 =	sadd.s32 s3, s5;
	[dreg:$0x0] =	wrdreg $0x0  }
0xae: {  	s5 =	sshll.u32 s28, $0x1;
	[dreg:$0x2] =	wrdreg s3  }
0xaf: {  	[dreg:$0x3] =	wrdreg s5  }
0xb0: {  	[dreg:$0x4] =	wrdreg $0xC0  }
0xb1: {  	_ =	task [dreg:s7], $0x5FFFF  }
0xb2: {  	[dreg:$0x1] =	wrdreg $0xFFFFFFFF  }
0xb3: {  	[dreg:$0x0] =	wrdreg $0x60  }
0xb4: {  	[dreg:$0x2] =	wrdreg s24  }
0xb5: {  	[dreg:$0x3] =	wrdreg s16  }
0xb6: {  	[dreg:$0x4] =	wrdreg $0x9  }
0xb7: {  	_ =	task.clear_ibuf [dreg:s7], $0x5FFFF;
	_ =	strace $0x90000046  }
0xb8: {  	s29 =	simm.s32 $0x9;
	_ =	strace $0x80000048  }
0xb9: {  	_ =	swait.ge [sflag:s29], $0x1  }
0xba: {  	[sflag:s29] =	ssyncadd.s32 $0xFFFFFFFF  }
0xbb: {  	_ =	strace $0x90000048  }
0xbc: {  	_ =	sfence  }
0xbd: {  	s30 =	sld [smem:$0x0];
	_ =	sdelay $0x2  }
0xbe: {  	s31 =	sshll.u32 s1, $0xD;
	s1 =	sshrl.u32 s1, $0x2  }
0xbf: {  	s3 =	sand.u32 $0x4000, s31;
	s1 =	sadd.s32 s1, s30  }
0xc0: {  	s0 =	sor.u32 s3, s0;
	s1 =	sshll.u32 s1, $0x11  }
0xc1: {  	s0 =	sor.u32 s1, s0  }
0xc2: {  	s0 =	sadd.s32 $0x8F2B, s0  }
0xc3: {  	[sflag:s0] =	ssyncadd.remote.s32 $0x1  }
0xc4: {  	_ =	sfence.sel $0xFFFF  }
0xc5: {  	[dreg:$0x0] =	wrdreg $0xFFFFFFFF;
	(pc) =	sbr.abs _section_cstart, $3  }
0xc6: {  	[dreg:$0x1] =	wrdreg $0xFFFFFFFF  }
0xc7: {  	_ =	task.clear_ibuf [dreg:s7], $0x2FFFF;
	_ =	strace $0x9FFFFFFF  }
0xc8: {  	(tm) =	ssettm $0x7FFFFFFF  }
0xc9: {  	_ =	shalt  }
tec
execute0_lowered:
.L_overlay_start_1:
0x0: {  	(tag) =	ssettag $0x1  }
0x1: {  	s0 =	srdreg.scid  }
0x2: {  	s5 =	sand.u32 $0x1, s0;
	s0 =	stileid.u32  }
0x3: {  	s3 =	sor.u32 s0, s5  }
0x4: {  	p0 =	sne.s32 s3, $0x0  }
.Ltmp0:
0x5: {  	_ = 	snop;
	(pc) =	sbr.rel @p0 .LBB2_16-.Ltmp0, $4  }
0x6: {  	_ = 	snop  }
0x7: {  	s7 =	rddreg [dreg:$0x0]  }
0x8: {  	s2 =	rddreg [dreg:$0x1]  }
0x9: {  	s1 =	rddreg [dreg:$0x2];
	_ =	strace $0x80000047  }
0xa: {  	s3 =	sadd.s32 $0x2E00, s7;
	s4 =	sadd.s32 $0x3200, s7;
	s8 =	ssub.s32 $0x2, s5  }
0xb: {  	s5 =	sadd.s32 $0x3800, s7;
	s6 =	sadd.s32 $0x3400, s7;
	s7 =	sadd.s32 $0x3600, s7  }
0xc: {  	s10 =	simm.s32 $0x1;
	s11 =	simm.s32 $0x1800;
	s12 =	simm.s32 $0x2900  }
0xd: {  	s13 =	simm.s32 $0x2100;
	s14 =	simm.s32 $0x1880;
	s15 =	simm.s32 $0x3100  }
0xe: {  	v0 =	vimm.s32 $0x0;
	vm0 =	vmmov $0xf;
	v1 =	vlaneseq.u32;
	s16 =	simm.s32 $0x3980;
	s17 =	simm.s32 $0x4180;
	s9 =	sshrl.u32 s8, $0x1  }
0xf: {  	v2 =	vimm.s32 $0x1;
	s18 =	simm.s32 $0x0;
	v3 =	vor.u32 $0x10, v1;
	v4 =	vor.u32 $0x20, v1;
	s8 =	ssub.s32 s8, s9;
	s9 =	simm.s32 $0x0  }
.LBB2_2:
0x10: {  	[tilespmem:s9], [sflag:$0x1] =	stream.linear.gather [hbm4b:s3+s9], $0x1800, $0x38;
	[tilespmem:$0x4200] =	vst v63  }
0x11: {  	_ =	swait.ge [sflag:s10], $0x1800  }
0x12: {  	[sflag:s10] =	ssyncset.done $0x0  }
0x13: {  	[sflag:s10] =	ssyncadd.s32 $0xFFFFE800  }
0x14: {  	[tilespmem:s11], [sflag:$0x1] =	stream.linear.gather [hbm4b:s4+s9], $0x80, $0x38;
	[tilespmem:$0x4200] =	vst v63  }
0x15: {  	_ =	swait.ge [sflag:s10], $0x80  }
0x16: {  	[sflag:s10] =	ssyncset.done $0x0  }
0x17: {  	s19 =	simm.s32 $0x0;
	[sflag:s10] =	ssyncadd.s32 $0xFFFFFF80  }
.LBB2_3:
0x18: {  	p0 =	sne.s32 s19, $0x1FC0  }
.Ltmp1:
0x19: {  	_ = 	snop;
	(pc) =	sbr.rel @p0 .LBB2_3-.Ltmp1, $4  }
0x1a: {  	_ = 	snop  }
0x1b: {  	s20 =	sshra.s32 s19, $0x2  }
0x1c: {  	[tilespmem:s20+$0x2100] =	vst v0  }
0x1d: {  	s19 =	sadd.s32 $0x40, s19;
	[tilespmem:s20+$0x2900] =	vst v0  }
0x1e: {  	s19 =	simm.s32 $0x40;
	s20 =	simm.s32 $0x0  }
.LBB2_5:
0x1f: {  	p0 =	sne.s32 s19, $0x2000;
	[tilespmem:s20+$0x1880] =	vst v0;
	s21 =	smov.u32 s19;
	s19 =	sadd.s32 $0x40, s19  }
.Ltmp2:
0x20: {  	[tilespmem:s20+$0x3100] =	vst v0;
	(pc) =	sbr.rel @p0 .LBB2_5-.Ltmp2, $2  }
0x21: {  	_ =	sdelay $0x2  }
0x22: {  	s20 =	sshra.s32 s21, $0x2  }
0x23: {  	[tilespmem:s20+$0x1880] =	vst v0  }
0x24: {  	[tilespmem:s20+$0x3100] =	vst v0  }
0x25: {  	v5 =	vld [tilespmem:$0x1800];
	_ =	sdelay $0x7  }
0x26: {  	[tilespmem:v5+s12+$0x0] =	vst.idx.msk $0xf, v1  }
0x27: {  	v6 =	vld.idx.msk [tilespmem:v5+s12+$0x0], $0xf;
	_ =	sdelay $0x4  }
0x28: {  	vm1 =	veq.s32 v6, v1  }
0x29: {  	vm1 =	vmand vm1, vm0  }
0x2a: {  	v6 =	vsel vm1, $0x1, v0  }
0x2b: {  	(xrf0) =	vadd.scan.msk.s32 $0xffff, v6;
	_ =	sdelay $0x5  }
0x2c: {  	v6, _, _ =	vpop (xrf0)  }
0x2d: {  	(v2sf) =	vpush v6, $0xF;
	_ =	sdelay $0xe  }
0x2e: {  	s21 =	spop (v2sf)  }
0x2f: {  	p0 =	slt.s32 s21, $0x1  }
.Ltmp3:
0x30: {  	_ = 	snop;
	(pc) =	sbr.rel @p0 .LBB2_23-.Ltmp3, $4  }
0x31: {  	_ = 	snop  }
0x32: {  	[tilespmem:v5+s13+$0x0] =	vst.idx.msk vm1, v2;
	v6 =	vbroadcast v6, $0xF  }
0x33: {  	[tilespmem:s14+$0x0] =	vst.msk vm1, v5  }
0x34: {  	s19 =	simm.s32 $0x0;
	[tilespmem:v2+s15+$0x0] =	vst.idx.msk $0x1, v6  }
0x35: {  	s23 =	simm.s32 $0x0  }
.LBB2_8:
0x36: {  	s20 =	sand.u32 $0xF, s23  }
0x37: {  	p0 =	slt.s32 s23, $0x1;
	p1 =	sne.s32 s20, $0x0  }
0x38: {  	p0 =	por !p0, !p1  }
0x39: {  	s20 =	simm.s32 $0x1;
	p0 =	por !p0, !p0  }
0x3a: {  	s22 =	sshrl.u32 s23, $0x4;
	s20 =	simm.s32 @!p0 $0x0  }
0x3b: {  	s24 =	ssub.s32 s22, s20  }
0x3c: {  	s22 =	sshll.u32 s24, $0x4  }
0x3d: {  	s30 =	ssub.s32 s21, s22  }
0x3e: {  	s20 =	smov.u32 s21;
	s21 =	sadd.s32 $0xF, s30  }
0x3f: {  	s25 =	sand.u32 $0xF, s21  }
0x40: {  	s31 =	sshra.s32 s21, $0x1F;
	p6 =	slt.s32 s21, $0x1;
	p5 =	sne.s32 s25, $0x0  }
0x41: {  	s25 =	sshrl.u32 s31, $0x1C;
	p0 =	por !p6, !p5  }
0x42: {  	s21 =	sadd.s32 s25, s21;
	s25 =	simm.s32 $0x1;
	p0 =	por !p0, !p0  }
0x43: {  	s21 =	sshra.s32 s21, $0x4;
	s25 =	simm.s32 @!p0 $0x0  }
0x44: {  	s25 =	ssub.s32 s21, s25  }
0x45: {  	p0 =	slt.s32 s25, $0x1  }
.Ltmp4:
0x46: {  	_ = 	snop;
	(pc) =	sbr.rel @p0 .LBB2_9-.Ltmp4, $1  }
0x47: {  	_ =	sdelay $0x3  }
0x48: {  	s21 =	sshll.u32 s24, $0x6  }
0x49: {  	s21 =	sshra.s32 s21, $0x2  }
0x4a: {  	s21 =	sadd.s32 $0x1880, s21  }
0x4b: {  	v7 =	vld [tilespmem:s21+$0x0];
	_ =	sdelay $0x2  }
0x4c: {  	v5 =	vmov s23;
	v6 =	vmov s20;
	v8 =	vor.u32 s22, v1  }
0x4d: {  	vm1 =	vge.s32 v8, v5;
	vm2 =	vlt.s32 v8, v6  }
0x4e: {  	vm1 =	vmand vm1, vm2;
	v7 =	vmul.u32 $0x3, v7;
	_ =	sdelay $0x1  }
0x4f: {  	v8 =	vadd.s32 $0x1, v7  }
0x50: {  	p1 =	sne.s32 s25, $0x1;
	v9 =	vadd.s32 $0x2, v7  }
.Ltmp5:
0x51: {  	_ = 	snop;
	(pc) =	sbr.rel @!p1 .LBB2_18-.Ltmp5, $4  }
0x52: {  	_ = 	snop  }
0x53: {  	v7 =	vld.idx.msk [tilespmem:v7+s9+$0x0], vm1  }
0x54: {  	v8 =	vld.idx.msk [tilespmem:v8+s9+$0x0], vm1  }
0x55: {  	s23 =	sadd.s32 $0xFFFFFFFF, s25;
	p0 =	por $0x0, $0x0;
	v9 =	vld.idx.msk [tilespmem:v9+s9+$0x0], vm1  }
0x56: {  	_ =	sdelay $0x1  }
0x57: {  	v7 =	vnsel vm1, $0x0, v7  }
0x58: {  	v8 =	vnsel vm1, $0x0, v8  }
0x59: {  	v9 =	vnsel vm1, $0x0, v9;
	_ =	sdelay $0x2  }
0x5a: {  	v10 =	vld.idx.msk [tilespmem:v7+s13+$0x0], vm1  }
0x5b: {  	v11 =	vld.idx.msk [tilespmem:v8+s13+$0x0], vm1  }
0x5c: {  	v12 =	vld.idx.msk [tilespmem:v9+s13+$0x0], vm1;
	_ =	sdelay $0x2  }
0x5d: {  	vm2 =	veq.s32 v10, $0x0  }
0x5e: {  	vm2 =	vmand vm1, vm2;
	vm3 =	veq.s32 v11, $0x0  }
0x5f: {  	vm3 =	vmand vm1, vm3;
	vm4 =	veq.s32 v12, $0x0  }
0x60: {  	vm1 =	vmand vm1, vm4;
	_ =	sdelay $0x3  }
0x61: {  	[tilespmem:v7+s12+$0x0] =	vst.idx.msk vm2, v1  }
0x62: {  	[tilespmem:v8+s12+$0x0] =	vst.idx.msk vm3, v3  }
0x63: {  	[tilespmem:v9+s12+$0x0] =	vst.idx.msk vm1, v4  }
0x64: {  	v10 =	vld.idx.msk [tilespmem:v7+s12+$0x0], vm2;
	_ =	sdelay $0x4  }
0x65: {  	vm15 =	veq.s32 v10, v1  }
0x66: {  	vm2 =	vmand vm2, vm15  }
0x67: {  	v10 =	vsel vm2, $0x1, v0  }
0x68: {  	(xrf0) =	vadd.scan.msk.s32 $0xffff, v10;
	_ =	sdelay $0x4  }
0x69: {  	[tilespmem:v7+s13+$0x0] =	vst.idx.msk vm2, v2  }
0x6a: {  	[tilespmem:s20+$0x1880] =	vst.msk vm2, v7;
	v10, _, _ =	vpop (xrf0)  }
0x6b: {  	v7 =	vld.idx.msk [tilespmem:v8+s12+$0x0], vm3;
	(v2sf) =	vpush v10, $0xF;
	_ =	sdelay $0x4  }
0x6c: {  	vm2 =	veq.s32 v7, v3  }
0x6d: {  	vm2 =	vmand vm3, vm2  }
0x6e: {  	v7 =	vsel vm2, $0x1, v0  }
0x6f: {  	(xrf0) =	vadd.scan.msk.s32 $0xffff, v7;
	_ =	sdelay $0x5  }
0x70: {  	v7, _, _ =	vpop (xrf0)  }
0x71: {  	s24 =	spop (v2sf);
	(v2sf) =	vpush v7, $0xF  }
0x72: {  	[tilespmem:v8+s13+$0x0] =	vst.idx.msk vm2, v2;
	s24 =	sadd.s32 s20, s24  }
0x73: {  	[tilespmem:s24+$0x1880] =	vst.msk vm2, v8  }
0x74: {  	v7 =	vld.idx.msk [tilespmem:v9+s12+$0x0], vm1;
	_ =	sdelay $0x4  }
0x75: {  	vm2 =	veq.s32 v7, v4  }
0x76: {  	vm1 =	vmand vm1, vm2  }
0x77: {  	v7 =	vsel vm1, $0x1, v0  }
0x78: {  	(xrf0) =	vadd.scan.msk.s32 $0xffff, v7;
	_ =	sdelay $0x3  }
0x79: {  	s25 =	spop (v2sf)  }
0x7a: {  	[tilespmem:v9+s13+$0x0] =	vst.idx.msk vm1, v2;
	s24 =	sadd.s32 s24, s25  }
0x7b: {  	s21 =	sadd.s32 $0x10, s21;
	v7, _, _ =	vpop (xrf0);
	[tilespmem:s24+$0x1880] =	vst.msk vm1, v9  }
0x7c: {  	(v2sf) =	vpush v7, $0xF;
	v7 =	vld [tilespmem:s21+$0x0];
	_ =	sdelay $0x1  }
0x7d: {  	s22 =	sadd.s32 $0x10, s22  }
0x7e: {  	v8 =	vor.u32 s22, v1  }
0x7f: {  	vm2 =	vlt.s32 v8, v6;
	vm1 =	vge.s32 v8, v5  }
0x80: {  	vm1 =	vmand vm1, vm2;
	v7 =	vmul.u32 $0x3, v7;
	_ =	sdelay $0x1  }
0x81: {  	v8 =	vadd.s32 $0x1, v7  }
0x82: {  	v9 =	vadd.s32 $0x2, v7;
	_ =	sdelay $0x1  }
0x83: {  	p1 =	sne.s32 s23, $0x1  }
.Ltmp6:
0x84: {  	v7 =	vld.idx.msk [tilespmem:v7+s9+$0x0], vm1;
	(pc) =	sbr.rel @!p1 .LBB2_21-.Ltmp6, $3  }
0x85: {  	v8 =	vld.idx.msk [tilespmem:v8+s9+$0x0], vm1  }
0x86: {  	v9 =	vld.idx.msk [tilespmem:v9+s9+$0x0], vm1;
	_ =	sdelay $0x1  }
0x87: {  	s23 =	sadd.s32 $0xFFFFFFFF, s23;
	p0 =	por $0x1, $0x1;
	s25 =	spop (v2sf)  }
.LBB2_20:
0x88: {  	p1 =	sne.s32 s23, $0x1;
	s23 =	sadd.s32 $0xFFFFFFFF, s23;
	v7 =	vnsel vm1, $0x0, v7;
	s24 =	sadd.s32 s24, s25  }
0x89: {  	v8 =	vnsel vm1, $0x0, v8  }
0x8a: {  	v9 =	vnsel vm1, $0x0, v9;
	_ =	sdelay $0x2  }
0x8b: {  	v10 =	vld.idx.msk [tilespmem:v7+s13+$0x0], vm1  }
0x8c: {  	v11 =	vld.idx.msk [tilespmem:v8+s13+$0x0], vm1  }
0x8d: {  	v12 =	vld.idx.msk [tilespmem:v9+s13+$0x0], vm1;
	_ =	sdelay $0x3  }
0x8e: {  	vm2 =	veq.s32 v10, $0x0  }
0x8f: {  	vm3 =	vmand vm1, vm2;
	vm2 =	veq.s32 v11, $0x0  }
0x90: {  	vm2 =	vmand vm1, vm2;
	vm4 =	veq.s32 v12, $0x0  }
0x91: {  	vm1 =	vmand vm1, vm4;
	_ =	sdelay $0x3  }
0x92: {  	[tilespmem:v7+s12+$0x0] =	vst.idx.msk vm3, v1  }
0x93: {  	[tilespmem:v8+s12+$0x0] =	vst.idx.msk vm2, v3  }
0x94: {  	[tilespmem:v9+s12+$0x0] =	vst.idx.msk vm1, v4  }
0x95: {  	v10 =	vld.idx.msk [tilespmem:v7+s12+$0x0], vm3;
	_ =	sdelay $0x5  }
0x96: {  	vm4 =	veq.s32 v10, v1  }
0x97: {  	vm3 =	vmand vm3, vm4  }
0x98: {  	v10 =	vsel vm3, $0x1, v0  }
0x99: {  	(xrf0) =	vadd.scan.msk.s32 $0xffff, v10;
	_ =	sdelay $0x3  }
0x9a: {  	[tilespmem:v7+s13+$0x0] =	vst.idx.msk vm3, v2  }
0x9b: {  	[tilespmem:s24+$0x1880] =	vst.msk vm3, v7  }
0x9c: {  	v7 =	vld.idx.msk [tilespmem:v8+s12+$0x0], vm2;
	v10, _, _ =	vpop (xrf0)  }
0x9d: {  	(v2sf) =	vpush v10, $0xF;
	_ =	sdelay $0x4  }
0x9e: {  	vm3 =	veq.s32 v7, v3  }
0x9f: {  	vm2 =	vmand vm2, vm3  }
0xa0: {  	v7 =	vsel vm2, $0x1, v0  }
0xa1: {  	(xrf0) =	vadd.scan.msk.s32 $0xffff, v7;
	_ =	sdelay $0x3  }
0xa2: {  	[tilespmem:v8+s13+$0x0] =	vst.idx.msk vm2, v2;
	_ =	sdelay $0x1  }
0xa3: {  	v7, _, _ =	vpop (xrf0)  }
0xa4: {  	s25 =	spop (v2sf);
	(v2sf) =	vpush v7, $0xF  }
0xa5: {  	s24 =	sadd.s32 s24, s25  }
0xa6: {  	[tilespmem:s24+$0x1880] =	vst.msk vm2, v8  }
0xa7: {  	v7 =	vld.idx.msk [tilespmem:v9+s12+$0x0], vm1;
	_ =	sdelay $0x5  }
0xa8: {  	vm2 =	veq.s32 v7, v4  }
0xa9: {  	vm1 =	vmand vm1, vm2  }
0xaa: {  	v7 =	vsel vm1, $0x1, v0  }
0xab: {  	(xrf0) =	vadd.scan.msk.s32 $0xffff, v7;
	_ =	sdelay $0x2  }
0xac: {  	s25 =	spop (v2sf)  }
0xad: {  	s24 =	sadd.s32 s24, s25;
	[tilespmem:v9+s13+$0x0] =	vst.idx.msk vm1, v2  }
0xae: {  	s21 =	sadd.s32 $0x10, s21;
	[tilespmem:s24+$0x1880] =	vst.msk vm1, v9  }
0xaf: {  	v7 =	vld [tilespmem:s21+$0x0];
	v8, _, _ =	vpop (xrf0)  }
0xb0: {  	(v2sf) =	vpush v8, $0xF  }
0xb1: {  	s22 =	sadd.s32 $0x10, s22  }
0xb2: {  	v8 =	vor.u32 s22, v1  }
0xb3: {  	vm1 =	vge.s32 v8, v5;
	vm2 =	vlt.s32 v8, v6  }
0xb4: {  	vm1 =	vmand vm1, vm2;
	v7 =	vmul.u32 $0x3, v7;
	_ =	sdelay $0x1  }
0xb5: {  	v8 =	vadd.s32 $0x1, v7;
	v9 =	vadd.s32 $0x2, v7;
	_ =	sdelay $0x3  }
0xb6: {  	v7 =	vld.idx.msk [tilespmem:v7+s9+$0x0], vm1  }
.Ltmp7:
0xb7: {  	v8 =	vld.idx.msk [tilespmem:v8+s9+$0x0], vm1;
	(pc) =	sbr.rel @p1 .LBB2_20-.Ltmp7, $2  }
0xb8: {  	v9 =	vld.idx.msk [tilespmem:v9+s9+$0x0], vm1;
	_ =	sdelay $0x2  }
0xb9: {  	s25 =	spop (v2sf)  }
.LBB2_21:
0xba: {  	v5 =	vnsel vm1, $0x0, v7  }
0xbb: {  	v6 =	vnsel vm1, $0x0, v8  }
0xbc: {  	v7 =	vnsel vm1, $0x0, v9;
	_ =	sdelay $0x2  }
0xbd: {  	v60 =	vld.idx.msk [tilespmem:v5+s13+$0x0], vm1  }
0xbe: {  	v61 =	vld.idx.msk [tilespmem:v6+s13+$0x0], vm1  }
0xbf: {  	v10 =	vld.idx.msk [tilespmem:v7+s13+$0x0], vm1;
	_ =	sdelay $0x2  }
0xc0: {  	vm2 =	veq.s32 v60, $0x0  }
0xc1: {  	vm2 =	vmand vm1, vm2;
	vm3 =	veq.s32 v61, $0x0  }
0xc2: {  	vm3 =	vmand vm1, vm3;
	vm4 =	veq.s32 v10, $0x0  }
0xc3: {  	vm1 =	vmand vm1, vm4;
	_ =	sdelay $0x3  }
0xc4: {  	[tilespmem:v5+s12+$0x0] =	vst.idx.msk vm2, v1  }
0xc5: {  	[tilespmem:v6+s12+$0x0] =	vst.idx.msk vm3, v3  }
0xc6: {  	[tilespmem:v7+s12+$0x0] =	vst.idx.msk vm1, v4  }
0xc7: {  	v62 =	vld.idx.msk [tilespmem:v5+s12+$0x0], vm2;
	_ =	sdelay $0x4  }
0xc8: {  	vm15 =	veq.s32 v62, v1  }
0xc9: {  	vm2 =	vmand vm2, vm15  }
0xca: {  	v63 =	vsel vm2, $0x1, v0  }
0xcb: {  	(xrf0) =	vadd.scan.msk.s32 $0xffff, v63;
	_ =	sdelay $0x5  }
0xcc: {  	v8, _, _ =	vpop (xrf0)  }
0xcd: {  	(v2sf) =	vpush v8, $0xF  }
0xce: {  	s21 =	sadd.s32 @p0 s24, s25;
	s22 =	smov.u32 s20  }
0xcf: {  	s22 =	smov.u32 @p0 s21;
	[tilespmem:v5+s13+$0x0] =	vst.idx.msk vm2, v2  }
0xd0: {  	[tilespmem:s22+$0x1880] =	vst.msk vm2, v5  }
0xd1: {  	v5 =	vld.idx.msk [tilespmem:v6+s12+$0x0], vm3;
	_ =	sdelay $0x4  }
0xd2: {  	vm2 =	veq.s32 v5, v3  }
0xd3: {  	vm2 =	vmand vm3, vm2;
	_ =	sdelay $0x4  }
0xd4: {  	s29 =	spop (v2sf)  }
0xd5: {  	[tilespmem:v6+s13+$0x0] =	vst.idx.msk vm2, v2;
	s21 =	sadd.s32 s22, s29  }
0xd6: {  	[tilespmem:s21+$0x1880] =	vst.msk vm2, v6  }
0xd7: {  	v5 =	vld.idx.msk [tilespmem:v7+s12+$0x0], vm1;
	_ =	sdelay $0x4  }
0xd8: {  	vm3 =	veq.s32 v5, v4  }
0xd9: {  	v5 =	vsel vm2, $0x1, v0;
	vm1 =	vmand vm1, vm3  }
0xda: {  	(xrf0) =	vadd.scan.msk.s32 $0xffff, v5;
	v5 =	vsel vm1, $0x1, v0  }
0xdb: {  	(xrf0) =	vadd.scan.msk.s32 $0xffff, v5;
	_ =	sdelay $0x4  }
0xdc: {  	v5, _, _ =	vpop (xrf0)  }
0xdd: {  	(v2sf) =	vpush v5, $0xF;
	v5, _, _ =	vpop (xrf0)  }
0xde: {  	(v2sf) =	vpush v5, $0xF;
	_ =	sdelay $0xd  }
0xdf: {  	s30 =	spop (v2sf)  }
0xe0: {  	s22 =	sadd.s32 s21, s30;
	s31 =	spop (v2sf)  }
0xe1: {  	s21 =	sadd.s32 s22, s31  }
0xe2: {  	p1 =	sle.s32 s21, s20  }
.Ltmp8:
0xe3: {  	_ = 	snop;
	(pc) =	sbr.rel @p1 .LBB2_10-.Ltmp8, $4  }
0xe4: {  	_ = 	snop  }
0xe5: {  	s23 =	simm.s32 $0x1;
	p0 =	sgt.s32 s21, s20  }
0xe6: {  	[tilespmem:v7+s13+$0x0] =	vst.idx.msk vm1, v2;
	s23 =	simm.s32 @!p0 $0x0  }
0xe7: {  	[tilespmem:s22+$0x1880] =	vst.msk vm1, v7;
	s19 =	sadd.s32 s23, s19  }
0xe8: {  	s22 =	sadd.s32 $0x1, s19  }
0xe9: {  	v5 =	vmov s22  }
.Ltmp9:
0xea: {  	_ = 	snop;
	(pc) =	sbr.rel .LBB2_8-.Ltmp9, $3  }
0xeb: {  	_ =	sdelay $0x1  }
0xec: {  	v6 =	vmov s21  }
0xed: {  	s23 =	smov.u32 s20;
	[tilespmem:v5+s15+$0x0] =	vst.idx.msk $0x1, v6  }
.LBB2_18:
.Ltmp10:
0xee: {  	(pc) =	sbr.rel .LBB2_21-.Ltmp10, $2  }
0xef: {  	_ =	sdelay $0x2  }
0xf0: {  	_ = 	snop  }
.LBB2_23:
.Ltmp11:
0xf1: {  	(pc) =	sbr.rel .LBB2_11-.Ltmp11, $2  }
0xf2: {  	_ =	sdelay $0x2  }
0xf3: {  	s19 =	simm.s32 $0x1  }
.LBB2_9:
0xf4: {  	s21 =	smov.u32 s20  }
.LBB2_10:
0xf5: {  	s19 =	sadd.s32 $0x1, s19  }
.LBB2_11:
0xf6: {  	s20 =	simm.s32 $0x2100  }
0xf7: {  	v5 =	vld [tilespmem:s20+$0x0];
	_ =	sdelay $0x4  }
0xf8: {  	vm1 =	veq.s32 v5, $0x0  }
0xf9: {  	v5 =	vsel vm1, $0x1, v0  }
0xfa: {  	(xrf0) =	vadd.scan.msk.s32 $0xffff, v5;
	_ =	sdelay $0x5  }
0xfb: {  	s20 =	simm.s32 $0x0;
	v6, _, _ =	vpop (xrf0)  }
0xfc: {  	v5 =	vor.u32 s20, v1;
	(v2sf) =	vpush v6, $0xF  }
0xfd: {  	s23 =	simm.s32 $0x2110;
	[tilespmem:s21+$0x1880] =	vst.msk vm1, v5  }
0xfe: {  	s22 =	simm.s32 $0x10;
	s25 =	simm.s32 $0x20;
	s24 =	simm.s32 $0x10;
	v5 =	vld [tilespmem:s23+$0x0]  }
.LBB2_12:
0xff: {  	p0 =	sne.s32 s25, $0x7F0;
	_ =	sdelay $0x3  }
0x100: {  	vm1 =	veq.s32 v5, $0x0  }
0x101: {  	v5 =	vsel vm1, $0x1, v0  }
0x102: {  	(xrf0) =	vadd.scan.msk.s32 $0xffff, v5;
	_ =	sdelay $0x4  }
.Ltmp12:
0x103: {  	(pc) =	sbr.rel @p0 .LBB2_12-.Ltmp12, $4  }
0x104: {  	v5, _, _ =	vpop (xrf0);
	s26 =	spop (v2sf)  }
0x105: {  	v6 =	vor.u32 s24, v1;
	s24 =	smov.u32 s25;
	(v2sf) =	vpush v5, $0xF;
	s21 =	sadd.s32 s21, s26  }
0x106: {  	s23 =	sadd.s32 $0x10, s23;
	[tilespmem:s21+$0x1880] =	vst.msk vm1, v6  }
0x107: {  	s25 =	sadd.s32 $0x10, s25;
	v5 =	vld [tilespmem:s23+$0x0]  }
0x108: {  	_ =	sdelay $0x3  }
0x109: {  	vm1 =	veq.s32 v5, $0x0  }
0x10a: {  	v5 =	vsel vm1, $0x1, v0  }
0x10b: {  	(xrf0) =	vadd.scan.msk.s32 $0xffff, v5;
	_ =	sdelay $0x5  }
0x10c: {  	v5, _, _ =	vpop (xrf0)  }
0x10d: {  	(v2sf) =	vpush v5, $0xF;
	_ =	sdelay $0xb  }
0x10e: {  	s23 =	spop (v2sf)  }
0x10f: {  	v5 =	vor.u32 s24, v1;
	s21 =	sadd.s32 s21, s23  }
0x110: {  	[tilespmem:s21+$0x1880] =	vst.msk vm1, v5;
	s21 =	simm.s32 $0x1880  }
0x111: {  	v5 =	vld [tilespmem:s21+$0x0];
	s31 =	spop (v2sf)  }
.LBB2_14:
0x112: {  	p0 =	sne.s32 s22, $0x7F0;
	_ =	sdelay $0x3  }
.Ltmp13:
0x113: {  	(pc) =	sbr.rel @p0 .LBB2_14-.Ltmp13, $4  }
0x114: {  	_ = 	snop  }
0x115: {  	v6 =	vor.u32 s20, v1;
	s20 =	smov.u32 s22  }
0x116: {  	s21 =	sadd.s32 $0x10, s21;
	[tilespmem:v5+s16+$0x0] =	vst.idx.msk $0xffff, v6  }
0x117: {  	s22 =	sadd.s32 $0x10, s22;
	v5 =	vld [tilespmem:s21+$0x0]  }
0x118: {  	_ =	sdelay $0x6  }
0x119: {  	v6 =	vor.u32 s20, v1  }
0x11a: {  	[tilespmem:v5+s16+$0x0] =	vst.idx.msk $0xffff, v6;
	v5 =	vmov s19  }
0x11b: {  	[tilespmem:v0+s17+$0x0] =	vst.idx.msk $0x1, v5  }
0x11c: {  	[hbm4b:s2+s9] =	stream.linear.scatter [tilespmem:s14], [sflag:$0x1], $0x800, $0x38;
	[tilespmem:$0x4200] =	vst v63  }
0x11d: {  	_ =	swait.ge [sflag:s10], $0x800  }
0x11e: {  	[sflag:s10] =	ssyncset.done $0x0  }
0x11f: {  	[sflag:s10] =	ssyncadd.s32 $0xFFFFF800  }
0x120: {  	[hbm4b:s5+s9] =	stream.linear.scatter [tilespmem:s16], [sflag:$0x1], $0x800, $0x38;
	[tilespmem:$0x4200] =	vst v63  }
0x121: {  	_ =	swait.ge [sflag:s10], $0x800  }
0x122: {  	[sflag:s10] =	ssyncset.done $0x0  }
0x123: {  	[sflag:s10] =	ssyncadd.s32 $0xFFFFF800  }
0x124: {  	[hbm4b:s6+s9] =	stream.linear.scatter [tilespmem:s15], [sflag:$0x1], $0x880, $0x38;
	[tilespmem:$0x4200] =	vst v63  }
0x125: {  	s18 =	sadd.s32 $0x1, s18;
	_ =	swait.ge [sflag:s10], $0x880  }
0x126: {  	p0 =	sne.s32 s18, s8;
	[sflag:s10] =	ssyncset.done $0x0  }
.Ltmp14:
0x127: {  	[sflag:s10] =	ssyncadd.s32 $0xFFFFF780;
	(pc) =	sbr.rel @p0 .LBB2_2-.Ltmp14, $4  }
0x128: {  	[hbm4b:s7+s9] =	stream.linear.scatter [tilespmem:s17], [sflag:$0x1], $0x80, $0x38;
	[tilespmem:$0x4200] =	vst v63  }
0x129: {  	_ =	swait.ge [sflag:s10], $0x80  }
0x12a: {  	[sflag:s10] =	ssyncset.done $0x0  }
0x12b: {  	[sflag:s10] =	ssyncadd.s32 $0xFFFFFF80  }
.LBB2_16:
0x12c: {  	_ =	sfence.sel $0x180000  }
0x12d: {  	[bflag:$0x0] =	sbarrier.arrive $0xFFFF  }
0x12e: {  	p0 =	sne.s32 s0, $0x0;
	_ =	strace $0x90000047  }
0x12f: {  	s0 =	sadd.s32 @!p0 $0x100000, s1;
	[bflag:$0x2] =	sbarrier.arrive $0xFFFF  }
0x130: {  	[sflag:s0] =	ssyncadd.tile.s32 @!p0 $0x1;
	_ =	shalt  }
.Lfunc_end2:
_tile_overlayer_lowered:
.L_overlay_start_2:
0x131: {  	(tag) =	ssettag $0x2  }
0x132: {  	s0 =	rddreg [dreg:$0x0];
	s2 =	stileid.u32  }
0x133: {  	s1 =	rddreg [dreg:$0x1];
	p0 =	sne.s32 s2, $0x0  }
0x134: {  	s3 =	rddreg [dreg:$0x2];
	[bflag:$0x3] =	sbarrier.arrive $0xFFFF;
	s2 =	simm.s32 @!p0 $0x1C01  }
0x135: {  	[timem:s3], [sflag:s2] =	dma.local @!p0 [hbm:s0], s1  }
0x136: {  	s0 =	simm.s32 @!p0 $0x1  }
0x137: {  	_ =	swait.ge @!p0 [sflag:s0], s1  }
0x138: {  	s1 =	ssub.s32 @!p0 $0x0, s1;
	[sflag:s0] =	ssyncset.done @!p0 $0x0  }
0x139: {  	[sflag:s0] =	ssyncadd.s32 @!p0 s1  }
0x13a: {  	[bflag:$0x3] =	sbarrier.arrive $0xFFFF  }
0x13b: {  	_ =	shalt  }

// kernel: kernel.9.cloned.1.call-start
scs
__scs_entry_jumppad:
0x0: {  	(pc) =	sbr.rel $0x88, $3  }
0x1: {  	(tag) =	ssettag $0x0;
	lr =	simm.s32 $0x1  }
0x2: {  	[smem:$0x3F91] =	sst lr;
	_ =	strace $0xD0000000  }
0x3: {  	_ = 	snop  }
0x4: {  	_ = 	snop  }
0x5: {  	_ = 	snop  }
0x6: {  	_ = 	snop  }
0x7: {  	_ = 	snop  }
__scs_overlays_trampoline_lowered:
0x8: {  	[smem:$0x3FA0] =	sst s0  }
0x9: {  	[smem:$0x3FA1] =	sst s1  }
0xa: {  	[smem:$0x3FA2] =	sst s2  }
0xb: {  	[smem:$0x3FA3] =	sst s3  }
0xc: {  	[smem:$0x3FA4] =	sst s4  }
0xd: {  	[smem:$0x3FA5] =	sst s5  }
0xe: {  	[smem:$0x3FA6] =	sst s6  }
0xf: {  	[smem:$0x3FA7] =	sst s7  }
0x10: {  	[smem:$0x3FA8] =	sst s8  }
0x11: {  	[smem:$0x3FA9] =	sst s9;
	s0 =	simm.s32 @!p0 $0x0  }
0x12: {  	s1 =	sld [smem:$0x3F8F];
	s0 =	simm.s32 @p0 $0x1  }
0x13: {  	[smem:$0x3FAA] =	sst s0;
	s0 =	simm.s32 @!p1 $0x0  }
0x14: {  	s2 =	sld [smem:$0x3F8E];
	s0 =	simm.s32 @p1 $0x1  }
0x15: {  	[smem:$0x3FAB] =	sst s0;
	s0 =	simm.s32 @!p2 $0x0  }
0x16: {  	s3 =	sld [smem:$0x3FDB];
	s0 =	simm.s32 @p2 $0x1  }
0x17: {  	s4 =	simm.s32 $0x1BF5;
	[smem:$0x3FAD] =	sst s0  }
0x18: {  	s0 =	sld [smem:$0x3F90];
	_ =	swait.ge [sflag:s4], $0x0  }
0x19: {  	s7 =	sld [smem:$0x3F91]  }
0x1a: {  	s8 =	sadd.s32 $0xFFFFE003, lr  }
0x1b: {  	s9 =	sadd.s32 $0xFFFFFEF7, lr;
	s5 =	simm.s32 $0xFFFFFFFF;
	p2 =	slt.u32 s8, $0xFFFFF086  }
0x1c: {  	p1 =	slt.u32 s9, $0xF7A;
	s5 =	simm.s32 @!p2 $0x0  }
0x1d: {  	s5 =	simm.s32 @p1 $0x1;
	p0 =	seq.s32 s7, s2  }
0x1e: {  	s7 =	smul.u32 @!p0 $0xF7A, s2;
	p2 =	seq.s32 @!p0 s5, $0x0  }
0x1f: {  	s9 =	smul.u32 $0xF7A, s1;
	s8 =	simm.s32 @!p0 $0x1BF5;
	p2 =	por !p2, p0  }
0x20: {  	[sflag:s8] =	ssyncset.s32 @!p0 $0xFFFFF086;
	s6 =	sadd.s32 @!p0 s3, s7;
	s7 =	simm.s32 @!p0 $0x108  }
0x21: {  	s3 =	sadd.s32 s3, s9;
	s6 =	sadd.s32 @!p0 $0x88, s6;
	s7 =	simm.s32 @p2 $0x1082  }
0x22: {  	[simem:s7], [sflag:s8] =	dma.local @!p0 [hbm:s6], $0xF7A  }
0x23: {  	s9 =	sor.u32 $0xD0000000, s2;
	s6 =	simm.s32 $0x108;
	_ =	swait.ge @!p0 [sflag:s8], $0x0  }
0x24: {  	s3 =	sadd.s32 $0x88, s3;
	s6 =	simm.s32 @!p1 $0x1082;
	[sflag:s4] =	ssyncset.s32 $0xFFFFF086  }
0x25: {  	[simem:s6], [sflag:s4] =	dma.local [hbm:s3], $0xF7A  }
0x26: {  	[smem:$0x3F91] =	sst s1;
	(tag) =	ssettag s2;
	_ =	strace s9  }
0x27: {  	s1 =	sld [smem:$0x3FA1]  }
0x28: {  	s2 =	sld [smem:$0x3FA2]  }
0x29: {  	s4 =	sld [smem:$0x3FA4]  }
0x2a: {  	p0 =	seq.s32 s5, $0x0;
	s5 =	sld [smem:$0x3FA5]  }
0x2b: {  	s6 =	sld [smem:$0x3FA6]  }
0x2c: {  	s7 =	sld [smem:$0x3FA7]  }
0x2d: {  	s3 =	simm.s32 $0x108;
	s8 =	sld [smem:$0x3FA8]  }
0x2e: {  	s3 =	simm.s32 @!p0 $0x1082;
	s9 =	sld [smem:$0x3FA9]  }
0x2f: {  	lr =	sadd.s32 s0, s3;
	s0 =	sld [smem:$0x3FA0]  }
0x30: {  	s3 =	sld [smem:$0x3FA3]  }
0x31: {  	[smem:$0x3FAC] =	sst s10  }
0x32: {  	s10 =	sld [smem:$0x3FAA];
	_ =	sdelay $0x3  }
0x33: {  	p0 =	seq.s32 s10, $0x1;
	s10 =	sld [smem:$0x3FAC];
	_ =	sdelay $0x3  }
0x34: {  	[smem:$0x3FAC] =	sst s10  }
0x35: {  	s10 =	sld [smem:$0x3FAB];
	_ =	sdelay $0x3  }
0x36: {  	p1 =	seq.s32 s10, $0x1;
	s10 =	sld [smem:$0x3FAC];
	_ =	sdelay $0x3  }
0x37: {  	[smem:$0x3FAC] =	sst s10  }
0x38: {  	s10 =	sld [smem:$0x3FAD]  }
0x39: {  	_ = 	snop;
	(pc) =	sbr.ind lr, $3  }
0x3a: {  	_ = 	snop  }
0x3b: {  	_ = 	snop  }
0x3c: {  	p2 =	seq.s32 s10, $0x1;
	s10 =	sld [smem:$0x3FAC]  }
0x3d: {  	_ =	shalt  }
0x3e: {  	_ =	shalt  }
0x3f: {  	_ =	shalt  }
0x40: {  	_ =	shalt  }
0x41: {  	_ =	shalt  }
0x42: {  	_ =	shalt  }
0x43: {  	_ =	shalt  }
0x44: {  	_ =	shalt  }
0x45: {  	_ =	shalt  }
0x46: {  	_ =	shalt  }
0x47: {  	_ =	shalt  }
0x48: {  	_ =	shalt  }
0x49: {  	_ =	shalt  }
0x4a: {  	_ =	shalt  }
0x4b: {  	_ =	shalt  }
0x4c: {  	_ =	shalt  }
0x4d: {  	_ =	shalt  }
0x4e: {  	_ =	shalt  }
0x4f: {  	_ =	shalt  }
0x50: {  	_ =	shalt  }
0x51: {  	_ =	shalt  }
0x52: {  	_ =	shalt  }
0x53: {  	_ =	shalt  }
0x54: {  	_ =	shalt  }
0x55: {  	_ =	shalt  }
0x56: {  	_ =	shalt  }
0x57: {  	_ =	shalt  }
0x58: {  	_ =	shalt  }
0x59: {  	_ =	shalt  }
0x5a: {  	_ =	shalt  }
0x5b: {  	_ =	shalt  }
0x5c: {  	_ =	shalt  }
0x5d: {  	_ =	shalt  }
0x5e: {  	_ =	shalt  }
0x5f: {  	_ =	shalt  }
0x60: {  	_ =	shalt  }
0x61: {  	_ =	shalt  }
0x62: {  	_ =	shalt  }
0x63: {  	_ =	shalt  }
0x64: {  	_ =	shalt  }
0x65: {  	_ =	shalt  }
0x66: {  	_ =	shalt  }
0x67: {  	_ =	shalt  }
0x68: {  	_ =	shalt  }
0x69: {  	_ =	shalt  }
0x6a: {  	_ =	shalt  }
0x6b: {  	_ =	shalt  }
0x6c: {  	_ =	shalt  }
0x6d: {  	_ =	shalt  }
0x6e: {  	_ =	shalt  }
0x6f: {  	_ =	shalt  }
0x70: {  	_ =	shalt  }
0x71: {  	_ =	shalt  }
0x72: {  	_ =	shalt  }
0x73: {  	_ =	shalt  }
0x74: {  	_ =	shalt  }
0x75: {  	_ =	shalt  }
0x76: {  	_ =	shalt  }
0x77: {  	_ =	shalt  }
0x78: {  	_ =	shalt  }
0x79: {  	_ =	shalt  }
0x7a: {  	_ =	shalt  }
0x7b: {  	_ =	shalt  }
0x7c: {  	_ =	shalt  }
0x7d: {  	_ =	shalt  }
0x7e: {  	_ =	shalt  }
0x7f: {  	_ =	shalt  }
0x80: {  	_ =	shalt  }
0x81: {  	_ =	shalt  }
0x82: {  	_ =	shalt  }
0x83: {  	_ =	shalt  }
0x84: {  	_ =	shalt  }
0x85: {  	_ =	shalt  }
0x86: {  	_ =	shalt  }
0x87: {  	_ =	shalt  }
.Lfunc_end0:
.L_simem_size_0:
called_computation.1_lowered:
.L_overlay_start_0:
0x88: {  	s2 =	sld [smem:$0x3FD9]  }
0x89: {  	s3 =	sld [smem:$0x3FFE];
	_ =	sdelay $0x1  }
0x8a: {  	s1 =	srdreg.scid  }
0x8b: {  	s0 =	sand.u32 $0x1, s1  }
0x8c: {  	s14 =	sshll.u32 s0, $0xA;
	s2 =	sadd.s32 s3, s2  }
0x8d: {  	s2 =	sadd.s32 s2, s14  }
0x8e: {  	[smem:$0x3FB8] =	sst s2  }
0x8f: {  	_ = 	snop  }
0x90: {  	s2 =	sld [smem:$0x3FD0];
	_ =	sdelay $0x2  }
0x91: {  	s15 =	simm.s32 $0xA;
	s4 =	simm.s32 $0x10  }
0x92: {  	[smem:s4], [sflag:s15] =	dma.local [hbm:s2], $0x1  }
0x93: {  	_ =	swait.eq [sflag:s15], $0x1  }
0x94: {  	[sflag:s15] =	ssyncset.done $0x0  }
0x95: {  	s16 =	sld [smem:$0x10];
	[sflag:s15] =	ssyncadd.s32 $0xFFFFFFFF  }
0x96: {  	s17 =	sld [smem:$0x11];
	(tm) =	ssettm $0x1  }
0x97: {  	s18 =	sld [smem:$0x3FFB];
	_ =	sdelay $0x3  }
0x98: {  	_ =	strace s18  }
0x99: {  	s4 =	sld [smem:$0x3FFC];
	_ =	sdelay $0x3  }
0x9a: {  	_ =	strace s4  }
0x9b: {  	s4 =	sld [smem:$0x3FFD];
	_ =	sdelay $0x3  }
0x9c: {  	_ =	strace s4  }
0x9d: {  	_ =	strace $0x8FFFFFFF  }
0x9e: {  	s19 =	sld [smem:$0x3FDB];
	_ =	sdelay $0x1  }
0x9f: {  	s5 =	simm.s32 $_scs_section_size  }
0xa0: {  	s6 =	simm.s32 $_size__tile_overlayer_lowered;
	s7 =	simm.s32 $_tile_overlayer_lowered  }
0xa1: {  	s22 =	simm.s32 $0x1BFF;
	s21 =	sshll.u32 s7, $0x1;
	s4 =	sadd.s32 s5, s19  }
0xa2: {  	s8 =	simm.s32 $0x0;
	s20 =	sshll.u32 s6, $0x1;
	s6 =	sadd.s32 s21, s4  }
0xa3: {  	[timem:s8], [sflag:s22] =	dma.local [hbm:s6], s20  }
0xa4: {  	_ =	swait.ge [sflag:s22], s20  }
0xa5: {  	s5 =	ssub.s32 $0x0, s20;
	[sflag:s22] =	ssyncset.done $0x0  }
0xa6: {  	[sflag:s22] =	ssyncadd.s32 s5;
	_ =	sdelay $0x1  }
0xa7: {  	s23 =	simm.s32 $0x1B8B  }
0xa8: {  	_ =	swait.ge [sflag:s23], $0x1  }
0xa9: {  	[sflag:s23] =	ssyncset.done $0x0  }
0xaa: {  	s25 =	simm.s32 $0x1B8E;
	s24 =	sld [smem:$0x3FFE];
	[sflag:s23] =	ssyncadd.s32 $0xFFFFFFFF  }
0xab: {  	s26 =	simm.s32 $execute0_lowered;
	[smem:$0x3FD2] =	sst s25  }
0xac: {  	s6 =	sshll.u32 s26, $0x1;
	_ =	strace $0x80000049;
	[dreg:$0x1] =	wrdreg $0xFFFFFFFF  }
0xad: {  	s28 =	simm.s32 $_size_execute0_lowered;
	s4 =	sadd.s32 s4, s6;
	[dreg:$0x0] =	wrdreg $0x0  }
0xae: {  	s6 =	sshll.u32 s28, $0x1;
	[dreg:$0x2] =	wrdreg s4  }
0xaf: {  	[dreg:$0x3] =	wrdreg s6  }
0xb0: {  	[dreg:$0x4] =	wrdreg $0xC0  }
0xb1: {  	_ =	task [dreg:s8], $0x5FFFF  }
0xb2: {  	[dreg:$0x1] =	wrdreg $0xFFFFFFFF  }
0xb3: {  	[dreg:$0x0] =	wrdreg $0x60  }
0xb4: {  	[dreg:$0x2] =	wrdreg s16  }
0xb5: {  	[dreg:$0x3] =	wrdreg s17  }
0xb6: {  	[dreg:$0x4] =	wrdreg s24  }
0xb7: {  	[dreg:$0x5] =	wrdreg $0x9  }
0xb8: {  	_ =	task.clear_ibuf [dreg:s8], $0x6FFFF;
	_ =	strace $0x90000049  }
0xb9: {  	s29 =	simm.s32 $0x9;
	_ =	strace $0x8000004B  }
0xba: {  	_ =	swait.ge [sflag:s29], $0x1  }
0xbb: {  	[sflag:s29] =	ssyncadd.s32 $0xFFFFFFFF  }
0xbc: {  	_ =	strace $0x9000004B  }
0xbd: {  	_ =	sfence  }
0xbe: {  	s30 =	sld [smem:$0x0];
	_ =	sdelay $0x2  }
0xbf: {  	s31 =	sshll.u32 s1, $0xD;
	s1 =	sshrl.u32 s1, $0x2  }
0xc0: {  	s3 =	sand.u32 $0x4000, s31;
	s1 =	sadd.s32 s1, s30  }
0xc1: {  	s0 =	sor.u32 s3, s0;
	s1 =	sshll.u32 s1, $0x11  }
0xc2: {  	s0 =	sor.u32 s1, s0  }
0xc3: {  	s0 =	sadd.s32 $0x8F2B, s0  }
0xc4: {  	[sflag:s0] =	ssyncadd.remote.s32 $0x1  }
0xc5: {  	_ =	sfence.sel $0xFFFF  }
0xc6: {  	[dreg:$0x0] =	wrdreg $0xFFFFFFFF;
	(pc) =	sbr.abs _section_cstart, $3  }
0xc7: {  	[dreg:$0x1] =	wrdreg $0xFFFFFFFF  }
0xc8: {  	_ =	task.clear_ibuf [dreg:s8], $0x2FFFF;
	_ =	strace $0x9FFFFFFF  }
0xc9: {  	(tm) =	ssettm $0x7FFFFFFF  }
tec
execute0_lowered:
.L_overlay_start_1:
0x0: {  	(tag) =	ssettag $0x1  }
0x1: {  	s1 =	rddreg [dreg:$0x0]  }
0x2: {  	s4 =	rddreg [dreg:$0x1]  }
0x3: {  	s5 =	rddreg [dreg:$0x2]  }
0x4: {  	s0 =	rddreg [dreg:$0x3];
	s6 =	srdreg.scid  }
0x5: {  	s3 =	simm.s32 $0x0;
	s2 =	stileid.u32;
	s10 =	simm.s32 $0x1080  }
0x6: {  	s11 =	simm.s32 $0x1880;
	s12 =	simm.s32 $0x2080;
	s13 =	simm.s32 $0x2880  }
0x7: {  	s14 =	simm.s32 $0x3080;
	s15 =	simm.s32 $0x3880;
	s6 =	sand.u32 $0x1, s6  }
0x8: {  	s16 =	simm.s32 $0x1;
	s7 =	sshll.u32 s2, $0x7;
	s8 =	sshll.u32 s6, $0x6  }
0x9: {  	[smem:$0x7FF] =	sst s3;
	s6 =	ssub.s32 $0x2, s6;
	s7 =	sor.u32 s8, s7  }
0xa: {  	_ =	strace $0x8000004A;
	s9 =	sshrl.u32 s6, $0x1;
	s8 =	sshll.u32 s7, $0x5  }
0xb: {  	v2 =	vlaneseq.u32;
	s7 =	sshrl.u32 s7, $0x3;
	s6 =	ssub.s32 s6, s9;
	s9 =	simm.s32 $0x880  }
0xc: {  	vm0 =	vmmov $0xffff;
	v1 =	vshrl.u32 v2, $0x3;
	s5 =	sadd.s32 s8, s5;
	s4 =	sadd.s32 s4, s7;
	s6 =	smax.u32 s6, $0x1  }
0xd: {  	v0 =	vand.u32 $0x7, v2;
	v2 =	vor.u32 $0x8, v2;
	v1 =	vmul.u32 $0x8, v1;
	s7 =	simm.s32 $0x2;
	s8 =	simm.s32 $0x80;
	s5 =	sadd.s32 $0x3A00, s5  }
.LBB2_1:
0xe: {  	[tilespmem:s3], [sflag:$0x2] =	stream.linear.gather [hbm4b:s4+s3], $0x40, $0x38;
	[tilespmem:$0x4080] =	vst v63  }
0xf: {  	_ =	swait.ge [sflag:s7], $0x40  }
0x10: {  	[sflag:s7] =	ssyncset.done $0x0  }
0x11: {  	[sflag:s7] =	ssyncadd.s32 $0xFFFFFFC0  }
0x12: {  	v3 =	vld [tilespmem:$0x0];
	_ =	sdelay $0x4  }
0x13: {  	v4 =	vshll.u32 v3, $0x1  }
0x14: {  	v3 =	vand.u32 $0x7, v3;
	v4 =	vand.u32 $0xFFFFFFF0, v4  }
0x15: {  	v3 =	vor.u32 v3, v4  }
0x16: {  	v4 =	vperm.xlane v3, v0;
	_ =	sdelay $0x1  }
0x17: {  	v3 =	vperm.xlane v3, v2;
	v4 =	vadd.s32 v1, v4;
	_ =	sdelay $0x1  }
0x18: {  	v3 =	vadd.s32 v1, v3;
	_ =	sdelay $0x2  }
0x19: {  	[tilespmem:s8], [sflag:$0x1] =	stream.indirect_vreg.gather [hbm4b:s1+s3], $0x80, v4, vm0, $0xb8;
	[tilespmem:$0x4080] =	vst v63  }
0x1a: {  	_ = 	snop  }
0x1b: {  	[tilespmem:s9], [sflag:$0x1] =	stream.indirect_vreg.gather [hbm4b:s1+s3], $0x80, v3, vm0, $0xb8;
	[tilespmem:$0x4080] =	vst v63  }
0x1c: {  	v3 =	vld [tilespmem:$0x10];
	_ =	sdelay $0x4  }
0x1d: {  	v61 =	vshll.u32 v3, $0x1  }
0x1e: {  	v3 =	vand.u32 $0x7, v3;
	v4 =	vand.u32 $0xFFFFFFF0, v61  }
0x1f: {  	v3 =	vor.u32 v3, v4  }
0x20: {  	v4 =	vperm.xlane v3, v0;
	_ =	sdelay $0x1  }
0x21: {  	v3 =	vperm.xlane v3, v2;
	v4 =	vadd.s32 v1, v4;
	_ =	sdelay $0x1  }
0x22: {  	v3 =	vadd.s32 v1, v3;
	_ =	sdelay $0x2  }
0x23: {  	[tilespmem:s10], [sflag:$0x1] =	stream.indirect_vreg.gather [hbm4b:s1+s3], $0x80, v4, vm0, $0xb8;
	[tilespmem:$0x4080] =	vst v63  }
0x24: {  	_ = 	snop  }
0x25: {  	[tilespmem:s11], [sflag:$0x1] =	stream.indirect_vreg.gather [hbm4b:s1+s3], $0x80, v3, vm0, $0xb8;
	[tilespmem:$0x4080] =	vst v63  }
0x26: {  	v3 =	vld [tilespmem:$0x20];
	_ =	sdelay $0x4  }
0x27: {  	v62 =	vshll.u32 v3, $0x1  }
0x28: {  	v3 =	vand.u32 $0x7, v3;
	v4 =	vand.u32 $0xFFFFFFF0, v62  }
0x29: {  	v3 =	vor.u32 v3, v4  }
0x2a: {  	v4 =	vperm.xlane v3, v0;
	_ =	sdelay $0x1  }
0x2b: {  	v3 =	vperm.xlane v3, v2;
	v4 =	vadd.s32 v1, v4;
	_ =	sdelay $0x1  }
0x2c: {  	v3 =	vadd.s32 v1, v3;
	_ =	sdelay $0x2  }
0x2d: {  	[tilespmem:s12], [sflag:$0x1] =	stream.indirect_vreg.gather [hbm4b:s1+s3], $0x80, v4, vm0, $0xb8;
	[tilespmem:$0x4080] =	vst v63  }
0x2e: {  	_ = 	snop  }
0x2f: {  	[tilespmem:s13], [sflag:$0x1] =	stream.indirect_vreg.gather [hbm4b:s1+s3], $0x80, v3, vm0, $0xb8;
	[tilespmem:$0x4080] =	vst v63  }
0x30: {  	v3 =	vld [tilespmem:$0x30];
	_ =	sdelay $0x4  }
0x31: {  	v63 =	vshll.u32 v3, $0x1  }
0x32: {  	v3 =	vand.u32 $0x7, v3;
	v4 =	vand.u32 $0xFFFFFFF0, v63  }
0x33: {  	v3 =	vor.u32 v3, v4  }
0x34: {  	v4 =	vperm.xlane v3, v0;
	_ =	sdelay $0x1  }
0x35: {  	v3 =	vperm.xlane v3, v2;
	v4 =	vadd.s32 v1, v4;
	_ =	sdelay $0x1  }
0x36: {  	v3 =	vadd.s32 v1, v3;
	_ =	sdelay $0x2  }
0x37: {  	[tilespmem:s14], [sflag:$0x1] =	stream.indirect_vreg.gather [hbm4b:s1+s3], $0x80, v4, vm0, $0xb8;
	[tilespmem:$0x4080] =	vst v63  }
0x38: {  	_ = 	snop  }
0x39: {  	[tilespmem:s15], [sflag:$0x1] =	stream.indirect_vreg.gather [hbm4b:s1+s3], $0x80, v3, vm0, $0xb8;
	[tilespmem:$0x4080] =	vst v63  }
0x3a: {  	_ =	swait.ge [sflag:s16], $0x4000  }
0x3b: {  	p0 =	sne.s32 s6, $0x1;
	[sflag:s16] =	ssyncset.done $0x0  }
.Ltmp0:
0x3c: {  	[sflag:s16] =	ssyncadd.s32 $0xFFFFC000;
	(pc) =	sbr.rel @p0 .LBB2_1-.Ltmp0, $4  }
0x3d: {  	[hbm4b:s5+s3] =	stream.linear.scatter [tilespmem:s8], [sflag:$0x2], $0x4000, $0x38;
	[tilespmem:$0x4080] =	vst v63  }
0x3e: {  	_ =	swait.ge [sflag:s7], $0x4000  }
0x3f: {  	[sflag:s7] =	ssyncset.done $0x0  }
0x40: {  	s6 =	sadd.s32 $0xFFFFFFFF, s6;
	[sflag:s7] =	ssyncadd.s32 $0xFFFFC000  }
0x41: {  	_ =	sfence.sel $0x180000  }
0x42: {  	[bflag:$0x0] =	sbarrier.arrive $0xFFFF  }
0x43: {  	p0 =	sne.s32 s2, $0x0;
	_ =	strace $0x9000004A  }
0x44: {  	s0 =	sadd.s32 @!p0 $0x100000, s0;
	[bflag:$0x2] =	sbarrier.arrive $0xFFFF  }
0x45: {  	[sflag:s0] =	ssyncadd.tile.s32 @!p0 $0x1;
	_ =	shalt  }
.Lfunc_end2:
_tile_overlayer_lowered:
.L_overlay_start_2:
0x46: {  	(tag) =	ssettag $0x2  }
0x47: {  	s0 =	rddreg [dreg:$0x0];
	s2 =	stileid.u32  }
0x48: {  	s1 =	rddreg [dreg:$0x1];
	p0 =	sne.s32 s2, $0x0  }
0x49: {  	s3 =	rddreg [dreg:$0x2];
	[bflag:$0x3] =	sbarrier.arrive $0xFFFF;
	s2 =	simm.s32 @!p0 $0x1C02  }
0x4a: {  	[timem:s3], [sflag:s2] =	dma.local @!p0 [hbm:s0], s1  }
0x4b: {  	s0 =	simm.s32 @!p0 $0x2  }
0x4c: {  	_ =	swait.ge @!p0 [sflag:s0], s1  }
0x4d: {  	s1 =	ssub.s32 @!p0 $0x0, s1;
	[sflag:s0] =	ssyncset.done @!p0 $0x0  }
0x4e: {  	[sflag:s0] =	ssyncadd.s32 @!p0 s1  }
0x4f: {  	[bflag:$0x3] =	sbarrier.arrive $0xFFFF  }
0x50: {  	_ =	shalt  }

</sc_bundles>
